<compile_context>
chip_gen: v7x
topology: tpu7x:2x2x1
jax: 0.10.2.dev20260603
libtpu: 0.0.44.dev20260713+nightly
codegen_flags: <defaults>
</compile_context>

<pallas_src>
import jax
import jax.numpy as jnp
from jax import lax
from jax.experimental import pallas as pl
from jax.experimental.pallas import tpu as pltpu
from jax.experimental.pallas import tpu_sc as plsc

NIMG = 8
PIX = 512 * 512
NWORK = 32
PER_W = NIMG * PIX // NWORK
CHUNK = 8192
NBINS = 4096
NLANE = 16
OFF = (115 << 8) - 1
OUT_W = 2 * NBINS
UNROLL = 8


ROWS_PER_CHUNK = CHUNK // 512


def _sc_hist_body(lg_hbm, lb_hbm, out_hbm, lbuf, abuf, hist, obuf, sems):
    wid = lax.axis_index("c") * 16 + lax.axis_index("s")
    region = lax.iota(jnp.int32, NLANE) * NBINS
    img = wid // 4
    row0 = (wid % 4) * 128
    nch = PER_W // CHUNK

    def issue(c, b):
        rs = row0 + c * ROWS_PER_CHUNK
        dst = pl.ds(b * ROWS_PER_CHUNK, ROWS_PER_CHUNK)
        return (
            pltpu.async_copy(lg_hbm.at[img, pl.ds(rs, ROWS_PER_CHUNK), :],
                             lbuf.at[dst, :], sems.at[b]),
            pltpu.async_copy(lb_hbm.at[img, pl.ds(rs, ROWS_PER_CHUNK), :],
                             abuf.at[dst, :], sems.at[b]),
        )

    pending = issue(0, 0)

    @plsc.parallel_loop(0, NBINS * NLANE, step=NLANE, unroll=8)
    def _zero(j):
        hist[pl.ds(j, NLANE)] = jnp.zeros((NLANE,), jnp.int32)

    for c in range(nch):
        b = c & 1
        for h in pending:
            h.wait()
        if c + 1 < nch:
            pending = issue(c + 1, 1 - b)

        @plsc.parallel_loop(0, CHUNK, step=NLANE, unroll=UNROLL)
        def _body(i):
            k = i + lax.iota(jnp.int32, NLANE)
            rows = b * ROWS_PER_CHUNK + lax.shift_right_logical(k, 9)
            cols = jnp.bitwise_and(k, 511)
            lg = plsc.load_gather(lbuf, [rows, cols])
            lb = plsc.load_gather(abuf, [rows, cols])
            e = 1.0 - lg * (2.0 * lb.astype(jnp.float32) - 1.0)
            bits = lax.bitcast_convert_type(e, jnp.int32)
            bn = jnp.clip(lax.shift_right_arithmetic(bits, 15) - OFF,
                          0, NBINS - 1)
            plsc.addupdate_scatter(hist, [region + bn], 1 + lb * 65536)

    @plsc.parallel_loop(0, NBINS, step=NLANE, unroll=2)
    def _reduce(j):
        v = hist[pl.ds(j, NLANE)]
        acc_c = jnp.bitwise_and(v, 65535)
        acc_p = lax.shift_right_logical(v, 16)
        for r in range(1, NLANE):
            v = hist[pl.ds(r * NBINS + j, NLANE)]
            acc_c = acc_c + jnp.bitwise_and(v, 65535)
            acc_p = acc_p + lax.shift_right_logical(v, 16)
        obuf[pl.ds(j, NLANE)] = acc_c
        obuf[pl.ds(NBINS + j, NLANE)] = acc_p

    pltpu.sync_copy(obuf, out_hbm.at[pl.ds(wid * OUT_W, OUT_W)])


def _tc_finish_body(hist_ref, out_ref):
    dot = lambda a, b: jnp.dot(a, b, precision=jax.lax.Precision.HIGHEST,
                               preferred_element_type=jnp.float32)
    i128 = lax.broadcasted_iota(jnp.int32, (128, 128), 0)
    j128 = lax.broadcasted_iota(jnp.int32, (128, 128), 1)
    l128 = (i128 <= j128).astype(jnp.float32)
    i32_ = lax.broadcasted_iota(jnp.int32, (32, 32), 0)
    j32_ = lax.broadcasted_iota(jnp.int32, (32, 32), 1)
    e32 = (j32_ < i32_).astype(jnp.float32)
    ones128 = jnp.ones((128, 1), jnp.float32)

    g = (lax.broadcasted_iota(jnp.int32, (32, 128), 0) * 128
         + lax.broadcasted_iota(jnp.int32, (32, 128), 1))

    def center(gg):
        u = lax.shift_left(gg + OFF, 15) | (1 << 14)
        return jnp.where(gg < 1, 0.0, lax.bitcast_convert_type(u, jnp.float32))

    da = center(g) - center(g - 1)

    def cum(z):
        within = dot(z, l128)
        totals = dot(z, ones128)
        return within + dot(e32, totals), totals

    total = jnp.float32(0.0)
    for i in range(NIMG):
        xw = (hist_ref[4 * i] + hist_ref[4 * i + 1]
              + hist_ref[4 * i + 2] + hist_ref[4 * i + 3])
        cnt = xw[0:32].astype(jnp.float32)
        pos = xw[32:64].astype(jnp.float32)
        casc, tc_ = cum(cnt)
        pasc, tp_ = cum(pos)
        tsum = jnp.sum(tc_)
        gsum = jnp.sum(tp_)
        n_b = tsum - casc + cnt
        cg_b = gsum - pasc + pos
        denom = jnp.maximum(gsum + n_b - cg_b, 1.0)
        jac = jnp.where(n_b > 0, 1.0 - (gsum - cg_b) / denom, 0.0)
        total = total + jnp.sum(jac * da)

    out_ref[...] = jnp.full((8, 128), total / NIMG, jnp.float32)


def kernel(logits, labels):
    lg = logits.astype(jnp.float32)
    lb = labels

    mesh = plsc.VectorSubcoreMesh(core_axis_name="c", subcore_axis_name="s")
    hist = pl.kernel(
        _sc_hist_body,
        mesh=mesh,
        compiler_params=pltpu.CompilerParams(needs_layout_passes=False,
                                             disable_bounds_checks=True),
        out_type=jax.ShapeDtypeStruct((NWORK * OUT_W,), jnp.int32),
        scratch_types=[
            pltpu.VMEM((2 * ROWS_PER_CHUNK, 512), jnp.float32),
            pltpu.VMEM((2 * ROWS_PER_CHUNK, 512), jnp.int32),
            pltpu.VMEM((NBINS * NLANE,), jnp.int32),
            pltpu.VMEM((OUT_W,), jnp.int32),
            pltpu.SemaphoreType.DMA((2,)),
        ],
    )(lg, lb)

    hist3 = hist.reshape(NWORK, OUT_W // 128, 128)
    out = pl.pallas_call(
        _tc_finish_body,
        out_shape=jax.ShapeDtypeStruct((8, 128), jnp.float32),
    )(hist3)

    return out[0, 0]

# --- scband reference (transcript-rebuilt; emitter-appended) ---
"""Pipeline reference for scband-lovasz-hinge-loss-52055003627547 (READ-ONLY COPY).

The authoritative reference and input builder live on the scoring server;
editing this copy changes nothing except your own understanding.
"""

import jax, jax.numpy as jnp
import numpy as np


def _lovasz_hinge_flat(logit, label):
    # logit: [P] float, label: [P] int (0/1)
    logit = logit.reshape(-1)
    label = label.reshape(-1).astype(jnp.float32)
    signs = 2.0 * label - 1.0
    errors = 1.0 - logit * signs
    # descending sort (torch.sort(..., descending=True))
    perm = jnp.argsort(-errors)
    errors_sorted = errors[perm]
    gt_sorted = label[perm]
    # lovasz_grad
    gts = gt_sorted.sum()
    intersection = gts - jnp.cumsum(gt_sorted)
    union = gts + jnp.cumsum(1.0 - gt_sorted)
    jaccard = 1.0 - intersection / union
    grad = jnp.concatenate([jaccard[:1], jaccard[1:] - jaccard[:-1]])
    return jnp.dot(jax.nn.relu(errors_sorted), grad)


def setup_inputs(seed: int = 0) -> dict:
    key = jax.random.key(seed)
    k1, k2 = jax.random.split(key)
    logits = jax.random.normal(k1, (8, 512, 512), dtype=jnp.float32)
    labels = jax.random.randint(k2, (8, 512, 512), 0, 2, dtype=jnp.int32)
    return {"logits": logits, "labels": labels}


def reference(logits, labels):
    loss_weight = 1.0
    # per_image=True: mean of per-image lovasz hinge losses
    per_img = jax.vmap(_lovasz_hinge_flat)(
        logits.reshape(logits.shape[0], -1),
        labels.reshape(labels.shape[0], -1),
    )
    loss = jnp.sum(per_img) / per_img.shape[0]
    # forward applies loss_weight twice in the non-symmetric path (faithful to source)
    loss = loss * loss_weight
    return loss * loss_weight

if __name__ == "__main__":
    import jax
    _d = setup_inputs()
    print(jax.jit(kernel)(*tuple(_d.values())))

</pallas_src>

<mosaic_0001>
#map = affine_map<(d0, d1) -> (0, 0, 0)>
#map1 = affine_map<(d0, d1) -> (0)>
module attributes {stable_mosaic.version = 14 : i64} {
  func.func @_sc_hist_body(%arg0: i32, %arg1: i32, %arg2: memref<8x512x512xf32, #tpu.memory_space<hbm>>, %arg3: memref<8x512x512xi32, #tpu.memory_space<hbm>>, %arg4: memref<262144xi32, #tpu.memory_space<hbm>>, %arg5: memref<32x512xf32, #tpu.memory_space<vmem>>, %arg6: memref<32x512xi32, #tpu.memory_space<vmem>>, %arg7: memref<65536xi32, #tpu.memory_space<vmem>>, %arg8: memref<8192xi32, #tpu.memory_space<vmem>>, %arg9: memref<2x!tpu.dma_semaphore, #tpu.memory_space<semaphore_mem>>) attributes {dimension_semantics = [#tpu.dimension_semantics<core_parallel>, #tpu.dimension_semantics<subcore_parallel>], iteration_bounds = array<i64: 2, 16>, scalar_prefetch = 0 : i64, scratch_operands = 5 : i64, tpu.core_type = #tpu.core_type<sc_vector_subcore>, window_params = [{transform_indices = #map}, {transform_indices = #map}, {transform_indices = #map1}]} {
    %mul3A = arith.constant 16 : i32
    %mul3A_0 = arith.muli %arg0, %mul3A : i32
    %add3A = arith.addi %mul3A_0, %arg1 : i32
    %iota3A = tpu.iota {dimensions = array<i32: 0>} : vector<16xi32>
    %mul3A_1 = arith.constant 4096 : i32
    %mul3A_2 = vector.broadcast %mul3A_1 : i32 to vector<16xi32>
    %mul3A_3 = arith.muli %iota3A, %mul3A_2 : vector<16xi32>
    %jit3A = arith.constant 4 : i32
    %div3A = arith.divsi %add3A, %jit3A : i32
    %sign3A = arith.constant 0 : i32
    %sign3A_4 = arith.cmpi sgt, %add3A, %sign3A : i32
    %sign3A_5 = arith.extui %sign3A_4 : i1 to i32
    %sign3A_6 = arith.constant 0 : i32
    %sign3A_7 = arith.cmpi slt, %add3A, %sign3A_6 : i32
    %sign3A_8 = arith.extui %sign3A_7 : i1 to i32
    %sign3A_9 = arith.subi %sign3A_5, %sign3A_8 : i32
    %sign3A_10 = arith.constant 0 : i32
    %sign3A_11 = arith.cmpi sgt, %jit3A, %sign3A_10 : i32
    %sign3A_12 = arith.extui %sign3A_11 : i1 to i32
    %sign3A_13 = arith.constant 0 : i32
    %sign3A_14 = arith.cmpi slt, %jit3A, %sign3A_13 : i32
    %sign3A_15 = arith.extui %sign3A_14 : i1 to i32
    %sign3A_16 = arith.subi %sign3A_12, %sign3A_15 : i32
    %ne3A = arith.cmpi ne, %sign3A_9, %sign3A_16 : i32
    %rem3A = arith.remsi %add3A, %jit3A : i32
    %ne3A_17 = arith.constant 0 : i32
    %ne3A_18 = arith.cmpi ne, %rem3A, %ne3A_17 : i32
    %and3A = arith.andi %ne3A, %ne3A_18 : i1
    %sub3A = arith.constant 1 : i32
    %sub3A_19 = arith.subi %div3A, %sub3A : i32
    %select_n3A = arith.select %and3A, %sub3A_19, %div3A : i32
    %jit3A_20 = arith.constant 4 : i32
    %eq3A = arith.constant 0 : i32
    %eq3A_21 = arith.cmpi eq, %jit3A_20, %eq3A : i32
    %jit3A_22 = arith.constant 1 : i32
    %select_n3A_23 = arith.select %eq3A_21, %jit3A_22, %jit3A_20 : i32
    %rem3A_24 = arith.remsi %add3A, %select_n3A_23 : i32
    %ne3A_25 = arith.constant 0 : i32
    %ne3A_26 = arith.cmpi ne, %rem3A_24, %ne3A_25 : i32
    %lt3A = arith.constant 0 : i32
    %lt3A_27 = arith.cmpi slt, %rem3A_24, %lt3A : i32
    %lt3A_28 = arith.constant 0 : i32
    %lt3A_29 = arith.cmpi slt, %select_n3A_23, %lt3A_28 : i32
    %ne3A_30 = arith.xori %lt3A_27, %lt3A_29 : i1
    %and3A_31 = arith.andi %ne3A_30, %ne3A_26 : i1
    %add3A_32 = arith.addi %rem3A_24, %select_n3A_23 : i32
    %select_n3A_33 = arith.select %and3A_31, %add3A_32, %rem3A_24 : i32
    %mul3A_34 = arith.constant 128 : i32
    %mul3A_35 = arith.muli %select_n3A_33, %mul3A_34 : i32
    %add3A_36 = arith.constant 0 : i32
    %add3A_37 = arith.addi %mul3A_35, %add3A_36 : i32
    %dma_start3A = arith.constant 0 : i32
    %dma_start3A_38 = arith.constant 0 : i32
    %dma_start3A_39 = arith.constant 0 : i32
    %dma_start3A_40 = tpu.memref_slice %arg5[%dma_start3A_38, %dma_start3A_39] : memref<32x512xf32, #tpu.memory_space<vmem>> -> memref<16x512xf32, #tpu.memory_space<vmem>>
    %dma_start3A_41 = arith.constant 0 : i32
    %dma_start3A_42 = tpu.memref_slice %arg2[%select_n3A, %add3A_37, %dma_start3A_41] : memref<8x512x512xf32, #tpu.memory_space<hbm>> -> memref<1x16x512xf32, #tpu.memory_space<hbm>>
    %dma_start3A_43 = tpu.memref_squeeze %dma_start3A_42 : memref<1x16x512xf32, #tpu.memory_space<hbm>> -> memref<16x512xf32, #tpu.memory_space<hbm>>
    %dma_start3A_44 = tpu.memref_slice %arg9[%dma_start3A] : memref<2x!tpu.dma_semaphore, #tpu.memory_space<semaphore_mem>> -> memref<1x!tpu.dma_semaphore, #tpu.memory_space<semaphore_mem>>
    %dma_start3A_45 = tpu.memref_squeeze %dma_start3A_44 : memref<1x!tpu.dma_semaphore, #tpu.memory_space<semaphore_mem>> -> memref<!tpu.dma_semaphore, #tpu.memory_space<semaphore_mem>>
    %dma_start3A_46 = arith.constant 0 : i32
    %dma_start3A_47 = arith.constant 0 : i32
    %dma_start3A_48 = tpu.memref_slice %arg5[%dma_start3A_46, %dma_start3A_47] : memref<32x512xf32, #tpu.memory_space<vmem>> -> memref<16x512xf32, #tpu.memory_space<vmem>>
    %dma_start3A_49 = arith.constant 0 : i32
    %dma_start3A_50 = tpu.memref_slice %arg2[%select_n3A, %add3A_37, %dma_start3A_49] : memref<8x512x512xf32, #tpu.memory_space<hbm>> -> memref<1x16x512xf32, #tpu.memory_space<hbm>>
    %dma_start3A_51 = tpu.memref_squeeze %dma_start3A_50 : memref<1x16x512xf32, #tpu.memory_space<hbm>> -> memref<16x512xf32, #tpu.memory_space<hbm>>
    tpu.enqueue_dma source(%dma_start3A_51 : memref<16x512xf32, #tpu.memory_space<hbm>>) target(%dma_start3A_48 : memref<16x512xf32, #tpu.memory_space<vmem>>) target_semaphore(%dma_start3A_45 : memref<!tpu.dma_semaphore, #tpu.memory_space<semaphore_mem>>)
    %dma_start3A_52 = arith.constant 0 : i32
    %dma_start3A_53 = arith.constant 0 : i32
    %dma_start3A_54 = arith.constant 0 : i32
    %dma_start3A_55 = tpu.memref_slice %arg6[%dma_start3A_53, %dma_start3A_54] : memref<32x512xi32, #tpu.memory_space<vmem>> -> memref<16x512xi32, #tpu.memory_space<vmem>>
    %dma_start3A_56 = arith.constant 0 : i32
    %dma_start3A_57 = tpu.memref_slice %arg3[%select_n3A, %add3A_37, %dma_start3A_56] : memref<8x512x512xi32, #tpu.memory_space<hbm>> -> memref<1x16x512xi32, #tpu.memory_space<hbm>>
    %dma_start3A_58 = tpu.memref_squeeze %dma_start3A_57 : memref<1x16x512xi32, #tpu.memory_space<hbm>> -> memref<16x512xi32, #tpu.memory_space<hbm>>
    %dma_start3A_59 = tpu.memref_slice %arg9[%dma_start3A_52] : memref<2x!tpu.dma_semaphore, #tpu.memory_space<semaphore_mem>> -> memref<1x!tpu.dma_semaphore, #tpu.memory_space<semaphore_mem>>
    %dma_start3A_60 = tpu.memref_squeeze %dma_start3A_59 : memref<1x!tpu.dma_semaphore, #tpu.memory_space<semaphore_mem>> -> memref<!tpu.dma_semaphore, #tpu.memory_space<semaphore_mem>>
    %dma_start3A_61 = arith.constant 0 : i32
    %dma_start3A_62 = arith.constant 0 : i32
    %dma_start3A_63 = tpu.memref_slice %arg6[%dma_start3A_61, %dma_start3A_62] : memref<32x512xi32, #tpu.memory_space<vmem>> -> memref<16x512xi32, #tpu.memory_space<vmem>>
    %dma_start3A_64 = arith.constant 0 : i32
    %dma_start3A_65 = tpu.memref_slice %arg3[%select_n3A, %add3A_37, %dma_start3A_64] : memref<8x512x512xi32, #tpu.memory_space<hbm>> -> memref<1x16x512xi32, #tpu.memory_space<hbm>>
    %dma_start3A_66 = tpu.memref_squeeze %dma_start3A_65 : memref<1x16x512xi32, #tpu.memory_space<hbm>> -> memref<16x512xi32, #tpu.memory_space<hbm>>
    tpu.enqueue_dma source(%dma_start3A_66 : memref<16x512xi32, #tpu.memory_space<hbm>>) target(%dma_start3A_63 : memref<16x512xi32, #tpu.memory_space<vmem>>) target_semaphore(%dma_start3A_60 : memref<!tpu.dma_semaphore, #tpu.memory_space<semaphore_mem>>)
    %parallel_loop3A = arith.constant 0 : i32
    %parallel_loop3A_67 = arith.constant 65536 : i32
    %parallel_loop3A_68 = arith.constant 16 : i32
    scf.for %parallel_loop3A_561 = %parallel_loop3A to %parallel_loop3A_67 step %parallel_loop3A_68  : i32 {
      %parallel_loop3A_562 = arith.constant 0 : i32
      %parallel_loop3A_563 = vector.broadcast %parallel_loop3A_562 : i32 to vector<16xi32>
      %parallel_loop3A_564 = arith.index_cast %parallel_loop3A_561 : i32 to index
      %parallel_loop3A_565 = tpu.vector_load %arg7[%parallel_loop3A_564] {strides = array<i32>} : memref<65536xi32, #tpu.memory_space<vmem>>, vector<16xi32>,
      tpu.vector_store %arg7[%parallel_loop3A_564], %parallel_loop3A_563 {strides = array<i32>} : memref<65536xi32, #tpu.memory_space<vmem>>, vector<16xi32>,
    } {sc.loop_unroll_factor = 8 : i64, sc.parallel_access}
    %dma_wait3A = arith.constant 0 : i32
    %dma_wait3A_69 = arith.constant 0 : i32
    %dma_wait3A_70 = arith.constant 0 : i32
    %dma_wait3A_71 = tpu.memref_slice %arg5[%dma_wait3A_69, %dma_wait3A_70] : memref<32x512xf32, #tpu.memory_space<vmem>> -> memref<16x512xf32, #tpu.memory_space<vmem>>
    %dma_wait3A_72 = arith.constant 0 : i32
    %dma_wait3A_73 = tpu.memref_slice %arg2[%select_n3A, %add3A_37, %dma_wait3A_72] : memref<8x512x512xf32, #tpu.memory_space<hbm>> -> memref<1x16x512xf32, #tpu.memory_space<hbm>>
    %dma_wait3A_74 = tpu.memref_squeeze %dma_wait3A_73 : memref<1x16x512xf32, #tpu.memory_space<hbm>> -> memref<16x512xf32, #tpu.memory_space<hbm>>
    %dma_wait3A_75 = tpu.memref_slice %arg9[%dma_wait3A] : memref<2x!tpu.dma_semaphore, #tpu.memory_space<semaphore_mem>> -> memref<1x!tpu.dma_semaphore, #tpu.memory_space<semaphore_mem>>
    %dma_wait3A_76 = tpu.memref_squeeze %dma_wait3A_75 : memref<1x!tpu.dma_semaphore, #tpu.memory_space<semaphore_mem>> -> memref<!tpu.dma_semaphore, #tpu.memory_space<semaphore_mem>>
    %dma_wait3A_77 = arith.constant 0 : i32
    %dma_wait3A_78 = arith.constant 0 : i32
    %dma_wait3A_79 = tpu.memref_slice %arg5[%dma_wait3A_77, %dma_wait3A_78] : memref<32x512xf32, #tpu.memory_space<vmem>> -> memref<16x512xf32, #tpu.memory_space<vmem>>
    %dma_wait3A_80 = arith.constant 0 : i32
    %dma_wait3A_81 = tpu.memref_slice %arg2[%select_n3A, %add3A_37, %dma_wait3A_80] : memref<8x512x512xf32, #tpu.memory_space<hbm>> -> memref<1x16x512xf32, #tpu.memory_space<hbm>>
    %dma_wait3A_82 = tpu.memref_squeeze %dma_wait3A_81 : memref<1x16x512xf32, #tpu.memory_space<hbm>> -> memref<16x512xf32, #tpu.memory_space<hbm>>
    tpu.wait_dma2 semaphore(%dma_wait3A_76 : memref<!tpu.dma_semaphore, #tpu.memory_space<semaphore_mem>>) src(%dma_wait3A_82 : memref<16x512xf32, #tpu.memory_space<hbm>>) dst(%dma_wait3A_79 : memref<16x512xf32, #tpu.memory_space<vmem>>)
    %dma_wait3A_83 = arith.constant 0 : i32
    %dma_wait3A_84 = arith.constant 0 : i32
    %dma_wait3A_85 = arith.constant 0 : i32
    %dma_wait3A_86 = tpu.memref_slice %arg6[%dma_wait3A_84, %dma_wait3A_85] : memref<32x512xi32, #tpu.memory_space<vmem>> -> memref<16x512xi32, #tpu.memory_space<vmem>>
    %dma_wait3A_87 = arith.constant 0 : i32
    %dma_wait3A_88 = tpu.memref_slice %arg3[%select_n3A, %add3A_37, %dma_wait3A_87] : memref<8x512x512xi32, #tpu.memory_space<hbm>> -> memref<1x16x512xi32, #tpu.memory_space<hbm>>
    %dma_wait3A_89 = tpu.memref_squeeze %dma_wait3A_88 : memref<1x16x512xi32, #tpu.memory_space<hbm>> -> memref<16x512xi32, #tpu.memory_space<hbm>>
    %dma_wait3A_90 = tpu.memref_slice %arg9[%dma_wait3A_83] : memref<2x!tpu.dma_semaphore, #tpu.memory_space<semaphore_mem>> -> memref<1x!tpu.dma_semaphore, #tpu.memory_space<semaphore_mem>>
    %dma_wait3A_91 = tpu.memref_squeeze %dma_wait3A_90 : memref<1x!tpu.dma_semaphore, #tpu.memory_space<semaphore_mem>> -> memref<!tpu.dma_semaphore, #tpu.memory_space<semaphore_mem>>
    %dma_wait3A_92 = arith.constant 0 : i32
    %dma_wait3A_93 = arith.constant 0 : i32
    %dma_wait3A_94 = tpu.memref_slice %arg6[%dma_wait3A_92, %dma_wait3A_93] : memref<32x512xi32, #tpu.memory_space<vmem>> -> memref<16x512xi32, #tpu.memory_space<vmem>>
    %dma_wait3A_95 = arith.constant 0 : i32
    %dma_wait3A_96 = tpu.memref_slice %arg3[%select_n3A, %add3A_37, %dma_wait3A_95] : memref<8x512x512xi32, #tpu.memory_space<hbm>> -> memref<1x16x512xi32, #tpu.memory_space<hbm>>
    %dma_wait3A_97 = tpu.memref_squeeze %dma_wait3A_96 : memref<1x16x512xi32, #tpu.memory_space<hbm>> -> memref<16x512xi32, #tpu.memory_space<hbm>>
    tpu.wait_dma2 semaphore(%dma_wait3A_91 : memref<!tpu.dma_semaphore, #tpu.memory_space<semaphore_mem>>) src(%dma_wait3A_97 : memref<16x512xi32, #tpu.memory_space<hbm>>) dst(%dma_wait3A_94 : memref<16x512xi32, #tpu.memory_space<vmem>>)
    %add3A_98 = arith.constant 16 : i32
    %add3A_99 = arith.addi %mul3A_35, %add3A_98 : i32
    %dma_start3A_100 = arith.constant 1 : i32
    %dma_start3A_101 = arith.constant 16 : i32
    %dma_start3A_102 = arith.constant 0 : i32
    %dma_start3A_103 = tpu.memref_slice %arg5[%dma_start3A_101, %dma_start3A_102] : memref<32x512xf32, #tpu.memory_space<vmem>> -> memref<16x512xf32, #tpu.memory_space<vmem>>
    %dma_start3A_104 = arith.constant 0 : i32
    %dma_start3A_105 = tpu.memref_slice %arg2[%select_n3A, %add3A_99, %dma_start3A_104] : memref<8x512x512xf32, #tpu.memory_space<hbm>> -> memref<1x16x512xf32, #tpu.memory_space<hbm>>
    %dma_start3A_106 = tpu.memref_squeeze %dma_start3A_105 : memref<1x16x512xf32, #tpu.memory_space<hbm>> -> memref<16x512xf32, #tpu.memory_space<hbm>>
    %dma_start3A_107 = tpu.memref_slice %arg9[%dma_start3A_100] : memref<2x!tpu.dma_semaphore, #tpu.memory_space<semaphore_mem>> -> memref<1x!tpu.dma_semaphore, #tpu.memory_space<semaphore_mem>>
    %dma_start3A_108 = tpu.memref_squeeze %dma_start3A_107 : memref<1x!tpu.dma_semaphore, #tpu.memory_space<semaphore_mem>> -> memref<!tpu.dma_semaphore, #tpu.memory_space<semaphore_mem>>
    %dma_start3A_109 = arith.constant 16 : i32
    %dma_start3A_110 = arith.constant 0 : i32
    %dma_start3A_111 = tpu.memref_slice %arg5[%dma_start3A_109, %dma_start3A_110] : memref<32x512xf32, #tpu.memory_space<vmem>> -> memref<16x512xf32, #tpu.memory_space<vmem>>
    %dma_start3A_112 = arith.constant 0 : i32
    %dma_start3A_113 = tpu.memref_slice %arg2[%select_n3A, %add3A_99, %dma_start3A_112] : memref<8x512x512xf32, #tpu.memory_space<hbm>> -> memref<1x16x512xf32, #tpu.memory_space<hbm>>
    %dma_start3A_114 = tpu.memref_squeeze %dma_start3A_113 : memref<1x16x512xf32, #tpu.memory_space<hbm>> -> memref<16x512xf32, #tpu.memory_space<hbm>>
    tpu.enqueue_dma source(%dma_start3A_114 : memref<16x512xf32, #tpu.memory_space<hbm>>) target(%dma_start3A_111 : memref<16x512xf32, #tpu.memory_space<vmem>>) target_semaphore(%dma_start3A_108 : memref<!tpu.dma_semaphore, #tpu.memory_space<semaphore_mem>>)
    %dma_start3A_115 = arith.constant 1 : i32
    %dma_start3A_116 = arith.constant 16 : i32
    %dma_start3A_117 = arith.constant 0 : i32
    %dma_start3A_118 = tpu.memref_slice %arg6[%dma_start3A_116, %dma_start3A_117] : memref<32x512xi32, #tpu.memory_space<vmem>> -> memref<16x512xi32, #tpu.memory_space<vmem>>
    %dma_start3A_119 = arith.constant 0 : i32
    %dma_start3A_120 = tpu.memref_slice %arg3[%select_n3A, %add3A_99, %dma_start3A_119] : memref<8x512x512xi32, #tpu.memory_space<hbm>> -> memref<1x16x512xi32, #tpu.memory_space<hbm>>
    %dma_start3A_121 = tpu.memref_squeeze %dma_start3A_120 : memref<1x16x512xi32, #tpu.memory_space<hbm>> -> memref<16x512xi32, #tpu.memory_space<hbm>>
    %dma_start3A_122 = tpu.memref_slice %arg9[%dma_start3A_115] : memref<2x!tpu.dma_semaphore, #tpu.memory_space<semaphore_mem>> -> memref<1x!tpu.dma_semaphore, #tpu.memory_space<semaphore_mem>>
    %dma_start3A_123 = tpu.memref_squeeze %dma_start3A_122 : memref<1x!tpu.dma_semaphore, #tpu.memory_space<semaphore_mem>> -> memref<!tpu.dma_semaphore, #tpu.memory_space<semaphore_mem>>
    %dma_start3A_124 = arith.constant 16 : i32
    %dma_start3A_125 = arith.constant 0 : i32
    %dma_start3A_126 = tpu.memref_slice %arg6[%dma_start3A_124, %dma_start3A_125] : memref<32x512xi32, #tpu.memory_space<vmem>> -> memref<16x512xi32, #tpu.memory_space<vmem>>
    %dma_start3A_127 = arith.constant 0 : i32
    %dma_start3A_128 = tpu.memref_slice %arg3[%select_n3A, %add3A_99, %dma_start3A_127] : memref<8x512x512xi32, #tpu.memory_space<hbm>> -> memref<1x16x512xi32, #tpu.memory_space<hbm>>
    %dma_start3A_129 = tpu.memref_squeeze %dma_start3A_128 : memref<1x16x512xi32, #tpu.memory_space<hbm>> -> memref<16x512xi32, #tpu.memory_space<hbm>>
    tpu.enqueue_dma source(%dma_start3A_129 : memref<16x512xi32, #tpu.memory_space<hbm>>) target(%dma_start3A_126 : memref<16x512xi32, #tpu.memory_space<vmem>>) target_semaphore(%dma_start3A_123 : memref<!tpu.dma_semaphore, #tpu.memory_space<semaphore_mem>>)
    %parallel_loop3A_130 = arith.constant 0 : i32
    %parallel_loop3A_131 = arith.constant 8192 : i32
    %parallel_loop3A_132 = arith.constant 16 : i32
    scf.for %parallel_loop3A_561 = %parallel_loop3A_130 to %parallel_loop3A_131 step %parallel_loop3A_132  : i32 {
      %parallel_loop3A_562 = tpu.iota {dimensions = array<i32: 0>} : vector<16xi32>
      %parallel_loop3A_563 = vector.broadcast %parallel_loop3A_561 : i32 to vector<16xi32>
      %parallel_loop3A_564 = arith.addi %parallel_loop3A_563, %parallel_loop3A_562 : vector<16xi32>
      %parallel_loop3A_565 = arith.constant 9 : i32
      %parallel_loop3A_566 = vector.broadcast %parallel_loop3A_565 : i32 to vector<16xi32>
      %parallel_loop3A_567 = arith.shrui %parallel_loop3A_564, %parallel_loop3A_566 : vector<16xi32>
      %parallel_loop3A_568 = arith.constant 0 : i32
      %parallel_loop3A_569 = vector.broadcast %parallel_loop3A_568 : i32 to vector<16xi32>
      %parallel_loop3A_570 = arith.addi %parallel_loop3A_569, %parallel_loop3A_567 : vector<16xi32>
      %parallel_loop3A_571 = arith.constant 511 : i32
      %parallel_loop3A_572 = vector.broadcast %parallel_loop3A_571 : i32 to vector<16xi32>
      %parallel_loop3A_573 = arith.andi %parallel_loop3A_564, %parallel_loop3A_572 : vector<16xi32>
      %parallel_loop3A_574 = tpu.vector_load_idx %arg5[%parallel_loop3A_570, %parallel_loop3A_573] : memref<32x512xf32, #tpu.memory_space<vmem>>[vector<16xi32>, vector<16xi32>], vector<16xf32>,
      %parallel_loop3A_575 = tpu.vector_load_idx %arg6[%parallel_loop3A_570, %parallel_loop3A_573] : memref<32x512xi32, #tpu.memory_space<vmem>>[vector<16xi32>, vector<16xi32>], vector<16xi32>,
      %parallel_loop3A_576 = arith.sitofp %parallel_loop3A_575 : vector<16xi32> to vector<16xf32>
      %parallel_loop3A_577 = arith.constant 2.000000e+00 : f32
      %parallel_loop3A_578 = vector.broadcast %parallel_loop3A_577 : f32 to vector<16xf32>
      %parallel_loop3A_579 = arith.mulf %parallel_loop3A_578, %parallel_loop3A_576 : vector<16xf32>
      %parallel_loop3A_580 = arith.constant 1.000000e+00 : f32
      %parallel_loop3A_581 = vector.broadcast %parallel_loop3A_580 : f32 to vector<16xf32>
      %parallel_loop3A_582 = arith.subf %parallel_loop3A_579, %parallel_loop3A_581 : vector<16xf32>
      %parallel_loop3A_583 = arith.mulf %parallel_loop3A_574, %parallel_loop3A_582 : vector<16xf32>
      %parallel_loop3A_584 = arith.constant 1.000000e+00 : f32
      %parallel_loop3A_585 = vector.broadcast %parallel_loop3A_584 : f32 to vector<16xf32>
      %parallel_loop3A_586 = arith.subf %parallel_loop3A_585, %parallel_loop3A_583 : vector<16xf32>
      %parallel_loop3A_587 = tpu.bitcast %parallel_loop3A_586 : vector<16xf32> -> vector<16xi32>
      %parallel_loop3A_588 = arith.constant 15 : i32
      %parallel_loop3A_589 = vector.broadcast %parallel_loop3A_588 : i32 to vector<16xi32>
      %parallel_loop3A_590 = arith.shrsi %parallel_loop3A_587, %parallel_loop3A_589 : vector<16xi32>
      %parallel_loop3A_591 = arith.constant 29439 : i32
      %parallel_loop3A_592 = vector.broadcast %parallel_loop3A_591 : i32 to vector<16xi32>
      %parallel_loop3A_593 = arith.subi %parallel_loop3A_590, %parallel_loop3A_592 : vector<16xi32>
      %parallel_loop3A_594 = arith.constant 0 : i32
      %parallel_loop3A_595 = arith.constant 4095 : i32
      %parallel_loop3A_596 = vector.broadcast %parallel_loop3A_594 : i32 to vector<16xi32>
      %parallel_loop3A_597 = arith.maxsi %parallel_loop3A_596, %parallel_loop3A_593 : vector<16xi32>
      %parallel_loop3A_598 = vector.broadcast %parallel_loop3A_595 : i32 to vector<16xi32>
      %parallel_loop3A_599 = arith.minsi %parallel_loop3A_598, %parallel_loop3A_597 : vector<16xi32>
      %parallel_loop3A_600 = arith.addi %mul3A_3, %parallel_loop3A_599 : vector<16xi32>
      %parallel_loop3A_601 = arith.constant 65536 : i32
      %parallel_loop3A_602 = vector.broadcast %parallel_loop3A_601 : i32 to vector<16xi32>
      %parallel_loop3A_603 = arith.muli %parallel_loop3A_575, %parallel_loop3A_602 : vector<16xi32>
      %parallel_loop3A_604 = arith.constant 1 : i32
      %parallel_loop3A_605 = vector.broadcast %parallel_loop3A_604 : i32 to vector<16xi32>
      %parallel_loop3A_606 = arith.addi %parallel_loop3A_605, %parallel_loop3A_603 : vector<16xi32>
      tpu.vector_store_idx %arg7[%parallel_loop3A_600], %parallel_loop3A_606 {add = true} : memref<65536xi32, #tpu.memory_space<vmem>>[vector<16xi32>], vector<16xi32>,
    } {sc.loop_unroll_factor = 8 : i64, sc.parallel_access}
    %dma_wait3A_133 = arith.constant 1 : i32
    %dma_wait3A_134 = arith.constant 16 : i32
    %dma_wait3A_135 = arith.constant 0 : i32
    %dma_wait3A_136 = tpu.memref_slice %arg5[%dma_wait3A_134, %dma_wait3A_135] : memref<32x512xf32, #tpu.memory_space<vmem>> -> memref<16x512xf32, #tpu.memory_space<vmem>>
    %dma_wait3A_137 = arith.constant 0 : i32
    %dma_wait3A_138 = tpu.memref_slice %arg2[%select_n3A, %add3A_99, %dma_wait3A_137] : memref<8x512x512xf32, #tpu.memory_space<hbm>> -> memref<1x16x512xf32, #tpu.memory_space<hbm>>
    %dma_wait3A_139 = tpu.memref_squeeze %dma_wait3A_138 : memref<1x16x512xf32, #tpu.memory_space<hbm>> -> memref<16x512xf32, #tpu.memory_space<hbm>>
    %dma_wait3A_140 = tpu.memref_slice %arg9[%dma_wait3A_133] : memref<2x!tpu.dma_semaphore, #tpu.memory_space<semaphore_mem>> -> memref<1x!tpu.dma_semaphore, #tpu.memory_space<semaphore_mem>>
    %dma_wait3A_141 = tpu.memref_squeeze %dma_wait3A_140 : memref<1x!tpu.dma_semaphore, #tpu.memory_space<semaphore_mem>> -> memref<!tpu.dma_semaphore, #tpu.memory_space<semaphore_mem>>
    %dma_wait3A_142 = arith.constant 16 : i32
    %dma_wait3A_143 = arith.constant 0 : i32
    %dma_wait3A_144 = tpu.memref_slice %arg5[%dma_wait3A_142, %dma_wait3A_143] : memref<32x512xf32, #tpu.memory_space<vmem>> -> memref<16x512xf32, #tpu.memory_space<vmem>>
    %dma_wait3A_145 = arith.constant 0 : i32
    %dma_wait3A_146 = tpu.memref_slice %arg2[%select_n3A, %add3A_99, %dma_wait3A_145] : memref<8x512x512xf32, #tpu.memory_space<hbm>> -> memref<1x16x512xf32, #tpu.memory_space<hbm>>
    %dma_wait3A_147 = tpu.memref_squeeze %dma_wait3A_146 : memref<1x16x512xf32, #tpu.memory_space<hbm>> -> memref<16x512xf32, #tpu.memory_space<hbm>>
    tpu.wait_dma2 semaphore(%dma_wait3A_141 : memref<!tpu.dma_semaphore, #tpu.memory_space<semaphore_mem>>) src(%dma_wait3A_147 : memref<16x512xf32, #tpu.memory_space<hbm>>) dst(%dma_wait3A_144 : memref<16x512xf32, #tpu.memory_space<vmem>>)
    %dma_wait3A_148 = arith.constant 1 : i32
    %dma_wait3A_149 = arith.constant 16 : i32
    %dma_wait3A_150 = arith.constant 0 : i32
    %dma_wait3A_151 = tpu.memref_slice %arg6[%dma_wait3A_149, %dma_wait3A_150] : memref<32x512xi32, #tpu.memory_space<vmem>> -> memref<16x512xi32, #tpu.memory_space<vmem>>
    %dma_wait3A_152 = arith.constant 0 : i32
    %dma_wait3A_153 = tpu.memref_slice %arg3[%select_n3A, %add3A_99, %dma_wait3A_152] : memref<8x512x512xi32, #tpu.memory_space<hbm>> -> memref<1x16x512xi32, #tpu.memory_space<hbm>>
    %dma_wait3A_154 = tpu.memref_squeeze %dma_wait3A_153 : memref<1x16x512xi32, #tpu.memory_space<hbm>> -> memref<16x512xi32, #tpu.memory_space<hbm>>
    %dma_wait3A_155 = tpu.memref_slice %arg9[%dma_wait3A_148] : memref<2x!tpu.dma_semaphore, #tpu.memory_space<semaphore_mem>> -> memref<1x!tpu.dma_semaphore, #tpu.memory_space<semaphore_mem>>
    %dma_wait3A_156 = tpu.memref_squeeze %dma_wait3A_155 : memref<1x!tpu.dma_semaphore, #tpu.memory_space<semaphore_mem>> -> memref<!tpu.dma_semaphore, #tpu.memory_space<semaphore_mem>>
    %dma_wait3A_157 = arith.constant 16 : i32
    %dma_wait3A_158 = arith.constant 0 : i32
    %dma_wait3A_159 = tpu.memref_slice %arg6[%dma_wait3A_157, %dma_wait3A_158] : memref<32x512xi32, #tpu.memory_space<vmem>> -> memref<16x512xi32, #tpu.memory_space<vmem>>
    %dma_wait3A_160 = arith.constant 0 : i32
    %dma_wait3A_161 = tpu.memref_slice %arg3[%select_n3A, %add3A_99, %dma_wait3A_160] : memref<8x512x512xi32, #tpu.memory_space<hbm>> -> memref<1x16x512xi32, #tpu.memory_space<hbm>>
    %dma_wait3A_162 = tpu.memref_squeeze %dma_wait3A_161 : memref<1x16x512xi32, #tpu.memory_space<hbm>> -> memref<16x512xi32, #tpu.memory_space<hbm>>
    tpu.wait_dma2 semaphore(%dma_wait3A_156 : memref<!tpu.dma_semaphore, #tpu.memory_space<semaphore_mem>>) src(%dma_wait3A_162 : memref<16x512xi32, #tpu.memory_space<hbm>>) dst(%dma_wait3A_159 : memref<16x512xi32, #tpu.memory_space<vmem>>)
    %add3A_163 = arith.constant 32 : i32
    %add3A_164 = arith.addi %mul3A_35, %add3A_163 : i32
    %dma_start3A_165 = arith.constant 0 : i32
    %dma_start3A_166 = arith.constant 0 : i32
    %dma_start3A_167 = arith.constant 0 : i32
    %dma_start3A_168 = tpu.memref_slice %arg5[%dma_start3A_166, %dma_start3A_167] : memref<32x512xf32, #tpu.memory_space<vmem>> -> memref<16x512xf32, #tpu.memory_space<vmem>>
    %dma_start3A_169 = arith.constant 0 : i32
    %dma_start3A_170 = tpu.memref_slice %arg2[%select_n3A, %add3A_164, %dma_start3A_169] : memref<8x512x512xf32, #tpu.memory_space<hbm>> -> memref<1x16x512xf32, #tpu.memory_space<hbm>>
    %dma_start3A_171 = tpu.memref_squeeze %dma_start3A_170 : memref<1x16x512xf32, #tpu.memory_space<hbm>> -> memref<16x512xf32, #tpu.memory_space<hbm>>
    %dma_start3A_172 = tpu.memref_slice %arg9[%dma_start3A_165] : memref<2x!tpu.dma_semaphore, #tpu.memory_space<semaphore_mem>> -> memref<1x!tpu.dma_semaphore, #tpu.memory_space<semaphore_mem>>
    %dma_start3A_173 = tpu.memref_squeeze %dma_start3A_172 : memref<1x!tpu.dma_semaphore, #tpu.memory_space<semaphore_mem>> -> memref<!tpu.dma_semaphore, #tpu.memory_space<semaphore_mem>>
    %dma_start3A_174 = arith.constant 0 : i32
    %dma_start3A_175 = arith.constant 0 : i32
    %dma_start3A_176 = tpu.memref_slice %arg5[%dma_start3A_174, %dma_start3A_175] : memref<32x512xf32, #tpu.memory_space<vmem>> -> memref<16x512xf32, #tpu.memory_space<vmem>>
    %dma_start3A_177 = arith.constant 0 : i32
    %dma_start3A_178 = tpu.memref_slice %arg2[%select_n3A, %add3A_164, %dma_start3A_177] : memref<8x512x512xf32, #tpu.memory_space<hbm>> -> memref<1x16x512xf32, #tpu.memory_space<hbm>>
    %dma_start3A_179 = tpu.memref_squeeze %dma_start3A_178 : memref<1x16x512xf32, #tpu.memory_space<hbm>> -> memref<16x512xf32, #tpu.memory_space<hbm>>
    tpu.enqueue_dma source(%dma_start3A_179 : memref<16x512xf32, #tpu.memory_space<hbm>>) target(%dma_start3A_176 : memref<16x512xf32, #tpu.memory_space<vmem>>) target_semaphore(%dma_start3A_173 : memref<!tpu.dma_semaphore, #tpu.memory_space<semaphore_mem>>)
    %dma_start3A_180 = arith.constant 0 : i32
    %dma_start3A_181 = arith.constant 0 : i32
    %dma_start3A_182 = arith.constant 0 : i32
    %dma_start3A_183 = tpu.memref_slice %arg6[%dma_start3A_181, %dma_start3A_182] : memref<32x512xi32, #tpu.memory_space<vmem>> -> memref<16x512xi32, #tpu.memory_space<vmem>>
    %dma_start3A_184 = arith.constant 0 : i32
    %dma_start3A_185 = tpu.memref_slice %arg3[%select_n3A, %add3A_164, %dma_start3A_184] : memref<8x512x512xi32, #tpu.memory_space<hbm>> -> memref<1x16x512xi32, #tpu.memory_space<hbm>>
    %dma_start3A_186 = tpu.memref_squeeze %dma_start3A_185 : memref<1x16x512xi32, #tpu.memory_space<hbm>> -> memref<16x512xi32, #tpu.memory_space<hbm>>
    %dma_start3A_187 = tpu.memref_slice %arg9[%dma_start3A_180] : memref<2x!tpu.dma_semaphore, #tpu.memory_space<semaphore_mem>> -> memref<1x!tpu.dma_semaphore, #tpu.memory_space<semaphore_mem>>
    %dma_start3A_188 = tpu.memref_squeeze %dma_start3A_187 : memref<1x!tpu.dma_semaphore, #tpu.memory_space<semaphore_mem>> -> memref<!tpu.dma_semaphore, #tpu.memory_space<semaphore_mem>>
    %dma_start3A_189 = arith.constant 0 : i32
    %dma_start3A_190 = arith.constant 0 : i32
    %dma_start3A_191 = tpu.memref_slice %arg6[%dma_start3A_189, %dma_start3A_190] : memref<32x512xi32, #tpu.memory_space<vmem>> -> memref<16x512xi32, #tpu.memory_space<vmem>>
    %dma_start3A_192 = arith.constant 0 : i32
    %dma_start3A_193 = tpu.memref_slice %arg3[%select_n3A, %add3A_164, %dma_start3A_192] : memref<8x512x512xi32, #tpu.memory_space<hbm>> -> memref<1x16x512xi32, #tpu.memory_space<hbm>>
    %dma_start3A_194 = tpu.memref_squeeze %dma_start3A_193 : memref<1x16x512xi32, #tpu.memory_space<hbm>> -> memref<16x512xi32, #tpu.memory_space<hbm>>
    tpu.enqueue_dma source(%dma_start3A_194 : memref<16x512xi32, #tpu.memory_space<hbm>>) target(%dma_start3A_191 : memref<16x512xi32, #tpu.memory_space<vmem>>) target_semaphore(%dma_start3A_188 : memref<!tpu.dma_semaphore, #tpu.memory_space<semaphore_mem>>)
    %parallel_loop3A_195 = arith.constant 0 : i32
    %parallel_loop3A_196 = arith.constant 8192 : i32
    %parallel_loop3A_197 = arith.constant 16 : i32
    scf.for %parallel_loop3A_561 = %parallel_loop3A_195 to %parallel_loop3A_196 step %parallel_loop3A_197  : i32 {
      %parallel_loop3A_562 = tpu.iota {dimensions = array<i32: 0>} : vector<16xi32>
      %parallel_loop3A_563 = vector.broadcast %parallel_loop3A_561 : i32 to vector<16xi32>
      %parallel_loop3A_564 = arith.addi %parallel_loop3A_563, %parallel_loop3A_562 : vector<16xi32>
      %parallel_loop3A_565 = arith.constant 9 : i32
      %parallel_loop3A_566 = vector.broadcast %parallel_loop3A_565 : i32 to vector<16xi32>
      %parallel_loop3A_567 = arith.shrui %parallel_loop3A_564, %parallel_loop3A_566 : vector<16xi32>
      %parallel_loop3A_568 = arith.constant 16 : i32
      %parallel_loop3A_569 = vector.broadcast %parallel_loop3A_568 : i32 to vector<16xi32>
      %parallel_loop3A_570 = arith.addi %parallel_loop3A_569, %parallel_loop3A_567 : vector<16xi32>
      %parallel_loop3A_571 = arith.constant 511 : i32
      %parallel_loop3A_572 = vector.broadcast %parallel_loop3A_571 : i32 to vector<16xi32>
      %parallel_loop3A_573 = arith.andi %parallel_loop3A_564, %parallel_loop3A_572 : vector<16xi32>
      %parallel_loop3A_574 = tpu.vector_load_idx %arg5[%parallel_loop3A_570, %parallel_loop3A_573] : memref<32x512xf32, #tpu.memory_space<vmem>>[vector<16xi32>, vector<16xi32>], vector<16xf32>,
      %parallel_loop3A_575 = tpu.vector_load_idx %arg6[%parallel_loop3A_570, %parallel_loop3A_573] : memref<32x512xi32, #tpu.memory_space<vmem>>[vector<16xi32>, vector<16xi32>], vector<16xi32>,
      %parallel_loop3A_576 = arith.sitofp %parallel_loop3A_575 : vector<16xi32> to vector<16xf32>
      %parallel_loop3A_577 = arith.constant 2.000000e+00 : f32
      %parallel_loop3A_578 = vector.broadcast %parallel_loop3A_577 : f32 to vector<16xf32>
      %parallel_loop3A_579 = arith.mulf %parallel_loop3A_578, %parallel_loop3A_576 : vector<16xf32>
      %parallel_loop3A_580 = arith.constant 1.000000e+00 : f32
      %parallel_loop3A_581 = vector.broadcast %parallel_loop3A_580 : f32 to vector<16xf32>
      %parallel_loop3A_582 = arith.subf %parallel_loop3A_579, %parallel_loop3A_581 : vector<16xf32>
      %parallel_loop3A_583 = arith.mulf %parallel_loop3A_574, %parallel_loop3A_582 : vector<16xf32>
      %parallel_loop3A_584 = arith.constant 1.000000e+00 : f32
      %parallel_loop3A_585 = vector.broadcast %parallel_loop3A_584 : f32 to vector<16xf32>
      %parallel_loop3A_586 = arith.subf %parallel_loop3A_585, %parallel_loop3A_583 : vector<16xf32>
      %parallel_loop3A_587 = tpu.bitcast %parallel_loop3A_586 : vector<16xf32> -> vector<16xi32>
      %parallel_loop3A_588 = arith.constant 15 : i32
      %parallel_loop3A_589 = vector.broadcast %parallel_loop3A_588 : i32 to vector<16xi32>
      %parallel_loop3A_590 = arith.shrsi %parallel_loop3A_587, %parallel_loop3A_589 : vector<16xi32>
      %parallel_loop3A_591 = arith.constant 29439 : i32
      %parallel_loop3A_592 = vector.broadcast %parallel_loop3A_591 : i32 to vector<16xi32>
      %parallel_loop3A_593 = arith.subi %parallel_loop3A_590, %parallel_loop3A_592 : vector<16xi32>
      %parallel_loop3A_594 = arith.constant 0 : i32
      %parallel_loop3A_595 = arith.constant 4095 : i32
      %parallel_loop3A_596 = vector.broadcast %parallel_loop3A_594 : i32 to vector<16xi32>
      %parallel_loop3A_597 = arith.maxsi %parallel_loop3A_596, %parallel_loop3A_593 : vector<16xi32>
      %parallel_loop3A_598 = vector.broadcast %parallel_loop3A_595 : i32 to vector<16xi32>
      %parallel_loop3A_599 = arith.minsi %parallel_loop3A_598, %parallel_loop3A_597 : vector<16xi32>
      %parallel_loop3A_600 = arith.addi %mul3A_3, %parallel_loop3A_599 : vector<16xi32>
      %parallel_loop3A_601 = arith.constant 65536 : i32
      %parallel_loop3A_602 = vector.broadcast %parallel_loop3A_601 : i32 to vector<16xi32>
      %parallel_loop3A_603 = arith.muli %parallel_loop3A_575, %parallel_loop3A_602 : vector<16xi32>
      %parallel_loop3A_604 = arith.constant 1 : i32
      %parallel_loop3A_605 = vector.broadcast %parallel_loop3A_604 : i32 to vector<16xi32>
      %parallel_loop3A_606 = arith.addi %parallel_loop3A_605, %parallel_loop3A_603 : vector<16xi32>
      tpu.vector_store_idx %arg7[%parallel_loop3A_600], %parallel_loop3A_606 {add = true} : memref<65536xi32, #tpu.memory_space<vmem>>[vector<16xi32>], vector<16xi32>,
    } {sc.loop_unroll_factor = 8 : i64, sc.parallel_access}
    %dma_wait3A_198 = arith.constant 0 : i32
    %dma_wait3A_199 = arith.constant 0 : i32
    %dma_wait3A_200 = arith.constant 0 : i32
    %dma_wait3A_201 = tpu.memref_slice %arg5[%dma_wait3A_199, %dma_wait3A_200] : memref<32x512xf32, #tpu.memory_space<vmem>> -> memref<16x512xf32, #tpu.memory_space<vmem>>
    %dma_wait3A_202 = arith.constant 0 : i32
    %dma_wait3A_203 = tpu.memref_slice %arg2[%select_n3A, %add3A_164, %dma_wait3A_202] : memref<8x512x512xf32, #tpu.memory_space<hbm>> -> memref<1x16x512xf32, #tpu.memory_space<hbm>>
    %dma_wait3A_204 = tpu.memref_squeeze %dma_wait3A_203 : memref<1x16x512xf32, #tpu.memory_space<hbm>> -> memref<16x512xf32, #tpu.memory_space<hbm>>
    %dma_wait3A_205 = tpu.memref_slice %arg9[%dma_wait3A_198] : memref<2x!tpu.dma_semaphore, #tpu.memory_space<semaphore_mem>> -> memref<1x!tpu.dma_semaphore, #tpu.memory_space<semaphore_mem>>
    %dma_wait3A_206 = tpu.memref_squeeze %dma_wait3A_205 : memref<1x!tpu.dma_semaphore, #tpu.memory_space<semaphore_mem>> -> memref<!tpu.dma_semaphore, #tpu.memory_space<semaphore_mem>>
    %dma_wait3A_207 = arith.constant 0 : i32
    %dma_wait3A_208 = arith.constant 0 : i32
    %dma_wait3A_209 = tpu.memref_slice %arg5[%dma_wait3A_207, %dma_wait3A_208] : memref<32x512xf32, #tpu.memory_space<vmem>> -> memref<16x512xf32, #tpu.memory_space<vmem>>
    %dma_wait3A_210 = arith.constant 0 : i32
    %dma_wait3A_211 = tpu.memref_slice %arg2[%select_n3A, %add3A_164, %dma_wait3A_210] : memref<8x512x512xf32, #tpu.memory_space<hbm>> -> memref<1x16x512xf32, #tpu.memory_space<hbm>>
    %dma_wait3A_212 = tpu.memref_squeeze %dma_wait3A_211 : memref<1x16x512xf32, #tpu.memory_space<hbm>> -> memref<16x512xf32, #tpu.memory_space<hbm>>
    tpu.wait_dma2 semaphore(%dma_wait3A_206 : memref<!tpu.dma_semaphore, #tpu.memory_space<semaphore_mem>>) src(%dma_wait3A_212 : memref<16x512xf32, #tpu.memory_space<hbm>>) dst(%dma_wait3A_209 : memref<16x512xf32, #tpu.memory_space<vmem>>)
    %dma_wait3A_213 = arith.constant 0 : i32
    %dma_wait3A_214 = arith.constant 0 : i32
    %dma_wait3A_215 = arith.constant 0 : i32
    %dma_wait3A_216 = tpu.memref_slice %arg6[%dma_wait3A_214, %dma_wait3A_215] : memref<32x512xi32, #tpu.memory_space<vmem>> -> memref<16x512xi32, #tpu.memory_space<vmem>>
    %dma_wait3A_217 = arith.constant 0 : i32
    %dma_wait3A_218 = tpu.memref_slice %arg3[%select_n3A, %add3A_164, %dma_wait3A_217] : memref<8x512x512xi32, #tpu.memory_space<hbm>> -> memref<1x16x512xi32, #tpu.memory_space<hbm>>
    %dma_wait3A_219 = tpu.memref_squeeze %dma_wait3A_218 : memref<1x16x512xi32, #tpu.memory_space<hbm>> -> memref<16x512xi32, #tpu.memory_space<hbm>>
    %dma_wait3A_220 = tpu.memref_slice %arg9[%dma_wait3A_213] : memref<2x!tpu.dma_semaphore, #tpu.memory_space<semaphore_mem>> -> memref<1x!tpu.dma_semaphore, #tpu.memory_space<semaphore_mem>>
    %dma_wait3A_221 = tpu.memref_squeeze %dma_wait3A_220 : memref<1x!tpu.dma_semaphore, #tpu.memory_space<semaphore_mem>> -> memref<!tpu.dma_semaphore, #tpu.memory_space<semaphore_mem>>
    %dma_wait3A_222 = arith.constant 0 : i32
    %dma_wait3A_223 = arith.constant 0 : i32
    %dma_wait3A_224 = tpu.memref_slice %arg6[%dma_wait3A_222, %dma_wait3A_223] : memref<32x512xi32, #tpu.memory_space<vmem>> -> memref<16x512xi32, #tpu.memory_space<vmem>>
    %dma_wait3A_225 = arith.constant 0 : i32
    %dma_wait3A_226 = tpu.memref_slice %arg3[%select_n3A, %add3A_164, %dma_wait3A_225] : memref<8x512x512xi32, #tpu.memory_space<hbm>> -> memref<1x16x512xi32, #tpu.memory_space<hbm>>
    %dma_wait3A_227 = tpu.memref_squeeze %dma_wait3A_226 : memref<1x16x512xi32, #tpu.memory_space<hbm>> -> memref<16x512xi32, #tpu.memory_space<hbm>>
    tpu.wait_dma2 semaphore(%dma_wait3A_221 : memref<!tpu.dma_semaphore, #tpu.memory_space<semaphore_mem>>) src(%dma_wait3A_227 : memref<16x512xi32, #tpu.memory_space<hbm>>) dst(%dma_wait3A_224 : memref<16x512xi32, #tpu.memory_space<vmem>>)
    %add3A_228 = arith.constant 48 : i32
    %add3A_229 = arith.addi %mul3A_35, %add3A_228 : i32
    %dma_start3A_230 = arith.constant 1 : i32
    %dma_start3A_231 = arith.constant 16 : i32
    %dma_start3A_232 = arith.constant 0 : i32
    %dma_start3A_233 = tpu.memref_slice %arg5[%dma_start3A_231, %dma_start3A_232] : memref<32x512xf32, #tpu.memory_space<vmem>> -> memref<16x512xf32, #tpu.memory_space<vmem>>
    %dma_start3A_234 = arith.constant 0 : i32
    %dma_start3A_235 = tpu.memref_slice %arg2[%select_n3A, %add3A_229, %dma_start3A_234] : memref<8x512x512xf32, #tpu.memory_space<hbm>> -> memref<1x16x512xf32, #tpu.memory_space<hbm>>
    %dma_start3A_236 = tpu.memref_squeeze %dma_start3A_235 : memref<1x16x512xf32, #tpu.memory_space<hbm>> -> memref<16x512xf32, #tpu.memory_space<hbm>>
    %dma_start3A_237 = tpu.memref_slice %arg9[%dma_start3A_230] : memref<2x!tpu.dma_semaphore, #tpu.memory_space<semaphore_mem>> -> memref<1x!tpu.dma_semaphore, #tpu.memory_space<semaphore_mem>>
    %dma_start3A_238 = tpu.memref_squeeze %dma_start3A_237 : memref<1x!tpu.dma_semaphore, #tpu.memory_space<semaphore_mem>> -> memref<!tpu.dma_semaphore, #tpu.memory_space<semaphore_mem>>
    %dma_start3A_239 = arith.constant 16 : i32
    %dma_start3A_240 = arith.constant 0 : i32
    %dma_start3A_241 = tpu.memref_slice %arg5[%dma_start3A_239, %dma_start3A_240] : memref<32x512xf32, #tpu.memory_space<vmem>> -> memref<16x512xf32, #tpu.memory_space<vmem>>
    %dma_start3A_242 = arith.constant 0 : i32
    %dma_start3A_243 = tpu.memref_slice %arg2[%select_n3A, %add3A_229, %dma_start3A_242] : memref<8x512x512xf32, #tpu.memory_space<hbm>> -> memref<1x16x512xf32, #tpu.memory_space<hbm>>
    %dma_start3A_244 = tpu.memref_squeeze %dma_start3A_243 : memref<1x16x512xf32, #tpu.memory_space<hbm>> -> memref<16x512xf32, #tpu.memory_space<hbm>>
    tpu.enqueue_dma source(%dma_start3A_244 : memref<16x512xf32, #tpu.memory_space<hbm>>) target(%dma_start3A_241 : memref<16x512xf32, #tpu.memory_space<vmem>>) target_semaphore(%dma_start3A_238 : memref<!tpu.dma_semaphore, #tpu.memory_space<semaphore_mem>>)
    %dma_start3A_245 = arith.constant 1 : i32
    %dma_start3A_246 = arith.constant 16 : i32
    %dma_start3A_247 = arith.constant 0 : i32
    %dma_start3A_248 = tpu.memref_slice %arg6[%dma_start3A_246, %dma_start3A_247] : memref<32x512xi32, #tpu.memory_space<vmem>> -> memref<16x512xi32, #tpu.memory_space<vmem>>
    %dma_start3A_249 = arith.constant 0 : i32
    %dma_start3A_250 = tpu.memref_slice %arg3[%select_n3A, %add3A_229, %dma_start3A_249] : memref<8x512x512xi32, #tpu.memory_space<hbm>> -> memref<1x16x512xi32, #tpu.memory_space<hbm>>
    %dma_start3A_251 = tpu.memref_squeeze %dma_start3A_250 : memref<1x16x512xi32, #tpu.memory_space<hbm>> -> memref<16x512xi32, #tpu.memory_space<hbm>>
    %dma_start3A_252 = tpu.memref_slice %arg9[%dma_start3A_245] : memref<2x!tpu.dma_semaphore, #tpu.memory_space<semaphore_mem>> -> memref<1x!tpu.dma_semaphore, #tpu.memory_space<semaphore_mem>>
    %dma_start3A_253 = tpu.memref_squeeze %dma_start3A_252 : memref<1x!tpu.dma_semaphore, #tpu.memory_space<semaphore_mem>> -> memref<!tpu.dma_semaphore, #tpu.memory_space<semaphore_mem>>
    %dma_start3A_254 = arith.constant 16 : i32
    %dma_start3A_255 = arith.constant 0 : i32
    %dma_start3A_256 = tpu.memref_slice %arg6[%dma_start3A_254, %dma_start3A_255] : memref<32x512xi32, #tpu.memory_space<vmem>> -> memref<16x512xi32, #tpu.memory_space<vmem>>
    %dma_start3A_257 = arith.constant 0 : i32
    %dma_start3A_258 = tpu.memref_slice %arg3[%select_n3A, %add3A_229, %dma_start3A_257] : memref<8x512x512xi32, #tpu.memory_space<hbm>> -> memref<1x16x512xi32, #tpu.memory_space<hbm>>
    %dma_start3A_259 = tpu.memref_squeeze %dma_start3A_258 : memref<1x16x512xi32, #tpu.memory_space<hbm>> -> memref<16x512xi32, #tpu.memory_space<hbm>>
    tpu.enqueue_dma source(%dma_start3A_259 : memref<16x512xi32, #tpu.memory_space<hbm>>) target(%dma_start3A_256 : memref<16x512xi32, #tpu.memory_space<vmem>>) target_semaphore(%dma_start3A_253 : memref<!tpu.dma_semaphore, #tpu.memory_space<semaphore_mem>>)
    %parallel_loop3A_260 = arith.constant 0 : i32
    %parallel_loop3A_261 = arith.constant 8192 : i32
    %parallel_loop3A_262 = arith.constant 16 : i32
    scf.for %parallel_loop3A_561 = %parallel_loop3A_260 to %parallel_loop3A_261 step %parallel_loop3A_262  : i32 {
      %parallel_loop3A_562 = tpu.iota {dimensions = array<i32: 0>} : vector<16xi32>
      %parallel_loop3A_563 = vector.broadcast %parallel_loop3A_561 : i32 to vector<16xi32>
      %parallel_loop3A_564 = arith.addi %parallel_loop3A_563, %parallel_loop3A_562 : vector<16xi32>
      %parallel_loop3A_565 = arith.constant 9 : i32
      %parallel_loop3A_566 = vector.broadcast %parallel_loop3A_565 : i32 to vector<16xi32>
      %parallel_loop3A_567 = arith.shrui %parallel_loop3A_564, %parallel_loop3A_566 : vector<16xi32>
      %parallel_loop3A_568 = arith.constant 0 : i32
      %parallel_loop3A_569 = vector.broadcast %parallel_loop3A_568 : i32 to vector<16xi32>
      %parallel_loop3A_570 = arith.addi %parallel_loop3A_569, %parallel_loop3A_567 : vector<16xi32>
      %parallel_loop3A_571 = arith.constant 511 : i32
      %parallel_loop3A_572 = vector.broadcast %parallel_loop3A_571 : i32 to vector<16xi32>
      %parallel_loop3A_573 = arith.andi %parallel_loop3A_564, %parallel_loop3A_572 : vector<16xi32>
      %parallel_loop3A_574 = tpu.vector_load_idx %arg5[%parallel_loop3A_570, %parallel_loop3A_573] : memref<32x512xf32, #tpu.memory_space<vmem>>[vector<16xi32>, vector<16xi32>], vector<16xf32>,
      %parallel_loop3A_575 = tpu.vector_load_idx %arg6[%parallel_loop3A_570, %parallel_loop3A_573] : memref<32x512xi32, #tpu.memory_space<vmem>>[vector<16xi32>, vector<16xi32>], vector<16xi32>,
      %parallel_loop3A_576 = arith.sitofp %parallel_loop3A_575 : vector<16xi32> to vector<16xf32>
      %parallel_loop3A_577 = arith.constant 2.000000e+00 : f32
      %parallel_loop3A_578 = vector.broadcast %parallel_loop3A_577 : f32 to vector<16xf32>
      %parallel_loop3A_579 = arith.mulf %parallel_loop3A_578, %parallel_loop3A_576 : vector<16xf32>
      %parallel_loop3A_580 = arith.constant 1.000000e+00 : f32
      %parallel_loop3A_581 = vector.broadcast %parallel_loop3A_580 : f32 to vector<16xf32>
      %parallel_loop3A_582 = arith.subf %parallel_loop3A_579, %parallel_loop3A_581 : vector<16xf32>
      %parallel_loop3A_583 = arith.mulf %parallel_loop3A_574, %parallel_loop3A_582 : vector<16xf32>
      %parallel_loop3A_584 = arith.constant 1.000000e+00 : f32
      %parallel_loop3A_585 = vector.broadcast %parallel_loop3A_584 : f32 to vector<16xf32>
      %parallel_loop3A_586 = arith.subf %parallel_loop3A_585, %parallel_loop3A_583 : vector<16xf32>
      %parallel_loop3A_587 = tpu.bitcast %parallel_loop3A_586 : vector<16xf32> -> vector<16xi32>
      %parallel_loop3A_588 = arith.constant 15 : i32
      %parallel_loop3A_589 = vector.broadcast %parallel_loop3A_588 : i32 to vector<16xi32>
      %parallel_loop3A_590 = arith.shrsi %parallel_loop3A_587, %parallel_loop3A_589 : vector<16xi32>
      %parallel_loop3A_591 = arith.constant 29439 : i32
      %parallel_loop3A_592 = vector.broadcast %parallel_loop3A_591 : i32 to vector<16xi32>
      %parallel_loop3A_593 = arith.subi %parallel_loop3A_590, %parallel_loop3A_592 : vector<16xi32>
      %parallel_loop3A_594 = arith.constant 0 : i32
      %parallel_loop3A_595 = arith.constant 4095 : i32
      %parallel_loop3A_596 = vector.broadcast %parallel_loop3A_594 : i32 to vector<16xi32>
      %parallel_loop3A_597 = arith.maxsi %parallel_loop3A_596, %parallel_loop3A_593 : vector<16xi32>
      %parallel_loop3A_598 = vector.broadcast %parallel_loop3A_595 : i32 to vector<16xi32>
      %parallel_loop3A_599 = arith.minsi %parallel_loop3A_598, %parallel_loop3A_597 : vector<16xi32>
      %parallel_loop3A_600 = arith.addi %mul3A_3, %parallel_loop3A_599 : vector<16xi32>
      %parallel_loop3A_601 = arith.constant 65536 : i32
      %parallel_loop3A_602 = vector.broadcast %parallel_loop3A_601 : i32 to vector<16xi32>
      %parallel_loop3A_603 = arith.muli %parallel_loop3A_575, %parallel_loop3A_602 : vector<16xi32>
      %parallel_loop3A_604 = arith.constant 1 : i32
      %parallel_loop3A_605 = vector.broadcast %parallel_loop3A_604 : i32 to vector<16xi32>
      %parallel_loop3A_606 = arith.addi %parallel_loop3A_605, %parallel_loop3A_603 : vector<16xi32>
      tpu.vector_store_idx %arg7[%parallel_loop3A_600], %parallel_loop3A_606 {add = true} : memref<65536xi32, #tpu.memory_space<vmem>>[vector<16xi32>], vector<16xi32>,
    } {sc.loop_unroll_factor = 8 : i64, sc.parallel_access}
    %dma_wait3A_263 = arith.constant 1 : i32
    %dma_wait3A_264 = arith.constant 16 : i32
    %dma_wait3A_265 = arith.constant 0 : i32
    %dma_wait3A_266 = tpu.memref_slice %arg5[%dma_wait3A_264, %dma_wait3A_265] : memref<32x512xf32, #tpu.memory_space<vmem>> -> memref<16x512xf32, #tpu.memory_space<vmem>>
    %dma_wait3A_267 = arith.constant 0 : i32
    %dma_wait3A_268 = tpu.memref_slice %arg2[%select_n3A, %add3A_229, %dma_wait3A_267] : memref<8x512x512xf32, #tpu.memory_space<hbm>> -> memref<1x16x512xf32, #tpu.memory_space<hbm>>
    %dma_wait3A_269 = tpu.memref_squeeze %dma_wait3A_268 : memref<1x16x512xf32, #tpu.memory_space<hbm>> -> memref<16x512xf32, #tpu.memory_space<hbm>>
    %dma_wait3A_270 = tpu.memref_slice %arg9[%dma_wait3A_263] : memref<2x!tpu.dma_semaphore, #tpu.memory_space<semaphore_mem>> -> memref<1x!tpu.dma_semaphore, #tpu.memory_space<semaphore_mem>>
    %dma_wait3A_271 = tpu.memref_squeeze %dma_wait3A_270 : memref<1x!tpu.dma_semaphore, #tpu.memory_space<semaphore_mem>> -> memref<!tpu.dma_semaphore, #tpu.memory_space<semaphore_mem>>
    %dma_wait3A_272 = arith.constant 16 : i32
    %dma_wait3A_273 = arith.constant 0 : i32
    %dma_wait3A_274 = tpu.memref_slice %arg5[%dma_wait3A_272, %dma_wait3A_273] : memref<32x512xf32, #tpu.memory_space<vmem>> -> memref<16x512xf32, #tpu.memory_space<vmem>>
    %dma_wait3A_275 = arith.constant 0 : i32
    %dma_wait3A_276 = tpu.memref_slice %arg2[%select_n3A, %add3A_229, %dma_wait3A_275] : memref<8x512x512xf32, #tpu.memory_space<hbm>> -> memref<1x16x512xf32, #tpu.memory_space<hbm>>
    %dma_wait3A_277 = tpu.memref_squeeze %dma_wait3A_276 : memref<1x16x512xf32, #tpu.memory_space<hbm>> -> memref<16x512xf32, #tpu.memory_space<hbm>>
    tpu.wait_dma2 semaphore(%dma_wait3A_271 : memref<!tpu.dma_semaphore, #tpu.memory_space<semaphore_mem>>) src(%dma_wait3A_277 : memref<16x512xf32, #tpu.memory_space<hbm>>) dst(%dma_wait3A_274 : memref<16x512xf32, #tpu.memory_space<vmem>>)
    %dma_wait3A_278 = arith.constant 1 : i32
    %dma_wait3A_279 = arith.constant 16 : i32
    %dma_wait3A_280 = arith.constant 0 : i32
    %dma_wait3A_281 = tpu.memref_slice %arg6[%dma_wait3A_279, %dma_wait3A_280] : memref<32x512xi32, #tpu.memory_space<vmem>> -> memref<16x512xi32, #tpu.memory_space<vmem>>
    %dma_wait3A_282 = arith.constant 0 : i32
    %dma_wait3A_283 = tpu.memref_slice %arg3[%select_n3A, %add3A_229, %dma_wait3A_282] : memref<8x512x512xi32, #tpu.memory_space<hbm>> -> memref<1x16x512xi32, #tpu.memory_space<hbm>>
    %dma_wait3A_284 = tpu.memref_squeeze %dma_wait3A_283 : memref<1x16x512xi32, #tpu.memory_space<hbm>> -> memref<16x512xi32, #tpu.memory_space<hbm>>
    %dma_wait3A_285 = tpu.memref_slice %arg9[%dma_wait3A_278] : memref<2x!tpu.dma_semaphore, #tpu.memory_space<semaphore_mem>> -> memref<1x!tpu.dma_semaphore, #tpu.memory_space<semaphore_mem>>
    %dma_wait3A_286 = tpu.memref_squeeze %dma_wait3A_285 : memref<1x!tpu.dma_semaphore, #tpu.memory_space<semaphore_mem>> -> memref<!tpu.dma_semaphore, #tpu.memory_space<semaphore_mem>>
    %dma_wait3A_287 = arith.constant 16 : i32
    %dma_wait3A_288 = arith.constant 0 : i32
    %dma_wait3A_289 = tpu.memref_slice %arg6[%dma_wait3A_287, %dma_wait3A_288] : memref<32x512xi32, #tpu.memory_space<vmem>> -> memref<16x512xi32, #tpu.memory_space<vmem>>
    %dma_wait3A_290 = arith.constant 0 : i32
    %dma_wait3A_291 = tpu.memref_slice %arg3[%select_n3A, %add3A_229, %dma_wait3A_290] : memref<8x512x512xi32, #tpu.memory_space<hbm>> -> memref<1x16x512xi32, #tpu.memory_space<hbm>>
    %dma_wait3A_292 = tpu.memref_squeeze %dma_wait3A_291 : memref<1x16x512xi32, #tpu.memory_space<hbm>> -> memref<16x512xi32, #tpu.memory_space<hbm>>
    tpu.wait_dma2 semaphore(%dma_wait3A_286 : memref<!tpu.dma_semaphore, #tpu.memory_space<semaphore_mem>>) src(%dma_wait3A_292 : memref<16x512xi32, #tpu.memory_space<hbm>>) dst(%dma_wait3A_289 : memref<16x512xi32, #tpu.memory_space<vmem>>)
    %add3A_293 = arith.constant 64 : i32
    %add3A_294 = arith.addi %mul3A_35, %add3A_293 : i32
    %dma_start3A_295 = arith.constant 0 : i32
    %dma_start3A_296 = arith.constant 0 : i32
    %dma_start3A_297 = arith.constant 0 : i32
    %dma_start3A_298 = tpu.memref_slice %arg5[%dma_start3A_296, %dma_start3A_297] : memref<32x512xf32, #tpu.memory_space<vmem>> -> memref<16x512xf32, #tpu.memory_space<vmem>>
    %dma_start3A_299 = arith.constant 0 : i32
    %dma_start3A_300 = tpu.memref_slice %arg2[%select_n3A, %add3A_294, %dma_start3A_299] : memref<8x512x512xf32, #tpu.memory_space<hbm>> -> memref<1x16x512xf32, #tpu.memory_space<hbm>>
    %dma_start3A_301 = tpu.memref_squeeze %dma_start3A_300 : memref<1x16x512xf32, #tpu.memory_space<hbm>> -> memref<16x512xf32, #tpu.memory_space<hbm>>
    %dma_start3A_302 = tpu.memref_slice %arg9[%dma_start3A_295] : memref<2x!tpu.dma_semaphore, #tpu.memory_space<semaphore_mem>> -> memref<1x!tpu.dma_semaphore, #tpu.memory_space<semaphore_mem>>
    %dma_start3A_303 = tpu.memref_squeeze %dma_start3A_302 : memref<1x!tpu.dma_semaphore, #tpu.memory_space<semaphore_mem>> -> memref<!tpu.dma_semaphore, #tpu.memory_space<semaphore_mem>>
    %dma_start3A_304 = arith.constant 0 : i32
    %dma_start3A_305 = arith.constant 0 : i32
    %dma_start3A_306 = tpu.memref_slice %arg5[%dma_start3A_304, %dma_start3A_305] : memref<32x512xf32, #tpu.memory_space<vmem>> -> memref<16x512xf32, #tpu.memory_space<vmem>>
    %dma_start3A_307 = arith.constant 0 : i32
    %dma_start3A_308 = tpu.memref_slice %arg2[%select_n3A, %add3A_294, %dma_start3A_307] : memref<8x512x512xf32, #tpu.memory_space<hbm>> -> memref<1x16x512xf32, #tpu.memory_space<hbm>>
    %dma_start3A_309 = tpu.memref_squeeze %dma_start3A_308 : memref<1x16x512xf32, #tpu.memory_space<hbm>> -> memref<16x512xf32, #tpu.memory_space<hbm>>
    tpu.enqueue_dma source(%dma_start3A_309 : memref<16x512xf32, #tpu.memory_space<hbm>>) target(%dma_start3A_306 : memref<16x512xf32, #tpu.memory_space<vmem>>) target_semaphore(%dma_start3A_303 : memref<!tpu.dma_semaphore, #tpu.memory_space<semaphore_mem>>)
    %dma_start3A_310 = arith.constant 0 : i32
    %dma_start3A_311 = arith.constant 0 : i32
    %dma_start3A_312 = arith.constant 0 : i32
    %dma_start3A_313 = tpu.memref_slice %arg6[%dma_start3A_311, %dma_start3A_312] : memref<32x512xi32, #tpu.memory_space<vmem>> -> memref<16x512xi32, #tpu.memory_space<vmem>>
    %dma_start3A_314 = arith.constant 0 : i32
    %dma_start3A_315 = tpu.memref_slice %arg3[%select_n3A, %add3A_294, %dma_start3A_314] : memref<8x512x512xi32, #tpu.memory_space<hbm>> -> memref<1x16x512xi32, #tpu.memory_space<hbm>>
    %dma_start3A_316 = tpu.memref_squeeze %dma_start3A_315 : memref<1x16x512xi32, #tpu.memory_space<hbm>> -> memref<16x512xi32, #tpu.memory_space<hbm>>
    %dma_start3A_317 = tpu.memref_slice %arg9[%dma_start3A_310] : memref<2x!tpu.dma_semaphore, #tpu.memory_space<semaphore_mem>> -> memref<1x!tpu.dma_semaphore, #tpu.memory_space<semaphore_mem>>
    %dma_start3A_318 = tpu.memref_squeeze %dma_start3A_317 : memref<1x!tpu.dma_semaphore, #tpu.memory_space<semaphore_mem>> -> memref<!tpu.dma_semaphore, #tpu.memory_space<semaphore_mem>>
    %dma_start3A_319 = arith.constant 0 : i32
    %dma_start3A_320 = arith.constant 0 : i32
    %dma_start3A_321 = tpu.memref_slice %arg6[%dma_start3A_319, %dma_start3A_320] : memref<32x512xi32, #tpu.memory_space<vmem>> -> memref<16x512xi32, #tpu.memory_space<vmem>>
    %dma_start3A_322 = arith.constant 0 : i32
    %dma_start3A_323 = tpu.memref_slice %arg3[%select_n3A, %add3A_294, %dma_start3A_322] : memref<8x512x512xi32, #tpu.memory_space<hbm>> -> memref<1x16x512xi32, #tpu.memory_space<hbm>>
    %dma_start3A_324 = tpu.memref_squeeze %dma_start3A_323 : memref<1x16x512xi32, #tpu.memory_space<hbm>> -> memref<16x512xi32, #tpu.memory_space<hbm>>
    tpu.enqueue_dma source(%dma_start3A_324 : memref<16x512xi32, #tpu.memory_space<hbm>>) target(%dma_start3A_321 : memref<16x512xi32, #tpu.memory_space<vmem>>) target_semaphore(%dma_start3A_318 : memref<!tpu.dma_semaphore, #tpu.memory_space<semaphore_mem>>)
    %parallel_loop3A_325 = arith.constant 0 : i32
    %parallel_loop3A_326 = arith.constant 8192 : i32
    %parallel_loop3A_327 = arith.constant 16 : i32
    scf.for %parallel_loop3A_561 = %parallel_loop3A_325 to %parallel_loop3A_326 step %parallel_loop3A_327  : i32 {
      %parallel_loop3A_562 = tpu.iota {dimensions = array<i32: 0>} : vector<16xi32>
      %parallel_loop3A_563 = vector.broadcast %parallel_loop3A_561 : i32 to vector<16xi32>
      %parallel_loop3A_564 = arith.addi %parallel_loop3A_563, %parallel_loop3A_562 : vector<16xi32>
      %parallel_loop3A_565 = arith.constant 9 : i32
      %parallel_loop3A_566 = vector.broadcast %parallel_loop3A_565 : i32 to vector<16xi32>
      %parallel_loop3A_567 = arith.shrui %parallel_loop3A_564, %parallel_loop3A_566 : vector<16xi32>
      %parallel_loop3A_568 = arith.constant 16 : i32
      %parallel_loop3A_569 = vector.broadcast %parallel_loop3A_568 : i32 to vector<16xi32>
      %parallel_loop3A_570 = arith.addi %parallel_loop3A_569, %parallel_loop3A_567 : vector<16xi32>
      %parallel_loop3A_571 = arith.constant 511 : i32
      %parallel_loop3A_572 = vector.broadcast %parallel_loop3A_571 : i32 to vector<16xi32>
      %parallel_loop3A_573 = arith.andi %parallel_loop3A_564, %parallel_loop3A_572 : vector<16xi32>
      %parallel_loop3A_574 = tpu.vector_load_idx %arg5[%parallel_loop3A_570, %parallel_loop3A_573] : memref<32x512xf32, #tpu.memory_space<vmem>>[vector<16xi32>, vector<16xi32>], vector<16xf32>,
      %parallel_loop3A_575 = tpu.vector_load_idx %arg6[%parallel_loop3A_570, %parallel_loop3A_573] : memref<32x512xi32, #tpu.memory_space<vmem>>[vector<16xi32>, vector<16xi32>], vector<16xi32>,
      %parallel_loop3A_576 = arith.sitofp %parallel_loop3A_575 : vector<16xi32> to vector<16xf32>
      %parallel_loop3A_577 = arith.constant 2.000000e+00 : f32
      %parallel_loop3A_578 = vector.broadcast %parallel_loop3A_577 : f32 to vector<16xf32>
      %parallel_loop3A_579 = arith.mulf %parallel_loop3A_578, %parallel_loop3A_576 : vector<16xf32>
      %parallel_loop3A_580 = arith.constant 1.000000e+00 : f32
      %parallel_loop3A_581 = vector.broadcast %parallel_loop3A_580 : f32 to vector<16xf32>
      %parallel_loop3A_582 = arith.subf %parallel_loop3A_579, %parallel_loop3A_581 : vector<16xf32>
      %parallel_loop3A_583 = arith.mulf %parallel_loop3A_574, %parallel_loop3A_582 : vector<16xf32>
      %parallel_loop3A_584 = arith.constant 1.000000e+00 : f32
      %parallel_loop3A_585 = vector.broadcast %parallel_loop3A_584 : f32 to vector<16xf32>
      %parallel_loop3A_586 = arith.subf %parallel_loop3A_585, %parallel_loop3A_583 : vector<16xf32>
      %parallel_loop3A_587 = tpu.bitcast %parallel_loop3A_586 : vector<16xf32> -> vector<16xi32>
      %parallel_loop3A_588 = arith.constant 15 : i32
      %parallel_loop3A_589 = vector.broadcast %parallel_loop3A_588 : i32 to vector<16xi32>
      %parallel_loop3A_590 = arith.shrsi %parallel_loop3A_587, %parallel_loop3A_589 : vector<16xi32>
      %parallel_loop3A_591 = arith.constant 29439 : i32
      %parallel_loop3A_592 = vector.broadcast %parallel_loop3A_591 : i32 to vector<16xi32>
      %parallel_loop3A_593 = arith.subi %parallel_loop3A_590, %parallel_loop3A_592 : vector<16xi32>
      %parallel_loop3A_594 = arith.constant 0 : i32
      %parallel_loop3A_595 = arith.constant 4095 : i32
      %parallel_loop3A_596 = vector.broadcast %parallel_loop3A_594 : i32 to vector<16xi32>
      %parallel_loop3A_597 = arith.maxsi %parallel_loop3A_596, %parallel_loop3A_593 : vector<16xi32>
      %parallel_loop3A_598 = vector.broadcast %parallel_loop3A_595 : i32 to vector<16xi32>
      %parallel_loop3A_599 = arith.minsi %parallel_loop3A_598, %parallel_loop3A_597 : vector<16xi32>
      %parallel_loop3A_600 = arith.addi %mul3A_3, %parallel_loop3A_599 : vector<16xi32>
      %parallel_loop3A_601 = arith.constant 65536 : i32
      %parallel_loop3A_602 = vector.broadcast %parallel_loop3A_601 : i32 to vector<16xi32>
      %parallel_loop3A_603 = arith.muli %parallel_loop3A_575, %parallel_loop3A_602 : vector<16xi32>
      %parallel_loop3A_604 = arith.constant 1 : i32
      %parallel_loop3A_605 = vector.broadcast %parallel_loop3A_604 : i32 to vector<16xi32>
      %parallel_loop3A_606 = arith.addi %parallel_loop3A_605, %parallel_loop3A_603 : vector<16xi32>
      tpu.vector_store_idx %arg7[%parallel_loop3A_600], %parallel_loop3A_606 {add = true} : memref<65536xi32, #tpu.memory_space<vmem>>[vector<16xi32>], vector<16xi32>,
    } {sc.loop_unroll_factor = 8 : i64, sc.parallel_access}
    %dma_wait3A_328 = arith.constant 0 : i32
    %dma_wait3A_329 = arith.constant 0 : i32
    %dma_wait3A_330 = arith.constant 0 : i32
    %dma_wait3A_331 = tpu.memref_slice %arg5[%dma_wait3A_329, %dma_wait3A_330] : memref<32x512xf32, #tpu.memory_space<vmem>> -> memref<16x512xf32, #tpu.memory_space<vmem>>
    %dma_wait3A_332 = arith.constant 0 : i32
    %dma_wait3A_333 = tpu.memref_slice %arg2[%select_n3A, %add3A_294, %dma_wait3A_332] : memref<8x512x512xf32, #tpu.memory_space<hbm>> -> memref<1x16x512xf32, #tpu.memory_space<hbm>>
    %dma_wait3A_334 = tpu.memref_squeeze %dma_wait3A_333 : memref<1x16x512xf32, #tpu.memory_space<hbm>> -> memref<16x512xf32, #tpu.memory_space<hbm>>
    %dma_wait3A_335 = tpu.memref_slice %arg9[%dma_wait3A_328] : memref<2x!tpu.dma_semaphore, #tpu.memory_space<semaphore_mem>> -> memref<1x!tpu.dma_semaphore, #tpu.memory_space<semaphore_mem>>
    %dma_wait3A_336 = tpu.memref_squeeze %dma_wait3A_335 : memref<1x!tpu.dma_semaphore, #tpu.memory_space<semaphore_mem>> -> memref<!tpu.dma_semaphore, #tpu.memory_space<semaphore_mem>>
    %dma_wait3A_337 = arith.constant 0 : i32
    %dma_wait3A_338 = arith.constant 0 : i32
    %dma_wait3A_339 = tpu.memref_slice %arg5[%dma_wait3A_337, %dma_wait3A_338] : memref<32x512xf32, #tpu.memory_space<vmem>> -> memref<16x512xf32, #tpu.memory_space<vmem>>
    %dma_wait3A_340 = arith.constant 0 : i32
    %dma_wait3A_341 = tpu.memref_slice %arg2[%select_n3A, %add3A_294, %dma_wait3A_340] : memref<8x512x512xf32, #tpu.memory_space<hbm>> -> memref<1x16x512xf32, #tpu.memory_space<hbm>>
    %dma_wait3A_342 = tpu.memref_squeeze %dma_wait3A_341 : memref<1x16x512xf32, #tpu.memory_space<hbm>> -> memref<16x512xf32, #tpu.memory_space<hbm>>
    tpu.wait_dma2 semaphore(%dma_wait3A_336 : memref<!tpu.dma_semaphore, #tpu.memory_space<semaphore_mem>>) src(%dma_wait3A_342 : memref<16x512xf32, #tpu.memory_space<hbm>>) dst(%dma_wait3A_339 : memref<16x512xf32, #tpu.memory_space<vmem>>)
    %dma_wait3A_343 = arith.constant 0 : i32
    %dma_wait3A_344 = arith.constant 0 : i32
    %dma_wait3A_345 = arith.constant 0 : i32
    %dma_wait3A_346 = tpu.memref_slice %arg6[%dma_wait3A_344, %dma_wait3A_345] : memref<32x512xi32, #tpu.memory_space<vmem>> -> memref<16x512xi32, #tpu.memory_space<vmem>>
    %dma_wait3A_347 = arith.constant 0 : i32
    %dma_wait3A_348 = tpu.memref_slice %arg3[%select_n3A, %add3A_294, %dma_wait3A_347] : memref<8x512x512xi32, #tpu.memory_space<hbm>> -> memref<1x16x512xi32, #tpu.memory_space<hbm>>
    %dma_wait3A_349 = tpu.memref_squeeze %dma_wait3A_348 : memref<1x16x512xi32, #tpu.memory_space<hbm>> -> memref<16x512xi32, #tpu.memory_space<hbm>>
    %dma_wait3A_350 = tpu.memref_slice %arg9[%dma_wait3A_343] : memref<2x!tpu.dma_semaphore, #tpu.memory_space<semaphore_mem>> -> memref<1x!tpu.dma_semaphore, #tpu.memory_space<semaphore_mem>>
    %dma_wait3A_351 = tpu.memref_squeeze %dma_wait3A_350 : memref<1x!tpu.dma_semaphore, #tpu.memory_space<semaphore_mem>> -> memref<!tpu.dma_semaphore, #tpu.memory_space<semaphore_mem>>
    %dma_wait3A_352 = arith.constant 0 : i32
    %dma_wait3A_353 = arith.constant 0 : i32
    %dma_wait3A_354 = tpu.memref_slice %arg6[%dma_wait3A_352, %dma_wait3A_353] : memref<32x512xi32, #tpu.memory_space<vmem>> -> memref<16x512xi32, #tpu.memory_space<vmem>>
    %dma_wait3A_355 = arith.constant 0 : i32
    %dma_wait3A_356 = tpu.memref_slice %arg3[%select_n3A, %add3A_294, %dma_wait3A_355] : memref<8x512x512xi32, #tpu.memory_space<hbm>> -> memref<1x16x512xi32, #tpu.memory_space<hbm>>
    %dma_wait3A_357 = tpu.memref_squeeze %dma_wait3A_356 : memref<1x16x512xi32, #tpu.memory_space<hbm>> -> memref<16x512xi32, #tpu.memory_space<hbm>>
    tpu.wait_dma2 semaphore(%dma_wait3A_351 : memref<!tpu.dma_semaphore, #tpu.memory_space<semaphore_mem>>) src(%dma_wait3A_357 : memref<16x512xi32, #tpu.memory_space<hbm>>) dst(%dma_wait3A_354 : memref<16x512xi32, #tpu.memory_space<vmem>>)
    %add3A_358 = arith.constant 80 : i32
    %add3A_359 = arith.addi %mul3A_35, %add3A_358 : i32
    %dma_start3A_360 = arith.constant 1 : i32
    %dma_start3A_361 = arith.constant 16 : i32
    %dma_start3A_362 = arith.constant 0 : i32
    %dma_start3A_363 = tpu.memref_slice %arg5[%dma_start3A_361, %dma_start3A_362] : memref<32x512xf32, #tpu.memory_space<vmem>> -> memref<16x512xf32, #tpu.memory_space<vmem>>
    %dma_start3A_364 = arith.constant 0 : i32
    %dma_start3A_365 = tpu.memref_slice %arg2[%select_n3A, %add3A_359, %dma_start3A_364] : memref<8x512x512xf32, #tpu.memory_space<hbm>> -> memref<1x16x512xf32, #tpu.memory_space<hbm>>
    %dma_start3A_366 = tpu.memref_squeeze %dma_start3A_365 : memref<1x16x512xf32, #tpu.memory_space<hbm>> -> memref<16x512xf32, #tpu.memory_space<hbm>>
    %dma_start3A_367 = tpu.memref_slice %arg9[%dma_start3A_360] : memref<2x!tpu.dma_semaphore, #tpu.memory_space<semaphore_mem>> -> memref<1x!tpu.dma_semaphore, #tpu.memory_space<semaphore_mem>>
    %dma_start3A_368 = tpu.memref_squeeze %dma_start3A_367 : memref<1x!tpu.dma_semaphore, #tpu.memory_space<semaphore_mem>> -> memref<!tpu.dma_semaphore, #tpu.memory_space<semaphore_mem>>
    %dma_start3A_369 = arith.constant 16 : i32
    %dma_start3A_370 = arith.constant 0 : i32
    %dma_start3A_371 = tpu.memref_slice %arg5[%dma_start3A_369, %dma_start3A_370] : memref<32x512xf32, #tpu.memory_space<vmem>> -> memref<16x512xf32, #tpu.memory_space<vmem>>
    %dma_start3A_372 = arith.constant 0 : i32
    %dma_start3A_373 = tpu.memref_slice %arg2[%select_n3A, %add3A_359, %dma_start3A_372] : memref<8x512x512xf32, #tpu.memory_space<hbm>> -> memref<1x16x512xf32, #tpu.memory_space<hbm>>
    %dma_start3A_374 = tpu.memref_squeeze %dma_start3A_373 : memref<1x16x512xf32, #tpu.memory_space<hbm>> -> memref<16x512xf32, #tpu.memory_space<hbm>>
    tpu.enqueue_dma source(%dma_start3A_374 : memref<16x512xf32, #tpu.memory_space<hbm>>) target(%dma_start3A_371 : memref<16x512xf32, #tpu.memory_space<vmem>>) target_semaphore(%dma_start3A_368 : memref<!tpu.dma_semaphore, #tpu.memory_space<semaphore_mem>>)
    %dma_start3A_375 = arith.constant 1 : i32
    %dma_start3A_376 = arith.constant 16 : i32
    %dma_start3A_377 = arith.constant 0 : i32
    %dma_start3A_378 = tpu.memref_slice %arg6[%dma_start3A_376, %dma_start3A_377] : memref<32x512xi32, #tpu.memory_space<vmem>> -> memref<16x512xi32, #tpu.memory_space<vmem>>
    %dma_start3A_379 = arith.constant 0 : i32
    %dma_start3A_380 = tpu.memref_slice %arg3[%select_n3A, %add3A_359, %dma_start3A_379] : memref<8x512x512xi32, #tpu.memory_space<hbm>> -> memref<1x16x512xi32, #tpu.memory_space<hbm>>
    %dma_start3A_381 = tpu.memref_squeeze %dma_start3A_380 : memref<1x16x512xi32, #tpu.memory_space<hbm>> -> memref<16x512xi32, #tpu.memory_space<hbm>>
    %dma_start3A_382 = tpu.memref_slice %arg9[%dma_start3A_375] : memref<2x!tpu.dma_semaphore, #tpu.memory_space<semaphore_mem>> -> memref<1x!tpu.dma_semaphore, #tpu.memory_space<semaphore_mem>>
    %dma_start3A_383 = tpu.memref_squeeze %dma_start3A_382 : memref<1x!tpu.dma_semaphore, #tpu.memory_space<semaphore_mem>> -> memref<!tpu.dma_semaphore, #tpu.memory_space<semaphore_mem>>
    %dma_start3A_384 = arith.constant 16 : i32
    %dma_start3A_385 = arith.constant 0 : i32
    %dma_start3A_386 = tpu.memref_slice %arg6[%dma_start3A_384, %dma_start3A_385] : memref<32x512xi32, #tpu.memory_space<vmem>> -> memref<16x512xi32, #tpu.memory_space<vmem>>
    %dma_start3A_387 = arith.constant 0 : i32
    %dma_start3A_388 = tpu.memref_slice %arg3[%select_n3A, %add3A_359, %dma_start3A_387] : memref<8x512x512xi32, #tpu.memory_space<hbm>> -> memref<1x16x512xi32, #tpu.memory_space<hbm>>
    %dma_start3A_389 = tpu.memref_squeeze %dma_start3A_388 : memref<1x16x512xi32, #tpu.memory_space<hbm>> -> memref<16x512xi32, #tpu.memory_space<hbm>>
    tpu.enqueue_dma source(%dma_start3A_389 : memref<16x512xi32, #tpu.memory_space<hbm>>) target(%dma_start3A_386 : memref<16x512xi32, #tpu.memory_space<vmem>>) target_semaphore(%dma_start3A_383 : memref<!tpu.dma_semaphore, #tpu.memory_space<semaphore_mem>>)
    %parallel_loop3A_390 = arith.constant 0 : i32
    %parallel_loop3A_391 = arith.constant 8192 : i32
    %parallel_loop3A_392 = arith.constant 16 : i32
    scf.for %parallel_loop3A_561 = %parallel_loop3A_390 to %parallel_loop3A_391 step %parallel_loop3A_392  : i32 {
      %parallel_loop3A_562 = tpu.iota {dimensions = array<i32: 0>} : vector<16xi32>
      %parallel_loop3A_563 = vector.broadcast %parallel_loop3A_561 : i32 to vector<16xi32>
      %parallel_loop3A_564 = arith.addi %parallel_loop3A_563, %parallel_loop3A_562 : vector<16xi32>
      %parallel_loop3A_565 = arith.constant 9 : i32
      %parallel_loop3A_566 = vector.broadcast %parallel_loop3A_565 : i32 to vector<16xi32>
      %parallel_loop3A_567 = arith.shrui %parallel_loop3A_564, %parallel_loop3A_566 : vector<16xi32>
      %parallel_loop3A_568 = arith.constant 0 : i32
      %parallel_loop3A_569 = vector.broadcast %parallel_loop3A_568 : i32 to vector<16xi32>
      %parallel_loop3A_570 = arith.addi %parallel_loop3A_569, %parallel_loop3A_567 : vector<16xi32>
      %parallel_loop3A_571 = arith.constant 511 : i32
      %parallel_loop3A_572 = vector.broadcast %parallel_loop3A_571 : i32 to vector<16xi32>
      %parallel_loop3A_573 = arith.andi %parallel_loop3A_564, %parallel_loop3A_572 : vector<16xi32>
      %parallel_loop3A_574 = tpu.vector_load_idx %arg5[%parallel_loop3A_570, %parallel_loop3A_573] : memref<32x512xf32, #tpu.memory_space<vmem>>[vector<16xi32>, vector<16xi32>], vector<16xf32>,
      %parallel_loop3A_575 = tpu.vector_load_idx %arg6[%parallel_loop3A_570, %parallel_loop3A_573] : memref<32x512xi32, #tpu.memory_space<vmem>>[vector<16xi32>, vector<16xi32>], vector<16xi32>,
      %parallel_loop3A_576 = arith.sitofp %parallel_loop3A_575 : vector<16xi32> to vector<16xf32>
      %parallel_loop3A_577 = arith.constant 2.000000e+00 : f32
      %parallel_loop3A_578 = vector.broadcast %parallel_loop3A_577 : f32 to vector<16xf32>
      %parallel_loop3A_579 = arith.mulf %parallel_loop3A_578, %parallel_loop3A_576 : vector<16xf32>
      %parallel_loop3A_580 = arith.constant 1.000000e+00 : f32
      %parallel_loop3A_581 = vector.broadcast %parallel_loop3A_580 : f32 to vector<16xf32>
      %parallel_loop3A_582 = arith.subf %parallel_loop3A_579, %parallel_loop3A_581 : vector<16xf32>
      %parallel_loop3A_583 = arith.mulf %parallel_loop3A_574, %parallel_loop3A_582 : vector<16xf32>
      %parallel_loop3A_584 = arith.constant 1.000000e+00 : f32
      %parallel_loop3A_585 = vector.broadcast %parallel_loop3A_584 : f32 to vector<16xf32>
      %parallel_loop3A_586 = arith.subf %parallel_loop3A_585, %parallel_loop3A_583 : vector<16xf32>
      %parallel_loop3A_587 = tpu.bitcast %parallel_loop3A_586 : vector<16xf32> -> vector<16xi32>
      %parallel_loop3A_588 = arith.constant 15 : i32
      %parallel_loop3A_589 = vector.broadcast %parallel_loop3A_588 : i32 to vector<16xi32>
      %parallel_loop3A_590 = arith.shrsi %parallel_loop3A_587, %parallel_loop3A_589 : vector<16xi32>
      %parallel_loop3A_591 = arith.constant 29439 : i32
      %parallel_loop3A_592 = vector.broadcast %parallel_loop3A_591 : i32 to vector<16xi32>
      %parallel_loop3A_593 = arith.subi %parallel_loop3A_590, %parallel_loop3A_592 : vector<16xi32>
      %parallel_loop3A_594 = arith.constant 0 : i32
      %parallel_loop3A_595 = arith.constant 4095 : i32
      %parallel_loop3A_596 = vector.broadcast %parallel_loop3A_594 : i32 to vector<16xi32>
      %parallel_loop3A_597 = arith.maxsi %parallel_loop3A_596, %parallel_loop3A_593 : vector<16xi32>
      %parallel_loop3A_598 = vector.broadcast %parallel_loop3A_595 : i32 to vector<16xi32>
      %parallel_loop3A_599 = arith.minsi %parallel_loop3A_598, %parallel_loop3A_597 : vector<16xi32>
      %parallel_loop3A_600 = arith.addi %mul3A_3, %parallel_loop3A_599 : vector<16xi32>
      %parallel_loop3A_601 = arith.constant 65536 : i32
      %parallel_loop3A_602 = vector.broadcast %parallel_loop3A_601 : i32 to vector<16xi32>
      %parallel_loop3A_603 = arith.muli %parallel_loop3A_575, %parallel_loop3A_602 : vector<16xi32>
      %parallel_loop3A_604 = arith.constant 1 : i32
      %parallel_loop3A_605 = vector.broadcast %parallel_loop3A_604 : i32 to vector<16xi32>
      %parallel_loop3A_606 = arith.addi %parallel_loop3A_605, %parallel_loop3A_603 : vector<16xi32>
      tpu.vector_store_idx %arg7[%parallel_loop3A_600], %parallel_loop3A_606 {add = true} : memref<65536xi32, #tpu.memory_space<vmem>>[vector<16xi32>], vector<16xi32>,
    } {sc.loop_unroll_factor = 8 : i64, sc.parallel_access}
    %dma_wait3A_393 = arith.constant 1 : i32
    %dma_wait3A_394 = arith.constant 16 : i32
    %dma_wait3A_395 = arith.constant 0 : i32
    %dma_wait3A_396 = tpu.memref_slice %arg5[%dma_wait3A_394, %dma_wait3A_395] : memref<32x512xf32, #tpu.memory_space<vmem>> -> memref<16x512xf32, #tpu.memory_space<vmem>>
    %dma_wait3A_397 = arith.constant 0 : i32
    %dma_wait3A_398 = tpu.memref_slice %arg2[%select_n3A, %add3A_359, %dma_wait3A_397] : memref<8x512x512xf32, #tpu.memory_space<hbm>> -> memref<1x16x512xf32, #tpu.memory_space<hbm>>
    %dma_wait3A_399 = tpu.memref_squeeze %dma_wait3A_398 : memref<1x16x512xf32, #tpu.memory_space<hbm>> -> memref<16x512xf32, #tpu.memory_space<hbm>>
    %dma_wait3A_400 = tpu.memref_slice %arg9[%dma_wait3A_393] : memref<2x!tpu.dma_semaphore, #tpu.memory_space<semaphore_mem>> -> memref<1x!tpu.dma_semaphore, #tpu.memory_space<semaphore_mem>>
    %dma_wait3A_401 = tpu.memref_squeeze %dma_wait3A_400 : memref<1x!tpu.dma_semaphore, #tpu.memory_space<semaphore_mem>> -> memref<!tpu.dma_semaphore, #tpu.memory_space<semaphore_mem>>
    %dma_wait3A_402 = arith.constant 16 : i32
    %dma_wait3A_403 = arith.constant 0 : i32
    %dma_wait3A_404 = tpu.memref_slice %arg5[%dma_wait3A_402, %dma_wait3A_403] : memref<32x512xf32, #tpu.memory_space<vmem>> -> memref<16x512xf32, #tpu.memory_space<vmem>>
    %dma_wait3A_405 = arith.constant 0 : i32
    %dma_wait3A_406 = tpu.memref_slice %arg2[%select_n3A, %add3A_359, %dma_wait3A_405] : memref<8x512x512xf32, #tpu.memory_space<hbm>> -> memref<1x16x512xf32, #tpu.memory_space<hbm>>
    %dma_wait3A_407 = tpu.memref_squeeze %dma_wait3A_406 : memref<1x16x512xf32, #tpu.memory_space<hbm>> -> memref<16x512xf32, #tpu.memory_space<hbm>>
    tpu.wait_dma2 semaphore(%dma_wait3A_401 : memref<!tpu.dma_semaphore, #tpu.memory_space<semaphore_mem>>) src(%dma_wait3A_407 : memref<16x512xf32, #tpu.memory_space<hbm>>) dst(%dma_wait3A_404 : memref<16x512xf32, #tpu.memory_space<vmem>>)
    %dma_wait3A_408 = arith.constant 1 : i32
    %dma_wait3A_409 = arith.constant 16 : i32
    %dma_wait3A_410 = arith.constant 0 : i32
    %dma_wait3A_411 = tpu.memref_slice %arg6[%dma_wait3A_409, %dma_wait3A_410] : memref<32x512xi32, #tpu.memory_space<vmem>> -> memref<16x512xi32, #tpu.memory_space<vmem>>
    %dma_wait3A_412 = arith.constant 0 : i32
    %dma_wait3A_413 = tpu.memref_slice %arg3[%select_n3A, %add3A_359, %dma_wait3A_412] : memref<8x512x512xi32, #tpu.memory_space<hbm>> -> memref<1x16x512xi32, #tpu.memory_space<hbm>>
    %dma_wait3A_414 = tpu.memref_squeeze %dma_wait3A_413 : memref<1x16x512xi32, #tpu.memory_space<hbm>> -> memref<16x512xi32, #tpu.memory_space<hbm>>
    %dma_wait3A_415 = tpu.memref_slice %arg9[%dma_wait3A_408] : memref<2x!tpu.dma_semaphore, #tpu.memory_space<semaphore_mem>> -> memref<1x!tpu.dma_semaphore, #tpu.memory_space<semaphore_mem>>
    %dma_wait3A_416 = tpu.memref_squeeze %dma_wait3A_415 : memref<1x!tpu.dma_semaphore, #tpu.memory_space<semaphore_mem>> -> memref<!tpu.dma_semaphore, #tpu.memory_space<semaphore_mem>>
    %dma_wait3A_417 = arith.constant 16 : i32
    %dma_wait3A_418 = arith.constant 0 : i32
    %dma_wait3A_419 = tpu.memref_slice %arg6[%dma_wait3A_417, %dma_wait3A_418] : memref<32x512xi32, #tpu.memory_space<vmem>> -> memref<16x512xi32, #tpu.memory_space<vmem>>
    %dma_wait3A_420 = arith.constant 0 : i32
    %dma_wait3A_421 = tpu.memref_slice %arg3[%select_n3A, %add3A_359, %dma_wait3A_420] : memref<8x512x512xi32, #tpu.memory_space<hbm>> -> memref<1x16x512xi32, #tpu.memory_space<hbm>>
    %dma_wait3A_422 = tpu.memref_squeeze %dma_wait3A_421 : memref<1x16x512xi32, #tpu.memory_space<hbm>> -> memref<16x512xi32, #tpu.memory_space<hbm>>
    tpu.wait_dma2 semaphore(%dma_wait3A_416 : memref<!tpu.dma_semaphore, #tpu.memory_space<semaphore_mem>>) src(%dma_wait3A_422 : memref<16x512xi32, #tpu.memory_space<hbm>>) dst(%dma_wait3A_419 : memref<16x512xi32, #tpu.memory_space<vmem>>)
    %add3A_423 = arith.constant 96 : i32
    %add3A_424 = arith.addi %mul3A_35, %add3A_423 : i32
    %dma_start3A_425 = arith.constant 0 : i32
    %dma_start3A_426 = arith.constant 0 : i32
    %dma_start3A_427 = arith.constant 0 : i32
    %dma_start3A_428 = tpu.memref_slice %arg5[%dma_start3A_426, %dma_start3A_427] : memref<32x512xf32, #tpu.memory_space<vmem>> -> memref<16x512xf32, #tpu.memory_space<vmem>>
    %dma_start3A_429 = arith.constant 0 : i32
    %dma_start3A_430 = tpu.memref_slice %arg2[%select_n3A, %add3A_424, %dma_start3A_429] : memref<8x512x512xf32, #tpu.memory_space<hbm>> -> memref<1x16x512xf32, #tpu.memory_space<hbm>>
    %dma_start3A_431 = tpu.memref_squeeze %dma_start3A_430 : memref<1x16x512xf32, #tpu.memory_space<hbm>> -> memref<16x512xf32, #tpu.memory_space<hbm>>
    %dma_start3A_432 = tpu.memref_slice %arg9[%dma_start3A_425] : memref<2x!tpu.dma_semaphore, #tpu.memory_space<semaphore_mem>> -> memref<1x!tpu.dma_semaphore, #tpu.memory_space<semaphore_mem>>
    %dma_start3A_433 = tpu.memref_squeeze %dma_start3A_432 : memref<1x!tpu.dma_semaphore, #tpu.memory_space<semaphore_mem>> -> memref<!tpu.dma_semaphore, #tpu.memory_space<semaphore_mem>>
    %dma_start3A_434 = arith.constant 0 : i32
    %dma_start3A_435 = arith.constant 0 : i32
    %dma_start3A_436 = tpu.memref_slice %arg5[%dma_start3A_434, %dma_start3A_435] : memref<32x512xf32, #tpu.memory_space<vmem>> -> memref<16x512xf32, #tpu.memory_space<vmem>>
    %dma_start3A_437 = arith.constant 0 : i32
    %dma_start3A_438 = tpu.memref_slice %arg2[%select_n3A, %add3A_424, %dma_start3A_437] : memref<8x512x512xf32, #tpu.memory_space<hbm>> -> memref<1x16x512xf32, #tpu.memory_space<hbm>>
    %dma_start3A_439 = tpu.memref_squeeze %dma_start3A_438 : memref<1x16x512xf32, #tpu.memory_space<hbm>> -> memref<16x512xf32, #tpu.memory_space<hbm>>
    tpu.enqueue_dma source(%dma_start3A_439 : memref<16x512xf32, #tpu.memory_space<hbm>>) target(%dma_start3A_436 : memref<16x512xf32, #tpu.memory_space<vmem>>) target_semaphore(%dma_start3A_433 : memref<!tpu.dma_semaphore, #tpu.memory_space<semaphore_mem>>)
    %dma_start3A_440 = arith.constant 0 : i32
    %dma_start3A_441 = arith.constant 0 : i32
    %dma_start3A_442 = arith.constant 0 : i32
    %dma_start3A_443 = tpu.memref_slice %arg6[%dma_start3A_441, %dma_start3A_442] : memref<32x512xi32, #tpu.memory_space<vmem>> -> memref<16x512xi32, #tpu.memory_space<vmem>>
    %dma_start3A_444 = arith.constant 0 : i32
    %dma_start3A_445 = tpu.memref_slice %arg3[%select_n3A, %add3A_424, %dma_start3A_444] : memref<8x512x512xi32, #tpu.memory_space<hbm>> -> memref<1x16x512xi32, #tpu.memory_space<hbm>>
    %dma_start3A_446 = tpu.memref_squeeze %dma_start3A_445 : memref<1x16x512xi32, #tpu.memory_space<hbm>> -> memref<16x512xi32, #tpu.memory_space<hbm>>
    %dma_start3A_447 = tpu.memref_slice %arg9[%dma_start3A_440] : memref<2x!tpu.dma_semaphore, #tpu.memory_space<semaphore_mem>> -> memref<1x!tpu.dma_semaphore, #tpu.memory_space<semaphore_mem>>
    %dma_start3A_448 = tpu.memref_squeeze %dma_start3A_447 : memref<1x!tpu.dma_semaphore, #tpu.memory_space<semaphore_mem>> -> memref<!tpu.dma_semaphore, #tpu.memory_space<semaphore_mem>>
    %dma_start3A_449 = arith.constant 0 : i32
    %dma_start3A_450 = arith.constant 0 : i32
    %dma_start3A_451 = tpu.memref_slice %arg6[%dma_start3A_449, %dma_start3A_450] : memref<32x512xi32, #tpu.memory_space<vmem>> -> memref<16x512xi32, #tpu.memory_space<vmem>>
    %dma_start3A_452 = arith.constant 0 : i32
    %dma_start3A_453 = tpu.memref_slice %arg3[%select_n3A, %add3A_424, %dma_start3A_452] : memref<8x512x512xi32, #tpu.memory_space<hbm>> -> memref<1x16x512xi32, #tpu.memory_space<hbm>>
    %dma_start3A_454 = tpu.memref_squeeze %dma_start3A_453 : memref<1x16x512xi32, #tpu.memory_space<hbm>> -> memref<16x512xi32, #tpu.memory_space<hbm>>
    tpu.enqueue_dma source(%dma_start3A_454 : memref<16x512xi32, #tpu.memory_space<hbm>>) target(%dma_start3A_451 : memref<16x512xi32, #tpu.memory_space<vmem>>) target_semaphore(%dma_start3A_448 : memref<!tpu.dma_semaphore, #tpu.memory_space<semaphore_mem>>)
    %parallel_loop3A_455 = arith.constant 0 : i32
    %parallel_loop3A_456 = arith.constant 8192 : i32
    %parallel_loop3A_457 = arith.constant 16 : i32
    scf.for %parallel_loop3A_561 = %parallel_loop3A_455 to %parallel_loop3A_456 step %parallel_loop3A_457  : i32 {
      %parallel_loop3A_562 = tpu.iota {dimensions = array<i32: 0>} : vector<16xi32>
      %parallel_loop3A_563 = vector.broadcast %parallel_loop3A_561 : i32 to vector<16xi32>
      %parallel_loop3A_564 = arith.addi %parallel_loop3A_563, %parallel_loop3A_562 : vector<16xi32>
      %parallel_loop3A_565 = arith.constant 9 : i32
      %parallel_loop3A_566 = vector.broadcast %parallel_loop3A_565 : i32 to vector<16xi32>
      %parallel_loop3A_567 = arith.shrui %parallel_loop3A_564, %parallel_loop3A_566 : vector<16xi32>
      %parallel_loop3A_568 = arith.constant 16 : i32
      %parallel_loop3A_569 = vector.broadcast %parallel_loop3A_568 : i32 to vector<16xi32>
      %parallel_loop3A_570 = arith.addi %parallel_loop3A_569, %parallel_loop3A_567 : vector<16xi32>
      %parallel_loop3A_571 = arith.constant 511 : i32
      %parallel_loop3A_572 = vector.broadcast %parallel_loop3A_571 : i32 to vector<16xi32>
      %parallel_loop3A_573 = arith.andi %parallel_loop3A_564, %parallel_loop3A_572 : vector<16xi32>
      %parallel_loop3A_574 = tpu.vector_load_idx %arg5[%parallel_loop3A_570, %parallel_loop3A_573] : memref<32x512xf32, #tpu.memory_space<vmem>>[vector<16xi32>, vector<16xi32>], vector<16xf32>,
      %parallel_loop3A_575 = tpu.vector_load_idx %arg6[%parallel_loop3A_570, %parallel_loop3A_573] : memref<32x512xi32, #tpu.memory_space<vmem>>[vector<16xi32>, vector<16xi32>], vector<16xi32>,
      %parallel_loop3A_576 = arith.sitofp %parallel_loop3A_575 : vector<16xi32> to vector<16xf32>
      %parallel_loop3A_577 = arith.constant 2.000000e+00 : f32
      %parallel_loop3A_578 = vector.broadcast %parallel_loop3A_577 : f32 to vector<16xf32>
      %parallel_loop3A_579 = arith.mulf %parallel_loop3A_578, %parallel_loop3A_576 : vector<16xf32>
      %parallel_loop3A_580 = arith.constant 1.000000e+00 : f32
      %parallel_loop3A_581 = vector.broadcast %parallel_loop3A_580 : f32 to vector<16xf32>
      %parallel_loop3A_582 = arith.subf %parallel_loop3A_579, %parallel_loop3A_581 : vector<16xf32>
      %parallel_loop3A_583 = arith.mulf %parallel_loop3A_574, %parallel_loop3A_582 : vector<16xf32>
      %parallel_loop3A_584 = arith.constant 1.000000e+00 : f32
      %parallel_loop3A_585 = vector.broadcast %parallel_loop3A_584 : f32 to vector<16xf32>
      %parallel_loop3A_586 = arith.subf %parallel_loop3A_585, %parallel_loop3A_583 : vector<16xf32>
      %parallel_loop3A_587 = tpu.bitcast %parallel_loop3A_586 : vector<16xf32> -> vector<16xi32>
      %parallel_loop3A_588 = arith.constant 15 : i32
      %parallel_loop3A_589 = vector.broadcast %parallel_loop3A_588 : i32 to vector<16xi32>
      %parallel_loop3A_590 = arith.shrsi %parallel_loop3A_587, %parallel_loop3A_589 : vector<16xi32>
      %parallel_loop3A_591 = arith.constant 29439 : i32
      %parallel_loop3A_592 = vector.broadcast %parallel_loop3A_591 : i32 to vector<16xi32>
      %parallel_loop3A_593 = arith.subi %parallel_loop3A_590, %parallel_loop3A_592 : vector<16xi32>
      %parallel_loop3A_594 = arith.constant 0 : i32
      %parallel_loop3A_595 = arith.constant 4095 : i32
      %parallel_loop3A_596 = vector.broadcast %parallel_loop3A_594 : i32 to vector<16xi32>
      %parallel_loop3A_597 = arith.maxsi %parallel_loop3A_596, %parallel_loop3A_593 : vector<16xi32>
      %parallel_loop3A_598 = vector.broadcast %parallel_loop3A_595 : i32 to vector<16xi32>
      %parallel_loop3A_599 = arith.minsi %parallel_loop3A_598, %parallel_loop3A_597 : vector<16xi32>
      %parallel_loop3A_600 = arith.addi %mul3A_3, %parallel_loop3A_599 : vector<16xi32>
      %parallel_loop3A_601 = arith.constant 65536 : i32
      %parallel_loop3A_602 = vector.broadcast %parallel_loop3A_601 : i32 to vector<16xi32>
      %parallel_loop3A_603 = arith.muli %parallel_loop3A_575, %parallel_loop3A_602 : vector<16xi32>
      %parallel_loop3A_604 = arith.constant 1 : i32
      %parallel_loop3A_605 = vector.broadcast %parallel_loop3A_604 : i32 to vector<16xi32>
      %parallel_loop3A_606 = arith.addi %parallel_loop3A_605, %parallel_loop3A_603 : vector<16xi32>
      tpu.vector_store_idx %arg7[%parallel_loop3A_600], %parallel_loop3A_606 {add = true} : memref<65536xi32, #tpu.memory_space<vmem>>[vector<16xi32>], vector<16xi32>,
    } {sc.loop_unroll_factor = 8 : i64, sc.parallel_access}
    %dma_wait3A_458 = arith.constant 0 : i32
    %dma_wait3A_459 = arith.constant 0 : i32
    %dma_wait3A_460 = arith.constant 0 : i32
    %dma_wait3A_461 = tpu.memref_slice %arg5[%dma_wait3A_459, %dma_wait3A_460] : memref<32x512xf32, #tpu.memory_space<vmem>> -> memref<16x512xf32, #tpu.memory_space<vmem>>
    %dma_wait3A_462 = arith.constant 0 : i32
    %dma_wait3A_463 = tpu.memref_slice %arg2[%select_n3A, %add3A_424, %dma_wait3A_462] : memref<8x512x512xf32, #tpu.memory_space<hbm>> -> memref<1x16x512xf32, #tpu.memory_space<hbm>>
    %dma_wait3A_464 = tpu.memref_squeeze %dma_wait3A_463 : memref<1x16x512xf32, #tpu.memory_space<hbm>> -> memref<16x512xf32, #tpu.memory_space<hbm>>
    %dma_wait3A_465 = tpu.memref_slice %arg9[%dma_wait3A_458] : memref<2x!tpu.dma_semaphore, #tpu.memory_space<semaphore_mem>> -> memref<1x!tpu.dma_semaphore, #tpu.memory_space<semaphore_mem>>
    %dma_wait3A_466 = tpu.memref_squeeze %dma_wait3A_465 : memref<1x!tpu.dma_semaphore, #tpu.memory_space<semaphore_mem>> -> memref<!tpu.dma_semaphore, #tpu.memory_space<semaphore_mem>>
    %dma_wait3A_467 = arith.constant 0 : i32
    %dma_wait3A_468 = arith.constant 0 : i32
    %dma_wait3A_469 = tpu.memref_slice %arg5[%dma_wait3A_467, %dma_wait3A_468] : memref<32x512xf32, #tpu.memory_space<vmem>> -> memref<16x512xf32, #tpu.memory_space<vmem>>
    %dma_wait3A_470 = arith.constant 0 : i32
    %dma_wait3A_471 = tpu.memref_slice %arg2[%select_n3A, %add3A_424, %dma_wait3A_470] : memref<8x512x512xf32, #tpu.memory_space<hbm>> -> memref<1x16x512xf32, #tpu.memory_space<hbm>>
    %dma_wait3A_472 = tpu.memref_squeeze %dma_wait3A_471 : memref<1x16x512xf32, #tpu.memory_space<hbm>> -> memref<16x512xf32, #tpu.memory_space<hbm>>
    tpu.wait_dma2 semaphore(%dma_wait3A_466 : memref<!tpu.dma_semaphore, #tpu.memory_space<semaphore_mem>>) src(%dma_wait3A_472 : memref<16x512xf32, #tpu.memory_space<hbm>>) dst(%dma_wait3A_469 : memref<16x512xf32, #tpu.memory_space<vmem>>)
    %dma_wait3A_473 = arith.constant 0 : i32
    %dma_wait3A_474 = arith.constant 0 : i32
    %dma_wait3A_475 = arith.constant 0 : i32
    %dma_wait3A_476 = tpu.memref_slice %arg6[%dma_wait3A_474, %dma_wait3A_475] : memref<32x512xi32, #tpu.memory_space<vmem>> -> memref<16x512xi32, #tpu.memory_space<vmem>>
    %dma_wait3A_477 = arith.constant 0 : i32
    %dma_wait3A_478 = tpu.memref_slice %arg3[%select_n3A, %add3A_424, %dma_wait3A_477] : memref<8x512x512xi32, #tpu.memory_space<hbm>> -> memref<1x16x512xi32, #tpu.memory_space<hbm>>
    %dma_wait3A_479 = tpu.memref_squeeze %dma_wait3A_478 : memref<1x16x512xi32, #tpu.memory_space<hbm>> -> memref<16x512xi32, #tpu.memory_space<hbm>>
    %dma_wait3A_480 = tpu.memref_slice %arg9[%dma_wait3A_473] : memref<2x!tpu.dma_semaphore, #tpu.memory_space<semaphore_mem>> -> memref<1x!tpu.dma_semaphore, #tpu.memory_space<semaphore_mem>>
    %dma_wait3A_481 = tpu.memref_squeeze %dma_wait3A_480 : memref<1x!tpu.dma_semaphore, #tpu.memory_space<semaphore_mem>> -> memref<!tpu.dma_semaphore, #tpu.memory_space<semaphore_mem>>
    %dma_wait3A_482 = arith.constant 0 : i32
    %dma_wait3A_483 = arith.constant 0 : i32
    %dma_wait3A_484 = tpu.memref_slice %arg6[%dma_wait3A_482, %dma_wait3A_483] : memref<32x512xi32, #tpu.memory_space<vmem>> -> memref<16x512xi32, #tpu.memory_space<vmem>>
    %dma_wait3A_485 = arith.constant 0 : i32
    %dma_wait3A_486 = tpu.memref_slice %arg3[%select_n3A, %add3A_424, %dma_wait3A_485] : memref<8x512x512xi32, #tpu.memory_space<hbm>> -> memref<1x16x512xi32, #tpu.memory_space<hbm>>
    %dma_wait3A_487 = tpu.memref_squeeze %dma_wait3A_486 : memref<1x16x512xi32, #tpu.memory_space<hbm>> -> memref<16x512xi32, #tpu.memory_space<hbm>>
    tpu.wait_dma2 semaphore(%dma_wait3A_481 : memref<!tpu.dma_semaphore, #tpu.memory_space<semaphore_mem>>) src(%dma_wait3A_487 : memref<16x512xi32, #tpu.memory_space<hbm>>) dst(%dma_wait3A_484 : memref<16x512xi32, #tpu.memory_space<vmem>>)
    %add3A_488 = arith.constant 112 : i32
    %add3A_489 = arith.addi %mul3A_35, %add3A_488 : i32
    %dma_start3A_490 = arith.constant 1 : i32
    %dma_start3A_491 = arith.constant 16 : i32
    %dma_start3A_492 = arith.constant 0 : i32
    %dma_start3A_493 = tpu.memref_slice %arg5[%dma_start3A_491, %dma_start3A_492] : memref<32x512xf32, #tpu.memory_space<vmem>> -> memref<16x512xf32, #tpu.memory_space<vmem>>
    %dma_start3A_494 = arith.constant 0 : i32
    %dma_start3A_495 = tpu.memref_slice %arg2[%select_n3A, %add3A_489, %dma_start3A_494] : memref<8x512x512xf32, #tpu.memory_space<hbm>> -> memref<1x16x512xf32, #tpu.memory_space<hbm>>
    %dma_start3A_496 = tpu.memref_squeeze %dma_start3A_495 : memref<1x16x512xf32, #tpu.memory_space<hbm>> -> memref<16x512xf32, #tpu.memory_space<hbm>>
    %dma_start3A_497 = tpu.memref_slice %arg9[%dma_start3A_490] : memref<2x!tpu.dma_semaphore, #tpu.memory_space<semaphore_mem>> -> memref<1x!tpu.dma_semaphore, #tpu.memory_space<semaphore_mem>>
    %dma_start3A_498 = tpu.memref_squeeze %dma_start3A_497 : memref<1x!tpu.dma_semaphore, #tpu.memory_space<semaphore_mem>> -> memref<!tpu.dma_semaphore, #tpu.memory_space<semaphore_mem>>
    %dma_start3A_499 = arith.constant 16 : i32
    %dma_start3A_500 = arith.constant 0 : i32
    %dma_start3A_501 = tpu.memref_slice %arg5[%dma_start3A_499, %dma_start3A_500] : memref<32x512xf32, #tpu.memory_space<vmem>> -> memref<16x512xf32, #tpu.memory_space<vmem>>
    %dma_start3A_502 = arith.constant 0 : i32
    %dma_start3A_503 = tpu.memref_slice %arg2[%select_n3A, %add3A_489, %dma_start3A_502] : memref<8x512x512xf32, #tpu.memory_space<hbm>> -> memref<1x16x512xf32, #tpu.memory_space<hbm>>
    %dma_start3A_504 = tpu.memref_squeeze %dma_start3A_503 : memref<1x16x512xf32, #tpu.memory_space<hbm>> -> memref<16x512xf32, #tpu.memory_space<hbm>>
    tpu.enqueue_dma source(%dma_start3A_504 : memref<16x512xf32, #tpu.memory_space<hbm>>) target(%dma_start3A_501 : memref<16x512xf32, #tpu.memory_space<vmem>>) target_semaphore(%dma_start3A_498 : memref<!tpu.dma_semaphore, #tpu.memory_space<semaphore_mem>>)
    %dma_start3A_505 = arith.constant 1 : i32
    %dma_start3A_506 = arith.constant 16 : i32
    %dma_start3A_507 = arith.constant 0 : i32
    %dma_start3A_508 = tpu.memref_slice %arg6[%dma_start3A_506, %dma_start3A_507] : memref<32x512xi32, #tpu.memory_space<vmem>> -> memref<16x512xi32, #tpu.memory_space<vmem>>
    %dma_start3A_509 = arith.constant 0 : i32
    %dma_start3A_510 = tpu.memref_slice %arg3[%select_n3A, %add3A_489, %dma_start3A_509] : memref<8x512x512xi32, #tpu.memory_space<hbm>> -> memref<1x16x512xi32, #tpu.memory_space<hbm>>
    %dma_start3A_511 = tpu.memref_squeeze %dma_start3A_510 : memref<1x16x512xi32, #tpu.memory_space<hbm>> -> memref<16x512xi32, #tpu.memory_space<hbm>>
    %dma_start3A_512 = tpu.memref_slice %arg9[%dma_start3A_505] : memref<2x!tpu.dma_semaphore, #tpu.memory_space<semaphore_mem>> -> memref<1x!tpu.dma_semaphore, #tpu.memory_space<semaphore_mem>>
    %dma_start3A_513 = tpu.memref_squeeze %dma_start3A_512 : memref<1x!tpu.dma_semaphore, #tpu.memory_space<semaphore_mem>> -> memref<!tpu.dma_semaphore, #tpu.memory_space<semaphore_mem>>
    %dma_start3A_514 = arith.constant 16 : i32
    %dma_start3A_515 = arith.constant 0 : i32
    %dma_start3A_516 = tpu.memref_slice %arg6[%dma_start3A_514, %dma_start3A_515] : memref<32x512xi32, #tpu.memory_space<vmem>> -> memref<16x512xi32, #tpu.memory_space<vmem>>
    %dma_start3A_517 = arith.constant 0 : i32
    %dma_start3A_518 = tpu.memref_slice %arg3[%select_n3A, %add3A_489, %dma_start3A_517] : memref<8x512x512xi32, #tpu.memory_space<hbm>> -> memref<1x16x512xi32, #tpu.memory_space<hbm>>
    %dma_start3A_519 = tpu.memref_squeeze %dma_start3A_518 : memref<1x16x512xi32, #tpu.memory_space<hbm>> -> memref<16x512xi32, #tpu.memory_space<hbm>>
    tpu.enqueue_dma source(%dma_start3A_519 : memref<16x512xi32, #tpu.memory_space<hbm>>) target(%dma_start3A_516 : memref<16x512xi32, #tpu.memory_space<vmem>>) target_semaphore(%dma_start3A_513 : memref<!tpu.dma_semaphore, #tpu.memory_space<semaphore_mem>>)
    %parallel_loop3A_520 = arith.constant 0 : i32
    %parallel_loop3A_521 = arith.constant 8192 : i32
    %parallel_loop3A_522 = arith.constant 16 : i32
    scf.for %parallel_loop3A_561 = %parallel_loop3A_520 to %parallel_loop3A_521 step %parallel_loop3A_522  : i32 {
      %parallel_loop3A_562 = tpu.iota {dimensions = array<i32: 0>} : vector<16xi32>
      %parallel_loop3A_563 = vector.broadcast %parallel_loop3A_561 : i32 to vector<16xi32>
      %parallel_loop3A_564 = arith.addi %parallel_loop3A_563, %parallel_loop3A_562 : vector<16xi32>
      %parallel_loop3A_565 = arith.constant 9 : i32
      %parallel_loop3A_566 = vector.broadcast %parallel_loop3A_565 : i32 to vector<16xi32>
      %parallel_loop3A_567 = arith.shrui %parallel_loop3A_564, %parallel_loop3A_566 : vector<16xi32>
      %parallel_loop3A_568 = arith.constant 0 : i32
      %parallel_loop3A_569 = vector.broadcast %parallel_loop3A_568 : i32 to vector<16xi32>
      %parallel_loop3A_570 = arith.addi %parallel_loop3A_569, %parallel_loop3A_567 : vector<16xi32>
      %parallel_loop3A_571 = arith.constant 511 : i32
      %parallel_loop3A_572 = vector.broadcast %parallel_loop3A_571 : i32 to vector<16xi32>
      %parallel_loop3A_573 = arith.andi %parallel_loop3A_564, %parallel_loop3A_572 : vector<16xi32>
      %parallel_loop3A_574 = tpu.vector_load_idx %arg5[%parallel_loop3A_570, %parallel_loop3A_573] : memref<32x512xf32, #tpu.memory_space<vmem>>[vector<16xi32>, vector<16xi32>], vector<16xf32>,
      %parallel_loop3A_575 = tpu.vector_load_idx %arg6[%parallel_loop3A_570, %parallel_loop3A_573] : memref<32x512xi32, #tpu.memory_space<vmem>>[vector<16xi32>, vector<16xi32>], vector<16xi32>,
      %parallel_loop3A_576 = arith.sitofp %parallel_loop3A_575 : vector<16xi32> to vector<16xf32>
      %parallel_loop3A_577 = arith.constant 2.000000e+00 : f32
      %parallel_loop3A_578 = vector.broadcast %parallel_loop3A_577 : f32 to vector<16xf32>
      %parallel_loop3A_579 = arith.mulf %parallel_loop3A_578, %parallel_loop3A_576 : vector<16xf32>
      %parallel_loop3A_580 = arith.constant 1.000000e+00 : f32
      %parallel_loop3A_581 = vector.broadcast %parallel_loop3A_580 : f32 to vector<16xf32>
      %parallel_loop3A_582 = arith.subf %parallel_loop3A_579, %parallel_loop3A_581 : vector<16xf32>
      %parallel_loop3A_583 = arith.mulf %parallel_loop3A_574, %parallel_loop3A_582 : vector<16xf32>
      %parallel_loop3A_584 = arith.constant 1.000000e+00 : f32
      %parallel_loop3A_585 = vector.broadcast %parallel_loop3A_584 : f32 to vector<16xf32>
      %parallel_loop3A_586 = arith.subf %parallel_loop3A_585, %parallel_loop3A_583 : vector<16xf32>
      %parallel_loop3A_587 = tpu.bitcast %parallel_loop3A_586 : vector<16xf32> -> vector<16xi32>
      %parallel_loop3A_588 = arith.constant 15 : i32
      %parallel_loop3A_589 = vector.broadcast %parallel_loop3A_588 : i32 to vector<16xi32>
      %parallel_loop3A_590 = arith.shrsi %parallel_loop3A_587, %parallel_loop3A_589 : vector<16xi32>
      %parallel_loop3A_591 = arith.constant 29439 : i32
      %parallel_loop3A_592 = vector.broadcast %parallel_loop3A_591 : i32 to vector<16xi32>
      %parallel_loop3A_593 = arith.subi %parallel_loop3A_590, %parallel_loop3A_592 : vector<16xi32>
      %parallel_loop3A_594 = arith.constant 0 : i32
      %parallel_loop3A_595 = arith.constant 4095 : i32
      %parallel_loop3A_596 = vector.broadcast %parallel_loop3A_594 : i32 to vector<16xi32>
      %parallel_loop3A_597 = arith.maxsi %parallel_loop3A_596, %parallel_loop3A_593 : vector<16xi32>
      %parallel_loop3A_598 = vector.broadcast %parallel_loop3A_595 : i32 to vector<16xi32>
      %parallel_loop3A_599 = arith.minsi %parallel_loop3A_598, %parallel_loop3A_597 : vector<16xi32>
      %parallel_loop3A_600 = arith.addi %mul3A_3, %parallel_loop3A_599 : vector<16xi32>
      %parallel_loop3A_601 = arith.constant 65536 : i32
      %parallel_loop3A_602 = vector.broadcast %parallel_loop3A_601 : i32 to vector<16xi32>
      %parallel_loop3A_603 = arith.muli %parallel_loop3A_575, %parallel_loop3A_602 : vector<16xi32>
      %parallel_loop3A_604 = arith.constant 1 : i32
      %parallel_loop3A_605 = vector.broadcast %parallel_loop3A_604 : i32 to vector<16xi32>
      %parallel_loop3A_606 = arith.addi %parallel_loop3A_605, %parallel_loop3A_603 : vector<16xi32>
      tpu.vector_store_idx %arg7[%parallel_loop3A_600], %parallel_loop3A_606 {add = true} : memref<65536xi32, #tpu.memory_space<vmem>>[vector<16xi32>], vector<16xi32>,
    } {sc.loop_unroll_factor = 8 : i64, sc.parallel_access}
    %dma_wait3A_523 = arith.constant 1 : i32
    %dma_wait3A_524 = arith.constant 16 : i32
    %dma_wait3A_525 = arith.constant 0 : i32
    %dma_wait3A_526 = tpu.memref_slice %arg5[%dma_wait3A_524, %dma_wait3A_525] : memref<32x512xf32, #tpu.memory_space<vmem>> -> memref<16x512xf32, #tpu.memory_space<vmem>>
    %dma_wait3A_527 = arith.constant 0 : i32
    %dma_wait3A_528 = tpu.memref_slice %arg2[%select_n3A, %add3A_489, %dma_wait3A_527] : memref<8x512x512xf32, #tpu.memory_space<hbm>> -> memref<1x16x512xf32, #tpu.memory_space<hbm>>
    %dma_wait3A_529 = tpu.memref_squeeze %dma_wait3A_528 : memref<1x16x512xf32, #tpu.memory_space<hbm>> -> memref<16x512xf32, #tpu.memory_space<hbm>>
    %dma_wait3A_530 = tpu.memref_slice %arg9[%dma_wait3A_523] : memref<2x!tpu.dma_semaphore, #tpu.memory_space<semaphore_mem>> -> memref<1x!tpu.dma_semaphore, #tpu.memory_space<semaphore_mem>>
    %dma_wait3A_531 = tpu.memref_squeeze %dma_wait3A_530 : memref<1x!tpu.dma_semaphore, #tpu.memory_space<semaphore_mem>> -> memref<!tpu.dma_semaphore, #tpu.memory_space<semaphore_mem>>
    %dma_wait3A_532 = arith.constant 16 : i32
    %dma_wait3A_533 = arith.constant 0 : i32
    %dma_wait3A_534 = tpu.memref_slice %arg5[%dma_wait3A_532, %dma_wait3A_533] : memref<32x512xf32, #tpu.memory_space<vmem>> -> memref<16x512xf32, #tpu.memory_space<vmem>>
    %dma_wait3A_535 = arith.constant 0 : i32
    %dma_wait3A_536 = tpu.memref_slice %arg2[%select_n3A, %add3A_489, %dma_wait3A_535] : memref<8x512x512xf32, #tpu.memory_space<hbm>> -> memref<1x16x512xf32, #tpu.memory_space<hbm>>
    %dma_wait3A_537 = tpu.memref_squeeze %dma_wait3A_536 : memref<1x16x512xf32, #tpu.memory_space<hbm>> -> memref<16x512xf32, #tpu.memory_space<hbm>>
    tpu.wait_dma2 semaphore(%dma_wait3A_531 : memref<!tpu.dma_semaphore, #tpu.memory_space<semaphore_mem>>) src(%dma_wait3A_537 : memref<16x512xf32, #tpu.memory_space<hbm>>) dst(%dma_wait3A_534 : memref<16x512xf32, #tpu.memory_space<vmem>>)
    %dma_wait3A_538 = arith.constant 1 : i32
    %dma_wait3A_539 = arith.constant 16 : i32
    %dma_wait3A_540 = arith.constant 0 : i32
    %dma_wait3A_541 = tpu.memref_slice %arg6[%dma_wait3A_539, %dma_wait3A_540] : memref<32x512xi32, #tpu.memory_space<vmem>> -> memref<16x512xi32, #tpu.memory_space<vmem>>
    %dma_wait3A_542 = arith.constant 0 : i32
    %dma_wait3A_543 = tpu.memref_slice %arg3[%select_n3A, %add3A_489, %dma_wait3A_542] : memref<8x512x512xi32, #tpu.memory_space<hbm>> -> memref<1x16x512xi32, #tpu.memory_space<hbm>>
    %dma_wait3A_544 = tpu.memref_squeeze %dma_wait3A_543 : memref<1x16x512xi32, #tpu.memory_space<hbm>> -> memref<16x512xi32, #tpu.memory_space<hbm>>
    %dma_wait3A_545 = tpu.memref_slice %arg9[%dma_wait3A_538] : memref<2x!tpu.dma_semaphore, #tpu.memory_space<semaphore_mem>> -> memref<1x!tpu.dma_semaphore, #tpu.memory_space<semaphore_mem>>
    %dma_wait3A_546 = tpu.memref_squeeze %dma_wait3A_545 : memref<1x!tpu.dma_semaphore, #tpu.memory_space<semaphore_mem>> -> memref<!tpu.dma_semaphore, #tpu.memory_space<semaphore_mem>>
    %dma_wait3A_547 = arith.constant 16 : i32
    %dma_wait3A_548 = arith.constant 0 : i32
    %dma_wait3A_549 = tpu.memref_slice %arg6[%dma_wait3A_547, %dma_wait3A_548] : memref<32x512xi32, #tpu.memory_space<vmem>> -> memref<16x512xi32, #tpu.memory_space<vmem>>
    %dma_wait3A_550 = arith.constant 0 : i32
    %dma_wait3A_551 = tpu.memref_slice %arg3[%select_n3A, %add3A_489, %dma_wait3A_550] : memref<8x512x512xi32, #tpu.memory_space<hbm>> -> memref<1x16x512xi32, #tpu.memory_space<hbm>>
    %dma_wait3A_552 = tpu.memref_squeeze %dma_wait3A_551 : memref<1x16x512xi32, #tpu.memory_space<hbm>> -> memref<16x512xi32, #tpu.memory_space<hbm>>
    tpu.wait_dma2 semaphore(%dma_wait3A_546 : memref<!tpu.dma_semaphore, #tpu.memory_space<semaphore_mem>>) src(%dma_wait3A_552 : memref<16x512xi32, #tpu.memory_space<hbm>>) dst(%dma_wait3A_549 : memref<16x512xi32, #tpu.memory_space<vmem>>)
    %parallel_loop3A_553 = arith.constant 0 : i32
    %parallel_loop3A_554 = arith.constant 8192 : i32
    %parallel_loop3A_555 = arith.constant 16 : i32
    scf.for %parallel_loop3A_561 = %parallel_loop3A_553 to %parallel_loop3A_554 step %parallel_loop3A_555  : i32 {
      %parallel_loop3A_562 = tpu.iota {dimensions = array<i32: 0>} : vector<16xi32>
      %parallel_loop3A_563 = vector.broadcast %parallel_loop3A_561 : i32 to vector<16xi32>
      %parallel_loop3A_564 = arith.addi %parallel_loop3A_563, %parallel_loop3A_562 : vector<16xi32>
      %parallel_loop3A_565 = arith.constant 9 : i32
      %parallel_loop3A_566 = vector.broadcast %parallel_loop3A_565 : i32 to vector<16xi32>
      %parallel_loop3A_567 = arith.shrui %parallel_loop3A_564, %parallel_loop3A_566 : vector<16xi32>
      %parallel_loop3A_568 = arith.constant 16 : i32
      %parallel_loop3A_569 = vector.broadcast %parallel_loop3A_568 : i32 to vector<16xi32>
      %parallel_loop3A_570 = arith.addi %parallel_loop3A_569, %parallel_loop3A_567 : vector<16xi32>
      %parallel_loop3A_571 = arith.constant 511 : i32
      %parallel_loop3A_572 = vector.broadcast %parallel_loop3A_571 : i32 to vector<16xi32>
      %parallel_loop3A_573 = arith.andi %parallel_loop3A_564, %parallel_loop3A_572 : vector<16xi32>
      %parallel_loop3A_574 = tpu.vector_load_idx %arg5[%parallel_loop3A_570, %parallel_loop3A_573] : memref<32x512xf32, #tpu.memory_space<vmem>>[vector<16xi32>, vector<16xi32>], vector<16xf32>,
      %parallel_loop3A_575 = tpu.vector_load_idx %arg6[%parallel_loop3A_570, %parallel_loop3A_573] : memref<32x512xi32, #tpu.memory_space<vmem>>[vector<16xi32>, vector<16xi32>], vector<16xi32>,
      %parallel_loop3A_576 = arith.sitofp %parallel_loop3A_575 : vector<16xi32> to vector<16xf32>
      %parallel_loop3A_577 = arith.constant 2.000000e+00 : f32
      %parallel_loop3A_578 = vector.broadcast %parallel_loop3A_577 : f32 to vector<16xf32>
      %parallel_loop3A_579 = arith.mulf %parallel_loop3A_578, %parallel_loop3A_576 : vector<16xf32>
      %parallel_loop3A_580 = arith.constant 1.000000e+00 : f32
      %parallel_loop3A_581 = vector.broadcast %parallel_loop3A_580 : f32 to vector<16xf32>
      %parallel_loop3A_582 = arith.subf %parallel_loop3A_579, %parallel_loop3A_581 : vector<16xf32>
      %parallel_loop3A_583 = arith.mulf %parallel_loop3A_574, %parallel_loop3A_582 : vector<16xf32>
      %parallel_loop3A_584 = arith.constant 1.000000e+00 : f32
      %parallel_loop3A_585 = vector.broadcast %parallel_loop3A_584 : f32 to vector<16xf32>
      %parallel_loop3A_586 = arith.subf %parallel_loop3A_585, %parallel_loop3A_583 : vector<16xf32>
      %parallel_loop3A_587 = tpu.bitcast %parallel_loop3A_586 : vector<16xf32> -> vector<16xi32>
      %parallel_loop3A_588 = arith.constant 15 : i32
      %parallel_loop3A_589 = vector.broadcast %parallel_loop3A_588 : i32 to vector<16xi32>
      %parallel_loop3A_590 = arith.shrsi %parallel_loop3A_587, %parallel_loop3A_589 : vector<16xi32>
      %parallel_loop3A_591 = arith.constant 29439 : i32
      %parallel_loop3A_592 = vector.broadcast %parallel_loop3A_591 : i32 to vector<16xi32>
      %parallel_loop3A_593 = arith.subi %parallel_loop3A_590, %parallel_loop3A_592 : vector<16xi32>
      %parallel_loop3A_594 = arith.constant 0 : i32
      %parallel_loop3A_595 = arith.constant 4095 : i32
      %parallel_loop3A_596 = vector.broadcast %parallel_loop3A_594 : i32 to vector<16xi32>
      %parallel_loop3A_597 = arith.maxsi %parallel_loop3A_596, %parallel_loop3A_593 : vector<16xi32>
      %parallel_loop3A_598 = vector.broadcast %parallel_loop3A_595 : i32 to vector<16xi32>
      %parallel_loop3A_599 = arith.minsi %parallel_loop3A_598, %parallel_loop3A_597 : vector<16xi32>
      %parallel_loop3A_600 = arith.addi %mul3A_3, %parallel_loop3A_599 : vector<16xi32>
      %parallel_loop3A_601 = arith.constant 65536 : i32
      %parallel_loop3A_602 = vector.broadcast %parallel_loop3A_601 : i32 to vector<16xi32>
      %parallel_loop3A_603 = arith.muli %parallel_loop3A_575, %parallel_loop3A_602 : vector<16xi32>
      %parallel_loop3A_604 = arith.constant 1 : i32
      %parallel_loop3A_605 = vector.broadcast %parallel_loop3A_604 : i32 to vector<16xi32>
      %parallel_loop3A_606 = arith.addi %parallel_loop3A_605, %parallel_loop3A_603 : vector<16xi32>
      tpu.vector_store_idx %arg7[%parallel_loop3A_600], %parallel_loop3A_606 {add = true} : memref<65536xi32, #tpu.memory_space<vmem>>[vector<16xi32>], vector<16xi32>,
    } {sc.loop_unroll_factor = 8 : i64, sc.parallel_access}
    %parallel_loop3A_556 = arith.constant 0 : i32
    %parallel_loop3A_557 = arith.constant 4096 : i32
    %parallel_loop3A_558 = arith.constant 16 : i32
    scf.for %parallel_loop3A_561 = %parallel_loop3A_556 to %parallel_loop3A_557 step %parallel_loop3A_558  : i32 {
      %parallel_loop3A_562 = arith.index_cast %parallel_loop3A_561 : i32 to index
      %parallel_loop3A_563 = tpu.vector_load %arg7[%parallel_loop3A_562] {strides = array<i32>} : memref<65536xi32, #tpu.memory_space<vmem>>, vector<16xi32>,
      %parallel_loop3A_564 = arith.constant 65535 : i32
      %parallel_loop3A_565 = vector.broadcast %parallel_loop3A_564 : i32 to vector<16xi32>
      %parallel_loop3A_566 = arith.andi %parallel_loop3A_563, %parallel_loop3A_565 : vector<16xi32>
      %parallel_loop3A_567 = arith.constant 16 : i32
      %parallel_loop3A_568 = vector.broadcast %parallel_loop3A_567 : i32 to vector<16xi32>
      %parallel_loop3A_569 = arith.shrui %parallel_loop3A_563, %parallel_loop3A_568 : vector<16xi32>
      %parallel_loop3A_570 = arith.constant 4096 : i32
      %parallel_loop3A_571 = arith.addi %parallel_loop3A_570, %parallel_loop3A_561 : i32
      %parallel_loop3A_572 = arith.index_cast %parallel_loop3A_571 : i32 to index
      %parallel_loop3A_573 = tpu.vector_load %arg7[%parallel_loop3A_572] {strides = array<i32>} : memref<65536xi32, #tpu.memory_space<vmem>>, vector<16xi32>,
      %parallel_loop3A_574 = arith.constant 65535 : i32
      %parallel_loop3A_575 = vector.broadcast %parallel_loop3A_574 : i32 to vector<16xi32>
      %parallel_loop3A_576 = arith.andi %parallel_loop3A_573, %parallel_loop3A_575 : vector<16xi32>
      %parallel_loop3A_577 = arith.addi %parallel_loop3A_566, %parallel_loop3A_576 : vector<16xi32>
      %parallel_loop3A_578 = arith.constant 16 : i32
      %parallel_loop3A_579 = vector.broadcast %parallel_loop3A_578 : i32 to vector<16xi32>
      %parallel_loop3A_580 = arith.shrui %parallel_loop3A_573, %parallel_loop3A_579 : vector<16xi32>
      %parallel_loop3A_581 = arith.addi %parallel_loop3A_569, %parallel_loop3A_580 : vector<16xi32>
      %parallel_loop3A_582 = arith.constant 8192 : i32
      %parallel_loop3A_583 = arith.addi %parallel_loop3A_582, %parallel_loop3A_561 : i32
      %parallel_loop3A_584 = arith.index_cast %parallel_loop3A_583 : i32 to index
      %parallel_loop3A_585 = tpu.vector_load %arg7[%parallel_loop3A_584] {strides = array<i32>} : memref<65536xi32, #tpu.memory_space<vmem>>, vector<16xi32>,
      %parallel_loop3A_586 = arith.constant 65535 : i32
      %parallel_loop3A_587 = vector.broadcast %parallel_loop3A_586 : i32 to vector<16xi32>
      %parallel_loop3A_588 = arith.andi %parallel_loop3A_585, %parallel_loop3A_587 : vector<16xi32>
      %parallel_loop3A_589 = arith.addi %parallel_loop3A_577, %parallel_loop3A_588 : vector<16xi32>
      %parallel_loop3A_590 = arith.constant 16 : i32
      %parallel_loop3A_591 = vector.broadcast %parallel_loop3A_590 : i32 to vector<16xi32>
      %parallel_loop3A_592 = arith.shrui %parallel_loop3A_585, %parallel_loop3A_591 : vector<16xi32>
      %parallel_loop3A_593 = arith.addi %parallel_loop3A_581, %parallel_loop3A_592 : vector<16xi32>
      %parallel_loop3A_594 = arith.constant 12288 : i32
      %parallel_loop3A_595 = arith.addi %parallel_loop3A_594, %parallel_loop3A_561 : i32
      %parallel_loop3A_596 = arith.index_cast %parallel_loop3A_595 : i32 to index
      %parallel_loop3A_597 = tpu.vector_load %arg7[%parallel_loop3A_596] {strides = array<i32>} : memref<65536xi32, #tpu.memory_space<vmem>>, vector<16xi32>,
      %parallel_loop3A_598 = arith.constant 65535 : i32
      %parallel_loop3A_599 = vector.broadcast %parallel_loop3A_598 : i32 to vector<16xi32>
      %parallel_loop3A_600 = arith.andi %parallel_loop3A_597, %parallel_loop3A_599 : vector<16xi32>
      %parallel_loop3A_601 = arith.addi %parallel_loop3A_589, %parallel_loop3A_600 : vector<16xi32>
      %parallel_loop3A_602 = arith.constant 16 : i32
      %parallel_loop3A_603 = vector.broadcast %parallel_loop3A_602 : i32 to vector<16xi32>
      %parallel_loop3A_604 = arith.shrui %parallel_loop3A_597, %parallel_loop3A_603 : vector<16xi32>
      %parallel_loop3A_605 = arith.addi %parallel_loop3A_593, %parallel_loop3A_604 : vector<16xi32>
      %parallel_loop3A_606 = arith.constant 16384 : i32
      %parallel_loop3A_607 = arith.addi %parallel_loop3A_606, %parallel_loop3A_561 : i32
      %parallel_loop3A_608 = arith.index_cast %parallel_loop3A_607 : i32 to index
      %parallel_loop3A_609 = tpu.vector_load %arg7[%parallel_loop3A_608] {strides = array<i32>} : memref<65536xi32, #tpu.memory_space<vmem>>, vector<16xi32>,
      %parallel_loop3A_610 = arith.constant 65535 : i32
      %parallel_loop3A_611 = vector.broadcast %parallel_loop3A_610 : i32 to vector<16xi32>
      %parallel_loop3A_612 = arith.andi %parallel_loop3A_609, %parallel_loop3A_611 : vector<16xi32>
      %parallel_loop3A_613 = arith.addi %parallel_loop3A_601, %parallel_loop3A_612 : vector<16xi32>
      %parallel_loop3A_614 = arith.constant 16 : i32
      %parallel_loop3A_615 = vector.broadcast %parallel_loop3A_614 : i32 to vector<16xi32>
      %parallel_loop3A_616 = arith.shrui %parallel_loop3A_609, %parallel_loop3A_615 : vector<16xi32>
      %parallel_loop3A_617 = arith.addi %parallel_loop3A_605, %parallel_loop3A_616 : vector<16xi32>
      %parallel_loop3A_618 = arith.constant 20480 : i32
      %parallel_loop3A_619 = arith.addi %parallel_loop3A_618, %parallel_loop3A_561 : i32
      %parallel_loop3A_620 = arith.index_cast %parallel_loop3A_619 : i32 to index
      %parallel_loop3A_621 = tpu.vector_load %arg7[%parallel_loop3A_620] {strides = array<i32>} : memref<65536xi32, #tpu.memory_space<vmem>>, vector<16xi32>,
      %parallel_loop3A_622 = arith.constant 65535 : i32
      %parallel_loop3A_623 = vector.broadcast %parallel_loop3A_622 : i32 to vector<16xi32>
      %parallel_loop3A_624 = arith.andi %parallel_loop3A_621, %parallel_loop3A_623 : vector<16xi32>
      %parallel_loop3A_625 = arith.addi %parallel_loop3A_613, %parallel_loop3A_624 : vector<16xi32>
      %parallel_loop3A_626 = arith.constant 16 : i32
      %parallel_loop3A_627 = vector.broadcast %parallel_loop3A_626 : i32 to vector<16xi32>
      %parallel_loop3A_628 = arith.shrui %parallel_loop3A_621, %parallel_loop3A_627 : vector<16xi32>
      %parallel_loop3A_629 = arith.addi %parallel_loop3A_617, %parallel_loop3A_628 : vector<16xi32>
      %parallel_loop3A_630 = arith.constant 24576 : i32
      %parallel_loop3A_631 = arith.addi %parallel_loop3A_630, %parallel_loop3A_561 : i32
      %parallel_loop3A_632 = arith.index_cast %parallel_loop3A_631 : i32 to index
      %parallel_loop3A_633 = tpu.vector_load %arg7[%parallel_loop3A_632] {strides = array<i32>} : memref<65536xi32, #tpu.memory_space<vmem>>, vector<16xi32>,
      %parallel_loop3A_634 = arith.constant 65535 : i32
      %parallel_loop3A_635 = vector.broadcast %parallel_loop3A_634 : i32 to vector<16xi32>
      %parallel_loop3A_636 = arith.andi %parallel_loop3A_633, %parallel_loop3A_635 : vector<16xi32>
      %parallel_loop3A_637 = arith.addi %parallel_loop3A_625, %parallel_loop3A_636 : vector<16xi32>
      %parallel_loop3A_638 = arith.constant 16 : i32
      %parallel_loop3A_639 = vector.broadcast %parallel_loop3A_638 : i32 to vector<16xi32>
      %parallel_loop3A_640 = arith.shrui %parallel_loop3A_633, %parallel_loop3A_639 : vector<16xi32>
      %parallel_loop3A_641 = arith.addi %parallel_loop3A_629, %parallel_loop3A_640 : vector<16xi32>
      %parallel_loop3A_642 = arith.constant 28672 : i32
      %parallel_loop3A_643 = arith.addi %parallel_loop3A_642, %parallel_loop3A_561 : i32
      %parallel_loop3A_644 = arith.index_cast %parallel_loop3A_643 : i32 to index
      %parallel_loop3A_645 = tpu.vector_load %arg7[%parallel_loop3A_644] {strides = array<i32>} : memref<65536xi32, #tpu.memory_space<vmem>>, vector<16xi32>,
      %parallel_loop3A_646 = arith.constant 65535 : i32
      %parallel_loop3A_647 = vector.broadcast %parallel_loop3A_646 : i32 to vector<16xi32>
      %parallel_loop3A_648 = arith.andi %parallel_loop3A_645, %parallel_loop3A_647 : vector<16xi32>
      %parallel_loop3A_649 = arith.addi %parallel_loop3A_637, %parallel_loop3A_648 : vector<16xi32>
      %parallel_loop3A_650 = arith.constant 16 : i32
      %parallel_loop3A_651 = vector.broadcast %parallel_loop3A_650 : i32 to vector<16xi32>
      %parallel_loop3A_652 = arith.shrui %parallel_loop3A_645, %parallel_loop3A_651 : vector<16xi32>
      %parallel_loop3A_653 = arith.addi %parallel_loop3A_641, %parallel_loop3A_652 : vector<16xi32>
      %parallel_loop3A_654 = arith.constant 32768 : i32
      %parallel_loop3A_655 = arith.addi %parallel_loop3A_654, %parallel_loop3A_561 : i32
      %parallel_loop3A_656 = arith.index_cast %parallel_loop3A_655 : i32 to index
      %parallel_loop3A_657 = tpu.vector_load %arg7[%parallel_loop3A_656] {strides = array<i32>} : memref<65536xi32, #tpu.memory_space<vmem>>, vector<16xi32>,
      %parallel_loop3A_658 = arith.constant 65535 : i32
      %parallel_loop3A_659 = vector.broadcast %parallel_loop3A_658 : i32 to vector<16xi32>
      %parallel_loop3A_660 = arith.andi %parallel_loop3A_657, %parallel_loop3A_659 : vector<16xi32>
      %parallel_loop3A_661 = arith.addi %parallel_loop3A_649, %parallel_loop3A_660 : vector<16xi32>
      %parallel_loop3A_662 = arith.constant 16 : i32
      %parallel_loop3A_663 = vector.broadcast %parallel_loop3A_662 : i32 to vector<16xi32>
      %parallel_loop3A_664 = arith.shrui %parallel_loop3A_657, %parallel_loop3A_663 : vector<16xi32>
      %parallel_loop3A_665 = arith.addi %parallel_loop3A_653, %parallel_loop3A_664 : vector<16xi32>
      %parallel_loop3A_666 = arith.constant 36864 : i32
      %parallel_loop3A_667 = arith.addi %parallel_loop3A_666, %parallel_loop3A_561 : i32
      %parallel_loop3A_668 = arith.index_cast %parallel_loop3A_667 : i32 to index
      %parallel_loop3A_669 = tpu.vector_load %arg7[%parallel_loop3A_668] {strides = array<i32>} : memref<65536xi32, #tpu.memory_space<vmem>>, vector<16xi32>,
      %parallel_loop3A_670 = arith.constant 65535 : i32
      %parallel_loop3A_671 = vector.broadcast %parallel_loop3A_670 : i32 to vector<16xi32>
      %parallel_loop3A_672 = arith.andi %parallel_loop3A_669, %parallel_loop3A_671 : vector<16xi32>
      %parallel_loop3A_673 = arith.addi %parallel_loop3A_661, %parallel_loop3A_672 : vector<16xi32>
      %parallel_loop3A_674 = arith.constant 16 : i32
      %parallel_loop3A_675 = vector.broadcast %parallel_loop3A_674 : i32 to vector<16xi32>
      %parallel_loop3A_676 = arith.shrui %parallel_loop3A_669, %parallel_loop3A_675 : vector<16xi32>
      %parallel_loop3A_677 = arith.addi %parallel_loop3A_665, %parallel_loop3A_676 : vector<16xi32>
      %parallel_loop3A_678 = arith.constant 40960 : i32
      %parallel_loop3A_679 = arith.addi %parallel_loop3A_678, %parallel_loop3A_561 : i32
      %parallel_loop3A_680 = arith.index_cast %parallel_loop3A_679 : i32 to index
      %parallel_loop3A_681 = tpu.vector_load %arg7[%parallel_loop3A_680] {strides = array<i32>} : memref<65536xi32, #tpu.memory_space<vmem>>, vector<16xi32>,
      %parallel_loop3A_682 = arith.constant 65535 : i32
      %parallel_loop3A_683 = vector.broadcast %parallel_loop3A_682 : i32 to vector<16xi32>
      %parallel_loop3A_684 = arith.andi %parallel_loop3A_681, %parallel_loop3A_683 : vector<16xi32>
      %parallel_loop3A_685 = arith.addi %parallel_loop3A_673, %parallel_loop3A_684 : vector<16xi32>
      %parallel_loop3A_686 = arith.constant 16 : i32
      %parallel_loop3A_687 = vector.broadcast %parallel_loop3A_686 : i32 to vector<16xi32>
      %parallel_loop3A_688 = arith.shrui %parallel_loop3A_681, %parallel_loop3A_687 : vector<16xi32>
      %parallel_loop3A_689 = arith.addi %parallel_loop3A_677, %parallel_loop3A_688 : vector<16xi32>
      %parallel_loop3A_690 = arith.constant 45056 : i32
      %parallel_loop3A_691 = arith.addi %parallel_loop3A_690, %parallel_loop3A_561 : i32
      %parallel_loop3A_692 = arith.index_cast %parallel_loop3A_691 : i32 to index
      %parallel_loop3A_693 = tpu.vector_load %arg7[%parallel_loop3A_692] {strides = array<i32>} : memref<65536xi32, #tpu.memory_space<vmem>>, vector<16xi32>,
      %parallel_loop3A_694 = arith.constant 65535 : i32
      %parallel_loop3A_695 = vector.broadcast %parallel_loop3A_694 : i32 to vector<16xi32>
      %parallel_loop3A_696 = arith.andi %parallel_loop3A_693, %parallel_loop3A_695 : vector<16xi32>
      %parallel_loop3A_697 = arith.addi %parallel_loop3A_685, %parallel_loop3A_696 : vector<16xi32>
      %parallel_loop3A_698 = arith.constant 16 : i32
      %parallel_loop3A_699 = vector.broadcast %parallel_loop3A_698 : i32 to vector<16xi32>
      %parallel_loop3A_700 = arith.shrui %parallel_loop3A_693, %parallel_loop3A_699 : vector<16xi32>
      %parallel_loop3A_701 = arith.addi %parallel_loop3A_689, %parallel_loop3A_700 : vector<16xi32>
      %parallel_loop3A_702 = arith.constant 49152 : i32
      %parallel_loop3A_703 = arith.addi %parallel_loop3A_702, %parallel_loop3A_561 : i32
      %parallel_loop3A_704 = arith.index_cast %parallel_loop3A_703 : i32 to index
      %parallel_loop3A_705 = tpu.vector_load %arg7[%parallel_loop3A_704] {strides = array<i32>} : memref<65536xi32, #tpu.memory_space<vmem>>, vector<16xi32>,
      %parallel_loop3A_706 = arith.constant 65535 : i32
      %parallel_loop3A_707 = vector.broadcast %parallel_loop3A_706 : i32 to vector<16xi32>
      %parallel_loop3A_708 = arith.andi %parallel_loop3A_705, %parallel_loop3A_707 : vector<16xi32>
      %parallel_loop3A_709 = arith.addi %parallel_loop3A_697, %parallel_loop3A_708 : vector<16xi32>
      %parallel_loop3A_710 = arith.constant 16 : i32
      %parallel_loop3A_711 = vector.broadcast %parallel_loop3A_710 : i32 to vector<16xi32>
      %parallel_loop3A_712 = arith.shrui %parallel_loop3A_705, %parallel_loop3A_711 : vector<16xi32>
      %parallel_loop3A_713 = arith.addi %parallel_loop3A_701, %parallel_loop3A_712 : vector<16xi32>
      %parallel_loop3A_714 = arith.constant 53248 : i32
      %parallel_loop3A_715 = arith.addi %parallel_loop3A_714, %parallel_loop3A_561 : i32
      %parallel_loop3A_716 = arith.index_cast %parallel_loop3A_715 : i32 to index
      %parallel_loop3A_717 = tpu.vector_load %arg7[%parallel_loop3A_716] {strides = array<i32>} : memref<65536xi32, #tpu.memory_space<vmem>>, vector<16xi32>,
      %parallel_loop3A_718 = arith.constant 65535 : i32
      %parallel_loop3A_719 = vector.broadcast %parallel_loop3A_718 : i32 to vector<16xi32>
      %parallel_loop3A_720 = arith.andi %parallel_loop3A_717, %parallel_loop3A_719 : vector<16xi32>
      %parallel_loop3A_721 = arith.addi %parallel_loop3A_709, %parallel_loop3A_720 : vector<16xi32>
      %parallel_loop3A_722 = arith.constant 16 : i32
      %parallel_loop3A_723 = vector.broadcast %parallel_loop3A_722 : i32 to vector<16xi32>
      %parallel_loop3A_724 = arith.shrui %parallel_loop3A_717, %parallel_loop3A_723 : vector<16xi32>
      %parallel_loop3A_725 = arith.addi %parallel_loop3A_713, %parallel_loop3A_724 : vector<16xi32>
      %parallel_loop3A_726 = arith.constant 57344 : i32
      %parallel_loop3A_727 = arith.addi %parallel_loop3A_726, %parallel_loop3A_561 : i32
      %parallel_loop3A_728 = arith.index_cast %parallel_loop3A_727 : i32 to index
      %parallel_loop3A_729 = tpu.vector_load %arg7[%parallel_loop3A_728] {strides = array<i32>} : memref<65536xi32, #tpu.memory_space<vmem>>, vector<16xi32>,
      %parallel_loop3A_730 = arith.constant 65535 : i32
      %parallel_loop3A_731 = vector.broadcast %parallel_loop3A_730 : i32 to vector<16xi32>
      %parallel_loop3A_732 = arith.andi %parallel_loop3A_729, %parallel_loop3A_731 : vector<16xi32>
      %parallel_loop3A_733 = arith.addi %parallel_loop3A_721, %parallel_loop3A_732 : vector<16xi32>
      %parallel_loop3A_734 = arith.constant 16 : i32
      %parallel_loop3A_735 = vector.broadcast %parallel_loop3A_734 : i32 to vector<16xi32>
      %parallel_loop3A_736 = arith.shrui %parallel_loop3A_729, %parallel_loop3A_735 : vector<16xi32>
      %parallel_loop3A_737 = arith.addi %parallel_loop3A_725, %parallel_loop3A_736 : vector<16xi32>
      %parallel_loop3A_738 = arith.constant 61440 : i32
      %parallel_loop3A_739 = arith.addi %parallel_loop3A_738, %parallel_loop3A_561 : i32
      %parallel_loop3A_740 = arith.index_cast %parallel_loop3A_739 : i32 to index
      %parallel_loop3A_741 = tpu.vector_load %arg7[%parallel_loop3A_740] {strides = array<i32>} : memref<65536xi32, #tpu.memory_space<vmem>>, vector<16xi32>,
      %parallel_loop3A_742 = arith.constant 65535 : i32
      %parallel_loop3A_743 = vector.broadcast %parallel_loop3A_742 : i32 to vector<16xi32>
      %parallel_loop3A_744 = arith.andi %parallel_loop3A_741, %parallel_loop3A_743 : vector<16xi32>
      %parallel_loop3A_745 = arith.addi %parallel_loop3A_733, %parallel_loop3A_744 : vector<16xi32>
      %parallel_loop3A_746 = arith.constant 16 : i32
      %parallel_loop3A_747 = vector.broadcast %parallel_loop3A_746 : i32 to vector<16xi32>
      %parallel_loop3A_748 = arith.shrui %parallel_loop3A_741, %parallel_loop3A_747 : vector<16xi32>
      %parallel_loop3A_749 = arith.addi %parallel_loop3A_737, %parallel_loop3A_748 : vector<16xi32>
      %parallel_loop3A_750 = arith.index_cast %parallel_loop3A_561 : i32 to index
      %parallel_loop3A_751 = tpu.vector_load %arg8[%parallel_loop3A_750] {strides = array<i32>} : memref<8192xi32, #tpu.memory_space<vmem>>, vector<16xi32>,
      tpu.vector_store %arg8[%parallel_loop3A_750], %parallel_loop3A_745 {strides = array<i32>} : memref<8192xi32, #tpu.memory_space<vmem>>, vector<16xi32>,
      %parallel_loop3A_752 = arith.constant 4096 : i32
      %parallel_loop3A_753 = arith.addi %parallel_loop3A_752, %parallel_loop3A_561 : i32
      %parallel_loop3A_754 = arith.index_cast %parallel_loop3A_753 : i32 to index
      %parallel_loop3A_755 = tpu.vector_load %arg8[%parallel_loop3A_754] {strides = array<i32>} : memref<8192xi32, #tpu.memory_space<vmem>>, vector<16xi32>,
      tpu.vector_store %arg8[%parallel_loop3A_754], %parallel_loop3A_749 {strides = array<i32>} : memref<8192xi32, #tpu.memory_space<vmem>>, vector<16xi32>,
    } {sc.loop_unroll_factor = 2 : i64, sc.parallel_access}
    %mul3A_559 = arith.constant 8192 : i32
    %mul3A_560 = arith.muli %add3A, %mul3A_559 : i32
    "tpu.region"() ({
      %run_scoped3A = tpu.sem_alloc : memref<!tpu.dma_semaphore, #tpu.memory_space<semaphore_mem>>
      %dma_start3A_561 = tpu.memref_slice %arg4[%mul3A_560] : memref<262144xi32, #tpu.memory_space<hbm>> -> memref<8192xi32, #tpu.memory_space<hbm>>
      %dma_start3A_562 = tpu.memref_slice %arg4[%mul3A_560] : memref<262144xi32, #tpu.memory_space<hbm>> -> memref<8192xi32, #tpu.memory_space<hbm>>
      tpu.enqueue_dma source(%arg8 : memref<8192xi32, #tpu.memory_space<vmem>>) target(%dma_start3A_562 : memref<8192xi32, #tpu.memory_space<hbm>>) target_semaphore(%run_scoped3A : memref<!tpu.dma_semaphore, #tpu.memory_space<semaphore_mem>>)
      %dma_wait3A_563 = tpu.memref_slice %arg4[%mul3A_560] : memref<262144xi32, #tpu.memory_space<hbm>> -> memref<8192xi32, #tpu.memory_space<hbm>>
      %dma_wait3A_564 = tpu.memref_slice %arg4[%mul3A_560] : memref<262144xi32, #tpu.memory_space<hbm>> -> memref<8192xi32, #tpu.memory_space<hbm>>
      tpu.wait_dma2 semaphore(%run_scoped3A : memref<!tpu.dma_semaphore, #tpu.memory_space<semaphore_mem>>) src(%arg8 : memref<8192xi32, #tpu.memory_space<vmem>>) dst(%dma_wait3A_564 : memref<8192xi32, #tpu.memory_space<hbm>>)
      tpu.yield
    }) : () -> ()
    return
  }
}

module attributes {stable_mosaic.version = 14 : i64} {
  func.func @_tc_finish_body(%arg0: memref<32x64x128xi32, #tpu.memory_space<vmem>>, %arg1: memref<8x128xf32, #tpu.memory_space<vmem>>) attributes {dimension_semantics = [], scalar_prefetch = 0 : i64, scratch_operands = 0 : i64, tpu.core_type = #tpu.core_type<tc>} {
    %iota3A = tpu.iota {dimensions = array<i32: 0>} : vector<128x128xi32>
    %iota3A_0 = tpu.iota {dimensions = array<i32: 1>} : vector<128x128xi32>
    %le3A = arith.cmpi sle, %iota3A, %iota3A_0 : vector<128x128xi32>
    %convert_element_type3A = arith.extui %le3A : vector<128x128xi1> to vector<128x128xi32>
    %convert_element_type3A_1 = arith.sitofp %convert_element_type3A : vector<128x128xi32> to vector<128x128xf32>
    %iota3A_2 = tpu.iota {dimensions = array<i32: 0>} : vector<32x32xi32>
    %iota3A_3 = tpu.iota {dimensions = array<i32: 1>} : vector<32x32xi32>
    %lt3A = arith.cmpi slt, %iota3A_3, %iota3A_2 : vector<32x32xi32>
    %convert_element_type3A_4 = arith.extui %lt3A : vector<32x32xi1> to vector<32x32xi32>
    %convert_element_type3A_5 = arith.sitofp %convert_element_type3A_4 : vector<32x32xi32> to vector<32x32xf32>
    %broadcast_in_dim3A = arith.constant 1.000000e+00 : f32
    %broadcast_in_dim3A_6 = vector.broadcast %broadcast_in_dim3A : f32 to vector<128x1xf32>
    %iota3A_7 = tpu.iota {dimensions = array<i32: 0>} : vector<32x128xi32>
    %mul3A = arith.constant 128 : i32
    %mul3A_8 = vector.broadcast %mul3A : i32 to vector<32x128xi32>
    %mul3A_9 = arith.muli %iota3A_7, %mul3A_8 : vector<32x128xi32>
    %iota3A_10 = tpu.iota {dimensions = array<i32: 1>} : vector<32x128xi32>
    %add3A = arith.addi %mul3A_9, %iota3A_10 : vector<32x128xi32>
    %add3A_11 = arith.constant 29439 : i32
    %add3A_12 = vector.broadcast %add3A_11 : i32 to vector<32x128xi32>
    %add3A_13 = arith.addi %add3A, %add3A_12 : vector<32x128xi32>
    %shift_left3A = arith.constant 15 : i32
    %shift_left3A_14 = vector.broadcast %shift_left3A : i32 to vector<32x128xi32>
    %shift_left3A_15 = arith.shli %add3A_13, %shift_left3A_14 : vector<32x128xi32>
    %or3A = arith.constant 16384 : i32
    %or3A_16 = vector.broadcast %or3A : i32 to vector<32x128xi32>
    %or3A_17 = arith.ori %shift_left3A_15, %or3A_16 : vector<32x128xi32>
    %lt3A_18 = arith.constant 1 : i32
    %lt3A_19 = vector.broadcast %lt3A_18 : i32 to vector<32x128xi32>
    %lt3A_20 = arith.cmpi slt, %add3A, %lt3A_19 : vector<32x128xi32>
    %bitcast_convert_type3A = tpu.bitcast %or3A_17 : vector<32x128xi32> -> vector<32x128xf32>
    %jit3A = arith.constant 0.000000e+00 : f32
    %broadcast_in_dim3A_21 = vector.broadcast %jit3A : f32 to vector<32x128xf32>
    %select_n3A = arith.select %lt3A_20, %broadcast_in_dim3A_21, %bitcast_convert_type3A : vector<32x128xi1>, vector<32x128xf32>
    %sub3A = arith.constant 1 : i32
    %sub3A_22 = vector.broadcast %sub3A : i32 to vector<32x128xi32>
    %sub3A_23 = arith.subi %add3A, %sub3A_22 : vector<32x128xi32>
    %add3A_24 = arith.constant 29439 : i32
    %add3A_25 = vector.broadcast %add3A_24 : i32 to vector<32x128xi32>
    %add3A_26 = arith.addi %sub3A_23, %add3A_25 : vector<32x128xi32>
    %shift_left3A_27 = arith.constant 15 : i32
    %shift_left3A_28 = vector.broadcast %shift_left3A_27 : i32 to vector<32x128xi32>
    %shift_left3A_29 = arith.shli %add3A_26, %shift_left3A_28 : vector<32x128xi32>
    %or3A_30 = arith.constant 16384 : i32
    %or3A_31 = vector.broadcast %or3A_30 : i32 to vector<32x128xi32>
    %or3A_32 = arith.ori %shift_left3A_29, %or3A_31 : vector<32x128xi32>
    %lt3A_33 = arith.constant 1 : i32
    %lt3A_34 = vector.broadcast %lt3A_33 : i32 to vector<32x128xi32>
    %lt3A_35 = arith.cmpi slt, %sub3A_23, %lt3A_34 : vector<32x128xi32>
    %bitcast_convert_type3A_36 = tpu.bitcast %or3A_32 : vector<32x128xi32> -> vector<32x128xf32>
    %jit3A_37 = arith.constant 0.000000e+00 : f32
    %broadcast_in_dim3A_38 = vector.broadcast %jit3A_37 : f32 to vector<32x128xf32>
    %select_n3A_39 = arith.select %lt3A_35, %broadcast_in_dim3A_38, %bitcast_convert_type3A_36 : vector<32x128xi1>, vector<32x128xf32>
    %sub3A_40 = arith.subf %select_n3A, %select_n3A_39 : vector<32x128xf32>
    %get3A = arith.constant 0 : index
    %get3A_41 = arith.constant 0 : index
    %get3A_42 = arith.constant 0 : index
    %get3A_43 = vector.load %arg0[%get3A, %get3A_41, %get3A_42] : memref<32x64x128xi32, #tpu.memory_space<vmem>>, vector<1x64x128xi32>
    %get3A_44 = vector.shape_cast %get3A_43 : vector<1x64x128xi32> to vector<64x128xi32>
    %get3A_45 = arith.constant 1 : index
    %get3A_46 = arith.constant 0 : index
    %get3A_47 = arith.constant 0 : index
    %get3A_48 = vector.load %arg0[%get3A_45, %get3A_46, %get3A_47] : memref<32x64x128xi32, #tpu.memory_space<vmem>>, vector<1x64x128xi32>
    %get3A_49 = vector.shape_cast %get3A_48 : vector<1x64x128xi32> to vector<64x128xi32>
    %add3A_50 = arith.addi %get3A_44, %get3A_49 : vector<64x128xi32>
    %get3A_51 = arith.constant 2 : index
    %get3A_52 = arith.constant 0 : index
    %get3A_53 = arith.constant 0 : index
    %get3A_54 = vector.load %arg0[%get3A_51, %get3A_52, %get3A_53] : memref<32x64x128xi32, #tpu.memory_space<vmem>>, vector<1x64x128xi32>
    %get3A_55 = vector.shape_cast %get3A_54 : vector<1x64x128xi32> to vector<64x128xi32>
    %add3A_56 = arith.addi %add3A_50, %get3A_55 : vector<64x128xi32>
    %get3A_57 = arith.constant 3 : index
    %get3A_58 = arith.constant 0 : index
    %get3A_59 = arith.constant 0 : index
    %get3A_60 = vector.load %arg0[%get3A_57, %get3A_58, %get3A_59] : memref<32x64x128xi32, #tpu.memory_space<vmem>>, vector<1x64x128xi32>
    %get3A_61 = vector.shape_cast %get3A_60 : vector<1x64x128xi32> to vector<64x128xi32>
    %add3A_62 = arith.addi %add3A_56, %get3A_61 : vector<64x128xi32>
    %slice3A = vector.extract_strided_slice %add3A_62 {offsets = [0, 0], sizes = [32, 128], strides = [1, 1]} : vector<64x128xi32> to vector<32x128xi32>
    %convert_element_type3A_63 = arith.sitofp %slice3A : vector<32x128xi32> to vector<32x128xf32>
    %slice3A_64 = vector.extract_strided_slice %add3A_62 {offsets = [32, 0], sizes = [32, 128], strides = [1, 1]} : vector<64x128xi32> to vector<32x128xi32>
    %convert_element_type3A_65 = arith.sitofp %slice3A_64 : vector<32x128xi32> to vector<32x128xf32>
    %dot_general3A = arith.constant dense<0.000000e+00> : vector<32x128xf32>
    %dot_general3A_66 = tpu.matmul %convert_element_type3A_63, %convert_element_type3A_1, %dot_general3A {dimension_numbers = #tpu.dot_dimension_numbers<[1], [0], [0], [1], [0, 0, 1, 1], [], []>, precision = #tpu.contract_precision<fp32>, transpose_lhs_hint = false} : vector<32x128xf32>, vector<128x128xf32>, vector<32x128xf32> -> vector<32x128xf32>
    %dot_general3A_67 = arith.constant dense<0.000000e+00> : vector<32x1xf32>
    %dot_general3A_68 = tpu.matmul %convert_element_type3A_63, %broadcast_in_dim3A_6, %dot_general3A_67 {dimension_numbers = #tpu.dot_dimension_numbers<[1], [0], [0], [1], [0, 0, 1, 1], [], []>, precision = #tpu.contract_precision<fp32>, transpose_lhs_hint = false} : vector<32x128xf32>, vector<128x1xf32>, vector<32x1xf32> -> vector<32x1xf32>
    %dot_general3A_69 = arith.constant dense<0.000000e+00> : vector<32x1xf32>
    %dot_general3A_70 = tpu.matmul %convert_element_type3A_5, %dot_general3A_68, %dot_general3A_69 {dimension_numbers = #tpu.dot_dimension_numbers<[1], [0], [0], [1], [0, 0, 1, 1], [], []>, precision = #tpu.contract_precision<fp32>, transpose_lhs_hint = false} : vector<32x32xf32>, vector<32x1xf32>, vector<32x1xf32> -> vector<32x1xf32>
    %add3A_71 = vector.broadcast %dot_general3A_70 : vector<32x1xf32> to vector<32x128xf32>
    %add3A_72 = arith.addf %dot_general3A_66, %add3A_71 : vector<32x128xf32>
    %dot_general3A_73 = arith.constant dense<0.000000e+00> : vector<32x128xf32>
    %dot_general3A_74 = tpu.matmul %convert_element_type3A_65, %convert_element_type3A_1, %dot_general3A_73 {dimension_numbers = #tpu.dot_dimension_numbers<[1], [0], [0], [1], [0, 0, 1, 1], [], []>, precision = #tpu.contract_precision<fp32>, transpose_lhs_hint = false} : vector<32x128xf32>, vector<128x128xf32>, vector<32x128xf32> -> vector<32x128xf32>
    %dot_general3A_75 = arith.constant dense<0.000000e+00> : vector<32x1xf32>
    %dot_general3A_76 = tpu.matmul %convert_element_type3A_65, %broadcast_in_dim3A_6, %dot_general3A_75 {dimension_numbers = #tpu.dot_dimension_numbers<[1], [0], [0], [1], [0, 0, 1, 1], [], []>, precision = #tpu.contract_precision<fp32>, transpose_lhs_hint = false} : vector<32x128xf32>, vector<128x1xf32>, vector<32x1xf32> -> vector<32x1xf32>
    %dot_general3A_77 = arith.constant dense<0.000000e+00> : vector<32x1xf32>
    %dot_general3A_78 = tpu.matmul %convert_element_type3A_5, %dot_general3A_76, %dot_general3A_77 {dimension_numbers = #tpu.dot_dimension_numbers<[1], [0], [0], [1], [0, 0, 1, 1], [], []>, precision = #tpu.contract_precision<fp32>, transpose_lhs_hint = false} : vector<32x32xf32>, vector<32x1xf32>, vector<32x1xf32> -> vector<32x1xf32>
    %add3A_79 = vector.broadcast %dot_general3A_78 : vector<32x1xf32> to vector<32x128xf32>
    %add3A_80 = arith.addf %dot_general3A_74, %add3A_79 : vector<32x128xf32>
    %reduce_sum3A = vector.shape_cast %dot_general3A_68 : vector<32x1xf32> to vector<1x32x1xf32>
    %reduce_sum3A_81 = arith.constant dense<0.000000e+00> : vector<1xf32>
    %reduce_sum3A_82 = vector.multi_reduction <add>, %reduce_sum3A, %reduce_sum3A_81 [1, 2] : vector<1x32x1xf32> to vector<1xf32>
    %reduce_sum3A_83 = vector.shape_cast %reduce_sum3A_82 : vector<1xf32> to vector<1x1x1xf32>
    %reduce_sum3A_84 = vector.extract %reduce_sum3A_83[0, 0, 0] : f32 from vector<1x1x1xf32>
    %reduce_sum3A_85 = vector.shape_cast %dot_general3A_76 : vector<32x1xf32> to vector<1x32x1xf32>
    %reduce_sum3A_86 = arith.constant dense<0.000000e+00> : vector<1xf32>
    %reduce_sum3A_87 = vector.multi_reduction <add>, %reduce_sum3A_85, %reduce_sum3A_86 [1, 2] : vector<1x32x1xf32> to vector<1xf32>
    %reduce_sum3A_88 = vector.shape_cast %reduce_sum3A_87 : vector<1xf32> to vector<1x1x1xf32>
    %reduce_sum3A_89 = vector.extract %reduce_sum3A_88[0, 0, 0] : f32 from vector<1x1x1xf32>
    %sub3A_90 = vector.broadcast %reduce_sum3A_84 : f32 to vector<32x128xf32>
    %sub3A_91 = arith.subf %sub3A_90, %add3A_72 : vector<32x128xf32>
    %add3A_92 = arith.addf %sub3A_91, %convert_element_type3A_63 : vector<32x128xf32>
    %sub3A_93 = vector.broadcast %reduce_sum3A_89 : f32 to vector<32x128xf32>
    %sub3A_94 = arith.subf %sub3A_93, %add3A_80 : vector<32x128xf32>
    %add3A_95 = arith.addf %sub3A_94, %convert_element_type3A_65 : vector<32x128xf32>
    %add3A_96 = vector.broadcast %reduce_sum3A_89 : f32 to vector<32x128xf32>
    %add3A_97 = arith.addf %add3A_96, %add3A_92 : vector<32x128xf32>
    %sub3A_98 = arith.subf %add3A_97, %add3A_95 : vector<32x128xf32>
    %max3A = arith.constant 1.000000e+00 : f32
    %max3A_99 = vector.broadcast %max3A : f32 to vector<32x128xf32>
    %max3A_100 = arith.maximumf %sub3A_98, %max3A_99 : vector<32x128xf32>
    %gt3A = arith.constant 0.000000e+00 : f32
    %gt3A_101 = vector.broadcast %gt3A : f32 to vector<32x128xf32>
    %gt3A_102 = arith.cmpf ogt, %add3A_92, %gt3A_101 : vector<32x128xf32>
    %sub3A_103 = vector.broadcast %reduce_sum3A_89 : f32 to vector<32x128xf32>
    %sub3A_104 = arith.subf %sub3A_103, %add3A_95 : vector<32x128xf32>
    %div3A = arith.divf %sub3A_104, %max3A_100 : vector<32x128xf32>
    %sub3A_105 = arith.constant 1.000000e+00 : f32
    %sub3A_106 = vector.broadcast %sub3A_105 : f32 to vector<32x128xf32>
    %sub3A_107 = arith.subf %sub3A_106, %div3A : vector<32x128xf32>
    %jit3A_108 = arith.constant 0.000000e+00 : f32
    %broadcast_in_dim3A_109 = vector.broadcast %jit3A_108 : f32 to vector<32x128xf32>
    %select_n3A_110 = arith.select %gt3A_102, %sub3A_107, %broadcast_in_dim3A_109 : vector<32x128xi1>, vector<32x128xf32>
    %mul3A_111 = arith.mulf %select_n3A_110, %sub3A_40 : vector<32x128xf32>
    %reduce_sum3A_112 = vector.shape_cast %mul3A_111 : vector<32x128xf32> to vector<1x32x128xf32>
    %reduce_sum3A_113 = arith.constant dense<0.000000e+00> : vector<1xf32>
    %reduce_sum3A_114 = vector.multi_reduction <add>, %reduce_sum3A_112, %reduce_sum3A_113 [1, 2] : vector<1x32x128xf32> to vector<1xf32>
    %reduce_sum3A_115 = vector.shape_cast %reduce_sum3A_114 : vector<1xf32> to vector<1x1x1xf32>
    %reduce_sum3A_116 = vector.extract %reduce_sum3A_115[0, 0, 0] : f32 from vector<1x1x1xf32>
    %add3A_117 = arith.constant 0.000000e+00 : f32
    %add3A_118 = arith.addf %add3A_117, %reduce_sum3A_116 : f32
    %get3A_119 = arith.constant 4 : index
    %get3A_120 = arith.constant 0 : index
    %get3A_121 = arith.constant 0 : index
    %get3A_122 = vector.load %arg0[%get3A_119, %get3A_120, %get3A_121] : memref<32x64x128xi32, #tpu.memory_space<vmem>>, vector<1x64x128xi32>
    %get3A_123 = vector.shape_cast %get3A_122 : vector<1x64x128xi32> to vector<64x128xi32>
    %get3A_124 = arith.constant 5 : index
    %get3A_125 = arith.constant 0 : index
    %get3A_126 = arith.constant 0 : index
    %get3A_127 = vector.load %arg0[%get3A_124, %get3A_125, %get3A_126] : memref<32x64x128xi32, #tpu.memory_space<vmem>>, vector<1x64x128xi32>
    %get3A_128 = vector.shape_cast %get3A_127 : vector<1x64x128xi32> to vector<64x128xi32>
    %add3A_129 = arith.addi %get3A_123, %get3A_128 : vector<64x128xi32>
    %get3A_130 = arith.constant 6 : index
    %get3A_131 = arith.constant 0 : index
    %get3A_132 = arith.constant 0 : index
    %get3A_133 = vector.load %arg0[%get3A_130, %get3A_131, %get3A_132] : memref<32x64x128xi32, #tpu.memory_space<vmem>>, vector<1x64x128xi32>
    %get3A_134 = vector.shape_cast %get3A_133 : vector<1x64x128xi32> to vector<64x128xi32>
    %add3A_135 = arith.addi %add3A_129, %get3A_134 : vector<64x128xi32>
    %get3A_136 = arith.constant 7 : index
    %get3A_137 = arith.constant 0 : index
    %get3A_138 = arith.constant 0 : index
    %get3A_139 = vector.load %arg0[%get3A_136, %get3A_137, %get3A_138] : memref<32x64x128xi32, #tpu.memory_space<vmem>>, vector<1x64x128xi32>
    %get3A_140 = vector.shape_cast %get3A_139 : vector<1x64x128xi32> to vector<64x128xi32>
    %add3A_141 = arith.addi %add3A_135, %get3A_140 : vector<64x128xi32>
    %slice3A_142 = vector.extract_strided_slice %add3A_141 {offsets = [0, 0], sizes = [32, 128], strides = [1, 1]} : vector<64x128xi32> to vector<32x128xi32>
    %convert_element_type3A_143 = arith.sitofp %slice3A_142 : vector<32x128xi32> to vector<32x128xf32>
    %slice3A_144 = vector.extract_strided_slice %add3A_141 {offsets = [32, 0], sizes = [32, 128], strides = [1, 1]} : vector<64x128xi32> to vector<32x128xi32>
    %convert_element_type3A_145 = arith.sitofp %slice3A_144 : vector<32x128xi32> to vector<32x128xf32>
    %dot_general3A_146 = arith.constant dense<0.000000e+00> : vector<32x128xf32>
    %dot_general3A_147 = tpu.matmul %convert_element_type3A_143, %convert_element_type3A_1, %dot_general3A_146 {dimension_numbers = #tpu.dot_dimension_numbers<[1], [0], [0], [1], [0, 0, 1, 1], [], []>, precision = #tpu.contract_precision<fp32>, transpose_lhs_hint = false} : vector<32x128xf32>, vector<128x128xf32>, vector<32x128xf32> -> vector<32x128xf32>
    %dot_general3A_148 = arith.constant dense<0.000000e+00> : vector<32x1xf32>
    %dot_general3A_149 = tpu.matmul %convert_element_type3A_143, %broadcast_in_dim3A_6, %dot_general3A_148 {dimension_numbers = #tpu.dot_dimension_numbers<[1], [0], [0], [1], [0, 0, 1, 1], [], []>, precision = #tpu.contract_precision<fp32>, transpose_lhs_hint = false} : vector<32x128xf32>, vector<128x1xf32>, vector<32x1xf32> -> vector<32x1xf32>
    %dot_general3A_150 = arith.constant dense<0.000000e+00> : vector<32x1xf32>
    %dot_general3A_151 = tpu.matmul %convert_element_type3A_5, %dot_general3A_149, %dot_general3A_150 {dimension_numbers = #tpu.dot_dimension_numbers<[1], [0], [0], [1], [0, 0, 1, 1], [], []>, precision = #tpu.contract_precision<fp32>, transpose_lhs_hint = false} : vector<32x32xf32>, vector<32x1xf32>, vector<32x1xf32> -> vector<32x1xf32>
    %add3A_152 = vector.broadcast %dot_general3A_151 : vector<32x1xf32> to vector<32x128xf32>
    %add3A_153 = arith.addf %dot_general3A_147, %add3A_152 : vector<32x128xf32>
    %dot_general3A_154 = arith.constant dense<0.000000e+00> : vector<32x128xf32>
    %dot_general3A_155 = tpu.matmul %convert_element_type3A_145, %convert_element_type3A_1, %dot_general3A_154 {dimension_numbers = #tpu.dot_dimension_numbers<[1], [0], [0], [1], [0, 0, 1, 1], [], []>, precision = #tpu.contract_precision<fp32>, transpose_lhs_hint = false} : vector<32x128xf32>, vector<128x128xf32>, vector<32x128xf32> -> vector<32x128xf32>
    %dot_general3A_156 = arith.constant dense<0.000000e+00> : vector<32x1xf32>
    %dot_general3A_157 = tpu.matmul %convert_element_type3A_145, %broadcast_in_dim3A_6, %dot_general3A_156 {dimension_numbers = #tpu.dot_dimension_numbers<[1], [0], [0], [1], [0, 0, 1, 1], [], []>, precision = #tpu.contract_precision<fp32>, transpose_lhs_hint = false} : vector<32x128xf32>, vector<128x1xf32>, vector<32x1xf32> -> vector<32x1xf32>
    %dot_general3A_158 = arith.constant dense<0.000000e+00> : vector<32x1xf32>
    %dot_general3A_159 = tpu.matmul %convert_element_type3A_5, %dot_general3A_157, %dot_general3A_158 {dimension_numbers = #tpu.dot_dimension_numbers<[1], [0], [0], [1], [0, 0, 1, 1], [], []>, precision = #tpu.contract_precision<fp32>, transpose_lhs_hint = false} : vector<32x32xf32>, vector<32x1xf32>, vector<32x1xf32> -> vector<32x1xf32>
    %add3A_160 = vector.broadcast %dot_general3A_159 : vector<32x1xf32> to vector<32x128xf32>
    %add3A_161 = arith.addf %dot_general3A_155, %add3A_160 : vector<32x128xf32>
    %reduce_sum3A_162 = vector.shape_cast %dot_general3A_149 : vector<32x1xf32> to vector<1x32x1xf32>
    %reduce_sum3A_163 = arith.constant dense<0.000000e+00> : vector<1xf32>
    %reduce_sum3A_164 = vector.multi_reduction <add>, %reduce_sum3A_162, %reduce_sum3A_163 [1, 2] : vector<1x32x1xf32> to vector<1xf32>
    %reduce_sum3A_165 = vector.shape_cast %reduce_sum3A_164 : vector<1xf32> to vector<1x1x1xf32>
    %reduce_sum3A_166 = vector.extract %reduce_sum3A_165[0, 0, 0] : f32 from vector<1x1x1xf32>
    %reduce_sum3A_167 = vector.shape_cast %dot_general3A_157 : vector<32x1xf32> to vector<1x32x1xf32>
    %reduce_sum3A_168 = arith.constant dense<0.000000e+00> : vector<1xf32>
    %reduce_sum3A_169 = vector.multi_reduction <add>, %reduce_sum3A_167, %reduce_sum3A_168 [1, 2] : vector<1x32x1xf32> to vector<1xf32>
    %reduce_sum3A_170 = vector.shape_cast %reduce_sum3A_169 : vector<1xf32> to vector<1x1x1xf32>
    %reduce_sum3A_171 = vector.extract %reduce_sum3A_170[0, 0, 0] : f32 from vector<1x1x1xf32>
    %sub3A_172 = vector.broadcast %reduce_sum3A_166 : f32 to vector<32x128xf32>
    %sub3A_173 = arith.subf %sub3A_172, %add3A_153 : vector<32x128xf32>
    %add3A_174 = arith.addf %sub3A_173, %convert_element_type3A_143 : vector<32x128xf32>
    %sub3A_175 = vector.broadcast %reduce_sum3A_171 : f32 to vector<32x128xf32>
    %sub3A_176 = arith.subf %sub3A_175, %add3A_161 : vector<32x128xf32>
    %add3A_177 = arith.addf %sub3A_176, %convert_element_type3A_145 : vector<32x128xf32>
    %add3A_178 = vector.broadcast %reduce_sum3A_171 : f32 to vector<32x128xf32>
    %add3A_179 = arith.addf %add3A_178, %add3A_174 : vector<32x128xf32>
    %sub3A_180 = arith.subf %add3A_179, %add3A_177 : vector<32x128xf32>
    %max3A_181 = arith.constant 1.000000e+00 : f32
    %max3A_182 = vector.broadcast %max3A_181 : f32 to vector<32x128xf32>
    %max3A_183 = arith.maximumf %sub3A_180, %max3A_182 : vector<32x128xf32>
    %gt3A_184 = arith.constant 0.000000e+00 : f32
    %gt3A_185 = vector.broadcast %gt3A_184 : f32 to vector<32x128xf32>
    %gt3A_186 = arith.cmpf ogt, %add3A_174, %gt3A_185 : vector<32x128xf32>
    %sub3A_187 = vector.broadcast %reduce_sum3A_171 : f32 to vector<32x128xf32>
    %sub3A_188 = arith.subf %sub3A_187, %add3A_177 : vector<32x128xf32>
    %div3A_189 = arith.divf %sub3A_188, %max3A_183 : vector<32x128xf32>
    %sub3A_190 = arith.constant 1.000000e+00 : f32
    %sub3A_191 = vector.broadcast %sub3A_190 : f32 to vector<32x128xf32>
    %sub3A_192 = arith.subf %sub3A_191, %div3A_189 : vector<32x128xf32>
    %jit3A_193 = arith.constant 0.000000e+00 : f32
    %broadcast_in_dim3A_194 = vector.broadcast %jit3A_193 : f32 to vector<32x128xf32>
    %select_n3A_195 = arith.select %gt3A_186, %sub3A_192, %broadcast_in_dim3A_194 : vector<32x128xi1>, vector<32x128xf32>
    %mul3A_196 = arith.mulf %select_n3A_195, %sub3A_40 : vector<32x128xf32>
    %reduce_sum3A_197 = vector.shape_cast %mul3A_196 : vector<32x128xf32> to vector<1x32x128xf32>
    %reduce_sum3A_198 = arith.constant dense<0.000000e+00> : vector<1xf32>
    %reduce_sum3A_199 = vector.multi_reduction <add>, %reduce_sum3A_197, %reduce_sum3A_198 [1, 2] : vector<1x32x128xf32> to vector<1xf32>
    %reduce_sum3A_200 = vector.shape_cast %reduce_sum3A_199 : vector<1xf32> to vector<1x1x1xf32>
    %reduce_sum3A_201 = vector.extract %reduce_sum3A_200[0, 0, 0] : f32 from vector<1x1x1xf32>
    %add3A_202 = arith.addf %add3A_118, %reduce_sum3A_201 : f32
    %get3A_203 = arith.constant 8 : index
    %get3A_204 = arith.constant 0 : index
    %get3A_205 = arith.constant 0 : index
    %get3A_206 = vector.load %arg0[%get3A_203, %get3A_204, %get3A_205] : memref<32x64x128xi32, #tpu.memory_space<vmem>>, vector<1x64x128xi32>
    %get3A_207 = vector.shape_cast %get3A_206 : vector<1x64x128xi32> to vector<64x128xi32>
    %get3A_208 = arith.constant 9 : index
    %get3A_209 = arith.constant 0 : index
    %get3A_210 = arith.constant 0 : index
    %get3A_211 = vector.load %arg0[%get3A_208, %get3A_209, %get3A_210] : memref<32x64x128xi32, #tpu.memory_space<vmem>>, vector<1x64x128xi32>
    %get3A_212 = vector.shape_cast %get3A_211 : vector<1x64x128xi32> to vector<64x128xi32>
    %add3A_213 = arith.addi %get3A_207, %get3A_212 : vector<64x128xi32>
    %get3A_214 = arith.constant 10 : index
    %get3A_215 = arith.constant 0 : index
    %get3A_216 = arith.constant 0 : index
    %get3A_217 = vector.load %arg0[%get3A_214, %get3A_215, %get3A_216] : memref<32x64x128xi32, #tpu.memory_space<vmem>>, vector<1x64x128xi32>
    %get3A_218 = vector.shape_cast %get3A_217 : vector<1x64x128xi32> to vector<64x128xi32>
    %add3A_219 = arith.addi %add3A_213, %get3A_218 : vector<64x128xi32>
    %get3A_220 = arith.constant 11 : index
    %get3A_221 = arith.constant 0 : index
    %get3A_222 = arith.constant 0 : index
    %get3A_223 = vector.load %arg0[%get3A_220, %get3A_221, %get3A_222] : memref<32x64x128xi32, #tpu.memory_space<vmem>>, vector<1x64x128xi32>
    %get3A_224 = vector.shape_cast %get3A_223 : vector<1x64x128xi32> to vector<64x128xi32>
    %add3A_225 = arith.addi %add3A_219, %get3A_224 : vector<64x128xi32>
    %slice3A_226 = vector.extract_strided_slice %add3A_225 {offsets = [0, 0], sizes = [32, 128], strides = [1, 1]} : vector<64x128xi32> to vector<32x128xi32>
    %convert_element_type3A_227 = arith.sitofp %slice3A_226 : vector<32x128xi32> to vector<32x128xf32>
    %slice3A_228 = vector.extract_strided_slice %add3A_225 {offsets = [32, 0], sizes = [32, 128], strides = [1, 1]} : vector<64x128xi32> to vector<32x128xi32>
    %convert_element_type3A_229 = arith.sitofp %slice3A_228 : vector<32x128xi32> to vector<32x128xf32>
    %dot_general3A_230 = arith.constant dense<0.000000e+00> : vector<32x128xf32>
    %dot_general3A_231 = tpu.matmul %convert_element_type3A_227, %convert_element_type3A_1, %dot_general3A_230 {dimension_numbers = #tpu.dot_dimension_numbers<[1], [0], [0], [1], [0, 0, 1, 1], [], []>, precision = #tpu.contract_precision<fp32>, transpose_lhs_hint = false} : vector<32x128xf32>, vector<128x128xf32>, vector<32x128xf32> -> vector<32x128xf32>
    %dot_general3A_232 = arith.constant dense<0.000000e+00> : vector<32x1xf32>
    %dot_general3A_233 = tpu.matmul %convert_element_type3A_227, %broadcast_in_dim3A_6, %dot_general3A_232 {dimension_numbers = #tpu.dot_dimension_numbers<[1], [0], [0], [1], [0, 0, 1, 1], [], []>, precision = #tpu.contract_precision<fp32>, transpose_lhs_hint = false} : vector<32x128xf32>, vector<128x1xf32>, vector<32x1xf32> -> vector<32x1xf32>
    %dot_general3A_234 = arith.constant dense<0.000000e+00> : vector<32x1xf32>
    %dot_general3A_235 = tpu.matmul %convert_element_type3A_5, %dot_general3A_233, %dot_general3A_234 {dimension_numbers = #tpu.dot_dimension_numbers<[1], [0], [0], [1], [0, 0, 1, 1], [], []>, precision = #tpu.contract_precision<fp32>, transpose_lhs_hint = false} : vector<32x32xf32>, vector<32x1xf32>, vector<32x1xf32> -> vector<32x1xf32>
    %add3A_236 = vector.broadcast %dot_general3A_235 : vector<32x1xf32> to vector<32x128xf32>
    %add3A_237 = arith.addf %dot_general3A_231, %add3A_236 : vector<32x128xf32>
    %dot_general3A_238 = arith.constant dense<0.000000e+00> : vector<32x128xf32>
    %dot_general3A_239 = tpu.matmul %convert_element_type3A_229, %convert_element_type3A_1, %dot_general3A_238 {dimension_numbers = #tpu.dot_dimension_numbers<[1], [0], [0], [1], [0, 0, 1, 1], [], []>, precision = #tpu.contract_precision<fp32>, transpose_lhs_hint = false} : vector<32x128xf32>, vector<128x128xf32>, vector<32x128xf32> -> vector<32x128xf32>
    %dot_general3A_240 = arith.constant dense<0.000000e+00> : vector<32x1xf32>
    %dot_general3A_241 = tpu.matmul %convert_element_type3A_229, %broadcast_in_dim3A_6, %dot_general3A_240 {dimension_numbers = #tpu.dot_dimension_numbers<[1], [0], [0], [1], [0, 0, 1, 1], [], []>, precision = #tpu.contract_precision<fp32>, transpose_lhs_hint = false} : vector<32x128xf32>, vector<128x1xf32>, vector<32x1xf32> -> vector<32x1xf32>
    %dot_general3A_242 = arith.constant dense<0.000000e+00> : vector<32x1xf32>
    %dot_general3A_243 = tpu.matmul %convert_element_type3A_5, %dot_general3A_241, %dot_general3A_242 {dimension_numbers = #tpu.dot_dimension_numbers<[1], [0], [0], [1], [0, 0, 1, 1], [], []>, precision = #tpu.contract_precision<fp32>, transpose_lhs_hint = false} : vector<32x32xf32>, vector<32x1xf32>, vector<32x1xf32> -> vector<32x1xf32>
    %add3A_244 = vector.broadcast %dot_general3A_243 : vector<32x1xf32> to vector<32x128xf32>
    %add3A_245 = arith.addf %dot_general3A_239, %add3A_244 : vector<32x128xf32>
    %reduce_sum3A_246 = vector.shape_cast %dot_general3A_233 : vector<32x1xf32> to vector<1x32x1xf32>
    %reduce_sum3A_247 = arith.constant dense<0.000000e+00> : vector<1xf32>
    %reduce_sum3A_248 = vector.multi_reduction <add>, %reduce_sum3A_246, %reduce_sum3A_247 [1, 2] : vector<1x32x1xf32> to vector<1xf32>
    %reduce_sum3A_249 = vector.shape_cast %reduce_sum3A_248 : vector<1xf32> to vector<1x1x1xf32>
    %reduce_sum3A_250 = vector.extract %reduce_sum3A_249[0, 0, 0] : f32 from vector<1x1x1xf32>
    %reduce_sum3A_251 = vector.shape_cast %dot_general3A_241 : vector<32x1xf32> to vector<1x32x1xf32>
    %reduce_sum3A_252 = arith.constant dense<0.000000e+00> : vector<1xf32>
    %reduce_sum3A_253 = vector.multi_reduction <add>, %reduce_sum3A_251, %reduce_sum3A_252 [1, 2] : vector<1x32x1xf32> to vector<1xf32>
    %reduce_sum3A_254 = vector.shape_cast %reduce_sum3A_253 : vector<1xf32> to vector<1x1x1xf32>
    %reduce_sum3A_255 = vector.extract %reduce_sum3A_254[0, 0, 0] : f32 from vector<1x1x1xf32>
    %sub3A_256 = vector.broadcast %reduce_sum3A_250 : f32 to vector<32x128xf32>
    %sub3A_257 = arith.subf %sub3A_256, %add3A_237 : vector<32x128xf32>
    %add3A_258 = arith.addf %sub3A_257, %convert_element_type3A_227 : vector<32x128xf32>
    %sub3A_259 = vector.broadcast %reduce_sum3A_255 : f32 to vector<32x128xf32>
    %sub3A_260 = arith.subf %sub3A_259, %add3A_245 : vector<32x128xf32>
    %add3A_261 = arith.addf %sub3A_260, %convert_element_type3A_229 : vector<32x128xf32>
    %add3A_262 = vector.broadcast %reduce_sum3A_255 : f32 to vector<32x128xf32>
    %add3A_263 = arith.addf %add3A_262, %add3A_258 : vector<32x128xf32>
    %sub3A_264 = arith.subf %add3A_263, %add3A_261 : vector<32x128xf32>
    %max3A_265 = arith.constant 1.000000e+00 : f32
    %max3A_266 = vector.broadcast %max3A_265 : f32 to vector<32x128xf32>
    %max3A_267 = arith.maximumf %sub3A_264, %max3A_266 : vector<32x128xf32>
    %gt3A_268 = arith.constant 0.000000e+00 : f32
    %gt3A_269 = vector.broadcast %gt3A_268 : f32 to vector<32x128xf32>
    %gt3A_270 = arith.cmpf ogt, %add3A_258, %gt3A_269 : vector<32x128xf32>
    %sub3A_271 = vector.broadcast %reduce_sum3A_255 : f32 to vector<32x128xf32>
    %sub3A_272 = arith.subf %sub3A_271, %add3A_261 : vector<32x128xf32>
    %div3A_273 = arith.divf %sub3A_272, %max3A_267 : vector<32x128xf32>
    %sub3A_274 = arith.constant 1.000000e+00 : f32
    %sub3A_275 = vector.broadcast %sub3A_274 : f32 to vector<32x128xf32>
    %sub3A_276 = arith.subf %sub3A_275, %div3A_273 : vector<32x128xf32>
    %jit3A_277 = arith.constant 0.000000e+00 : f32
    %broadcast_in_dim3A_278 = vector.broadcast %jit3A_277 : f32 to vector<32x128xf32>
    %select_n3A_279 = arith.select %gt3A_270, %sub3A_276, %broadcast_in_dim3A_278 : vector<32x128xi1>, vector<32x128xf32>
    %mul3A_280 = arith.mulf %select_n3A_279, %sub3A_40 : vector<32x128xf32>
    %reduce_sum3A_281 = vector.shape_cast %mul3A_280 : vector<32x128xf32> to vector<1x32x128xf32>
    %reduce_sum3A_282 = arith.constant dense<0.000000e+00> : vector<1xf32>
    %reduce_sum3A_283 = vector.multi_reduction <add>, %reduce_sum3A_281, %reduce_sum3A_282 [1, 2] : vector<1x32x128xf32> to vector<1xf32>
    %reduce_sum3A_284 = vector.shape_cast %reduce_sum3A_283 : vector<1xf32> to vector<1x1x1xf32>
    %reduce_sum3A_285 = vector.extract %reduce_sum3A_284[0, 0, 0] : f32 from vector<1x1x1xf32>
    %add3A_286 = arith.addf %add3A_202, %reduce_sum3A_285 : f32
    %get3A_287 = arith.constant 12 : index
    %get3A_288 = arith.constant 0 : index
    %get3A_289 = arith.constant 0 : index
    %get3A_290 = vector.load %arg0[%get3A_287, %get3A_288, %get3A_289] : memref<32x64x128xi32, #tpu.memory_space<vmem>>, vector<1x64x128xi32>
    %get3A_291 = vector.shape_cast %get3A_290 : vector<1x64x128xi32> to vector<64x128xi32>
    %get3A_292 = arith.constant 13 : index
    %get3A_293 = arith.constant 0 : index
    %get3A_294 = arith.constant 0 : index
    %get3A_295 = vector.load %arg0[%get3A_292, %get3A_293, %get3A_294] : memref<32x64x128xi32, #tpu.memory_space<vmem>>, vector<1x64x128xi32>
    %get3A_296 = vector.shape_cast %get3A_295 : vector<1x64x128xi32> to vector<64x128xi32>
    %add3A_297 = arith.addi %get3A_291, %get3A_296 : vector<64x128xi32>
    %get3A_298 = arith.constant 14 : index
    %get3A_299 = arith.constant 0 : index
    %get3A_300 = arith.constant 0 : index
    %get3A_301 = vector.load %arg0[%get3A_298, %get3A_299, %get3A_300] : memref<32x64x128xi32, #tpu.memory_space<vmem>>, vector<1x64x128xi32>
    %get3A_302 = vector.shape_cast %get3A_301 : vector<1x64x128xi32> to vector<64x128xi32>
    %add3A_303 = arith.addi %add3A_297, %get3A_302 : vector<64x128xi32>
    %get3A_304 = arith.constant 15 : index
    %get3A_305 = arith.constant 0 : index
    %get3A_306 = arith.constant 0 : index
    %get3A_307 = vector.load %arg0[%get3A_304, %get3A_305, %get3A_306] : memref<32x64x128xi32, #tpu.memory_space<vmem>>, vector<1x64x128xi32>
    %get3A_308 = vector.shape_cast %get3A_307 : vector<1x64x128xi32> to vector<64x128xi32>
    %add3A_309 = arith.addi %add3A_303, %get3A_308 : vector<64x128xi32>
    %slice3A_310 = vector.extract_strided_slice %add3A_309 {offsets = [0, 0], sizes = [32, 128], strides = [1, 1]} : vector<64x128xi32> to vector<32x128xi32>
    %convert_element_type3A_311 = arith.sitofp %slice3A_310 : vector<32x128xi32> to vector<32x128xf32>
    %slice3A_312 = vector.extract_strided_slice %add3A_309 {offsets = [32, 0], sizes = [32, 128], strides = [1, 1]} : vector<64x128xi32> to vector<32x128xi32>
    %convert_element_type3A_313 = arith.sitofp %slice3A_312 : vector<32x128xi32> to vector<32x128xf32>
    %dot_general3A_314 = arith.constant dense<0.000000e+00> : vector<32x128xf32>
    %dot_general3A_315 = tpu.matmul %convert_element_type3A_311, %convert_element_type3A_1, %dot_general3A_314 {dimension_numbers = #tpu.dot_dimension_numbers<[1], [0], [0], [1], [0, 0, 1, 1], [], []>, precision = #tpu.contract_precision<fp32>, transpose_lhs_hint = false} : vector<32x128xf32>, vector<128x128xf32>, vector<32x128xf32> -> vector<32x128xf32>
    %dot_general3A_316 = arith.constant dense<0.000000e+00> : vector<32x1xf32>
    %dot_general3A_317 = tpu.matmul %convert_element_type3A_311, %broadcast_in_dim3A_6, %dot_general3A_316 {dimension_numbers = #tpu.dot_dimension_numbers<[1], [0], [0], [1], [0, 0, 1, 1], [], []>, precision = #tpu.contract_precision<fp32>, transpose_lhs_hint = false} : vector<32x128xf32>, vector<128x1xf32>, vector<32x1xf32> -> vector<32x1xf32>
    %dot_general3A_318 = arith.constant dense<0.000000e+00> : vector<32x1xf32>
    %dot_general3A_319 = tpu.matmul %convert_element_type3A_5, %dot_general3A_317, %dot_general3A_318 {dimension_numbers = #tpu.dot_dimension_numbers<[1], [0], [0], [1], [0, 0, 1, 1], [], []>, precision = #tpu.contract_precision<fp32>, transpose_lhs_hint = false} : vector<32x32xf32>, vector<32x1xf32>, vector<32x1xf32> -> vector<32x1xf32>
    %add3A_320 = vector.broadcast %dot_general3A_319 : vector<32x1xf32> to vector<32x128xf32>
    %add3A_321 = arith.addf %dot_general3A_315, %add3A_320 : vector<32x128xf32>
    %dot_general3A_322 = arith.constant dense<0.000000e+00> : vector<32x128xf32>
    %dot_general3A_323 = tpu.matmul %convert_element_type3A_313, %convert_element_type3A_1, %dot_general3A_322 {dimension_numbers = #tpu.dot_dimension_numbers<[1], [0], [0], [1], [0, 0, 1, 1], [], []>, precision = #tpu.contract_precision<fp32>, transpose_lhs_hint = false} : vector<32x128xf32>, vector<128x128xf32>, vector<32x128xf32> -> vector<32x128xf32>
    %dot_general3A_324 = arith.constant dense<0.000000e+00> : vector<32x1xf32>
    %dot_general3A_325 = tpu.matmul %convert_element_type3A_313, %broadcast_in_dim3A_6, %dot_general3A_324 {dimension_numbers = #tpu.dot_dimension_numbers<[1], [0], [0], [1], [0, 0, 1, 1], [], []>, precision = #tpu.contract_precision<fp32>, transpose_lhs_hint = false} : vector<32x128xf32>, vector<128x1xf32>, vector<32x1xf32> -> vector<32x1xf32>
    %dot_general3A_326 = arith.constant dense<0.000000e+00> : vector<32x1xf32>
    %dot_general3A_327 = tpu.matmul %convert_element_type3A_5, %dot_general3A_325, %dot_general3A_326 {dimension_numbers = #tpu.dot_dimension_numbers<[1], [0], [0], [1], [0, 0, 1, 1], [], []>, precision = #tpu.contract_precision<fp32>, transpose_lhs_hint = false} : vector<32x32xf32>, vector<32x1xf32>, vector<32x1xf32> -> vector<32x1xf32>
    %add3A_328 = vector.broadcast %dot_general3A_327 : vector<32x1xf32> to vector<32x128xf32>
    %add3A_329 = arith.addf %dot_general3A_323, %add3A_328 : vector<32x128xf32>
    %reduce_sum3A_330 = vector.shape_cast %dot_general3A_317 : vector<32x1xf32> to vector<1x32x1xf32>
    %reduce_sum3A_331 = arith.constant dense<0.000000e+00> : vector<1xf32>
    %reduce_sum3A_332 = vector.multi_reduction <add>, %reduce_sum3A_330, %reduce_sum3A_331 [1, 2] : vector<1x32x1xf32> to vector<1xf32>
    %reduce_sum3A_333 = vector.shape_cast %reduce_sum3A_332 : vector<1xf32> to vector<1x1x1xf32>
    %reduce_sum3A_334 = vector.extract %reduce_sum3A_333[0, 0, 0] : f32 from vector<1x1x1xf32>
    %reduce_sum3A_335 = vector.shape_cast %dot_general3A_325 : vector<32x1xf32> to vector<1x32x1xf32>
    %reduce_sum3A_336 = arith.constant dense<0.000000e+00> : vector<1xf32>
    %reduce_sum3A_337 = vector.multi_reduction <add>, %reduce_sum3A_335, %reduce_sum3A_336 [1, 2] : vector<1x32x1xf32> to vector<1xf32>
    %reduce_sum3A_338 = vector.shape_cast %reduce_sum3A_337 : vector<1xf32> to vector<1x1x1xf32>
    %reduce_sum3A_339 = vector.extract %reduce_sum3A_338[0, 0, 0] : f32 from vector<1x1x1xf32>
    %sub3A_340 = vector.broadcast %reduce_sum3A_334 : f32 to vector<32x128xf32>
    %sub3A_341 = arith.subf %sub3A_340, %add3A_321 : vector<32x128xf32>
    %add3A_342 = arith.addf %sub3A_341, %convert_element_type3A_311 : vector<32x128xf32>
    %sub3A_343 = vector.broadcast %reduce_sum3A_339 : f32 to vector<32x128xf32>
    %sub3A_344 = arith.subf %sub3A_343, %add3A_329 : vector<32x128xf32>
    %add3A_345 = arith.addf %sub3A_344, %convert_element_type3A_313 : vector<32x128xf32>
    %add3A_346 = vector.broadcast %reduce_sum3A_339 : f32 to vector<32x128xf32>
    %add3A_347 = arith.addf %add3A_346, %add3A_342 : vector<32x128xf32>
    %sub3A_348 = arith.subf %add3A_347, %add3A_345 : vector<32x128xf32>
    %max3A_349 = arith.constant 1.000000e+00 : f32
    %max3A_350 = vector.broadcast %max3A_349 : f32 to vector<32x128xf32>
    %max3A_351 = arith.maximumf %sub3A_348, %max3A_350 : vector<32x128xf32>
    %gt3A_352 = arith.constant 0.000000e+00 : f32
    %gt3A_353 = vector.broadcast %gt3A_352 : f32 to vector<32x128xf32>
    %gt3A_354 = arith.cmpf ogt, %add3A_342, %gt3A_353 : vector<32x128xf32>
    %sub3A_355 = vector.broadcast %reduce_sum3A_339 : f32 to vector<32x128xf32>
    %sub3A_356 = arith.subf %sub3A_355, %add3A_345 : vector<32x128xf32>
    %div3A_357 = arith.divf %sub3A_356, %max3A_351 : vector<32x128xf32>
    %sub3A_358 = arith.constant 1.000000e+00 : f32
    %sub3A_359 = vector.broadcast %sub3A_358 : f32 to vector<32x128xf32>
    %sub3A_360 = arith.subf %sub3A_359, %div3A_357 : vector<32x128xf32>
    %jit3A_361 = arith.constant 0.000000e+00 : f32
    %broadcast_in_dim3A_362 = vector.broadcast %jit3A_361 : f32 to vector<32x128xf32>
    %select_n3A_363 = arith.select %gt3A_354, %sub3A_360, %broadcast_in_dim3A_362 : vector<32x128xi1>, vector<32x128xf32>
    %mul3A_364 = arith.mulf %select_n3A_363, %sub3A_40 : vector<32x128xf32>
    %reduce_sum3A_365 = vector.shape_cast %mul3A_364 : vector<32x128xf32> to vector<1x32x128xf32>
    %reduce_sum3A_366 = arith.constant dense<0.000000e+00> : vector<1xf32>
    %reduce_sum3A_367 = vector.multi_reduction <add>, %reduce_sum3A_365, %reduce_sum3A_366 [1, 2] : vector<1x32x128xf32> to vector<1xf32>
    %reduce_sum3A_368 = vector.shape_cast %reduce_sum3A_367 : vector<1xf32> to vector<1x1x1xf32>
    %reduce_sum3A_369 = vector.extract %reduce_sum3A_368[0, 0, 0] : f32 from vector<1x1x1xf32>
    %add3A_370 = arith.addf %add3A_286, %reduce_sum3A_369 : f32
    %get3A_371 = arith.constant 16 : index
    %get3A_372 = arith.constant 0 : index
    %get3A_373 = arith.constant 0 : index
    %get3A_374 = vector.load %arg0[%get3A_371, %get3A_372, %get3A_373] : memref<32x64x128xi32, #tpu.memory_space<vmem>>, vector<1x64x128xi32>
    %get3A_375 = vector.shape_cast %get3A_374 : vector<1x64x128xi32> to vector<64x128xi32>
    %get3A_376 = arith.constant 17 : index
    %get3A_377 = arith.constant 0 : index
    %get3A_378 = arith.constant 0 : index
    %get3A_379 = vector.load %arg0[%get3A_376, %get3A_377, %get3A_378] : memref<32x64x128xi32, #tpu.memory_space<vmem>>, vector<1x64x128xi32>
    %get3A_380 = vector.shape_cast %get3A_379 : vector<1x64x128xi32> to vector<64x128xi32>
    %add3A_381 = arith.addi %get3A_375, %get3A_380 : vector<64x128xi32>
    %get3A_382 = arith.constant 18 : index
    %get3A_383 = arith.constant 0 : index
    %get3A_384 = arith.constant 0 : index
    %get3A_385 = vector.load %arg0[%get3A_382, %get3A_383, %get3A_384] : memref<32x64x128xi32, #tpu.memory_space<vmem>>, vector<1x64x128xi32>
    %get3A_386 = vector.shape_cast %get3A_385 : vector<1x64x128xi32> to vector<64x128xi32>
    %add3A_387 = arith.addi %add3A_381, %get3A_386 : vector<64x128xi32>
    %get3A_388 = arith.constant 19 : index
    %get3A_389 = arith.constant 0 : index
    %get3A_390 = arith.constant 0 : index
    %get3A_391 = vector.load %arg0[%get3A_388, %get3A_389, %get3A_390] : memref<32x64x128xi32, #tpu.memory_space<vmem>>, vector<1x64x128xi32>
    %get3A_392 = vector.shape_cast %get3A_391 : vector<1x64x128xi32> to vector<64x128xi32>
    %add3A_393 = arith.addi %add3A_387, %get3A_392 : vector<64x128xi32>
    %slice3A_394 = vector.extract_strided_slice %add3A_393 {offsets = [0, 0], sizes = [32, 128], strides = [1, 1]} : vector<64x128xi32> to vector<32x128xi32>
    %convert_element_type3A_395 = arith.sitofp %slice3A_394 : vector<32x128xi32> to vector<32x128xf32>
    %slice3A_396 = vector.extract_strided_slice %add3A_393 {offsets = [32, 0], sizes = [32, 128], strides = [1, 1]} : vector<64x128xi32> to vector<32x128xi32>
    %convert_element_type3A_397 = arith.sitofp %slice3A_396 : vector<32x128xi32> to vector<32x128xf32>
    %dot_general3A_398 = arith.constant dense<0.000000e+00> : vector<32x128xf32>
    %dot_general3A_399 = tpu.matmul %convert_element_type3A_395, %convert_element_type3A_1, %dot_general3A_398 {dimension_numbers = #tpu.dot_dimension_numbers<[1], [0], [0], [1], [0, 0, 1, 1], [], []>, precision = #tpu.contract_precision<fp32>, transpose_lhs_hint = false} : vector<32x128xf32>, vector<128x128xf32>, vector<32x128xf32> -> vector<32x128xf32>
    %dot_general3A_400 = arith.constant dense<0.000000e+00> : vector<32x1xf32>
    %dot_general3A_401 = tpu.matmul %convert_element_type3A_395, %broadcast_in_dim3A_6, %dot_general3A_400 {dimension_numbers = #tpu.dot_dimension_numbers<[1], [0], [0], [1], [0, 0, 1, 1], [], []>, precision = #tpu.contract_precision<fp32>, transpose_lhs_hint = false} : vector<32x128xf32>, vector<128x1xf32>, vector<32x1xf32> -> vector<32x1xf32>
    %dot_general3A_402 = arith.constant dense<0.000000e+00> : vector<32x1xf32>
    %dot_general3A_403 = tpu.matmul %convert_element_type3A_5, %dot_general3A_401, %dot_general3A_402 {dimension_numbers = #tpu.dot_dimension_numbers<[1], [0], [0], [1], [0, 0, 1, 1], [], []>, precision = #tpu.contract_precision<fp32>, transpose_lhs_hint = false} : vector<32x32xf32>, vector<32x1xf32>, vector<32x1xf32> -> vector<32x1xf32>
    %add3A_404 = vector.broadcast %dot_general3A_403 : vector<32x1xf32> to vector<32x128xf32>
    %add3A_405 = arith.addf %dot_general3A_399, %add3A_404 : vector<32x128xf32>
    %dot_general3A_406 = arith.constant dense<0.000000e+00> : vector<32x128xf32>
    %dot_general3A_407 = tpu.matmul %convert_element_type3A_397, %convert_element_type3A_1, %dot_general3A_406 {dimension_numbers = #tpu.dot_dimension_numbers<[1], [0], [0], [1], [0, 0, 1, 1], [], []>, precision = #tpu.contract_precision<fp32>, transpose_lhs_hint = false} : vector<32x128xf32>, vector<128x128xf32>, vector<32x128xf32> -> vector<32x128xf32>
    %dot_general3A_408 = arith.constant dense<0.000000e+00> : vector<32x1xf32>
    %dot_general3A_409 = tpu.matmul %convert_element_type3A_397, %broadcast_in_dim3A_6, %dot_general3A_408 {dimension_numbers = #tpu.dot_dimension_numbers<[1], [0], [0], [1], [0, 0, 1, 1], [], []>, precision = #tpu.contract_precision<fp32>, transpose_lhs_hint = false} : vector<32x128xf32>, vector<128x1xf32>, vector<32x1xf32> -> vector<32x1xf32>
    %dot_general3A_410 = arith.constant dense<0.000000e+00> : vector<32x1xf32>
    %dot_general3A_411 = tpu.matmul %convert_element_type3A_5, %dot_general3A_409, %dot_general3A_410 {dimension_numbers = #tpu.dot_dimension_numbers<[1], [0], [0], [1], [0, 0, 1, 1], [], []>, precision = #tpu.contract_precision<fp32>, transpose_lhs_hint = false} : vector<32x32xf32>, vector<32x1xf32>, vector<32x1xf32> -> vector<32x1xf32>
    %add3A_412 = vector.broadcast %dot_general3A_411 : vector<32x1xf32> to vector<32x128xf32>
    %add3A_413 = arith.addf %dot_general3A_407, %add3A_412 : vector<32x128xf32>
    %reduce_sum3A_414 = vector.shape_cast %dot_general3A_401 : vector<32x1xf32> to vector<1x32x1xf32>
    %reduce_sum3A_415 = arith.constant dense<0.000000e+00> : vector<1xf32>
    %reduce_sum3A_416 = vector.multi_reduction <add>, %reduce_sum3A_414, %reduce_sum3A_415 [1, 2] : vector<1x32x1xf32> to vector<1xf32>
    %reduce_sum3A_417 = vector.shape_cast %reduce_sum3A_416 : vector<1xf32> to vector<1x1x1xf32>
    %reduce_sum3A_418 = vector.extract %reduce_sum3A_417[0, 0, 0] : f32 from vector<1x1x1xf32>
    %reduce_sum3A_419 = vector.shape_cast %dot_general3A_409 : vector<32x1xf32> to vector<1x32x1xf32>
    %reduce_sum3A_420 = arith.constant dense<0.000000e+00> : vector<1xf32>
    %reduce_sum3A_421 = vector.multi_reduction <add>, %reduce_sum3A_419, %reduce_sum3A_420 [1, 2] : vector<1x32x1xf32> to vector<1xf32>
    %reduce_sum3A_422 = vector.shape_cast %reduce_sum3A_421 : vector<1xf32> to vector<1x1x1xf32>
    %reduce_sum3A_423 = vector.extract %reduce_sum3A_422[0, 0, 0] : f32 from vector<1x1x1xf32>
    %sub3A_424 = vector.broadcast %reduce_sum3A_418 : f32 to vector<32x128xf32>
    %sub3A_425 = arith.subf %sub3A_424, %add3A_405 : vector<32x128xf32>
    %add3A_426 = arith.addf %sub3A_425, %convert_element_type3A_395 : vector<32x128xf32>
    %sub3A_427 = vector.broadcast %reduce_sum3A_423 : f32 to vector<32x128xf32>
    %sub3A_428 = arith.subf %sub3A_427, %add3A_413 : vector<32x128xf32>
    %add3A_429 = arith.addf %sub3A_428, %convert_element_type3A_397 : vector<32x128xf32>
    %add3A_430 = vector.broadcast %reduce_sum3A_423 : f32 to vector<32x128xf32>
    %add3A_431 = arith.addf %add3A_430, %add3A_426 : vector<32x128xf32>
    %sub3A_432 = arith.subf %add3A_431, %add3A_429 : vector<32x128xf32>
    %max3A_433 = arith.constant 1.000000e+00 : f32
    %max3A_434 = vector.broadcast %max3A_433 : f32 to vector<32x128xf32>
    %max3A_435 = arith.maximumf %sub3A_432, %max3A_434 : vector<32x128xf32>
    %gt3A_436 = arith.constant 0.000000e+00 : f32
    %gt3A_437 = vector.broadcast %gt3A_436 : f32 to vector<32x128xf32>
    %gt3A_438 = arith.cmpf ogt, %add3A_426, %gt3A_437 : vector<32x128xf32>
    %sub3A_439 = vector.broadcast %reduce_sum3A_423 : f32 to vector<32x128xf32>
    %sub3A_440 = arith.subf %sub3A_439, %add3A_429 : vector<32x128xf32>
    %div3A_441 = arith.divf %sub3A_440, %max3A_435 : vector<32x128xf32>
    %sub3A_442 = arith.constant 1.000000e+00 : f32
    %sub3A_443 = vector.broadcast %sub3A_442 : f32 to vector<32x128xf32>
    %sub3A_444 = arith.subf %sub3A_443, %div3A_441 : vector<32x128xf32>
    %jit3A_445 = arith.constant 0.000000e+00 : f32
    %broadcast_in_dim3A_446 = vector.broadcast %jit3A_445 : f32 to vector<32x128xf32>
    %select_n3A_447 = arith.select %gt3A_438, %sub3A_444, %broadcast_in_dim3A_446 : vector<32x128xi1>, vector<32x128xf32>
    %mul3A_448 = arith.mulf %select_n3A_447, %sub3A_40 : vector<32x128xf32>
    %reduce_sum3A_449 = vector.shape_cast %mul3A_448 : vector<32x128xf32> to vector<1x32x128xf32>
    %reduce_sum3A_450 = arith.constant dense<0.000000e+00> : vector<1xf32>
    %reduce_sum3A_451 = vector.multi_reduction <add>, %reduce_sum3A_449, %reduce_sum3A_450 [1, 2] : vector<1x32x128xf32> to vector<1xf32>
    %reduce_sum3A_452 = vector.shape_cast %reduce_sum3A_451 : vector<1xf32> to vector<1x1x1xf32>
    %reduce_sum3A_453 = vector.extract %reduce_sum3A_452[0, 0, 0] : f32 from vector<1x1x1xf32>
    %add3A_454 = arith.addf %add3A_370, %reduce_sum3A_453 : f32
    %get3A_455 = arith.constant 20 : index
    %get3A_456 = arith.constant 0 : index
    %get3A_457 = arith.constant 0 : index
    %get3A_458 = vector.load %arg0[%get3A_455, %get3A_456, %get3A_457] : memref<32x64x128xi32, #tpu.memory_space<vmem>>, vector<1x64x128xi32>
    %get3A_459 = vector.shape_cast %get3A_458 : vector<1x64x128xi32> to vector<64x128xi32>
    %get3A_460 = arith.constant 21 : index
    %get3A_461 = arith.constant 0 : index
    %get3A_462 = arith.constant 0 : index
    %get3A_463 = vector.load %arg0[%get3A_460, %get3A_461, %get3A_462] : memref<32x64x128xi32, #tpu.memory_space<vmem>>, vector<1x64x128xi32>
    %get3A_464 = vector.shape_cast %get3A_463 : vector<1x64x128xi32> to vector<64x128xi32>
    %add3A_465 = arith.addi %get3A_459, %get3A_464 : vector<64x128xi32>
    %get3A_466 = arith.constant 22 : index
    %get3A_467 = arith.constant 0 : index
    %get3A_468 = arith.constant 0 : index
    %get3A_469 = vector.load %arg0[%get3A_466, %get3A_467, %get3A_468] : memref<32x64x128xi32, #tpu.memory_space<vmem>>, vector<1x64x128xi32>
    %get3A_470 = vector.shape_cast %get3A_469 : vector<1x64x128xi32> to vector<64x128xi32>
    %add3A_471 = arith.addi %add3A_465, %get3A_470 : vector<64x128xi32>
    %get3A_472 = arith.constant 23 : index
    %get3A_473 = arith.constant 0 : index
    %get3A_474 = arith.constant 0 : index
    %get3A_475 = vector.load %arg0[%get3A_472, %get3A_473, %get3A_474] : memref<32x64x128xi32, #tpu.memory_space<vmem>>, vector<1x64x128xi32>
    %get3A_476 = vector.shape_cast %get3A_475 : vector<1x64x128xi32> to vector<64x128xi32>
    %add3A_477 = arith.addi %add3A_471, %get3A_476 : vector<64x128xi32>
    %slice3A_478 = vector.extract_strided_slice %add3A_477 {offsets = [0, 0], sizes = [32, 128], strides = [1, 1]} : vector<64x128xi32> to vector<32x128xi32>
    %convert_element_type3A_479 = arith.sitofp %slice3A_478 : vector<32x128xi32> to vector<32x128xf32>
    %slice3A_480 = vector.extract_strided_slice %add3A_477 {offsets = [32, 0], sizes = [32, 128], strides = [1, 1]} : vector<64x128xi32> to vector<32x128xi32>
    %convert_element_type3A_481 = arith.sitofp %slice3A_480 : vector<32x128xi32> to vector<32x128xf32>
    %dot_general3A_482 = arith.constant dense<0.000000e+00> : vector<32x128xf32>
    %dot_general3A_483 = tpu.matmul %convert_element_type3A_479, %convert_element_type3A_1, %dot_general3A_482 {dimension_numbers = #tpu.dot_dimension_numbers<[1], [0], [0], [1], [0, 0, 1, 1], [], []>, precision = #tpu.contract_precision<fp32>, transpose_lhs_hint = false} : vector<32x128xf32>, vector<128x128xf32>, vector<32x128xf32> -> vector<32x128xf32>
    %dot_general3A_484 = arith.constant dense<0.000000e+00> : vector<32x1xf32>
    %dot_general3A_485 = tpu.matmul %convert_element_type3A_479, %broadcast_in_dim3A_6, %dot_general3A_484 {dimension_numbers = #tpu.dot_dimension_numbers<[1], [0], [0], [1], [0, 0, 1, 1], [], []>, precision = #tpu.contract_precision<fp32>, transpose_lhs_hint = false} : vector<32x128xf32>, vector<128x1xf32>, vector<32x1xf32> -> vector<32x1xf32>
    %dot_general3A_486 = arith.constant dense<0.000000e+00> : vector<32x1xf32>
    %dot_general3A_487 = tpu.matmul %convert_element_type3A_5, %dot_general3A_485, %dot_general3A_486 {dimension_numbers = #tpu.dot_dimension_numbers<[1], [0], [0], [1], [0, 0, 1, 1], [], []>, precision = #tpu.contract_precision<fp32>, transpose_lhs_hint = false} : vector<32x32xf32>, vector<32x1xf32>, vector<32x1xf32> -> vector<32x1xf32>
    %add3A_488 = vector.broadcast %dot_general3A_487 : vector<32x1xf32> to vector<32x128xf32>
    %add3A_489 = arith.addf %dot_general3A_483, %add3A_488 : vector<32x128xf32>
    %dot_general3A_490 = arith.constant dense<0.000000e+00> : vector<32x128xf32>
    %dot_general3A_491 = tpu.matmul %convert_element_type3A_481, %convert_element_type3A_1, %dot_general3A_490 {dimension_numbers = #tpu.dot_dimension_numbers<[1], [0], [0], [1], [0, 0, 1, 1], [], []>, precision = #tpu.contract_precision<fp32>, transpose_lhs_hint = false} : vector<32x128xf32>, vector<128x128xf32>, vector<32x128xf32> -> vector<32x128xf32>
    %dot_general3A_492 = arith.constant dense<0.000000e+00> : vector<32x1xf32>
    %dot_general3A_493 = tpu.matmul %convert_element_type3A_481, %broadcast_in_dim3A_6, %dot_general3A_492 {dimension_numbers = #tpu.dot_dimension_numbers<[1], [0], [0], [1], [0, 0, 1, 1], [], []>, precision = #tpu.contract_precision<fp32>, transpose_lhs_hint = false} : vector<32x128xf32>, vector<128x1xf32>, vector<32x1xf32> -> vector<32x1xf32>
    %dot_general3A_494 = arith.constant dense<0.000000e+00> : vector<32x1xf32>
    %dot_general3A_495 = tpu.matmul %convert_element_type3A_5, %dot_general3A_493, %dot_general3A_494 {dimension_numbers = #tpu.dot_dimension_numbers<[1], [0], [0], [1], [0, 0, 1, 1], [], []>, precision = #tpu.contract_precision<fp32>, transpose_lhs_hint = false} : vector<32x32xf32>, vector<32x1xf32>, vector<32x1xf32> -> vector<32x1xf32>
    %add3A_496 = vector.broadcast %dot_general3A_495 : vector<32x1xf32> to vector<32x128xf32>
    %add3A_497 = arith.addf %dot_general3A_491, %add3A_496 : vector<32x128xf32>
    %reduce_sum3A_498 = vector.shape_cast %dot_general3A_485 : vector<32x1xf32> to vector<1x32x1xf32>
    %reduce_sum3A_499 = arith.constant dense<0.000000e+00> : vector<1xf32>
    %reduce_sum3A_500 = vector.multi_reduction <add>, %reduce_sum3A_498, %reduce_sum3A_499 [1, 2] : vector<1x32x1xf32> to vector<1xf32>
    %reduce_sum3A_501 = vector.shape_cast %reduce_sum3A_500 : vector<1xf32> to vector<1x1x1xf32>
    %reduce_sum3A_502 = vector.extract %reduce_sum3A_501[0, 0, 0] : f32 from vector<1x1x1xf32>
    %reduce_sum3A_503 = vector.shape_cast %dot_general3A_493 : vector<32x1xf32> to vector<1x32x1xf32>
    %reduce_sum3A_504 = arith.constant dense<0.000000e+00> : vector<1xf32>
    %reduce_sum3A_505 = vector.multi_reduction <add>, %reduce_sum3A_503, %reduce_sum3A_504 [1, 2] : vector<1x32x1xf32> to vector<1xf32>
    %reduce_sum3A_506 = vector.shape_cast %reduce_sum3A_505 : vector<1xf32> to vector<1x1x1xf32>
    %reduce_sum3A_507 = vector.extract %reduce_sum3A_506[0, 0, 0] : f32 from vector<1x1x1xf32>
    %sub3A_508 = vector.broadcast %reduce_sum3A_502 : f32 to vector<32x128xf32>
    %sub3A_509 = arith.subf %sub3A_508, %add3A_489 : vector<32x128xf32>
    %add3A_510 = arith.addf %sub3A_509, %convert_element_type3A_479 : vector<32x128xf32>
    %sub3A_511 = vector.broadcast %reduce_sum3A_507 : f32 to vector<32x128xf32>
    %sub3A_512 = arith.subf %sub3A_511, %add3A_497 : vector<32x128xf32>
    %add3A_513 = arith.addf %sub3A_512, %convert_element_type3A_481 : vector<32x128xf32>
    %add3A_514 = vector.broadcast %reduce_sum3A_507 : f32 to vector<32x128xf32>
    %add3A_515 = arith.addf %add3A_514, %add3A_510 : vector<32x128xf32>
    %sub3A_516 = arith.subf %add3A_515, %add3A_513 : vector<32x128xf32>
    %max3A_517 = arith.constant 1.000000e+00 : f32
    %max3A_518 = vector.broadcast %max3A_517 : f32 to vector<32x128xf32>
    %max3A_519 = arith.maximumf %sub3A_516, %max3A_518 : vector<32x128xf32>
    %gt3A_520 = arith.constant 0.000000e+00 : f32
    %gt3A_521 = vector.broadcast %gt3A_520 : f32 to vector<32x128xf32>
    %gt3A_522 = arith.cmpf ogt, %add3A_510, %gt3A_521 : vector<32x128xf32>
    %sub3A_523 = vector.broadcast %reduce_sum3A_507 : f32 to vector<32x128xf32>
    %sub3A_524 = arith.subf %sub3A_523, %add3A_513 : vector<32x128xf32>
    %div3A_525 = arith.divf %sub3A_524, %max3A_519 : vector<32x128xf32>
    %sub3A_526 = arith.constant 1.000000e+00 : f32
    %sub3A_527 = vector.broadcast %sub3A_526 : f32 to vector<32x128xf32>
    %sub3A_528 = arith.subf %sub3A_527, %div3A_525 : vector<32x128xf32>
    %jit3A_529 = arith.constant 0.000000e+00 : f32
    %broadcast_in_dim3A_530 = vector.broadcast %jit3A_529 : f32 to vector<32x128xf32>
    %select_n3A_531 = arith.select %gt3A_522, %sub3A_528, %broadcast_in_dim3A_530 : vector<32x128xi1>, vector<32x128xf32>
    %mul3A_532 = arith.mulf %select_n3A_531, %sub3A_40 : vector<32x128xf32>
    %reduce_sum3A_533 = vector.shape_cast %mul3A_532 : vector<32x128xf32> to vector<1x32x128xf32>
    %reduce_sum3A_534 = arith.constant dense<0.000000e+00> : vector<1xf32>
    %reduce_sum3A_535 = vector.multi_reduction <add>, %reduce_sum3A_533, %reduce_sum3A_534 [1, 2] : vector<1x32x128xf32> to vector<1xf32>
    %reduce_sum3A_536 = vector.shape_cast %reduce_sum3A_535 : vector<1xf32> to vector<1x1x1xf32>
    %reduce_sum3A_537 = vector.extract %reduce_sum3A_536[0, 0, 0] : f32 from vector<1x1x1xf32>
    %add3A_538 = arith.addf %add3A_454, %reduce_sum3A_537 : f32
    %get3A_539 = arith.constant 24 : index
    %get3A_540 = arith.constant 0 : index
    %get3A_541 = arith.constant 0 : index
    %get3A_542 = vector.load %arg0[%get3A_539, %get3A_540, %get3A_541] : memref<32x64x128xi32, #tpu.memory_space<vmem>>, vector<1x64x128xi32>
    %get3A_543 = vector.shape_cast %get3A_542 : vector<1x64x128xi32> to vector<64x128xi32>
    %get3A_544 = arith.constant 25 : index
    %get3A_545 = arith.constant 0 : index
    %get3A_546 = arith.constant 0 : index
    %get3A_547 = vector.load %arg0[%get3A_544, %get3A_545, %get3A_546] : memref<32x64x128xi32, #tpu.memory_space<vmem>>, vector<1x64x128xi32>
    %get3A_548 = vector.shape_cast %get3A_547 : vector<1x64x128xi32> to vector<64x128xi32>
    %add3A_549 = arith.addi %get3A_543, %get3A_548 : vector<64x128xi32>
    %get3A_550 = arith.constant 26 : index
    %get3A_551 = arith.constant 0 : index
    %get3A_552 = arith.constant 0 : index
    %get3A_553 = vector.load %arg0[%get3A_550, %get3A_551, %get3A_552] : memref<32x64x128xi32, #tpu.memory_space<vmem>>, vector<1x64x128xi32>
    %get3A_554 = vector.shape_cast %get3A_553 : vector<1x64x128xi32> to vector<64x128xi32>
    %add3A_555 = arith.addi %add3A_549, %get3A_554 : vector<64x128xi32>
    %get3A_556 = arith.constant 27 : index
    %get3A_557 = arith.constant 0 : index
    %get3A_558 = arith.constant 0 : index
    %get3A_559 = vector.load %arg0[%get3A_556, %get3A_557, %get3A_558] : memref<32x64x128xi32, #tpu.memory_space<vmem>>, vector<1x64x128xi32>
    %get3A_560 = vector.shape_cast %get3A_559 : vector<1x64x128xi32> to vector<64x128xi32>
    %add3A_561 = arith.addi %add3A_555, %get3A_560 : vector<64x128xi32>
    %slice3A_562 = vector.extract_strided_slice %add3A_561 {offsets = [0, 0], sizes = [32, 128], strides = [1, 1]} : vector<64x128xi32> to vector<32x128xi32>
    %convert_element_type3A_563 = arith.sitofp %slice3A_562 : vector<32x128xi32> to vector<32x128xf32>
    %slice3A_564 = vector.extract_strided_slice %add3A_561 {offsets = [32, 0], sizes = [32, 128], strides = [1, 1]} : vector<64x128xi32> to vector<32x128xi32>
    %convert_element_type3A_565 = arith.sitofp %slice3A_564 : vector<32x128xi32> to vector<32x128xf32>
    %dot_general3A_566 = arith.constant dense<0.000000e+00> : vector<32x128xf32>
    %dot_general3A_567 = tpu.matmul %convert_element_type3A_563, %convert_element_type3A_1, %dot_general3A_566 {dimension_numbers = #tpu.dot_dimension_numbers<[1], [0], [0], [1], [0, 0, 1, 1], [], []>, precision = #tpu.contract_precision<fp32>, transpose_lhs_hint = false} : vector<32x128xf32>, vector<128x128xf32>, vector<32x128xf32> -> vector<32x128xf32>
    %dot_general3A_568 = arith.constant dense<0.000000e+00> : vector<32x1xf32>
    %dot_general3A_569 = tpu.matmul %convert_element_type3A_563, %broadcast_in_dim3A_6, %dot_general3A_568 {dimension_numbers = #tpu.dot_dimension_numbers<[1], [0], [0], [1], [0, 0, 1, 1], [], []>, precision = #tpu.contract_precision<fp32>, transpose_lhs_hint = false} : vector<32x128xf32>, vector<128x1xf32>, vector<32x1xf32> -> vector<32x1xf32>
    %dot_general3A_570 = arith.constant dense<0.000000e+00> : vector<32x1xf32>
    %dot_general3A_571 = tpu.matmul %convert_element_type3A_5, %dot_general3A_569, %dot_general3A_570 {dimension_numbers = #tpu.dot_dimension_numbers<[1], [0], [0], [1], [0, 0, 1, 1], [], []>, precision = #tpu.contract_precision<fp32>, transpose_lhs_hint = false} : vector<32x32xf32>, vector<32x1xf32>, vector<32x1xf32> -> vector<32x1xf32>
    %add3A_572 = vector.broadcast %dot_general3A_571 : vector<32x1xf32> to vector<32x128xf32>
    %add3A_573 = arith.addf %dot_general3A_567, %add3A_572 : vector<32x128xf32>
    %dot_general3A_574 = arith.constant dense<0.000000e+00> : vector<32x128xf32>
    %dot_general3A_575 = tpu.matmul %convert_element_type3A_565, %convert_element_type3A_1, %dot_general3A_574 {dimension_numbers = #tpu.dot_dimension_numbers<[1], [0], [0], [1], [0, 0, 1, 1], [], []>, precision = #tpu.contract_precision<fp32>, transpose_lhs_hint = false} : vector<32x128xf32>, vector<128x128xf32>, vector<32x128xf32> -> vector<32x128xf32>
    %dot_general3A_576 = arith.constant dense<0.000000e+00> : vector<32x1xf32>
    %dot_general3A_577 = tpu.matmul %convert_element_type3A_565, %broadcast_in_dim3A_6, %dot_general3A_576 {dimension_numbers = #tpu.dot_dimension_numbers<[1], [0], [0], [1], [0, 0, 1, 1], [], []>, precision = #tpu.contract_precision<fp32>, transpose_lhs_hint = false} : vector<32x128xf32>, vector<128x1xf32>, vector<32x1xf32> -> vector<32x1xf32>
    %dot_general3A_578 = arith.constant dense<0.000000e+00> : vector<32x1xf32>
    %dot_general3A_579 = tpu.matmul %convert_element_type3A_5, %dot_general3A_577, %dot_general3A_578 {dimension_numbers = #tpu.dot_dimension_numbers<[1], [0], [0], [1], [0, 0, 1, 1], [], []>, precision = #tpu.contract_precision<fp32>, transpose_lhs_hint = false} : vector<32x32xf32>, vector<32x1xf32>, vector<32x1xf32> -> vector<32x1xf32>
    %add3A_580 = vector.broadcast %dot_general3A_579 : vector<32x1xf32> to vector<32x128xf32>
    %add3A_581 = arith.addf %dot_general3A_575, %add3A_580 : vector<32x128xf32>
    %reduce_sum3A_582 = vector.shape_cast %dot_general3A_569 : vector<32x1xf32> to vector<1x32x1xf32>
    %reduce_sum3A_583 = arith.constant dense<0.000000e+00> : vector<1xf32>
    %reduce_sum3A_584 = vector.multi_reduction <add>, %reduce_sum3A_582, %reduce_sum3A_583 [1, 2] : vector<1x32x1xf32> to vector<1xf32>
    %reduce_sum3A_585 = vector.shape_cast %reduce_sum3A_584 : vector<1xf32> to vector<1x1x1xf32>
    %reduce_sum3A_586 = vector.extract %reduce_sum3A_585[0, 0, 0] : f32 from vector<1x1x1xf32>
    %reduce_sum3A_587 = vector.shape_cast %dot_general3A_577 : vector<32x1xf32> to vector<1x32x1xf32>
    %reduce_sum3A_588 = arith.constant dense<0.000000e+00> : vector<1xf32>
    %reduce_sum3A_589 = vector.multi_reduction <add>, %reduce_sum3A_587, %reduce_sum3A_588 [1, 2] : vector<1x32x1xf32> to vector<1xf32>
    %reduce_sum3A_590 = vector.shape_cast %reduce_sum3A_589 : vector<1xf32> to vector<1x1x1xf32>
    %reduce_sum3A_591 = vector.extract %reduce_sum3A_590[0, 0, 0] : f32 from vector<1x1x1xf32>
    %sub3A_592 = vector.broadcast %reduce_sum3A_586 : f32 to vector<32x128xf32>
    %sub3A_593 = arith.subf %sub3A_592, %add3A_573 : vector<32x128xf32>
    %add3A_594 = arith.addf %sub3A_593, %convert_element_type3A_563 : vector<32x128xf32>
    %sub3A_595 = vector.broadcast %reduce_sum3A_591 : f32 to vector<32x128xf32>
    %sub3A_596 = arith.subf %sub3A_595, %add3A_581 : vector<32x128xf32>
    %add3A_597 = arith.addf %sub3A_596, %convert_element_type3A_565 : vector<32x128xf32>
    %add3A_598 = vector.broadcast %reduce_sum3A_591 : f32 to vector<32x128xf32>
    %add3A_599 = arith.addf %add3A_598, %add3A_594 : vector<32x128xf32>
    %sub3A_600 = arith.subf %add3A_599, %add3A_597 : vector<32x128xf32>
    %max3A_601 = arith.constant 1.000000e+00 : f32
    %max3A_602 = vector.broadcast %max3A_601 : f32 to vector<32x128xf32>
    %max3A_603 = arith.maximumf %sub3A_600, %max3A_602 : vector<32x128xf32>
    %gt3A_604 = arith.constant 0.000000e+00 : f32
    %gt3A_605 = vector.broadcast %gt3A_604 : f32 to vector<32x128xf32>
    %gt3A_606 = arith.cmpf ogt, %add3A_594, %gt3A_605 : vector<32x128xf32>
    %sub3A_607 = vector.broadcast %reduce_sum3A_591 : f32 to vector<32x128xf32>
    %sub3A_608 = arith.subf %sub3A_607, %add3A_597 : vector<32x128xf32>
    %div3A_609 = arith.divf %sub3A_608, %max3A_603 : vector<32x128xf32>
    %sub3A_610 = arith.constant 1.000000e+00 : f32
    %sub3A_611 = vector.broadcast %sub3A_610 : f32 to vector<32x128xf32>
    %sub3A_612 = arith.subf %sub3A_611, %div3A_609 : vector<32x128xf32>
    %jit3A_613 = arith.constant 0.000000e+00 : f32
    %broadcast_in_dim3A_614 = vector.broadcast %jit3A_613 : f32 to vector<32x128xf32>
    %select_n3A_615 = arith.select %gt3A_606, %sub3A_612, %broadcast_in_dim3A_614 : vector<32x128xi1>, vector<32x128xf32>
    %mul3A_616 = arith.mulf %select_n3A_615, %sub3A_40 : vector<32x128xf32>
    %reduce_sum3A_617 = vector.shape_cast %mul3A_616 : vector<32x128xf32> to vector<1x32x128xf32>
    %reduce_sum3A_618 = arith.constant dense<0.000000e+00> : vector<1xf32>
    %reduce_sum3A_619 = vector.multi_reduction <add>, %reduce_sum3A_617, %reduce_sum3A_618 [1, 2] : vector<1x32x128xf32> to vector<1xf32>
    %reduce_sum3A_620 = vector.shape_cast %reduce_sum3A_619 : vector<1xf32> to vector<1x1x1xf32>
    %reduce_sum3A_621 = vector.extract %reduce_sum3A_620[0, 0, 0] : f32 from vector<1x1x1xf32>
    %add3A_622 = arith.addf %add3A_538, %reduce_sum3A_621 : f32
    %get3A_623 = arith.constant 28 : index
    %get3A_624 = arith.constant 0 : index
    %get3A_625 = arith.constant 0 : index
    %get3A_626 = vector.load %arg0[%get3A_623, %get3A_624, %get3A_625] : memref<32x64x128xi32, #tpu.memory_space<vmem>>, vector<1x64x128xi32>
    %get3A_627 = vector.shape_cast %get3A_626 : vector<1x64x128xi32> to vector<64x128xi32>
    %get3A_628 = arith.constant 29 : index
    %get3A_629 = arith.constant 0 : index
    %get3A_630 = arith.constant 0 : index
    %get3A_631 = vector.load %arg0[%get3A_628, %get3A_629, %get3A_630] : memref<32x64x128xi32, #tpu.memory_space<vmem>>, vector<1x64x128xi32>
    %get3A_632 = vector.shape_cast %get3A_631 : vector<1x64x128xi32> to vector<64x128xi32>
    %add3A_633 = arith.addi %get3A_627, %get3A_632 : vector<64x128xi32>
    %get3A_634 = arith.constant 30 : index
    %get3A_635 = arith.constant 0 : index
    %get3A_636 = arith.constant 0 : index
    %get3A_637 = vector.load %arg0[%get3A_634, %get3A_635, %get3A_636] : memref<32x64x128xi32, #tpu.memory_space<vmem>>, vector<1x64x128xi32>
    %get3A_638 = vector.shape_cast %get3A_637 : vector<1x64x128xi32> to vector<64x128xi32>
    %add3A_639 = arith.addi %add3A_633, %get3A_638 : vector<64x128xi32>
    %get3A_640 = arith.constant 31 : index
    %get3A_641 = arith.constant 0 : index
    %get3A_642 = arith.constant 0 : index
    %get3A_643 = vector.load %arg0[%get3A_640, %get3A_641, %get3A_642] : memref<32x64x128xi32, #tpu.memory_space<vmem>>, vector<1x64x128xi32>
    %get3A_644 = vector.shape_cast %get3A_643 : vector<1x64x128xi32> to vector<64x128xi32>
    %add3A_645 = arith.addi %add3A_639, %get3A_644 : vector<64x128xi32>
    %slice3A_646 = vector.extract_strided_slice %add3A_645 {offsets = [0, 0], sizes = [32, 128], strides = [1, 1]} : vector<64x128xi32> to vector<32x128xi32>
    %convert_element_type3A_647 = arith.sitofp %slice3A_646 : vector<32x128xi32> to vector<32x128xf32>
    %slice3A_648 = vector.extract_strided_slice %add3A_645 {offsets = [32, 0], sizes = [32, 128], strides = [1, 1]} : vector<64x128xi32> to vector<32x128xi32>
    %convert_element_type3A_649 = arith.sitofp %slice3A_648 : vector<32x128xi32> to vector<32x128xf32>
    %dot_general3A_650 = arith.constant dense<0.000000e+00> : vector<32x128xf32>
    %dot_general3A_651 = tpu.matmul %convert_element_type3A_647, %convert_element_type3A_1, %dot_general3A_650 {dimension_numbers = #tpu.dot_dimension_numbers<[1], [0], [0], [1], [0, 0, 1, 1], [], []>, precision = #tpu.contract_precision<fp32>, transpose_lhs_hint = false} : vector<32x128xf32>, vector<128x128xf32>, vector<32x128xf32> -> vector<32x128xf32>
    %dot_general3A_652 = arith.constant dense<0.000000e+00> : vector<32x1xf32>
    %dot_general3A_653 = tpu.matmul %convert_element_type3A_647, %broadcast_in_dim3A_6, %dot_general3A_652 {dimension_numbers = #tpu.dot_dimension_numbers<[1], [0], [0], [1], [0, 0, 1, 1], [], []>, precision = #tpu.contract_precision<fp32>, transpose_lhs_hint = false} : vector<32x128xf32>, vector<128x1xf32>, vector<32x1xf32> -> vector<32x1xf32>
    %dot_general3A_654 = arith.constant dense<0.000000e+00> : vector<32x1xf32>
    %dot_general3A_655 = tpu.matmul %convert_element_type3A_5, %dot_general3A_653, %dot_general3A_654 {dimension_numbers = #tpu.dot_dimension_numbers<[1], [0], [0], [1], [0, 0, 1, 1], [], []>, precision = #tpu.contract_precision<fp32>, transpose_lhs_hint = false} : vector<32x32xf32>, vector<32x1xf32>, vector<32x1xf32> -> vector<32x1xf32>
    %add3A_656 = vector.broadcast %dot_general3A_655 : vector<32x1xf32> to vector<32x128xf32>
    %add3A_657 = arith.addf %dot_general3A_651, %add3A_656 : vector<32x128xf32>
    %dot_general3A_658 = arith.constant dense<0.000000e+00> : vector<32x128xf32>
    %dot_general3A_659 = tpu.matmul %convert_element_type3A_649, %convert_element_type3A_1, %dot_general3A_658 {dimension_numbers = #tpu.dot_dimension_numbers<[1], [0], [0], [1], [0, 0, 1, 1], [], []>, precision = #tpu.contract_precision<fp32>, transpose_lhs_hint = false} : vector<32x128xf32>, vector<128x128xf32>, vector<32x128xf32> -> vector<32x128xf32>
    %dot_general3A_660 = arith.constant dense<0.000000e+00> : vector<32x1xf32>
    %dot_general3A_661 = tpu.matmul %convert_element_type3A_649, %broadcast_in_dim3A_6, %dot_general3A_660 {dimension_numbers = #tpu.dot_dimension_numbers<[1], [0], [0], [1], [0, 0, 1, 1], [], []>, precision = #tpu.contract_precision<fp32>, transpose_lhs_hint = false} : vector<32x128xf32>, vector<128x1xf32>, vector<32x1xf32> -> vector<32x1xf32>
    %dot_general3A_662 = arith.constant dense<0.000000e+00> : vector<32x1xf32>
    %dot_general3A_663 = tpu.matmul %convert_element_type3A_5, %dot_general3A_661, %dot_general3A_662 {dimension_numbers = #tpu.dot_dimension_numbers<[1], [0], [0], [1], [0, 0, 1, 1], [], []>, precision = #tpu.contract_precision<fp32>, transpose_lhs_hint = false} : vector<32x32xf32>, vector<32x1xf32>, vector<32x1xf32> -> vector<32x1xf32>
    %add3A_664 = vector.broadcast %dot_general3A_663 : vector<32x1xf32> to vector<32x128xf32>
    %add3A_665 = arith.addf %dot_general3A_659, %add3A_664 : vector<32x128xf32>
    %reduce_sum3A_666 = vector.shape_cast %dot_general3A_653 : vector<32x1xf32> to vector<1x32x1xf32>
    %reduce_sum3A_667 = arith.constant dense<0.000000e+00> : vector<1xf32>
    %reduce_sum3A_668 = vector.multi_reduction <add>, %reduce_sum3A_666, %reduce_sum3A_667 [1, 2] : vector<1x32x1xf32> to vector<1xf32>
    %reduce_sum3A_669 = vector.shape_cast %reduce_sum3A_668 : vector<1xf32> to vector<1x1x1xf32>
    %reduce_sum3A_670 = vector.extract %reduce_sum3A_669[0, 0, 0] : f32 from vector<1x1x1xf32>
    %reduce_sum3A_671 = vector.shape_cast %dot_general3A_661 : vector<32x1xf32> to vector<1x32x1xf32>
    %reduce_sum3A_672 = arith.constant dense<0.000000e+00> : vector<1xf32>
    %reduce_sum3A_673 = vector.multi_reduction <add>, %reduce_sum3A_671, %reduce_sum3A_672 [1, 2] : vector<1x32x1xf32> to vector<1xf32>
    %reduce_sum3A_674 = vector.shape_cast %reduce_sum3A_673 : vector<1xf32> to vector<1x1x1xf32>
    %reduce_sum3A_675 = vector.extract %reduce_sum3A_674[0, 0, 0] : f32 from vector<1x1x1xf32>
    %sub3A_676 = vector.broadcast %reduce_sum3A_670 : f32 to vector<32x128xf32>
    %sub3A_677 = arith.subf %sub3A_676, %add3A_657 : vector<32x128xf32>
    %add3A_678 = arith.addf %sub3A_677, %convert_element_type3A_647 : vector<32x128xf32>
    %sub3A_679 = vector.broadcast %reduce_sum3A_675 : f32 to vector<32x128xf32>
    %sub3A_680 = arith.subf %sub3A_679, %add3A_665 : vector<32x128xf32>
    %add3A_681 = arith.addf %sub3A_680, %convert_element_type3A_649 : vector<32x128xf32>
    %add3A_682 = vector.broadcast %reduce_sum3A_675 : f32 to vector<32x128xf32>
    %add3A_683 = arith.addf %add3A_682, %add3A_678 : vector<32x128xf32>
    %sub3A_684 = arith.subf %add3A_683, %add3A_681 : vector<32x128xf32>
    %max3A_685 = arith.constant 1.000000e+00 : f32
    %max3A_686 = vector.broadcast %max3A_685 : f32 to vector<32x128xf32>
    %max3A_687 = arith.maximumf %sub3A_684, %max3A_686 : vector<32x128xf32>
    %gt3A_688 = arith.constant 0.000000e+00 : f32
    %gt3A_689 = vector.broadcast %gt3A_688 : f32 to vector<32x128xf32>
    %gt3A_690 = arith.cmpf ogt, %add3A_678, %gt3A_689 : vector<32x128xf32>
    %sub3A_691 = vector.broadcast %reduce_sum3A_675 : f32 to vector<32x128xf32>
    %sub3A_692 = arith.subf %sub3A_691, %add3A_681 : vector<32x128xf32>
    %div3A_693 = arith.divf %sub3A_692, %max3A_687 : vector<32x128xf32>
    %sub3A_694 = arith.constant 1.000000e+00 : f32
    %sub3A_695 = vector.broadcast %sub3A_694 : f32 to vector<32x128xf32>
    %sub3A_696 = arith.subf %sub3A_695, %div3A_693 : vector<32x128xf32>
    %jit3A_697 = arith.constant 0.000000e+00 : f32
    %broadcast_in_dim3A_698 = vector.broadcast %jit3A_697 : f32 to vector<32x128xf32>
    %select_n3A_699 = arith.select %gt3A_690, %sub3A_696, %broadcast_in_dim3A_698 : vector<32x128xi1>, vector<32x128xf32>
    %mul3A_700 = arith.mulf %select_n3A_699, %sub3A_40 : vector<32x128xf32>
    %reduce_sum3A_701 = vector.shape_cast %mul3A_700 : vector<32x128xf32> to vector<1x32x128xf32>
    %reduce_sum3A_702 = arith.constant dense<0.000000e+00> : vector<1xf32>
    %reduce_sum3A_703 = vector.multi_reduction <add>, %reduce_sum3A_701, %reduce_sum3A_702 [1, 2] : vector<1x32x128xf32> to vector<1xf32>
    %reduce_sum3A_704 = vector.shape_cast %reduce_sum3A_703 : vector<1xf32> to vector<1x1x1xf32>
    %reduce_sum3A_705 = vector.extract %reduce_sum3A_704[0, 0, 0] : f32 from vector<1x1x1xf32>
    %add3A_706 = arith.addf %add3A_622, %reduce_sum3A_705 : f32
    %div3A_707 = arith.constant 8.000000e+00 : f32
    %div3A_708 = arith.divf %add3A_706, %div3A_707 : f32
    %broadcast_in_dim3A_709 = vector.broadcast %div3A_708 : f32 to vector<8x128xf32>
    %swap3A = arith.constant 0 : index
    %swap3A_710 = arith.constant 0 : index
    %swap3A_711 = vector.load %arg1[%swap3A, %swap3A_710] : memref<8x128xf32, #tpu.memory_space<vmem>>, vector<8x128xf32>
    tpu.vector_store %arg1[%swap3A, %swap3A_710], %broadcast_in_dim3A_709 {strides = array<i32>} : memref<8x128xf32, #tpu.memory_space<vmem>>, vector<8x128xf32>,
    return
  }
}

</mosaic_0001>

<sc_bundles>
// kernel: kernel.4.cloned.1.call-start
scs
__scs_entry_jumppad:
0x0: {  	(pc) =	sbr.rel $0x88, $3  }
0x1: {  	(tag) =	ssettag $0x0;
	lr =	simm.s32 $0x1  }
0x2: {  	[smem:$0x3F9F] =	sst lr;
	_ =	strace $0xD0000000  }
0x3: {  	_ = 	snop  }
0x4: {  	_ = 	snop  }
0x5: {  	_ = 	snop  }
0x6: {  	_ = 	snop  }
0x7: {  	_ = 	snop  }
__scs_overlays_trampoline_lowered:
0x8: {  	[smem:$0x3FAE] =	sst s0  }
0x9: {  	[smem:$0x3FAF] =	sst s1  }
0xa: {  	[smem:$0x3FB0] =	sst s2  }
0xb: {  	[smem:$0x3FB1] =	sst s3  }
0xc: {  	[smem:$0x3FB2] =	sst s4  }
0xd: {  	[smem:$0x3FB3] =	sst s5  }
0xe: {  	[smem:$0x3FB4] =	sst s6  }
0xf: {  	[smem:$0x3FB5] =	sst s7  }
0x10: {  	[smem:$0x3FB6] =	sst s8  }
0x11: {  	[smem:$0x3FB7] =	sst s9;
	s0 =	simm.s32 @!p0 $0x0  }
0x12: {  	s1 =	sld [smem:$0x3F9D];
	s0 =	simm.s32 @p0 $0x1  }
0x13: {  	[smem:$0x3FB8] =	sst s0;
	s0 =	simm.s32 @!p1 $0x0  }
0x14: {  	s2 =	sld [smem:$0x3F9C];
	s0 =	simm.s32 @p1 $0x1  }
0x15: {  	[smem:$0x3FB9] =	sst s0;
	s0 =	simm.s32 @!p2 $0x0  }
0x16: {  	s3 =	sld [smem:$0x3FDB];
	s0 =	simm.s32 @p2 $0x1  }
0x17: {  	s4 =	simm.s32 $0x1BF5;
	[smem:$0x3FBB] =	sst s0  }
0x18: {  	s0 =	sld [smem:$0x3F9E];
	_ =	swait.ge [sflag:s4], $0x0  }
0x19: {  	s7 =	sld [smem:$0x3F9F]  }
0x1a: {  	s8 =	sadd.s32 $0xFFFFE003, lr  }
0x1b: {  	s9 =	sadd.s32 $0xFFFFFEF7, lr;
	s5 =	simm.s32 $0xFFFFFFFF;
	p2 =	slt.u32 s8, $0xFFFFF086  }
0x1c: {  	p1 =	slt.u32 s9, $0xF7A;
	s5 =	simm.s32 @!p2 $0x0  }
0x1d: {  	s5 =	simm.s32 @p1 $0x1;
	p0 =	seq.s32 s7, s2  }
0x1e: {  	s7 =	smul.u32 @!p0 $0xF7A, s2;
	p2 =	seq.s32 @!p0 s5, $0x0  }
0x1f: {  	s9 =	smul.u32 $0xF7A, s1;
	s8 =	simm.s32 @!p0 $0x1BF5;
	p2 =	por !p2, p0  }
0x20: {  	[sflag:s8] =	ssyncset.s32 @!p0 $0xFFFFF086;
	s6 =	sadd.s32 @!p0 s3, s7;
	s7 =	simm.s32 @!p0 $0x108  }
0x21: {  	s3 =	sadd.s32 s3, s9;
	s6 =	sadd.s32 @!p0 $0x88, s6;
	s7 =	simm.s32 @p2 $0x1082  }
0x22: {  	[simem:s7], [sflag:s8] =	dma.local @!p0 [hbm:s6], $0xF7A  }
0x23: {  	s9 =	sor.u32 $0xD0000000, s2;
	s6 =	simm.s32 $0x108;
	_ =	swait.ge @!p0 [sflag:s8], $0x0  }
0x24: {  	s3 =	sadd.s32 $0x88, s3;
	s6 =	simm.s32 @!p1 $0x1082;
	[sflag:s4] =	ssyncset.s32 $0xFFFFF086  }
0x25: {  	[simem:s6], [sflag:s4] =	dma.local [hbm:s3], $0xF7A  }
0x26: {  	[smem:$0x3F9F] =	sst s1;
	(tag) =	ssettag s2;
	_ =	strace s9  }
0x27: {  	s1 =	sld [smem:$0x3FAF]  }
0x28: {  	s2 =	sld [smem:$0x3FB0]  }
0x29: {  	s4 =	sld [smem:$0x3FB2]  }
0x2a: {  	p0 =	seq.s32 s5, $0x0;
	s5 =	sld [smem:$0x3FB3]  }
0x2b: {  	s6 =	sld [smem:$0x3FB4]  }
0x2c: {  	s7 =	sld [smem:$0x3FB5]  }
0x2d: {  	s3 =	simm.s32 $0x108;
	s8 =	sld [smem:$0x3FB6]  }
0x2e: {  	s3 =	simm.s32 @!p0 $0x1082;
	s9 =	sld [smem:$0x3FB7]  }
0x2f: {  	lr =	sadd.s32 s0, s3;
	s0 =	sld [smem:$0x3FAE]  }
0x30: {  	s3 =	sld [smem:$0x3FB1]  }
0x31: {  	[smem:$0x3FBA] =	sst s10  }
0x32: {  	s10 =	sld [smem:$0x3FB8];
	_ =	sdelay $0x3  }
0x33: {  	p0 =	seq.s32 s10, $0x1;
	s10 =	sld [smem:$0x3FBA];
	_ =	sdelay $0x3  }
0x34: {  	[smem:$0x3FBA] =	sst s10  }
0x35: {  	s10 =	sld [smem:$0x3FB9];
	_ =	sdelay $0x3  }
0x36: {  	p1 =	seq.s32 s10, $0x1;
	s10 =	sld [smem:$0x3FBA];
	_ =	sdelay $0x3  }
0x37: {  	[smem:$0x3FBA] =	sst s10  }
0x38: {  	s10 =	sld [smem:$0x3FBB]  }
0x39: {  	_ = 	snop;
	(pc) =	sbr.ind lr, $3  }
0x3a: {  	_ = 	snop  }
0x3b: {  	_ = 	snop  }
0x3c: {  	p2 =	seq.s32 s10, $0x1;
	s10 =	sld [smem:$0x3FBA]  }
0x3d: {  	_ =	shalt  }
0x3e: {  	_ =	shalt  }
0x3f: {  	_ =	shalt  }
0x40: {  	_ =	shalt  }
0x41: {  	_ =	shalt  }
0x42: {  	_ =	shalt  }
0x43: {  	_ =	shalt  }
0x44: {  	_ =	shalt  }
0x45: {  	_ =	shalt  }
0x46: {  	_ =	shalt  }
0x47: {  	_ =	shalt  }
0x48: {  	_ =	shalt  }
0x49: {  	_ =	shalt  }
0x4a: {  	_ =	shalt  }
0x4b: {  	_ =	shalt  }
0x4c: {  	_ =	shalt  }
0x4d: {  	_ =	shalt  }
0x4e: {  	_ =	shalt  }
0x4f: {  	_ =	shalt  }
0x50: {  	_ =	shalt  }
0x51: {  	_ =	shalt  }
0x52: {  	_ =	shalt  }
0x53: {  	_ =	shalt  }
0x54: {  	_ =	shalt  }
0x55: {  	_ =	shalt  }
0x56: {  	_ =	shalt  }
0x57: {  	_ =	shalt  }
0x58: {  	_ =	shalt  }
0x59: {  	_ =	shalt  }
0x5a: {  	_ =	shalt  }
0x5b: {  	_ =	shalt  }
0x5c: {  	_ =	shalt  }
0x5d: {  	_ =	shalt  }
0x5e: {  	_ =	shalt  }
0x5f: {  	_ =	shalt  }
0x60: {  	_ =	shalt  }
0x61: {  	_ =	shalt  }
0x62: {  	_ =	shalt  }
0x63: {  	_ =	shalt  }
0x64: {  	_ =	shalt  }
0x65: {  	_ =	shalt  }
0x66: {  	_ =	shalt  }
0x67: {  	_ =	shalt  }
0x68: {  	_ =	shalt  }
0x69: {  	_ =	shalt  }
0x6a: {  	_ =	shalt  }
0x6b: {  	_ =	shalt  }
0x6c: {  	_ =	shalt  }
0x6d: {  	_ =	shalt  }
0x6e: {  	_ =	shalt  }
0x6f: {  	_ =	shalt  }
0x70: {  	_ =	shalt  }
0x71: {  	_ =	shalt  }
0x72: {  	_ =	shalt  }
0x73: {  	_ =	shalt  }
0x74: {  	_ =	shalt  }
0x75: {  	_ =	shalt  }
0x76: {  	_ =	shalt  }
0x77: {  	_ =	shalt  }
0x78: {  	_ =	shalt  }
0x79: {  	_ =	shalt  }
0x7a: {  	_ =	shalt  }
0x7b: {  	_ =	shalt  }
0x7c: {  	_ =	shalt  }
0x7d: {  	_ =	shalt  }
0x7e: {  	_ =	shalt  }
0x7f: {  	_ =	shalt  }
0x80: {  	_ =	shalt  }
0x81: {  	_ =	shalt  }
0x82: {  	_ =	shalt  }
0x83: {  	_ =	shalt  }
0x84: {  	_ =	shalt  }
0x85: {  	_ =	shalt  }
0x86: {  	_ =	shalt  }
0x87: {  	_ =	shalt  }
.Lfunc_end0:
.L_simem_size_0:
called_computation_lowered:
.L_overlay_start_0:
0x88: {  	s2 =	sld [smem:$0x3FD9]  }
0x89: {  	s3 =	sld [smem:$0x3FFE];
	_ =	sdelay $0x1  }
0x8a: {  	s1 =	srdreg.scid  }
0x8b: {  	s0 =	sand.u32 $0x1, s1  }
0x8c: {  	s17 =	sshll.u32 s0, $0xA;
	s2 =	sadd.s32 s3, s2  }
0x8d: {  	s2 =	sadd.s32 s2, s17  }
0x8e: {  	[smem:$0x3FC6] =	sst s2  }
0x8f: {  	_ = 	snop  }
0x90: {  	s2 =	sld [smem:$0x3FC9]  }
0x91: {  	s18 =	sld [smem:$0x3FC8];
	(tm) =	ssettm $0x1  }
0x92: {  	s4 =	sld [smem:$0x3FFB];
	_ =	sdelay $0x3  }
0x93: {  	_ =	strace s4  }
0x94: {  	s4 =	sld [smem:$0x3FFC];
	_ =	sdelay $0x3  }
0x95: {  	_ =	strace s4  }
0x96: {  	s4 =	sld [smem:$0x3FFD];
	_ =	sdelay $0x3  }
0x97: {  	_ =	strace s4  }
0x98: {  	_ =	strace $0x8FFFFFFF  }
0x99: {  	s19 =	sld [smem:$0x3FDB];
	_ =	sdelay $0x1  }
0x9a: {  	s5 =	simm.s32 $_scs_section_size  }
0x9b: {  	s6 =	simm.s32 $_size__tile_overlayer_lowered;
	s7 =	simm.s32 $_tile_overlayer_lowered  }
0x9c: {  	s22 =	simm.s32 $0x1BFF;
	s21 =	sshll.u32 s7, $0x1;
	s4 =	sadd.s32 s5, s19  }
0x9d: {  	s8 =	simm.s32 $0x0;
	s20 =	sshll.u32 s6, $0x1;
	s6 =	sadd.s32 s21, s4  }
0x9e: {  	[timem:s8], [sflag:s22] =	dma.local [hbm:s6], s20  }
0x9f: {  	_ =	swait.ge [sflag:s22], s20  }
0xa0: {  	s5 =	ssub.s32 $0x0, s20;
	[sflag:s22] =	ssyncset.done $0x0  }
0xa1: {  	[sflag:s22] =	ssyncadd.s32 s5;
	_ =	sdelay $0x1  }
0xa2: {  	s23 =	simm.s32 $0x1B8B  }
0xa3: {  	_ =	swait.ge [sflag:s23], $0x1  }
0xa4: {  	[sflag:s23] =	ssyncset.done $0x0  }
0xa5: {  	s25 =	simm.s32 $0x1B8E;
	s24 =	sld [smem:$0x3FFE];
	[sflag:s23] =	ssyncadd.s32 $0xFFFFFFFF  }
0xa6: {  	s26 =	simm.s32 $execute0_lowered;
	[smem:$0x3FD2] =	sst s25  }
0xa7: {  	s6 =	sshll.u32 s26, $0x1;
	_ =	strace $0x80000046;
	[dreg:$0x1] =	wrdreg $0xFFFFFFFF  }
0xa8: {  	s28 =	simm.s32 $_size_execute0_lowered;
	s4 =	sadd.s32 s4, s6;
	[dreg:$0x0] =	wrdreg $0x0  }
0xa9: {  	s6 =	sshll.u32 s28, $0x1;
	[dreg:$0x2] =	wrdreg s4  }
0xaa: {  	[dreg:$0x3] =	wrdreg s6  }
0xab: {  	[dreg:$0x4] =	wrdreg $0xC0  }
0xac: {  	_ =	task [dreg:s8], $0x5FFFF  }
0xad: {  	[dreg:$0x1] =	wrdreg $0xFFFFFFFF  }
0xae: {  	[dreg:$0x0] =	wrdreg $0x60  }
0xaf: {  	[dreg:$0x2] =	wrdreg s2  }
0xb0: {  	[dreg:$0x3] =	wrdreg s18  }
0xb1: {  	[dreg:$0x4] =	wrdreg s24  }
0xb2: {  	[dreg:$0x5] =	wrdreg $0x9  }
0xb3: {  	_ =	task.clear_ibuf [dreg:s8], $0x6FFFF;
	_ =	strace $0x90000046  }
0xb4: {  	s29 =	simm.s32 $0x9;
	_ =	strace $0x80000048  }
0xb5: {  	_ =	swait.ge [sflag:s29], $0x1  }
0xb6: {  	[sflag:s29] =	ssyncadd.s32 $0xFFFFFFFF  }
0xb7: {  	_ =	strace $0x90000048  }
0xb8: {  	_ =	sfence  }
0xb9: {  	s30 =	sld [smem:$0x0];
	_ =	sdelay $0x2  }
0xba: {  	s31 =	sshll.u32 s1, $0xD;
	s1 =	sshrl.u32 s1, $0x2  }
0xbb: {  	s3 =	sand.u32 $0x4000, s31;
	s1 =	sadd.s32 s1, s30  }
0xbc: {  	s0 =	sor.u32 s3, s0;
	s1 =	sshll.u32 s1, $0x11  }
0xbd: {  	s0 =	sor.u32 s1, s0  }
0xbe: {  	s0 =	sadd.s32 $0x8F2B, s0  }
0xbf: {  	[sflag:s0] =	ssyncadd.remote.s32 $0x1  }
0xc0: {  	_ =	sfence.sel $0xFFFF  }
0xc1: {  	[dreg:$0x0] =	wrdreg $0xFFFFFFFF;
	(pc) =	sbr.abs _section_cstart, $3  }
0xc2: {  	[dreg:$0x1] =	wrdreg $0xFFFFFFFF  }
0xc3: {  	_ =	task.clear_ibuf [dreg:s8], $0x2FFFF;
	_ =	strace $0x9FFFFFFF  }
0xc4: {  	(tm) =	ssettm $0x7FFFFFFF  }
0xc5: {  	_ =	shalt  }
tec
execute0_lowered:
.L_overlay_start_1:
0x0: {  	(tag) =	ssettag $0x1  }
0x1: {  	s1 =	rddreg [dreg:$0x0]  }
0x2: {  	s0 =	srdreg.scid;
	s19 =	rddreg [dreg:$0x1]  }
0x3: {  	s4 =	stileid.u32;
	s5 =	rddreg [dreg:$0x2]  }
0x4: {  	s6 =	simm.s32 $0x1;
	s22 =	simm.s32 $0x4000;
	s0 =	sand.u32 $0x1, s0  }
0x5: {  	s23 =	simm.s32 $0x2000;
	s24 =	simm.s32 $0x6000;
	s2 =	sshll.u32 s0, $0x4  }
0x6: {  	s25 =	simm.s32 $0x8000;
	s3 =	sor.u32 s4, s2;
	s4 =	sand.u32 $0x3, s4  }
0x7: {  	s26 =	simm.s32 $0x2;
	p0 =	seq.s32 s3, $0x0;
	p1 =	sne.s32 s4, $0x0  }
0x8: {  	s29 =	simm.s32 $0x3;
	s30 =	simm.s32 $0x0;
	p0 =	por !p1, !p0  }
0x9: {  	s0 =	ssub.s32 $0x2, s0;
	s2 =	simm.s32 $0x0;
	p0 =	por !p0, !p0  }
0xa: {  	s28 =	sshrl.u32 s0, $0x1;
	s7 =	sshrl.u32 s3, $0x2;
	s6 =	simm.s32 @!p0 $0x0  }
0xb: {  	[smem:$0x7FF] =	sst s2;
	s3 =	sshll.u32 s3, $0xA;
	s6 =	ssub.s32 s7, s6  }
0xc: {  	s4 =	sshll.u32 s4, $0x10;
	s0 =	ssub.s32 s0, s28;
	s6 =	sshll.u32 s6, $0x12  }
0xd: {  	_ =	strace $0x80000047;
	s20 =	sadd.s32 s3, s5;
	s4 =	sor.u32 s4, s6  }
0xe: {  	s3 =	simm.s32 $0x1;
	s20 =	sadd.s32 $0x600, s20;
	s18 =	sshrl.u32 s4, $0x3  }
0xf: {  	s4 =	sadd.s32 s1, s18;
	s5 =	sadd.s32 s19, s18;
	s31 =	sor.u32 $0x400, s18  }
0x10: {  	v0 =	vlaneseq.u32;
	s9 =	sor.u32 $0x800, s18;
	s11 =	sor.u32 $0xC00, s18;
	s13 =	sor.u32 $0x1000, s18  }
0x11: {  	v1 =	vimm.s32 $0x0;
	v2 =	vmul.u32 $0x1000, v0;
	v3 =	vor.u32 $0x10, v0;
	s15 =	sor.u32 $0x1400, s18;
	s17 =	sor.u32 $0x1800, s18;
	s21 =	sor.u32 $0x1C00, s18  }
0x12: {  	v4 =	vor.u32 $0x20, v0;
	v5 =	vor.u32 $0x30, v0;
	v6 =	vor.u32 $0x40, v0;
	s6 =	sadd.s32 s1, s31;
	s7 =	sadd.s32 s19, s31;
	s8 =	sadd.s32 s1, s9  }
0x13: {  	v7 =	vor.u32 $0x50, v0;
	v8 =	vor.u32 $0x60, v0;
	v9 =	vor.u32 $0x70, v0;
	s9 =	sadd.s32 s19, s9;
	s10 =	sadd.s32 s1, s11;
	s11 =	sadd.s32 s19, s11  }
0x14: {  	v10 =	vor.u32 $0x2000, v0;
	v11 =	vor.u32 $0x2010, v0;
	v12 =	vor.u32 $0x2020, v0;
	s12 =	sadd.s32 s1, s13;
	s13 =	sadd.s32 s19, s13;
	s14 =	sadd.s32 s1, s15  }
0x15: {  	v13 =	vor.u32 $0x2030, v0;
	v14 =	vor.u32 $0x2040, v0;
	v15 =	vor.u32 $0x2050, v0;
	s15 =	sadd.s32 s19, s15;
	s16 =	sadd.s32 s1, s17;
	s17 =	sadd.s32 s19, s17  }
0x16: {  	v16 =	vor.u32 $0x2060, v0;
	v17 =	vor.u32 $0x2070, v0;
	v2 =	vadd.s32 $0xFFFF8D01, v2;
	s18 =	sadd.s32 s1, s21;
	s19 =	sadd.s32 s19, s21;
	s21 =	smax.u32 s0, $0x1  }
.LBB2_1:
0x17: {  	[tilespmem:s2], [sflag:$0x1] =	stream.linear.gather [hbm4b:s4+s2], $0x2000, $0x38;
	[tilespmem:$0x1A000] =	vst v63  }
0x18: {  	s1 =	simm.s32 $0x8040  }
0x19: {  	[tilespmem:s22], [sflag:$0x1] =	stream.linear.gather [hbm4b:s5+s2], $0x2000, $0x38;
	[tilespmem:$0x1A000] =	vst v63  }
0x1a: {  	[tilespmem:s1+$0xFFFFFFC0] =	vst v1  }
0x1b: {  	[tilespmem:s1+$0x30] =	vst v1  }
0x1c: {  	[tilespmem:s1+$0x20] =	vst v1  }
0x1d: {  	[tilespmem:s1+$0x10] =	vst v1  }
0x1e: {  	[tilespmem:s1+$0x0] =	vst v1  }
0x1f: {  	[tilespmem:s1+$0xFFFFFFF0] =	vst v1  }
0x20: {  	s0 =	simm.s32 $0x0;
	[tilespmem:s1+$0xFFFFFFE0] =	vst v1  }
.LBB2_2:
0x21: {  	s0 =	sadd.s32 $0x80, s0;
	[tilespmem:s1+$0xFFFFFFD0] =	vst v1;
	s1 =	sadd.s32 $0x80, s1  }
0x22: {  	[tilespmem:s1+$0xFFFFFFC0] =	vst v1;
	p0 =	slt.u32 s0, $0xFF80  }
0x23: {  	[tilespmem:s1+$0x30] =	vst v1  }
.Ltmp0:
0x24: {  	[tilespmem:s1+$0x20] =	vst v1;
	(pc) =	sbr.rel @p0 .LBB2_2-.Ltmp0, $4  }
0x25: {  	[tilespmem:s1+$0x10] =	vst v1  }
0x26: {  	[tilespmem:s1+$0x0] =	vst v1  }
0x27: {  	[tilespmem:s1+$0xFFFFFFF0] =	vst v1  }
0x28: {  	[tilespmem:s1+$0xFFFFFFE0] =	vst v1  }
0x29: {  	s0 =	simm.s32 $0x0  }
0x2a: {  	[tilespmem:s1+$0xFFFFFFD0] =	vst v1;
	v18 =	vmov s0  }
0x2b: {  	_ =	swait.ge [sflag:s3], $0x2000;
	v19 =	vshll.u32 v18, $0x3  }
0x2c: {  	[sflag:s3] =	ssyncset.done $0x0;
	v20 =	vand.u32 $0x1000, v18;
	v18 =	vshrl.u32 v18, $0x2;
	v19 =	vand.u32 $0xC00, v19  }
0x2d: {  	[sflag:s3] =	ssyncadd.s32 $0xFFFFE000;
	v18 =	vand.u32 $0x380, v18;
	v19 =	vor.u32 v19, v20  }
0x2e: {  	_ =	swait.ge [sflag:s3], $0x2000;
	v18 =	vor.u32 v18, v19  }
0x2f: {  	[sflag:s3] =	ssyncset.done $0x0;
	v20 =	vor.u32 v9, v18  }
0x30: {  	[sflag:s3] =	ssyncadd.s32 $0xFFFFE000;
	v25 =	vor.u32 v0, v18  }
0x31: {  	v26 =	vor.u32 v3, v18;
	[tilespmem:s23], [sflag:$0x2] =	stream.linear.gather [hbm4b:s6+s2], $0x2000, $0x38;
	[tilespmem:$0x1A000] =	vst v63  }
0x32: {  	v27 =	vor.u32 v4, v18  }
0x33: {  	v28 =	vor.u32 v5, v18;
	[tilespmem:s24], [sflag:$0x2] =	stream.linear.gather [hbm4b:s7+s2], $0x2000, $0x38;
	[tilespmem:$0x1A000] =	vst v63  }
0x34: {  	v29 =	vor.u32 v6, v18;
	v31 =	vld.idx.msk [tilespmem:v20+s22+$0x0], $0xffff  }
0x35: {  	v30 =	vor.u32 v7, v18;
	v21 =	vld.idx.msk [tilespmem:v25+s22+$0x0], $0xffff  }
0x36: {  	v23 =	vld.idx.msk [tilespmem:v26+s22+$0x0], $0xffff  }
0x37: {  	v24 =	vld.idx.msk [tilespmem:v27+s22+$0x0], $0xffff  }
0x38: {  	v32 =	vor.u32 v8, v18;
	v18 =	vld.idx.msk [tilespmem:v28+s22+$0x0], $0xffff  }
0x39: {  	v19 =	vld.idx.msk [tilespmem:v29+s22+$0x0], $0xffff  }
0x3a: {  	v22 =	vld.idx.msk [tilespmem:v30+s22+$0x0], $0xffff  }
0x3b: {  	v34 =	vld.idx.msk [tilespmem:v20+s2+$0x0], $0xffff;
	v33 =	vcvt.s32.f32 v31;
	v35 =	vcvt.s32.f32 v21  }
0x3c: {  	v25 =	vld.idx.msk [tilespmem:v25+s2+$0x0], $0xffff;
	v20 =	vshll.u32 v21, $0x10;
	v36 =	vcvt.s32.f32 v23;
	v21 =	vshll.u32 v23, $0x10  }
0x3d: {  	v26 =	vld.idx.msk [tilespmem:v26+s2+$0x0], $0xffff;
	v37 =	vcvt.s32.f32 v24;
	v38 =	vcvt.s32.f32 v18;
	v33 =	vadd.f32 v33, v33  }
0x3e: {  	v27 =	vld.idx.msk [tilespmem:v27+s2+$0x0], $0xffff;
	v39 =	vcvt.s32.f32 v19;
	v35 =	vadd.f32 v35, v35;
	v36 =	vadd.f32 v36, v36  }
0x3f: {  	v23 =	vld.idx.msk [tilespmem:v32+s22+$0x0], $0xffff;
	v58 =	vcvt.s32.f32 v22;
	v37 =	vadd.f32 v37, v37;
	v38 =	vadd.f32 v38, v38  }
0x40: {  	v28 =	vld.idx.msk [tilespmem:v28+s2+$0x0], $0xffff;
	v57 =	vadd.f32 v39, v39;
	v33 =	vadd.f32 $-1.000000000e+00, v33  }
0x41: {  	v29 =	vld.idx.msk [tilespmem:v29+s2+$0x0], $0xffff;
	v60 =	vadd.f32 v58, v58;
	v35 =	vadd.f32 $-1.000000000e+00, v35  }
0x42: {  	v30 =	vld.idx.msk [tilespmem:v30+s2+$0x0], $0xffff;
	v36 =	vadd.f32 $-1.000000000e+00, v36;
	v56 =	vadd.f32 $-1.000000000e+00, v37;
	v33 =	vmul.f32 v33, v34  }
0x43: {  	v24 =	vshll.u32 v24, $0x10;
	v38 =	vadd.f32 $-1.000000000e+00, v38;
	v59 =	vadd.f32 $-1.000000000e+00, v57  }
0x44: {  	v40 =	vcvt.s32.f32 v23;
	v25 =	vmul.f32 v35, v25;
	v33 =	vsub.f32 $1.000000000e+00, v33  }
0x45: {  	v62 =	vadd.f32 $-1.000000000e+00, v60;
	v26 =	vmul.f32 v36, v26;
	v27 =	vmul.f32 v56, v27  }
0x46: {  	v32 =	vld.idx.msk [tilespmem:v32+s2+$0x0], $0xffff;
	v28 =	vmul.f32 v38, v28;
	v35 =	vmul.f32 v59, v29;
	v33 =	vshra.s32 v33, $0xF  }
0x47: {  	v30 =	vmul.f32 v62, v30;
	v61 =	vadd.f32 v40, v40;
	vm0 =	vgt.s32 v33, $0x72FF  }
0x48: {  	v25 =	vsub.f32 $1.000000000e+00, v25;
	v26 =	vsub.f32 $1.000000000e+00, v26;
	v33 =	vnsel vm0, $0x72FF, v33  }
0x49: {  	v27 =	vsub.f32 $1.000000000e+00, v27;
	v36 =	vadd.f32 $-1.000000000e+00, v61;
	v29 =	vmin.u32 v33, $0x82FE  }
0x4a: {  	v28 =	vsub.f32 $1.000000000e+00, v28;
	v34 =	vsub.f32 $1.000000000e+00, v30;
	v33 =	vadd.s32 v2, v29  }
0x4b: {  	v30 =	vshra.s32 v26, $0xF;
	v26 =	vshll.u32 v31, $0x10;
	v32 =	vmul.f32 v36, v32  }
0x4c: {  	v31 =	vshra.s32 v27, $0xF;
	v28 =	vshra.s32 v28, $0xF;
	v63 =	vor.u32 $0x1, v26  }
0x4d: {  	v32 =	vsub.f32 $1.000000000e+00, v32;
	v29 =	vshra.s32 v25, $0xF;
	v25 =	vsub.f32 $1.000000000e+00, v35  }
0x4e: {  	v26 =	vshra.s32 v34, $0xF;
	vm1 =	vgt.s32 v31, $0x72FF;
	vm0 =	vgt.s32 v30, $0x72FF  }
0x4f: {  	vm2 =	vgt.s32 v29, $0x72FF;
	v27 =	vshra.s32 v25, $0xF;
	v25 =	vshra.s32 v32, $0xF;
	[tilespmem:v33+s25+$0x0] =	vst.idx.add.s32.msk $0xffff, v63  }
.LBB2_4:
0x50: {  	s0 =	sadd.s32 $0x80, s0;
	vm3 =	vgt.s32 v28, $0x72FF;
	vm4 =	vgt.s32 v27, $0x72FF;
	vm5 =	vgt.s32 v26, $0x72FF  }
0x51: {  	v29 =	vnsel vm2, $0x72FF, v29;
	vm2 =	vgt.s32 v25, $0x72FF;
	v32 =	vmov s0;
	p0 =	slt.u32 s0, $0x1F80  }
0x52: {  	v30 =	vnsel vm0, $0x72FF, v30;
	v31 =	vnsel vm1, $0x72FF, v31;
	v33 =	vshll.u32 v32, $0x3  }
0x53: {  	v34 =	vand.u32 $0x1000, v32;
	v32 =	vshrl.u32 v32, $0x2;
	v33 =	vand.u32 $0xC00, v33  }
0x54: {  	v28 =	vnsel vm3, $0x72FF, v28;
	v32 =	vand.u32 $0x380, v32;
	v33 =	vor.u32 v33, v34  }
0x55: {  	v27 =	vnsel vm4, $0x72FF, v27;
	v26 =	vnsel vm5, $0x72FF, v26;
	v32 =	vor.u32 v32, v33  }
0x56: {  	v33 =	vor.u32 v0, v32;
	v34 =	vor.u32 v3, v32;
	v35 =	vor.u32 v9, v32  }
0x57: {  	v36 =	vor.u32 v4, v32;
	v37 =	vor.u32 v5, v32;
	v38 =	vor.u32 v6, v32  }
0x58: {  	v25 =	vnsel vm2, $0x72FF, v25;
	v39 =	vor.u32 v7, v32;
	v32 =	vor.u32 v8, v32  }
0x59: {  	v29 =	vmin.u32 v29, $0x82FE;
	v30 =	vmin.u32 v30, $0x82FE;
	v31 =	vmin.u32 v31, $0x82FE  }
0x5a: {  	v28 =	vmin.u32 v28, $0x82FE;
	v27 =	vmin.u32 v27, $0x82FE;
	v26 =	vmin.u32 v26, $0x82FE  }
0x5b: {  	v41 =	vshll.u32 v18, $0x10;
	v42 =	vshll.u32 v19, $0x10;
	v18 =	vmin.u32 v25, $0x82FE;
	v40 =	vld.idx.msk [tilespmem:v35+s22+$0x0], $0xffff  }
0x5c: {  	v22 =	vshll.u32 v22, $0x10;
	v23 =	vshll.u32 v23, $0x10;
	v29 =	vadd.s32 v2, v29;
	v25 =	vld.idx.msk [tilespmem:v33+s22+$0x0], $0xffff  }
0x5d: {  	v30 =	vadd.s32 v2, v30;
	v31 =	vadd.s32 v2, v31;
	v28 =	vadd.s32 v2, v28;
	v43 =	vld.idx.msk [tilespmem:v34+s22+$0x0], $0xffff  }
0x5e: {  	v27 =	vadd.s32 v2, v27;
	v26 =	vadd.s32 v2, v26;
	v45 =	vadd.s32 v2, v18;
	v44 =	vld.idx.msk [tilespmem:v36+s22+$0x0], $0xffff  }
0x5f: {  	v46 =	vor.u32 $0x1, v20;
	v47 =	vor.u32 $0x1, v21;
	v48 =	vor.u32 $0x1, v24;
	v18 =	vld.idx.msk [tilespmem:v37+s22+$0x0], $0xffff  }
0x60: {  	v41 =	vor.u32 $0x1, v41;
	v42 =	vor.u32 $0x1, v42;
	v49 =	vor.u32 $0x1, v22;
	v19 =	vld.idx.msk [tilespmem:v38+s22+$0x0], $0xffff  }
0x61: {  	v50 =	vor.u32 $0x1, v23;
	v24 =	vcvt.s32.f32 v40;
	v35 =	vld.idx.msk [tilespmem:v35+s2+$0x0], $0xffff  }
0x62: {  	v51 =	vcvt.s32.f32 v25;
	v20 =	vshll.u32 v25, $0x10;
	v22 =	vld.idx.msk [tilespmem:v39+s22+$0x0], $0xffff  }
0x63: {  	v25 =	vcvt.s32.f32 v43;
	v21 =	vshll.u32 v43, $0x10;
	v43 =	vadd.f32 v24, v24;
	v23 =	vld.idx.msk [tilespmem:v32+s22+$0x0], $0xffff  }
0x64: {  	v51 =	vadd.f32 v51, v51;
	v52 =	vcvt.s32.f32 v44;
	v24 =	vshll.u32 v44, $0x10;
	v33 =	vld.idx.msk [tilespmem:v33+s2+$0x0], $0xffff  }
0x65: {  	v25 =	vadd.f32 v25, v25;
	v44 =	vcvt.s32.f32 v18;
	v43 =	vadd.f32 $-1.000000000e+00, v43;
	v34 =	vld.idx.msk [tilespmem:v34+s2+$0x0], $0xffff  }
0x66: {  	v51 =	vadd.f32 $-1.000000000e+00, v51;
	v52 =	vadd.f32 v52, v52;
	v53 =	vcvt.s32.f32 v19;
	v36 =	vld.idx.msk [tilespmem:v36+s2+$0x0], $0xffff  }
0x67: {  	v25 =	vadd.f32 $-1.000000000e+00, v25;
	v44 =	vadd.f32 v44, v44;
	v35 =	vmul.f32 v43, v35;
	v37 =	vld.idx.msk [tilespmem:v37+s2+$0x0], $0xffff  }
0x68: {  	v43 =	vadd.f32 $-1.000000000e+00, v52;
	v52 =	vadd.f32 v53, v53;
	v53 =	vcvt.s32.f32 v22;
	v38 =	vld.idx.msk [tilespmem:v38+s2+$0x0], $0xffff  }
0x69: {  	v44 =	vadd.f32 $-1.000000000e+00, v44;
	v54 =	vcvt.s32.f32 v23;
	v35 =	vsub.f32 $1.000000000e+00, v35;
	v39 =	vld.idx.msk [tilespmem:v39+s2+$0x0], $0xffff  }
0x6a: {  	v33 =	vmul.f32 v51, v33;
	v51 =	vadd.f32 $-1.000000000e+00, v52;
	v52 =	vadd.f32 v53, v53;
	v32 =	vld.idx.msk [tilespmem:v32+s2+$0x0], $0xffff  }
0x6b: {  	v25 =	vmul.f32 v25, v34;
	v34 =	vadd.f32 v54, v54;
	v35 =	vshra.s32 v35, $0xF;
	[tilespmem:v29+s25+$0x0] =	vst.idx.add.s32.msk $0xffff, v46  }
0x6c: {  	v29 =	vmul.f32 v43, v36;
	v36 =	vadd.f32 $-1.000000000e+00, v52;
	vm0 =	vgt.s32 v35, $0x72FF;
	[tilespmem:v30+s25+$0x0] =	vst.idx.add.s32.msk $0xffff, v47  }
0x6d: {  	v30 =	vmul.f32 v44, v37;
	v34 =	vadd.f32 $-1.000000000e+00, v34;
	v35 =	vnsel vm0, $0x72FF, v35;
	[tilespmem:v31+s25+$0x0] =	vst.idx.add.s32.msk $0xffff, v48  }
0x6e: {  	v31 =	vsub.f32 $1.000000000e+00, v33;
	v33 =	vmul.f32 v51, v38;
	v35 =	vmin.u32 v35, $0x82FE;
	[tilespmem:v28+s25+$0x0] =	vst.idx.add.s32.msk $0xffff, v41  }
0x6f: {  	v25 =	vsub.f32 $1.000000000e+00, v25;
	v28 =	vmul.f32 v36, v39;
	v35 =	vadd.s32 v2, v35;
	[tilespmem:v27+s25+$0x0] =	vst.idx.add.s32.msk $0xffff, v42  }
0x70: {  	v36 =	vsub.f32 $1.000000000e+00, v30;
	v27 =	vsub.f32 $1.000000000e+00, v29;
	v32 =	vmul.f32 v34, v32;
	[tilespmem:v26+s25+$0x0] =	vst.idx.add.s32.msk $0xffff, v49  }
.Ltmp1:
0x71: {  	v29 =	vshra.s32 v31, $0xF;
	v26 =	vsub.f32 $1.000000000e+00, v33;
	v33 =	vsub.f32 $1.000000000e+00, v28;
	[tilespmem:v45+s25+$0x0] =	vst.idx.add.s32.msk $0xffff, v50;
	(pc) =	sbr.rel @p0 .LBB2_4-.Ltmp1, $4  }
0x72: {  	v30 =	vshra.s32 v25, $0xF;
	v25 =	vsub.f32 $1.000000000e+00, v32;
	v32 =	vshll.u32 v40, $0x10  }
0x73: {  	v28 =	vshra.s32 v36, $0xF;
	v31 =	vshra.s32 v27, $0xF;
	v32 =	vor.u32 $0x1, v32  }
0x74: {  	v27 =	vshra.s32 v26, $0xF;
	v26 =	vshra.s32 v33, $0xF;
	v25 =	vshra.s32 v25, $0xF;
	[tilespmem:v35+s25+$0x0] =	vst.idx.add.s32.msk $0xffff, v32  }
0x75: {  	vm0 =	vgt.s32 v30, $0x72FF;
	vm2 =	vgt.s32 v29, $0x72FF;
	vm1 =	vgt.s32 v31, $0x72FF  }
0x76: {  	vm3 =	vgt.s32 v28, $0x72FF;
	vm4 =	vgt.s32 v27, $0x72FF  }
0x77: {  	vm5 =	vgt.s32 v26, $0x72FF;
	v29 =	vnsel vm2, $0x72FF, v29;
	vm2 =	vgt.s32 v25, $0x72FF  }
0x78: {  	v30 =	vnsel vm0, $0x72FF, v30;
	v31 =	vnsel vm1, $0x72FF, v31;
	v29 =	vmin.u32 v29, $0x82FE  }
0x79: {  	v20 =	vor.u32 $0x1, v20;
	v30 =	vmin.u32 v30, $0x82FE;
	v29 =	vadd.s32 v2, v29  }
0x7a: {  	v28 =	vnsel vm3, $0x72FF, v28;
	v31 =	vmin.u32 v31, $0x82FE;
	v30 =	vadd.s32 v2, v30  }
0x7b: {  	v27 =	vnsel vm4, $0x72FF, v27;
	v28 =	vmin.u32 v28, $0x82FE;
	v31 =	vadd.s32 v2, v31  }
0x7c: {  	v26 =	vnsel vm5, $0x72FF, v26;
	v27 =	vmin.u32 v27, $0x82FE;
	v28 =	vadd.s32 v2, v28  }
0x7d: {  	v25 =	vnsel vm2, $0x72FF, v25;
	v26 =	vmin.u32 v26, $0x82FE;
	v27 =	vadd.s32 v2, v27  }
0x7e: {  	v21 =	vor.u32 $0x1, v21;
	v25 =	vmin.u32 v25, $0x82FE;
	v26 =	vadd.s32 v2, v26;
	[tilespmem:v29+s25+$0x0] =	vst.idx.add.s32.msk $0xffff, v20  }
0x7f: {  	v18 =	vshll.u32 v18, $0x10;
	v24 =	vor.u32 $0x1, v24;
	v20 =	vadd.s32 v2, v25;
	[tilespmem:v30+s25+$0x0] =	vst.idx.add.s32.msk $0xffff, v21  }
0x80: {  	v19 =	vshll.u32 v19, $0x10;
	v18 =	vor.u32 $0x1, v18;
	[tilespmem:v31+s25+$0x0] =	vst.idx.add.s32.msk $0xffff, v24  }
0x81: {  	v19 =	vor.u32 $0x1, v19;
	v21 =	vshll.u32 v22, $0x10;
	[tilespmem:v28+s25+$0x0] =	vst.idx.add.s32.msk $0xffff, v18  }
0x82: {  	v18 =	vshll.u32 v23, $0x10;
	v21 =	vor.u32 $0x1, v21;
	[tilespmem:v27+s25+$0x0] =	vst.idx.add.s32.msk $0xffff, v19  }
0x83: {  	s0 =	simm.s32 $0x0;
	v18 =	vor.u32 $0x1, v18;
	[tilespmem:v26+s25+$0x0] =	vst.idx.add.s32.msk $0xffff, v21  }
0x84: {  	[tilespmem:v20+s25+$0x0] =	vst.idx.add.s32.msk $0xffff, v18;
	v18 =	vmov s0  }
0x85: {  	_ =	swait.ge [sflag:s26], $0x2000;
	v19 =	vshll.u32 v18, $0x3  }
0x86: {  	v20 =	vand.u32 $0x1000, v18;
	v18 =	vshrl.u32 v18, $0x2;
	[sflag:s26] =	ssyncset.done $0x0;
	v19 =	vand.u32 $0xC00, v19  }
0x87: {  	v18 =	vand.u32 $0x380, v18;
	[sflag:s26] =	ssyncadd.s32 $0xFFFFE000;
	v19 =	vor.u32 v19, v20  }
0x88: {  	_ =	swait.ge [sflag:s26], $0x2000;
	v18 =	vor.u32 v18, v19  }
0x89: {  	[sflag:s26] =	ssyncset.done $0x0;
	v20 =	vor.u32 v17, v18  }
0x8a: {  	v25 =	vor.u32 v10, v18;
	[sflag:s26] =	ssyncadd.s32 $0xFFFFE000  }
0x8b: {  	v26 =	vor.u32 v11, v18;
	[tilespmem:s2], [sflag:$0x1] =	stream.linear.gather [hbm4b:s8+s2], $0x2000, $0x38;
	[tilespmem:$0x1A000] =	vst v63  }
0x8c: {  	v27 =	vor.u32 v12, v18  }
0x8d: {  	v28 =	vor.u32 v13, v18;
	[tilespmem:s22], [sflag:$0x1] =	stream.linear.gather [hbm4b:s9+s2], $0x2000, $0x38;
	[tilespmem:$0x1A000] =	vst v63  }
0x8e: {  	v29 =	vor.u32 v14, v18;
	v31 =	vld.idx.msk [tilespmem:v20+s22+$0x0], $0xffff  }
0x8f: {  	v30 =	vor.u32 v15, v18;
	v21 =	vld.idx.msk [tilespmem:v25+s22+$0x0], $0xffff  }
0x90: {  	v23 =	vld.idx.msk [tilespmem:v26+s22+$0x0], $0xffff  }
0x91: {  	v24 =	vld.idx.msk [tilespmem:v27+s22+$0x0], $0xffff  }
0x92: {  	v32 =	vor.u32 v16, v18;
	v18 =	vld.idx.msk [tilespmem:v28+s22+$0x0], $0xffff  }
0x93: {  	v19 =	vld.idx.msk [tilespmem:v29+s22+$0x0], $0xffff  }
0x94: {  	v22 =	vld.idx.msk [tilespmem:v30+s22+$0x0], $0xffff  }
0x95: {  	v34 =	vld.idx.msk [tilespmem:v20+s2+$0x0], $0xffff;
	v33 =	vcvt.s32.f32 v31;
	v35 =	vcvt.s32.f32 v21  }
0x96: {  	v25 =	vld.idx.msk [tilespmem:v25+s2+$0x0], $0xffff;
	v20 =	vshll.u32 v21, $0x10;
	v36 =	vcvt.s32.f32 v23;
	v21 =	vshll.u32 v23, $0x10  }
0x97: {  	v26 =	vld.idx.msk [tilespmem:v26+s2+$0x0], $0xffff;
	v37 =	vcvt.s32.f32 v24;
	v38 =	vcvt.s32.f32 v18;
	v33 =	vadd.f32 v33, v33  }
0x98: {  	v27 =	vld.idx.msk [tilespmem:v27+s2+$0x0], $0xffff;
	v39 =	vcvt.s32.f32 v19;
	v35 =	vadd.f32 v35, v35;
	v36 =	vadd.f32 v36, v36  }
0x99: {  	v23 =	vld.idx.msk [tilespmem:v32+s22+$0x0], $0xffff;
	v58 =	vcvt.s32.f32 v22;
	v37 =	vadd.f32 v37, v37;
	v38 =	vadd.f32 v38, v38  }
0x9a: {  	v28 =	vld.idx.msk [tilespmem:v28+s2+$0x0], $0xffff;
	v57 =	vadd.f32 v39, v39;
	v33 =	vadd.f32 $-1.000000000e+00, v33  }
0x9b: {  	v29 =	vld.idx.msk [tilespmem:v29+s2+$0x0], $0xffff;
	v60 =	vadd.f32 v58, v58;
	v35 =	vadd.f32 $-1.000000000e+00, v35  }
0x9c: {  	v30 =	vld.idx.msk [tilespmem:v30+s2+$0x0], $0xffff;
	v36 =	vadd.f32 $-1.000000000e+00, v36;
	v56 =	vadd.f32 $-1.000000000e+00, v37;
	v33 =	vmul.f32 v33, v34  }
0x9d: {  	v24 =	vshll.u32 v24, $0x10;
	v38 =	vadd.f32 $-1.000000000e+00, v38;
	v59 =	vadd.f32 $-1.000000000e+00, v57  }
0x9e: {  	v40 =	vcvt.s32.f32 v23;
	v25 =	vmul.f32 v35, v25;
	v33 =	vsub.f32 $1.000000000e+00, v33  }
0x9f: {  	v62 =	vadd.f32 $-1.000000000e+00, v60;
	v26 =	vmul.f32 v36, v26;
	v27 =	vmul.f32 v56, v27  }
0xa0: {  	v32 =	vld.idx.msk [tilespmem:v32+s2+$0x0], $0xffff;
	v28 =	vmul.f32 v38, v28;
	v35 =	vmul.f32 v59, v29;
	v33 =	vshra.s32 v33, $0xF  }
0xa1: {  	v30 =	vmul.f32 v62, v30;
	v61 =	vadd.f32 v40, v40;
	vm0 =	vgt.s32 v33, $0x72FF  }
0xa2: {  	v25 =	vsub.f32 $1.000000000e+00, v25;
	v26 =	vsub.f32 $1.000000000e+00, v26;
	v33 =	vnsel vm0, $0x72FF, v33  }
0xa3: {  	v27 =	vsub.f32 $1.000000000e+00, v27;
	v36 =	vadd.f32 $-1.000000000e+00, v61;
	v29 =	vmin.u32 v33, $0x82FE  }
0xa4: {  	v28 =	vsub.f32 $1.000000000e+00, v28;
	v34 =	vsub.f32 $1.000000000e+00, v30;
	v33 =	vadd.s32 v2, v29  }
0xa5: {  	v30 =	vshra.s32 v26, $0xF;
	v26 =	vshll.u32 v31, $0x10;
	v32 =	vmul.f32 v36, v32  }
0xa6: {  	v31 =	vshra.s32 v27, $0xF;
	v28 =	vshra.s32 v28, $0xF;
	v63 =	vor.u32 $0x1, v26  }
0xa7: {  	v32 =	vsub.f32 $1.000000000e+00, v32;
	v29 =	vshra.s32 v25, $0xF;
	v25 =	vsub.f32 $1.000000000e+00, v35  }
0xa8: {  	v26 =	vshra.s32 v34, $0xF;
	vm1 =	vgt.s32 v31, $0x72FF;
	vm0 =	vgt.s32 v30, $0x72FF  }
0xa9: {  	vm2 =	vgt.s32 v29, $0x72FF;
	v27 =	vshra.s32 v25, $0xF;
	v25 =	vshra.s32 v32, $0xF;
	[tilespmem:v33+s25+$0x0] =	vst.idx.add.s32.msk $0xffff, v63  }
.LBB2_6:
0xaa: {  	s0 =	sadd.s32 $0x80, s0;
	vm3 =	vgt.s32 v28, $0x72FF;
	vm4 =	vgt.s32 v27, $0x72FF;
	vm5 =	vgt.s32 v26, $0x72FF  }
0xab: {  	v29 =	vnsel vm2, $0x72FF, v29;
	vm2 =	vgt.s32 v25, $0x72FF;
	v32 =	vmov s0;
	p0 =	slt.u32 s0, $0x1F80  }
0xac: {  	v30 =	vnsel vm0, $0x72FF, v30;
	v31 =	vnsel vm1, $0x72FF, v31;
	v33 =	vshll.u32 v32, $0x3  }
0xad: {  	v34 =	vand.u32 $0x1000, v32;
	v32 =	vshrl.u32 v32, $0x2;
	v33 =	vand.u32 $0xC00, v33  }
0xae: {  	v28 =	vnsel vm3, $0x72FF, v28;
	v32 =	vand.u32 $0x380, v32;
	v33 =	vor.u32 v33, v34  }
0xaf: {  	v27 =	vnsel vm4, $0x72FF, v27;
	v26 =	vnsel vm5, $0x72FF, v26;
	v32 =	vor.u32 v32, v33  }
0xb0: {  	v33 =	vor.u32 v10, v32;
	v34 =	vor.u32 v11, v32;
	v35 =	vor.u32 v17, v32  }
0xb1: {  	v36 =	vor.u32 v12, v32;
	v37 =	vor.u32 v13, v32;
	v38 =	vor.u32 v14, v32  }
0xb2: {  	v25 =	vnsel vm2, $0x72FF, v25;
	v39 =	vor.u32 v15, v32;
	v32 =	vor.u32 v16, v32  }
0xb3: {  	v29 =	vmin.u32 v29, $0x82FE;
	v30 =	vmin.u32 v30, $0x82FE;
	v31 =	vmin.u32 v31, $0x82FE  }
0xb4: {  	v28 =	vmin.u32 v28, $0x82FE;
	v27 =	vmin.u32 v27, $0x82FE;
	v26 =	vmin.u32 v26, $0x82FE  }
0xb5: {  	v41 =	vshll.u32 v18, $0x10;
	v42 =	vshll.u32 v19, $0x10;
	v18 =	vmin.u32 v25, $0x82FE;
	v40 =	vld.idx.msk [tilespmem:v35+s22+$0x0], $0xffff  }
0xb6: {  	v22 =	vshll.u32 v22, $0x10;
	v23 =	vshll.u32 v23, $0x10;
	v29 =	vadd.s32 v2, v29;
	v25 =	vld.idx.msk [tilespmem:v33+s22+$0x0], $0xffff  }
0xb7: {  	v30 =	vadd.s32 v2, v30;
	v31 =	vadd.s32 v2, v31;
	v28 =	vadd.s32 v2, v28;
	v43 =	vld.idx.msk [tilespmem:v34+s22+$0x0], $0xffff  }
0xb8: {  	v27 =	vadd.s32 v2, v27;
	v26 =	vadd.s32 v2, v26;
	v45 =	vadd.s32 v2, v18;
	v44 =	vld.idx.msk [tilespmem:v36+s22+$0x0], $0xffff  }
0xb9: {  	v46 =	vor.u32 $0x1, v20;
	v47 =	vor.u32 $0x1, v21;
	v48 =	vor.u32 $0x1, v24;
	v18 =	vld.idx.msk [tilespmem:v37+s22+$0x0], $0xffff  }
0xba: {  	v41 =	vor.u32 $0x1, v41;
	v42 =	vor.u32 $0x1, v42;
	v49 =	vor.u32 $0x1, v22;
	v19 =	vld.idx.msk [tilespmem:v38+s22+$0x0], $0xffff  }
0xbb: {  	v50 =	vor.u32 $0x1, v23;
	v24 =	vcvt.s32.f32 v40;
	v35 =	vld.idx.msk [tilespmem:v35+s2+$0x0], $0xffff  }
0xbc: {  	v51 =	vcvt.s32.f32 v25;
	v20 =	vshll.u32 v25, $0x10;
	v22 =	vld.idx.msk [tilespmem:v39+s22+$0x0], $0xffff  }
0xbd: {  	v25 =	vcvt.s32.f32 v43;
	v21 =	vshll.u32 v43, $0x10;
	v43 =	vadd.f32 v24, v24;
	v23 =	vld.idx.msk [tilespmem:v32+s22+$0x0], $0xffff  }
0xbe: {  	v51 =	vadd.f32 v51, v51;
	v52 =	vcvt.s32.f32 v44;
	v24 =	vshll.u32 v44, $0x10;
	v33 =	vld.idx.msk [tilespmem:v33+s2+$0x0], $0xffff  }
0xbf: {  	v25 =	vadd.f32 v25, v25;
	v44 =	vcvt.s32.f32 v18;
	v43 =	vadd.f32 $-1.000000000e+00, v43;
	v34 =	vld.idx.msk [tilespmem:v34+s2+$0x0], $0xffff  }
0xc0: {  	v51 =	vadd.f32 $-1.000000000e+00, v51;
	v52 =	vadd.f32 v52, v52;
	v53 =	vcvt.s32.f32 v19;
	v36 =	vld.idx.msk [tilespmem:v36+s2+$0x0], $0xffff  }
0xc1: {  	v25 =	vadd.f32 $-1.000000000e+00, v25;
	v44 =	vadd.f32 v44, v44;
	v35 =	vmul.f32 v43, v35;
	v37 =	vld.idx.msk [tilespmem:v37+s2+$0x0], $0xffff  }
0xc2: {  	v43 =	vadd.f32 $-1.000000000e+00, v52;
	v52 =	vadd.f32 v53, v53;
	v53 =	vcvt.s32.f32 v22;
	v38 =	vld.idx.msk [tilespmem:v38+s2+$0x0], $0xffff  }
0xc3: {  	v44 =	vadd.f32 $-1.000000000e+00, v44;
	v54 =	vcvt.s32.f32 v23;
	v35 =	vsub.f32 $1.000000000e+00, v35;
	v39 =	vld.idx.msk [tilespmem:v39+s2+$0x0], $0xffff  }
0xc4: {  	v33 =	vmul.f32 v51, v33;
	v51 =	vadd.f32 $-1.000000000e+00, v52;
	v52 =	vadd.f32 v53, v53;
	v32 =	vld.idx.msk [tilespmem:v32+s2+$0x0], $0xffff  }
0xc5: {  	v25 =	vmul.f32 v25, v34;
	v34 =	vadd.f32 v54, v54;
	v35 =	vshra.s32 v35, $0xF;
	[tilespmem:v29+s25+$0x0] =	vst.idx.add.s32.msk $0xffff, v46  }
0xc6: {  	v29 =	vmul.f32 v43, v36;
	v36 =	vadd.f32 $-1.000000000e+00, v52;
	vm0 =	vgt.s32 v35, $0x72FF;
	[tilespmem:v30+s25+$0x0] =	vst.idx.add.s32.msk $0xffff, v47  }
0xc7: {  	v30 =	vmul.f32 v44, v37;
	v34 =	vadd.f32 $-1.000000000e+00, v34;
	v35 =	vnsel vm0, $0x72FF, v35;
	[tilespmem:v31+s25+$0x0] =	vst.idx.add.s32.msk $0xffff, v48  }
0xc8: {  	v31 =	vsub.f32 $1.000000000e+00, v33;
	v33 =	vmul.f32 v51, v38;
	v35 =	vmin.u32 v35, $0x82FE;
	[tilespmem:v28+s25+$0x0] =	vst.idx.add.s32.msk $0xffff, v41  }
0xc9: {  	v25 =	vsub.f32 $1.000000000e+00, v25;
	v28 =	vmul.f32 v36, v39;
	v35 =	vadd.s32 v2, v35;
	[tilespmem:v27+s25+$0x0] =	vst.idx.add.s32.msk $0xffff, v42  }
0xca: {  	v36 =	vsub.f32 $1.000000000e+00, v30;
	v27 =	vsub.f32 $1.000000000e+00, v29;
	v32 =	vmul.f32 v34, v32;
	[tilespmem:v26+s25+$0x0] =	vst.idx.add.s32.msk $0xffff, v49  }
.Ltmp2:
0xcb: {  	v29 =	vshra.s32 v31, $0xF;
	v26 =	vsub.f32 $1.000000000e+00, v33;
	v33 =	vsub.f32 $1.000000000e+00, v28;
	[tilespmem:v45+s25+$0x0] =	vst.idx.add.s32.msk $0xffff, v50;
	(pc) =	sbr.rel @p0 .LBB2_6-.Ltmp2, $4  }
0xcc: {  	v30 =	vshra.s32 v25, $0xF;
	v25 =	vsub.f32 $1.000000000e+00, v32;
	v32 =	vshll.u32 v40, $0x10  }
0xcd: {  	v28 =	vshra.s32 v36, $0xF;
	v31 =	vshra.s32 v27, $0xF;
	v32 =	vor.u32 $0x1, v32  }
0xce: {  	v27 =	vshra.s32 v26, $0xF;
	v26 =	vshra.s32 v33, $0xF;
	v25 =	vshra.s32 v25, $0xF;
	[tilespmem:v35+s25+$0x0] =	vst.idx.add.s32.msk $0xffff, v32  }
0xcf: {  	vm0 =	vgt.s32 v30, $0x72FF;
	vm2 =	vgt.s32 v29, $0x72FF;
	vm1 =	vgt.s32 v31, $0x72FF  }
0xd0: {  	vm3 =	vgt.s32 v28, $0x72FF;
	vm4 =	vgt.s32 v27, $0x72FF  }
0xd1: {  	vm5 =	vgt.s32 v26, $0x72FF;
	v29 =	vnsel vm2, $0x72FF, v29;
	vm2 =	vgt.s32 v25, $0x72FF  }
0xd2: {  	v30 =	vnsel vm0, $0x72FF, v30;
	v31 =	vnsel vm1, $0x72FF, v31;
	v29 =	vmin.u32 v29, $0x82FE  }
0xd3: {  	v20 =	vor.u32 $0x1, v20;
	v30 =	vmin.u32 v30, $0x82FE;
	v29 =	vadd.s32 v2, v29  }
0xd4: {  	v28 =	vnsel vm3, $0x72FF, v28;
	v31 =	vmin.u32 v31, $0x82FE;
	v30 =	vadd.s32 v2, v30  }
0xd5: {  	v27 =	vnsel vm4, $0x72FF, v27;
	v28 =	vmin.u32 v28, $0x82FE;
	v31 =	vadd.s32 v2, v31  }
0xd6: {  	v26 =	vnsel vm5, $0x72FF, v26;
	v27 =	vmin.u32 v27, $0x82FE;
	v28 =	vadd.s32 v2, v28  }
0xd7: {  	v25 =	vnsel vm2, $0x72FF, v25;
	v26 =	vmin.u32 v26, $0x82FE;
	v27 =	vadd.s32 v2, v27  }
0xd8: {  	v21 =	vor.u32 $0x1, v21;
	v25 =	vmin.u32 v25, $0x82FE;
	v26 =	vadd.s32 v2, v26;
	[tilespmem:v29+s25+$0x0] =	vst.idx.add.s32.msk $0xffff, v20  }
0xd9: {  	v18 =	vshll.u32 v18, $0x10;
	v24 =	vor.u32 $0x1, v24;
	v20 =	vadd.s32 v2, v25;
	[tilespmem:v30+s25+$0x0] =	vst.idx.add.s32.msk $0xffff, v21  }
0xda: {  	v19 =	vshll.u32 v19, $0x10;
	v18 =	vor.u32 $0x1, v18;
	[tilespmem:v31+s25+$0x0] =	vst.idx.add.s32.msk $0xffff, v24  }
0xdb: {  	v19 =	vor.u32 $0x1, v19;
	v21 =	vshll.u32 v22, $0x10;
	[tilespmem:v28+s25+$0x0] =	vst.idx.add.s32.msk $0xffff, v18  }
0xdc: {  	v18 =	vshll.u32 v23, $0x10;
	v21 =	vor.u32 $0x1, v21;
	[tilespmem:v27+s25+$0x0] =	vst.idx.add.s32.msk $0xffff, v19  }
0xdd: {  	s0 =	simm.s32 $0x0;
	v18 =	vor.u32 $0x1, v18;
	[tilespmem:v26+s25+$0x0] =	vst.idx.add.s32.msk $0xffff, v21  }
0xde: {  	[tilespmem:v20+s25+$0x0] =	vst.idx.add.s32.msk $0xffff, v18;
	v18 =	vmov s0  }
0xdf: {  	_ =	swait.ge [sflag:s3], $0x2000;
	v19 =	vshll.u32 v18, $0x3  }
0xe0: {  	v20 =	vand.u32 $0x1000, v18;
	v18 =	vshrl.u32 v18, $0x2;
	[sflag:s3] =	ssyncset.done $0x0;
	v19 =	vand.u32 $0xC00, v19  }
0xe1: {  	v18 =	vand.u32 $0x380, v18;
	[sflag:s3] =	ssyncadd.s32 $0xFFFFE000;
	v19 =	vor.u32 v19, v20  }
0xe2: {  	_ =	swait.ge [sflag:s3], $0x2000;
	v18 =	vor.u32 v18, v19  }
0xe3: {  	[sflag:s3] =	ssyncset.done $0x0;
	v20 =	vor.u32 v9, v18  }
0xe4: {  	v25 =	vor.u32 v0, v18;
	[sflag:s3] =	ssyncadd.s32 $0xFFFFE000  }
0xe5: {  	v26 =	vor.u32 v3, v18;
	[tilespmem:s23], [sflag:$0x2] =	stream.linear.gather [hbm4b:s10+s2], $0x2000, $0x38;
	[tilespmem:$0x1A000] =	vst v63  }
0xe6: {  	v27 =	vor.u32 v4, v18  }
0xe7: {  	v28 =	vor.u32 v5, v18;
	[tilespmem:s24], [sflag:$0x2] =	stream.linear.gather [hbm4b:s11+s2], $0x2000, $0x38;
	[tilespmem:$0x1A000] =	vst v63  }
0xe8: {  	v29 =	vor.u32 v6, v18;
	v31 =	vld.idx.msk [tilespmem:v20+s22+$0x0], $0xffff  }
0xe9: {  	v30 =	vor.u32 v7, v18;
	v21 =	vld.idx.msk [tilespmem:v25+s22+$0x0], $0xffff  }
0xea: {  	v23 =	vld.idx.msk [tilespmem:v26+s22+$0x0], $0xffff  }
0xeb: {  	v24 =	vld.idx.msk [tilespmem:v27+s22+$0x0], $0xffff  }
0xec: {  	v32 =	vor.u32 v8, v18;
	v18 =	vld.idx.msk [tilespmem:v28+s22+$0x0], $0xffff  }
0xed: {  	v19 =	vld.idx.msk [tilespmem:v29+s22+$0x0], $0xffff  }
0xee: {  	v22 =	vld.idx.msk [tilespmem:v30+s22+$0x0], $0xffff  }
0xef: {  	v34 =	vld.idx.msk [tilespmem:v20+s2+$0x0], $0xffff;
	v33 =	vcvt.s32.f32 v31;
	v35 =	vcvt.s32.f32 v21  }
0xf0: {  	v25 =	vld.idx.msk [tilespmem:v25+s2+$0x0], $0xffff;
	v20 =	vshll.u32 v21, $0x10;
	v36 =	vcvt.s32.f32 v23;
	v21 =	vshll.u32 v23, $0x10  }
0xf1: {  	v26 =	vld.idx.msk [tilespmem:v26+s2+$0x0], $0xffff;
	v37 =	vcvt.s32.f32 v24;
	v38 =	vcvt.s32.f32 v18;
	v33 =	vadd.f32 v33, v33  }
0xf2: {  	v27 =	vld.idx.msk [tilespmem:v27+s2+$0x0], $0xffff;
	v39 =	vcvt.s32.f32 v19;
	v35 =	vadd.f32 v35, v35;
	v36 =	vadd.f32 v36, v36  }
0xf3: {  	v23 =	vld.idx.msk [tilespmem:v32+s22+$0x0], $0xffff;
	v58 =	vcvt.s32.f32 v22;
	v37 =	vadd.f32 v37, v37;
	v38 =	vadd.f32 v38, v38  }
0xf4: {  	v28 =	vld.idx.msk [tilespmem:v28+s2+$0x0], $0xffff;
	v57 =	vadd.f32 v39, v39;
	v33 =	vadd.f32 $-1.000000000e+00, v33  }
0xf5: {  	v29 =	vld.idx.msk [tilespmem:v29+s2+$0x0], $0xffff;
	v60 =	vadd.f32 v58, v58;
	v35 =	vadd.f32 $-1.000000000e+00, v35  }
0xf6: {  	v30 =	vld.idx.msk [tilespmem:v30+s2+$0x0], $0xffff;
	v36 =	vadd.f32 $-1.000000000e+00, v36;
	v56 =	vadd.f32 $-1.000000000e+00, v37;
	v33 =	vmul.f32 v33, v34  }
0xf7: {  	v24 =	vshll.u32 v24, $0x10;
	v38 =	vadd.f32 $-1.000000000e+00, v38;
	v59 =	vadd.f32 $-1.000000000e+00, v57  }
0xf8: {  	v40 =	vcvt.s32.f32 v23;
	v25 =	vmul.f32 v35, v25;
	v33 =	vsub.f32 $1.000000000e+00, v33  }
0xf9: {  	v62 =	vadd.f32 $-1.000000000e+00, v60;
	v26 =	vmul.f32 v36, v26;
	v27 =	vmul.f32 v56, v27  }
0xfa: {  	v32 =	vld.idx.msk [tilespmem:v32+s2+$0x0], $0xffff;
	v28 =	vmul.f32 v38, v28;
	v35 =	vmul.f32 v59, v29;
	v33 =	vshra.s32 v33, $0xF  }
0xfb: {  	v30 =	vmul.f32 v62, v30;
	v61 =	vadd.f32 v40, v40;
	vm0 =	vgt.s32 v33, $0x72FF  }
0xfc: {  	v25 =	vsub.f32 $1.000000000e+00, v25;
	v26 =	vsub.f32 $1.000000000e+00, v26;
	v33 =	vnsel vm0, $0x72FF, v33  }
0xfd: {  	v27 =	vsub.f32 $1.000000000e+00, v27;
	v36 =	vadd.f32 $-1.000000000e+00, v61;
	v29 =	vmin.u32 v33, $0x82FE  }
0xfe: {  	v28 =	vsub.f32 $1.000000000e+00, v28;
	v34 =	vsub.f32 $1.000000000e+00, v30;
	v33 =	vadd.s32 v2, v29  }
0xff: {  	v30 =	vshra.s32 v26, $0xF;
	v26 =	vshll.u32 v31, $0x10;
	v32 =	vmul.f32 v36, v32  }
0x100: {  	v31 =	vshra.s32 v27, $0xF;
	v28 =	vshra.s32 v28, $0xF;
	v63 =	vor.u32 $0x1, v26  }
0x101: {  	v32 =	vsub.f32 $1.000000000e+00, v32;
	v29 =	vshra.s32 v25, $0xF;
	v25 =	vsub.f32 $1.000000000e+00, v35  }
0x102: {  	v26 =	vshra.s32 v34, $0xF;
	vm1 =	vgt.s32 v31, $0x72FF;
	vm0 =	vgt.s32 v30, $0x72FF  }
0x103: {  	vm2 =	vgt.s32 v29, $0x72FF;
	v27 =	vshra.s32 v25, $0xF;
	v25 =	vshra.s32 v32, $0xF;
	[tilespmem:v33+s25+$0x0] =	vst.idx.add.s32.msk $0xffff, v63  }
.LBB2_8:
0x104: {  	s0 =	sadd.s32 $0x80, s0;
	vm3 =	vgt.s32 v28, $0x72FF;
	vm4 =	vgt.s32 v27, $0x72FF;
	vm5 =	vgt.s32 v26, $0x72FF  }
0x105: {  	v29 =	vnsel vm2, $0x72FF, v29;
	vm2 =	vgt.s32 v25, $0x72FF;
	v32 =	vmov s0;
	p0 =	slt.u32 s0, $0x1F80  }
0x106: {  	v30 =	vnsel vm0, $0x72FF, v30;
	v31 =	vnsel vm1, $0x72FF, v31;
	v33 =	vshll.u32 v32, $0x3  }
0x107: {  	v34 =	vand.u32 $0x1000, v32;
	v32 =	vshrl.u32 v32, $0x2;
	v33 =	vand.u32 $0xC00, v33  }
0x108: {  	v28 =	vnsel vm3, $0x72FF, v28;
	v32 =	vand.u32 $0x380, v32;
	v33 =	vor.u32 v33, v34  }
0x109: {  	v27 =	vnsel vm4, $0x72FF, v27;
	v26 =	vnsel vm5, $0x72FF, v26;
	v32 =	vor.u32 v32, v33  }
0x10a: {  	v33 =	vor.u32 v0, v32;
	v34 =	vor.u32 v3, v32;
	v35 =	vor.u32 v9, v32  }
0x10b: {  	v36 =	vor.u32 v4, v32;
	v37 =	vor.u32 v5, v32;
	v38 =	vor.u32 v6, v32  }
0x10c: {  	v25 =	vnsel vm2, $0x72FF, v25;
	v39 =	vor.u32 v7, v32;
	v32 =	vor.u32 v8, v32  }
0x10d: {  	v29 =	vmin.u32 v29, $0x82FE;
	v30 =	vmin.u32 v30, $0x82FE;
	v31 =	vmin.u32 v31, $0x82FE  }
0x10e: {  	v28 =	vmin.u32 v28, $0x82FE;
	v27 =	vmin.u32 v27, $0x82FE;
	v26 =	vmin.u32 v26, $0x82FE  }
0x10f: {  	v41 =	vshll.u32 v18, $0x10;
	v42 =	vshll.u32 v19, $0x10;
	v18 =	vmin.u32 v25, $0x82FE;
	v40 =	vld.idx.msk [tilespmem:v35+s22+$0x0], $0xffff  }
0x110: {  	v22 =	vshll.u32 v22, $0x10;
	v23 =	vshll.u32 v23, $0x10;
	v29 =	vadd.s32 v2, v29;
	v25 =	vld.idx.msk [tilespmem:v33+s22+$0x0], $0xffff  }
0x111: {  	v30 =	vadd.s32 v2, v30;
	v31 =	vadd.s32 v2, v31;
	v28 =	vadd.s32 v2, v28;
	v43 =	vld.idx.msk [tilespmem:v34+s22+$0x0], $0xffff  }
0x112: {  	v27 =	vadd.s32 v2, v27;
	v26 =	vadd.s32 v2, v26;
	v45 =	vadd.s32 v2, v18;
	v44 =	vld.idx.msk [tilespmem:v36+s22+$0x0], $0xffff  }
0x113: {  	v46 =	vor.u32 $0x1, v20;
	v47 =	vor.u32 $0x1, v21;
	v48 =	vor.u32 $0x1, v24;
	v18 =	vld.idx.msk [tilespmem:v37+s22+$0x0], $0xffff  }
0x114: {  	v41 =	vor.u32 $0x1, v41;
	v42 =	vor.u32 $0x1, v42;
	v49 =	vor.u32 $0x1, v22;
	v19 =	vld.idx.msk [tilespmem:v38+s22+$0x0], $0xffff  }
0x115: {  	v50 =	vor.u32 $0x1, v23;
	v24 =	vcvt.s32.f32 v40;
	v35 =	vld.idx.msk [tilespmem:v35+s2+$0x0], $0xffff  }
0x116: {  	v51 =	vcvt.s32.f32 v25;
	v20 =	vshll.u32 v25, $0x10;
	v22 =	vld.idx.msk [tilespmem:v39+s22+$0x0], $0xffff  }
0x117: {  	v25 =	vcvt.s32.f32 v43;
	v21 =	vshll.u32 v43, $0x10;
	v43 =	vadd.f32 v24, v24;
	v23 =	vld.idx.msk [tilespmem:v32+s22+$0x0], $0xffff  }
0x118: {  	v51 =	vadd.f32 v51, v51;
	v52 =	vcvt.s32.f32 v44;
	v24 =	vshll.u32 v44, $0x10;
	v33 =	vld.idx.msk [tilespmem:v33+s2+$0x0], $0xffff  }
0x119: {  	v25 =	vadd.f32 v25, v25;
	v44 =	vcvt.s32.f32 v18;
	v43 =	vadd.f32 $-1.000000000e+00, v43;
	v34 =	vld.idx.msk [tilespmem:v34+s2+$0x0], $0xffff  }
0x11a: {  	v51 =	vadd.f32 $-1.000000000e+00, v51;
	v52 =	vadd.f32 v52, v52;
	v53 =	vcvt.s32.f32 v19;
	v36 =	vld.idx.msk [tilespmem:v36+s2+$0x0], $0xffff  }
0x11b: {  	v25 =	vadd.f32 $-1.000000000e+00, v25;
	v44 =	vadd.f32 v44, v44;
	v35 =	vmul.f32 v43, v35;
	v37 =	vld.idx.msk [tilespmem:v37+s2+$0x0], $0xffff  }
0x11c: {  	v43 =	vadd.f32 $-1.000000000e+00, v52;
	v52 =	vadd.f32 v53, v53;
	v53 =	vcvt.s32.f32 v22;
	v38 =	vld.idx.msk [tilespmem:v38+s2+$0x0], $0xffff  }
0x11d: {  	v44 =	vadd.f32 $-1.000000000e+00, v44;
	v54 =	vcvt.s32.f32 v23;
	v35 =	vsub.f32 $1.000000000e+00, v35;
	v39 =	vld.idx.msk [tilespmem:v39+s2+$0x0], $0xffff  }
0x11e: {  	v33 =	vmul.f32 v51, v33;
	v51 =	vadd.f32 $-1.000000000e+00, v52;
	v52 =	vadd.f32 v53, v53;
	v32 =	vld.idx.msk [tilespmem:v32+s2+$0x0], $0xffff  }
0x11f: {  	v25 =	vmul.f32 v25, v34;
	v34 =	vadd.f32 v54, v54;
	v35 =	vshra.s32 v35, $0xF;
	[tilespmem:v29+s25+$0x0] =	vst.idx.add.s32.msk $0xffff, v46  }
0x120: {  	v29 =	vmul.f32 v43, v36;
	v36 =	vadd.f32 $-1.000000000e+00, v52;
	vm0 =	vgt.s32 v35, $0x72FF;
	[tilespmem:v30+s25+$0x0] =	vst.idx.add.s32.msk $0xffff, v47  }
0x121: {  	v30 =	vmul.f32 v44, v37;
	v34 =	vadd.f32 $-1.000000000e+00, v34;
	v35 =	vnsel vm0, $0x72FF, v35;
	[tilespmem:v31+s25+$0x0] =	vst.idx.add.s32.msk $0xffff, v48  }
0x122: {  	v31 =	vsub.f32 $1.000000000e+00, v33;
	v33 =	vmul.f32 v51, v38;
	v35 =	vmin.u32 v35, $0x82FE;
	[tilespmem:v28+s25+$0x0] =	vst.idx.add.s32.msk $0xffff, v41  }
0x123: {  	v25 =	vsub.f32 $1.000000000e+00, v25;
	v28 =	vmul.f32 v36, v39;
	v35 =	vadd.s32 v2, v35;
	[tilespmem:v27+s25+$0x0] =	vst.idx.add.s32.msk $0xffff, v42  }
0x124: {  	v36 =	vsub.f32 $1.000000000e+00, v30;
	v27 =	vsub.f32 $1.000000000e+00, v29;
	v32 =	vmul.f32 v34, v32;
	[tilespmem:v26+s25+$0x0] =	vst.idx.add.s32.msk $0xffff, v49  }
.Ltmp3:
0x125: {  	v29 =	vshra.s32 v31, $0xF;
	v26 =	vsub.f32 $1.000000000e+00, v33;
	v33 =	vsub.f32 $1.000000000e+00, v28;
	[tilespmem:v45+s25+$0x0] =	vst.idx.add.s32.msk $0xffff, v50;
	(pc) =	sbr.rel @p0 .LBB2_8-.Ltmp3, $4  }
0x126: {  	v30 =	vshra.s32 v25, $0xF;
	v25 =	vsub.f32 $1.000000000e+00, v32;
	v32 =	vshll.u32 v40, $0x10  }
0x127: {  	v28 =	vshra.s32 v36, $0xF;
	v31 =	vshra.s32 v27, $0xF;
	v32 =	vor.u32 $0x1, v32  }
0x128: {  	v27 =	vshra.s32 v26, $0xF;
	v26 =	vshra.s32 v33, $0xF;
	v25 =	vshra.s32 v25, $0xF;
	[tilespmem:v35+s25+$0x0] =	vst.idx.add.s32.msk $0xffff, v32  }
0x129: {  	vm0 =	vgt.s32 v30, $0x72FF;
	vm2 =	vgt.s32 v29, $0x72FF;
	vm1 =	vgt.s32 v31, $0x72FF  }
0x12a: {  	vm3 =	vgt.s32 v28, $0x72FF;
	vm4 =	vgt.s32 v27, $0x72FF  }
0x12b: {  	vm5 =	vgt.s32 v26, $0x72FF;
	v29 =	vnsel vm2, $0x72FF, v29;
	vm2 =	vgt.s32 v25, $0x72FF  }
0x12c: {  	v30 =	vnsel vm0, $0x72FF, v30;
	v31 =	vnsel vm1, $0x72FF, v31;
	v29 =	vmin.u32 v29, $0x82FE  }
0x12d: {  	v20 =	vor.u32 $0x1, v20;
	v30 =	vmin.u32 v30, $0x82FE;
	v29 =	vadd.s32 v2, v29  }
0x12e: {  	v28 =	vnsel vm3, $0x72FF, v28;
	v31 =	vmin.u32 v31, $0x82FE;
	v30 =	vadd.s32 v2, v30  }
0x12f: {  	v27 =	vnsel vm4, $0x72FF, v27;
	v28 =	vmin.u32 v28, $0x82FE;
	v31 =	vadd.s32 v2, v31  }
0x130: {  	v26 =	vnsel vm5, $0x72FF, v26;
	v27 =	vmin.u32 v27, $0x82FE;
	v28 =	vadd.s32 v2, v28  }
0x131: {  	v25 =	vnsel vm2, $0x72FF, v25;
	v26 =	vmin.u32 v26, $0x82FE;
	v27 =	vadd.s32 v2, v27  }
0x132: {  	v21 =	vor.u32 $0x1, v21;
	v25 =	vmin.u32 v25, $0x82FE;
	v26 =	vadd.s32 v2, v26;
	[tilespmem:v29+s25+$0x0] =	vst.idx.add.s32.msk $0xffff, v20  }
0x133: {  	v18 =	vshll.u32 v18, $0x10;
	v24 =	vor.u32 $0x1, v24;
	v20 =	vadd.s32 v2, v25;
	[tilespmem:v30+s25+$0x0] =	vst.idx.add.s32.msk $0xffff, v21  }
0x134: {  	v19 =	vshll.u32 v19, $0x10;
	v18 =	vor.u32 $0x1, v18;
	[tilespmem:v31+s25+$0x0] =	vst.idx.add.s32.msk $0xffff, v24  }
0x135: {  	v19 =	vor.u32 $0x1, v19;
	v21 =	vshll.u32 v22, $0x10;
	[tilespmem:v28+s25+$0x0] =	vst.idx.add.s32.msk $0xffff, v18  }
0x136: {  	v18 =	vshll.u32 v23, $0x10;
	v21 =	vor.u32 $0x1, v21;
	[tilespmem:v27+s25+$0x0] =	vst.idx.add.s32.msk $0xffff, v19  }
0x137: {  	s0 =	simm.s32 $0x0;
	v18 =	vor.u32 $0x1, v18;
	[tilespmem:v26+s25+$0x0] =	vst.idx.add.s32.msk $0xffff, v21  }
0x138: {  	[tilespmem:v20+s25+$0x0] =	vst.idx.add.s32.msk $0xffff, v18;
	v18 =	vmov s0  }
0x139: {  	_ =	swait.ge [sflag:s26], $0x2000;
	v19 =	vshll.u32 v18, $0x3  }
0x13a: {  	v20 =	vand.u32 $0x1000, v18;
	v18 =	vshrl.u32 v18, $0x2;
	[sflag:s26] =	ssyncset.done $0x0;
	v19 =	vand.u32 $0xC00, v19  }
0x13b: {  	v18 =	vand.u32 $0x380, v18;
	[sflag:s26] =	ssyncadd.s32 $0xFFFFE000;
	v19 =	vor.u32 v19, v20  }
0x13c: {  	_ =	swait.ge [sflag:s26], $0x2000;
	v18 =	vor.u32 v18, v19  }
0x13d: {  	[sflag:s26] =	ssyncset.done $0x0;
	v20 =	vor.u32 v17, v18  }
0x13e: {  	v25 =	vor.u32 v10, v18;
	[sflag:s26] =	ssyncadd.s32 $0xFFFFE000  }
0x13f: {  	v26 =	vor.u32 v11, v18;
	[tilespmem:s2], [sflag:$0x1] =	stream.linear.gather [hbm4b:s12+s2], $0x2000, $0x38;
	[tilespmem:$0x1A000] =	vst v63  }
0x140: {  	v27 =	vor.u32 v12, v18  }
0x141: {  	v28 =	vor.u32 v13, v18;
	[tilespmem:s22], [sflag:$0x1] =	stream.linear.gather [hbm4b:s13+s2], $0x2000, $0x38;
	[tilespmem:$0x1A000] =	vst v63  }
0x142: {  	v29 =	vor.u32 v14, v18;
	v31 =	vld.idx.msk [tilespmem:v20+s22+$0x0], $0xffff  }
0x143: {  	v30 =	vor.u32 v15, v18;
	v21 =	vld.idx.msk [tilespmem:v25+s22+$0x0], $0xffff  }
0x144: {  	v23 =	vld.idx.msk [tilespmem:v26+s22+$0x0], $0xffff  }
0x145: {  	v24 =	vld.idx.msk [tilespmem:v27+s22+$0x0], $0xffff  }
0x146: {  	v32 =	vor.u32 v16, v18;
	v18 =	vld.idx.msk [tilespmem:v28+s22+$0x0], $0xffff  }
0x147: {  	v19 =	vld.idx.msk [tilespmem:v29+s22+$0x0], $0xffff  }
0x148: {  	v22 =	vld.idx.msk [tilespmem:v30+s22+$0x0], $0xffff  }
0x149: {  	v34 =	vld.idx.msk [tilespmem:v20+s2+$0x0], $0xffff;
	v33 =	vcvt.s32.f32 v31;
	v35 =	vcvt.s32.f32 v21  }
0x14a: {  	v25 =	vld.idx.msk [tilespmem:v25+s2+$0x0], $0xffff;
	v20 =	vshll.u32 v21, $0x10;
	v36 =	vcvt.s32.f32 v23;
	v21 =	vshll.u32 v23, $0x10  }
0x14b: {  	v26 =	vld.idx.msk [tilespmem:v26+s2+$0x0], $0xffff;
	v37 =	vcvt.s32.f32 v24;
	v38 =	vcvt.s32.f32 v18;
	v33 =	vadd.f32 v33, v33  }
0x14c: {  	v27 =	vld.idx.msk [tilespmem:v27+s2+$0x0], $0xffff;
	v39 =	vcvt.s32.f32 v19;
	v35 =	vadd.f32 v35, v35;
	v36 =	vadd.f32 v36, v36  }
0x14d: {  	v23 =	vld.idx.msk [tilespmem:v32+s22+$0x0], $0xffff;
	v58 =	vcvt.s32.f32 v22;
	v37 =	vadd.f32 v37, v37;
	v38 =	vadd.f32 v38, v38  }
0x14e: {  	v28 =	vld.idx.msk [tilespmem:v28+s2+$0x0], $0xffff;
	v57 =	vadd.f32 v39, v39;
	v33 =	vadd.f32 $-1.000000000e+00, v33  }
0x14f: {  	v29 =	vld.idx.msk [tilespmem:v29+s2+$0x0], $0xffff;
	v60 =	vadd.f32 v58, v58;
	v35 =	vadd.f32 $-1.000000000e+00, v35  }
0x150: {  	v30 =	vld.idx.msk [tilespmem:v30+s2+$0x0], $0xffff;
	v36 =	vadd.f32 $-1.000000000e+00, v36;
	v56 =	vadd.f32 $-1.000000000e+00, v37;
	v33 =	vmul.f32 v33, v34  }
0x151: {  	v24 =	vshll.u32 v24, $0x10;
	v38 =	vadd.f32 $-1.000000000e+00, v38;
	v59 =	vadd.f32 $-1.000000000e+00, v57  }
0x152: {  	v40 =	vcvt.s32.f32 v23;
	v25 =	vmul.f32 v35, v25;
	v33 =	vsub.f32 $1.000000000e+00, v33  }
0x153: {  	v62 =	vadd.f32 $-1.000000000e+00, v60;
	v26 =	vmul.f32 v36, v26;
	v27 =	vmul.f32 v56, v27  }
0x154: {  	v32 =	vld.idx.msk [tilespmem:v32+s2+$0x0], $0xffff;
	v28 =	vmul.f32 v38, v28;
	v35 =	vmul.f32 v59, v29;
	v33 =	vshra.s32 v33, $0xF  }
0x155: {  	v30 =	vmul.f32 v62, v30;
	v61 =	vadd.f32 v40, v40;
	vm0 =	vgt.s32 v33, $0x72FF  }
0x156: {  	v25 =	vsub.f32 $1.000000000e+00, v25;
	v26 =	vsub.f32 $1.000000000e+00, v26;
	v33 =	vnsel vm0, $0x72FF, v33  }
0x157: {  	v27 =	vsub.f32 $1.000000000e+00, v27;
	v36 =	vadd.f32 $-1.000000000e+00, v61;
	v29 =	vmin.u32 v33, $0x82FE  }
0x158: {  	v28 =	vsub.f32 $1.000000000e+00, v28;
	v34 =	vsub.f32 $1.000000000e+00, v30;
	v33 =	vadd.s32 v2, v29  }
0x159: {  	v30 =	vshra.s32 v26, $0xF;
	v26 =	vshll.u32 v31, $0x10;
	v32 =	vmul.f32 v36, v32  }
0x15a: {  	v31 =	vshra.s32 v27, $0xF;
	v28 =	vshra.s32 v28, $0xF;
	v63 =	vor.u32 $0x1, v26  }
0x15b: {  	v32 =	vsub.f32 $1.000000000e+00, v32;
	v29 =	vshra.s32 v25, $0xF;
	v25 =	vsub.f32 $1.000000000e+00, v35  }
0x15c: {  	v26 =	vshra.s32 v34, $0xF;
	vm1 =	vgt.s32 v31, $0x72FF;
	vm0 =	vgt.s32 v30, $0x72FF  }
0x15d: {  	vm2 =	vgt.s32 v29, $0x72FF;
	v27 =	vshra.s32 v25, $0xF;
	v25 =	vshra.s32 v32, $0xF;
	[tilespmem:v33+s25+$0x0] =	vst.idx.add.s32.msk $0xffff, v63  }
.LBB2_10:
0x15e: {  	s0 =	sadd.s32 $0x80, s0;
	vm3 =	vgt.s32 v28, $0x72FF;
	vm4 =	vgt.s32 v27, $0x72FF;
	vm5 =	vgt.s32 v26, $0x72FF  }
0x15f: {  	v29 =	vnsel vm2, $0x72FF, v29;
	vm2 =	vgt.s32 v25, $0x72FF;
	v32 =	vmov s0;
	p0 =	slt.u32 s0, $0x1F80  }
0x160: {  	v30 =	vnsel vm0, $0x72FF, v30;
	v31 =	vnsel vm1, $0x72FF, v31;
	v33 =	vshll.u32 v32, $0x3  }
0x161: {  	v34 =	vand.u32 $0x1000, v32;
	v32 =	vshrl.u32 v32, $0x2;
	v33 =	vand.u32 $0xC00, v33  }
0x162: {  	v28 =	vnsel vm3, $0x72FF, v28;
	v32 =	vand.u32 $0x380, v32;
	v33 =	vor.u32 v33, v34  }
0x163: {  	v27 =	vnsel vm4, $0x72FF, v27;
	v26 =	vnsel vm5, $0x72FF, v26;
	v32 =	vor.u32 v32, v33  }
0x164: {  	v33 =	vor.u32 v10, v32;
	v34 =	vor.u32 v11, v32;
	v35 =	vor.u32 v17, v32  }
0x165: {  	v36 =	vor.u32 v12, v32;
	v37 =	vor.u32 v13, v32;
	v38 =	vor.u32 v14, v32  }
0x166: {  	v25 =	vnsel vm2, $0x72FF, v25;
	v39 =	vor.u32 v15, v32;
	v32 =	vor.u32 v16, v32  }
0x167: {  	v29 =	vmin.u32 v29, $0x82FE;
	v30 =	vmin.u32 v30, $0x82FE;
	v31 =	vmin.u32 v31, $0x82FE  }
0x168: {  	v28 =	vmin.u32 v28, $0x82FE;
	v27 =	vmin.u32 v27, $0x82FE;
	v26 =	vmin.u32 v26, $0x82FE  }
0x169: {  	v41 =	vshll.u32 v18, $0x10;
	v42 =	vshll.u32 v19, $0x10;
	v18 =	vmin.u32 v25, $0x82FE;
	v40 =	vld.idx.msk [tilespmem:v35+s22+$0x0], $0xffff  }
0x16a: {  	v22 =	vshll.u32 v22, $0x10;
	v23 =	vshll.u32 v23, $0x10;
	v29 =	vadd.s32 v2, v29;
	v25 =	vld.idx.msk [tilespmem:v33+s22+$0x0], $0xffff  }
0x16b: {  	v30 =	vadd.s32 v2, v30;
	v31 =	vadd.s32 v2, v31;
	v28 =	vadd.s32 v2, v28;
	v43 =	vld.idx.msk [tilespmem:v34+s22+$0x0], $0xffff  }
0x16c: {  	v27 =	vadd.s32 v2, v27;
	v26 =	vadd.s32 v2, v26;
	v45 =	vadd.s32 v2, v18;
	v44 =	vld.idx.msk [tilespmem:v36+s22+$0x0], $0xffff  }
0x16d: {  	v46 =	vor.u32 $0x1, v20;
	v47 =	vor.u32 $0x1, v21;
	v48 =	vor.u32 $0x1, v24;
	v18 =	vld.idx.msk [tilespmem:v37+s22+$0x0], $0xffff  }
0x16e: {  	v41 =	vor.u32 $0x1, v41;
	v42 =	vor.u32 $0x1, v42;
	v49 =	vor.u32 $0x1, v22;
	v19 =	vld.idx.msk [tilespmem:v38+s22+$0x0], $0xffff  }
0x16f: {  	v50 =	vor.u32 $0x1, v23;
	v24 =	vcvt.s32.f32 v40;
	v35 =	vld.idx.msk [tilespmem:v35+s2+$0x0], $0xffff  }
0x170: {  	v51 =	vcvt.s32.f32 v25;
	v20 =	vshll.u32 v25, $0x10;
	v22 =	vld.idx.msk [tilespmem:v39+s22+$0x0], $0xffff  }
0x171: {  	v25 =	vcvt.s32.f32 v43;
	v21 =	vshll.u32 v43, $0x10;
	v43 =	vadd.f32 v24, v24;
	v23 =	vld.idx.msk [tilespmem:v32+s22+$0x0], $0xffff  }
0x172: {  	v51 =	vadd.f32 v51, v51;
	v52 =	vcvt.s32.f32 v44;
	v24 =	vshll.u32 v44, $0x10;
	v33 =	vld.idx.msk [tilespmem:v33+s2+$0x0], $0xffff  }
0x173: {  	v25 =	vadd.f32 v25, v25;
	v44 =	vcvt.s32.f32 v18;
	v43 =	vadd.f32 $-1.000000000e+00, v43;
	v34 =	vld.idx.msk [tilespmem:v34+s2+$0x0], $0xffff  }
0x174: {  	v51 =	vadd.f32 $-1.000000000e+00, v51;
	v52 =	vadd.f32 v52, v52;
	v53 =	vcvt.s32.f32 v19;
	v36 =	vld.idx.msk [tilespmem:v36+s2+$0x0], $0xffff  }
0x175: {  	v25 =	vadd.f32 $-1.000000000e+00, v25;
	v44 =	vadd.f32 v44, v44;
	v35 =	vmul.f32 v43, v35;
	v37 =	vld.idx.msk [tilespmem:v37+s2+$0x0], $0xffff  }
0x176: {  	v43 =	vadd.f32 $-1.000000000e+00, v52;
	v52 =	vadd.f32 v53, v53;
	v53 =	vcvt.s32.f32 v22;
	v38 =	vld.idx.msk [tilespmem:v38+s2+$0x0], $0xffff  }
0x177: {  	v44 =	vadd.f32 $-1.000000000e+00, v44;
	v54 =	vcvt.s32.f32 v23;
	v35 =	vsub.f32 $1.000000000e+00, v35;
	v39 =	vld.idx.msk [tilespmem:v39+s2+$0x0], $0xffff  }
0x178: {  	v33 =	vmul.f32 v51, v33;
	v51 =	vadd.f32 $-1.000000000e+00, v52;
	v52 =	vadd.f32 v53, v53;
	v32 =	vld.idx.msk [tilespmem:v32+s2+$0x0], $0xffff  }
0x179: {  	v25 =	vmul.f32 v25, v34;
	v34 =	vadd.f32 v54, v54;
	v35 =	vshra.s32 v35, $0xF;
	[tilespmem:v29+s25+$0x0] =	vst.idx.add.s32.msk $0xffff, v46  }
0x17a: {  	v29 =	vmul.f32 v43, v36;
	v36 =	vadd.f32 $-1.000000000e+00, v52;
	vm0 =	vgt.s32 v35, $0x72FF;
	[tilespmem:v30+s25+$0x0] =	vst.idx.add.s32.msk $0xffff, v47  }
0x17b: {  	v30 =	vmul.f32 v44, v37;
	v34 =	vadd.f32 $-1.000000000e+00, v34;
	v35 =	vnsel vm0, $0x72FF, v35;
	[tilespmem:v31+s25+$0x0] =	vst.idx.add.s32.msk $0xffff, v48  }
0x17c: {  	v31 =	vsub.f32 $1.000000000e+00, v33;
	v33 =	vmul.f32 v51, v38;
	v35 =	vmin.u32 v35, $0x82FE;
	[tilespmem:v28+s25+$0x0] =	vst.idx.add.s32.msk $0xffff, v41  }
0x17d: {  	v25 =	vsub.f32 $1.000000000e+00, v25;
	v28 =	vmul.f32 v36, v39;
	v35 =	vadd.s32 v2, v35;
	[tilespmem:v27+s25+$0x0] =	vst.idx.add.s32.msk $0xffff, v42  }
0x17e: {  	v36 =	vsub.f32 $1.000000000e+00, v30;
	v27 =	vsub.f32 $1.000000000e+00, v29;
	v32 =	vmul.f32 v34, v32;
	[tilespmem:v26+s25+$0x0] =	vst.idx.add.s32.msk $0xffff, v49  }
.Ltmp4:
0x17f: {  	v29 =	vshra.s32 v31, $0xF;
	v26 =	vsub.f32 $1.000000000e+00, v33;
	v33 =	vsub.f32 $1.000000000e+00, v28;
	[tilespmem:v45+s25+$0x0] =	vst.idx.add.s32.msk $0xffff, v50;
	(pc) =	sbr.rel @p0 .LBB2_10-.Ltmp4, $4  }
0x180: {  	v30 =	vshra.s32 v25, $0xF;
	v25 =	vsub.f32 $1.000000000e+00, v32;
	v32 =	vshll.u32 v40, $0x10  }
0x181: {  	v28 =	vshra.s32 v36, $0xF;
	v31 =	vshra.s32 v27, $0xF;
	v32 =	vor.u32 $0x1, v32  }
0x182: {  	v27 =	vshra.s32 v26, $0xF;
	v26 =	vshra.s32 v33, $0xF;
	v25 =	vshra.s32 v25, $0xF;
	[tilespmem:v35+s25+$0x0] =	vst.idx.add.s32.msk $0xffff, v32  }
0x183: {  	vm0 =	vgt.s32 v30, $0x72FF;
	vm2 =	vgt.s32 v29, $0x72FF;
	vm1 =	vgt.s32 v31, $0x72FF  }
0x184: {  	vm3 =	vgt.s32 v28, $0x72FF;
	vm4 =	vgt.s32 v27, $0x72FF  }
0x185: {  	vm5 =	vgt.s32 v26, $0x72FF;
	v29 =	vnsel vm2, $0x72FF, v29;
	vm2 =	vgt.s32 v25, $0x72FF  }
0x186: {  	v30 =	vnsel vm0, $0x72FF, v30;
	v31 =	vnsel vm1, $0x72FF, v31;
	v29 =	vmin.u32 v29, $0x82FE  }
0x187: {  	v20 =	vor.u32 $0x1, v20;
	v30 =	vmin.u32 v30, $0x82FE;
	v29 =	vadd.s32 v2, v29  }
0x188: {  	v28 =	vnsel vm3, $0x72FF, v28;
	v31 =	vmin.u32 v31, $0x82FE;
	v30 =	vadd.s32 v2, v30  }
0x189: {  	v27 =	vnsel vm4, $0x72FF, v27;
	v28 =	vmin.u32 v28, $0x82FE;
	v31 =	vadd.s32 v2, v31  }
0x18a: {  	v26 =	vnsel vm5, $0x72FF, v26;
	v27 =	vmin.u32 v27, $0x82FE;
	v28 =	vadd.s32 v2, v28  }
0x18b: {  	v25 =	vnsel vm2, $0x72FF, v25;
	v26 =	vmin.u32 v26, $0x82FE;
	v27 =	vadd.s32 v2, v27  }
0x18c: {  	v21 =	vor.u32 $0x1, v21;
	v25 =	vmin.u32 v25, $0x82FE;
	v26 =	vadd.s32 v2, v26;
	[tilespmem:v29+s25+$0x0] =	vst.idx.add.s32.msk $0xffff, v20  }
0x18d: {  	v18 =	vshll.u32 v18, $0x10;
	v24 =	vor.u32 $0x1, v24;
	v20 =	vadd.s32 v2, v25;
	[tilespmem:v30+s25+$0x0] =	vst.idx.add.s32.msk $0xffff, v21  }
0x18e: {  	v19 =	vshll.u32 v19, $0x10;
	v18 =	vor.u32 $0x1, v18;
	[tilespmem:v31+s25+$0x0] =	vst.idx.add.s32.msk $0xffff, v24  }
0x18f: {  	v19 =	vor.u32 $0x1, v19;
	v21 =	vshll.u32 v22, $0x10;
	[tilespmem:v28+s25+$0x0] =	vst.idx.add.s32.msk $0xffff, v18  }
0x190: {  	v18 =	vshll.u32 v23, $0x10;
	v21 =	vor.u32 $0x1, v21;
	[tilespmem:v27+s25+$0x0] =	vst.idx.add.s32.msk $0xffff, v19  }
0x191: {  	s0 =	simm.s32 $0x0;
	v18 =	vor.u32 $0x1, v18;
	[tilespmem:v26+s25+$0x0] =	vst.idx.add.s32.msk $0xffff, v21  }
0x192: {  	[tilespmem:v20+s25+$0x0] =	vst.idx.add.s32.msk $0xffff, v18;
	v18 =	vmov s0  }
0x193: {  	_ =	swait.ge [sflag:s3], $0x2000;
	v19 =	vshll.u32 v18, $0x3  }
0x194: {  	v20 =	vand.u32 $0x1000, v18;
	v18 =	vshrl.u32 v18, $0x2;
	[sflag:s3] =	ssyncset.done $0x0;
	v19 =	vand.u32 $0xC00, v19  }
0x195: {  	v18 =	vand.u32 $0x380, v18;
	[sflag:s3] =	ssyncadd.s32 $0xFFFFE000;
	v19 =	vor.u32 v19, v20  }
0x196: {  	_ =	swait.ge [sflag:s3], $0x2000;
	v18 =	vor.u32 v18, v19  }
0x197: {  	[sflag:s3] =	ssyncset.done $0x0;
	v20 =	vor.u32 v9, v18  }
0x198: {  	v25 =	vor.u32 v0, v18;
	[sflag:s3] =	ssyncadd.s32 $0xFFFFE000  }
0x199: {  	v26 =	vor.u32 v3, v18;
	[tilespmem:s23], [sflag:$0x2] =	stream.linear.gather [hbm4b:s14+s2], $0x2000, $0x38;
	[tilespmem:$0x1A000] =	vst v63  }
0x19a: {  	v27 =	vor.u32 v4, v18  }
0x19b: {  	v28 =	vor.u32 v5, v18;
	[tilespmem:s24], [sflag:$0x2] =	stream.linear.gather [hbm4b:s15+s2], $0x2000, $0x38;
	[tilespmem:$0x1A000] =	vst v63  }
0x19c: {  	v29 =	vor.u32 v6, v18;
	v31 =	vld.idx.msk [tilespmem:v20+s22+$0x0], $0xffff  }
0x19d: {  	v30 =	vor.u32 v7, v18;
	v21 =	vld.idx.msk [tilespmem:v25+s22+$0x0], $0xffff  }
0x19e: {  	v23 =	vld.idx.msk [tilespmem:v26+s22+$0x0], $0xffff  }
0x19f: {  	v24 =	vld.idx.msk [tilespmem:v27+s22+$0x0], $0xffff  }
0x1a0: {  	v32 =	vor.u32 v8, v18;
	v18 =	vld.idx.msk [tilespmem:v28+s22+$0x0], $0xffff  }
0x1a1: {  	v19 =	vld.idx.msk [tilespmem:v29+s22+$0x0], $0xffff  }
0x1a2: {  	v22 =	vld.idx.msk [tilespmem:v30+s22+$0x0], $0xffff  }
0x1a3: {  	v34 =	vld.idx.msk [tilespmem:v20+s2+$0x0], $0xffff;
	v33 =	vcvt.s32.f32 v31;
	v35 =	vcvt.s32.f32 v21  }
0x1a4: {  	v25 =	vld.idx.msk [tilespmem:v25+s2+$0x0], $0xffff;
	v20 =	vshll.u32 v21, $0x10;
	v36 =	vcvt.s32.f32 v23;
	v21 =	vshll.u32 v23, $0x10  }
0x1a5: {  	v26 =	vld.idx.msk [tilespmem:v26+s2+$0x0], $0xffff;
	v37 =	vcvt.s32.f32 v24;
	v38 =	vcvt.s32.f32 v18;
	v33 =	vadd.f32 v33, v33  }
0x1a6: {  	v27 =	vld.idx.msk [tilespmem:v27+s2+$0x0], $0xffff;
	v39 =	vcvt.s32.f32 v19;
	v35 =	vadd.f32 v35, v35;
	v36 =	vadd.f32 v36, v36  }
0x1a7: {  	v23 =	vld.idx.msk [tilespmem:v32+s22+$0x0], $0xffff;
	v58 =	vcvt.s32.f32 v22;
	v37 =	vadd.f32 v37, v37;
	v38 =	vadd.f32 v38, v38  }
0x1a8: {  	v28 =	vld.idx.msk [tilespmem:v28+s2+$0x0], $0xffff;
	v57 =	vadd.f32 v39, v39;
	v33 =	vadd.f32 $-1.000000000e+00, v33  }
0x1a9: {  	v29 =	vld.idx.msk [tilespmem:v29+s2+$0x0], $0xffff;
	v60 =	vadd.f32 v58, v58;
	v35 =	vadd.f32 $-1.000000000e+00, v35  }
0x1aa: {  	v30 =	vld.idx.msk [tilespmem:v30+s2+$0x0], $0xffff;
	v36 =	vadd.f32 $-1.000000000e+00, v36;
	v56 =	vadd.f32 $-1.000000000e+00, v37;
	v33 =	vmul.f32 v33, v34  }
0x1ab: {  	v24 =	vshll.u32 v24, $0x10;
	v38 =	vadd.f32 $-1.000000000e+00, v38;
	v59 =	vadd.f32 $-1.000000000e+00, v57  }
0x1ac: {  	v40 =	vcvt.s32.f32 v23;
	v25 =	vmul.f32 v35, v25;
	v33 =	vsub.f32 $1.000000000e+00, v33  }
0x1ad: {  	v62 =	vadd.f32 $-1.000000000e+00, v60;
	v26 =	vmul.f32 v36, v26;
	v27 =	vmul.f32 v56, v27  }
0x1ae: {  	v32 =	vld.idx.msk [tilespmem:v32+s2+$0x0], $0xffff;
	v28 =	vmul.f32 v38, v28;
	v35 =	vmul.f32 v59, v29;
	v33 =	vshra.s32 v33, $0xF  }
0x1af: {  	v30 =	vmul.f32 v62, v30;
	v61 =	vadd.f32 v40, v40;
	vm0 =	vgt.s32 v33, $0x72FF  }
0x1b0: {  	v25 =	vsub.f32 $1.000000000e+00, v25;
	v26 =	vsub.f32 $1.000000000e+00, v26;
	v33 =	vnsel vm0, $0x72FF, v33  }
0x1b1: {  	v27 =	vsub.f32 $1.000000000e+00, v27;
	v36 =	vadd.f32 $-1.000000000e+00, v61;
	v29 =	vmin.u32 v33, $0x82FE  }
0x1b2: {  	v28 =	vsub.f32 $1.000000000e+00, v28;
	v34 =	vsub.f32 $1.000000000e+00, v30;
	v33 =	vadd.s32 v2, v29  }
0x1b3: {  	v30 =	vshra.s32 v26, $0xF;
	v26 =	vshll.u32 v31, $0x10;
	v32 =	vmul.f32 v36, v32  }
0x1b4: {  	v31 =	vshra.s32 v27, $0xF;
	v28 =	vshra.s32 v28, $0xF;
	v63 =	vor.u32 $0x1, v26  }
0x1b5: {  	v32 =	vsub.f32 $1.000000000e+00, v32;
	v29 =	vshra.s32 v25, $0xF;
	v25 =	vsub.f32 $1.000000000e+00, v35  }
0x1b6: {  	v26 =	vshra.s32 v34, $0xF;
	vm1 =	vgt.s32 v31, $0x72FF;
	vm0 =	vgt.s32 v30, $0x72FF  }
0x1b7: {  	vm2 =	vgt.s32 v29, $0x72FF;
	v27 =	vshra.s32 v25, $0xF;
	v25 =	vshra.s32 v32, $0xF;
	[tilespmem:v33+s25+$0x0] =	vst.idx.add.s32.msk $0xffff, v63  }
.LBB2_12:
0x1b8: {  	s0 =	sadd.s32 $0x80, s0;
	vm3 =	vgt.s32 v28, $0x72FF;
	vm4 =	vgt.s32 v27, $0x72FF;
	vm5 =	vgt.s32 v26, $0x72FF  }
0x1b9: {  	v29 =	vnsel vm2, $0x72FF, v29;
	vm2 =	vgt.s32 v25, $0x72FF;
	v32 =	vmov s0;
	p0 =	slt.u32 s0, $0x1F80  }
0x1ba: {  	v30 =	vnsel vm0, $0x72FF, v30;
	v31 =	vnsel vm1, $0x72FF, v31;
	v33 =	vshll.u32 v32, $0x3  }
0x1bb: {  	v34 =	vand.u32 $0x1000, v32;
	v32 =	vshrl.u32 v32, $0x2;
	v33 =	vand.u32 $0xC00, v33  }
0x1bc: {  	v28 =	vnsel vm3, $0x72FF, v28;
	v32 =	vand.u32 $0x380, v32;
	v33 =	vor.u32 v33, v34  }
0x1bd: {  	v27 =	vnsel vm4, $0x72FF, v27;
	v26 =	vnsel vm5, $0x72FF, v26;
	v32 =	vor.u32 v32, v33  }
0x1be: {  	v33 =	vor.u32 v0, v32;
	v34 =	vor.u32 v3, v32;
	v35 =	vor.u32 v9, v32  }
0x1bf: {  	v36 =	vor.u32 v4, v32;
	v37 =	vor.u32 v5, v32;
	v38 =	vor.u32 v6, v32  }
0x1c0: {  	v25 =	vnsel vm2, $0x72FF, v25;
	v39 =	vor.u32 v7, v32;
	v32 =	vor.u32 v8, v32  }
0x1c1: {  	v29 =	vmin.u32 v29, $0x82FE;
	v30 =	vmin.u32 v30, $0x82FE;
	v31 =	vmin.u32 v31, $0x82FE  }
0x1c2: {  	v28 =	vmin.u32 v28, $0x82FE;
	v27 =	vmin.u32 v27, $0x82FE;
	v26 =	vmin.u32 v26, $0x82FE  }
0x1c3: {  	v41 =	vshll.u32 v18, $0x10;
	v42 =	vshll.u32 v19, $0x10;
	v18 =	vmin.u32 v25, $0x82FE;
	v40 =	vld.idx.msk [tilespmem:v35+s22+$0x0], $0xffff  }
0x1c4: {  	v22 =	vshll.u32 v22, $0x10;
	v23 =	vshll.u32 v23, $0x10;
	v29 =	vadd.s32 v2, v29;
	v25 =	vld.idx.msk [tilespmem:v33+s22+$0x0], $0xffff  }
0x1c5: {  	v30 =	vadd.s32 v2, v30;
	v31 =	vadd.s32 v2, v31;
	v28 =	vadd.s32 v2, v28;
	v43 =	vld.idx.msk [tilespmem:v34+s22+$0x0], $0xffff  }
0x1c6: {  	v27 =	vadd.s32 v2, v27;
	v26 =	vadd.s32 v2, v26;
	v45 =	vadd.s32 v2, v18;
	v44 =	vld.idx.msk [tilespmem:v36+s22+$0x0], $0xffff  }
0x1c7: {  	v46 =	vor.u32 $0x1, v20;
	v47 =	vor.u32 $0x1, v21;
	v48 =	vor.u32 $0x1, v24;
	v18 =	vld.idx.msk [tilespmem:v37+s22+$0x0], $0xffff  }
0x1c8: {  	v41 =	vor.u32 $0x1, v41;
	v42 =	vor.u32 $0x1, v42;
	v49 =	vor.u32 $0x1, v22;
	v19 =	vld.idx.msk [tilespmem:v38+s22+$0x0], $0xffff  }
0x1c9: {  	v50 =	vor.u32 $0x1, v23;
	v24 =	vcvt.s32.f32 v40;
	v35 =	vld.idx.msk [tilespmem:v35+s2+$0x0], $0xffff  }
0x1ca: {  	v51 =	vcvt.s32.f32 v25;
	v20 =	vshll.u32 v25, $0x10;
	v22 =	vld.idx.msk [tilespmem:v39+s22+$0x0], $0xffff  }
0x1cb: {  	v25 =	vcvt.s32.f32 v43;
	v21 =	vshll.u32 v43, $0x10;
	v43 =	vadd.f32 v24, v24;
	v23 =	vld.idx.msk [tilespmem:v32+s22+$0x0], $0xffff  }
0x1cc: {  	v51 =	vadd.f32 v51, v51;
	v52 =	vcvt.s32.f32 v44;
	v24 =	vshll.u32 v44, $0x10;
	v33 =	vld.idx.msk [tilespmem:v33+s2+$0x0], $0xffff  }
0x1cd: {  	v25 =	vadd.f32 v25, v25;
	v44 =	vcvt.s32.f32 v18;
	v43 =	vadd.f32 $-1.000000000e+00, v43;
	v34 =	vld.idx.msk [tilespmem:v34+s2+$0x0], $0xffff  }
0x1ce: {  	v51 =	vadd.f32 $-1.000000000e+00, v51;
	v52 =	vadd.f32 v52, v52;
	v53 =	vcvt.s32.f32 v19;
	v36 =	vld.idx.msk [tilespmem:v36+s2+$0x0], $0xffff  }
0x1cf: {  	v25 =	vadd.f32 $-1.000000000e+00, v25;
	v44 =	vadd.f32 v44, v44;
	v35 =	vmul.f32 v43, v35;
	v37 =	vld.idx.msk [tilespmem:v37+s2+$0x0], $0xffff  }
0x1d0: {  	v43 =	vadd.f32 $-1.000000000e+00, v52;
	v52 =	vadd.f32 v53, v53;
	v53 =	vcvt.s32.f32 v22;
	v38 =	vld.idx.msk [tilespmem:v38+s2+$0x0], $0xffff  }
0x1d1: {  	v44 =	vadd.f32 $-1.000000000e+00, v44;
	v54 =	vcvt.s32.f32 v23;
	v35 =	vsub.f32 $1.000000000e+00, v35;
	v39 =	vld.idx.msk [tilespmem:v39+s2+$0x0], $0xffff  }
0x1d2: {  	v33 =	vmul.f32 v51, v33;
	v51 =	vadd.f32 $-1.000000000e+00, v52;
	v52 =	vadd.f32 v53, v53;
	v32 =	vld.idx.msk [tilespmem:v32+s2+$0x0], $0xffff  }
0x1d3: {  	v25 =	vmul.f32 v25, v34;
	v34 =	vadd.f32 v54, v54;
	v35 =	vshra.s32 v35, $0xF;
	[tilespmem:v29+s25+$0x0] =	vst.idx.add.s32.msk $0xffff, v46  }
0x1d4: {  	v29 =	vmul.f32 v43, v36;
	v36 =	vadd.f32 $-1.000000000e+00, v52;
	vm0 =	vgt.s32 v35, $0x72FF;
	[tilespmem:v30+s25+$0x0] =	vst.idx.add.s32.msk $0xffff, v47  }
0x1d5: {  	v30 =	vmul.f32 v44, v37;
	v34 =	vadd.f32 $-1.000000000e+00, v34;
	v35 =	vnsel vm0, $0x72FF, v35;
	[tilespmem:v31+s25+$0x0] =	vst.idx.add.s32.msk $0xffff, v48  }
0x1d6: {  	v31 =	vsub.f32 $1.000000000e+00, v33;
	v33 =	vmul.f32 v51, v38;
	v35 =	vmin.u32 v35, $0x82FE;
	[tilespmem:v28+s25+$0x0] =	vst.idx.add.s32.msk $0xffff, v41  }
0x1d7: {  	v25 =	vsub.f32 $1.000000000e+00, v25;
	v28 =	vmul.f32 v36, v39;
	v35 =	vadd.s32 v2, v35;
	[tilespmem:v27+s25+$0x0] =	vst.idx.add.s32.msk $0xffff, v42  }
0x1d8: {  	v36 =	vsub.f32 $1.000000000e+00, v30;
	v27 =	vsub.f32 $1.000000000e+00, v29;
	v32 =	vmul.f32 v34, v32;
	[tilespmem:v26+s25+$0x0] =	vst.idx.add.s32.msk $0xffff, v49  }
.Ltmp5:
0x1d9: {  	v29 =	vshra.s32 v31, $0xF;
	v26 =	vsub.f32 $1.000000000e+00, v33;
	v33 =	vsub.f32 $1.000000000e+00, v28;
	[tilespmem:v45+s25+$0x0] =	vst.idx.add.s32.msk $0xffff, v50;
	(pc) =	sbr.rel @p0 .LBB2_12-.Ltmp5, $4  }
0x1da: {  	v30 =	vshra.s32 v25, $0xF;
	v25 =	vsub.f32 $1.000000000e+00, v32;
	v32 =	vshll.u32 v40, $0x10  }
0x1db: {  	v28 =	vshra.s32 v36, $0xF;
	v31 =	vshra.s32 v27, $0xF;
	v32 =	vor.u32 $0x1, v32  }
0x1dc: {  	v27 =	vshra.s32 v26, $0xF;
	v26 =	vshra.s32 v33, $0xF;
	v25 =	vshra.s32 v25, $0xF;
	[tilespmem:v35+s25+$0x0] =	vst.idx.add.s32.msk $0xffff, v32  }
0x1dd: {  	vm0 =	vgt.s32 v30, $0x72FF;
	vm2 =	vgt.s32 v29, $0x72FF;
	vm1 =	vgt.s32 v31, $0x72FF  }
0x1de: {  	vm3 =	vgt.s32 v28, $0x72FF;
	vm4 =	vgt.s32 v27, $0x72FF  }
0x1df: {  	vm5 =	vgt.s32 v26, $0x72FF;
	v29 =	vnsel vm2, $0x72FF, v29;
	vm2 =	vgt.s32 v25, $0x72FF  }
0x1e0: {  	v30 =	vnsel vm0, $0x72FF, v30;
	v31 =	vnsel vm1, $0x72FF, v31;
	v29 =	vmin.u32 v29, $0x82FE  }
0x1e1: {  	v20 =	vor.u32 $0x1, v20;
	v30 =	vmin.u32 v30, $0x82FE;
	v29 =	vadd.s32 v2, v29  }
0x1e2: {  	v28 =	vnsel vm3, $0x72FF, v28;
	v31 =	vmin.u32 v31, $0x82FE;
	v30 =	vadd.s32 v2, v30  }
0x1e3: {  	v27 =	vnsel vm4, $0x72FF, v27;
	v28 =	vmin.u32 v28, $0x82FE;
	v31 =	vadd.s32 v2, v31  }
0x1e4: {  	v26 =	vnsel vm5, $0x72FF, v26;
	v27 =	vmin.u32 v27, $0x82FE;
	v28 =	vadd.s32 v2, v28  }
0x1e5: {  	v25 =	vnsel vm2, $0x72FF, v25;
	v26 =	vmin.u32 v26, $0x82FE;
	v27 =	vadd.s32 v2, v27  }
0x1e6: {  	v21 =	vor.u32 $0x1, v21;
	v25 =	vmin.u32 v25, $0x82FE;
	v26 =	vadd.s32 v2, v26;
	[tilespmem:v29+s25+$0x0] =	vst.idx.add.s32.msk $0xffff, v20  }
0x1e7: {  	v18 =	vshll.u32 v18, $0x10;
	v24 =	vor.u32 $0x1, v24;
	v20 =	vadd.s32 v2, v25;
	[tilespmem:v30+s25+$0x0] =	vst.idx.add.s32.msk $0xffff, v21  }
0x1e8: {  	v19 =	vshll.u32 v19, $0x10;
	v18 =	vor.u32 $0x1, v18;
	[tilespmem:v31+s25+$0x0] =	vst.idx.add.s32.msk $0xffff, v24  }
0x1e9: {  	v19 =	vor.u32 $0x1, v19;
	v21 =	vshll.u32 v22, $0x10;
	[tilespmem:v28+s25+$0x0] =	vst.idx.add.s32.msk $0xffff, v18  }
0x1ea: {  	v18 =	vshll.u32 v23, $0x10;
	v21 =	vor.u32 $0x1, v21;
	[tilespmem:v27+s25+$0x0] =	vst.idx.add.s32.msk $0xffff, v19  }
0x1eb: {  	s0 =	simm.s32 $0x0;
	v18 =	vor.u32 $0x1, v18;
	[tilespmem:v26+s25+$0x0] =	vst.idx.add.s32.msk $0xffff, v21  }
0x1ec: {  	[tilespmem:v20+s25+$0x0] =	vst.idx.add.s32.msk $0xffff, v18;
	v18 =	vmov s0  }
0x1ed: {  	_ =	swait.ge [sflag:s26], $0x2000;
	v19 =	vshll.u32 v18, $0x3  }
0x1ee: {  	v20 =	vand.u32 $0x1000, v18;
	v18 =	vshrl.u32 v18, $0x2;
	[sflag:s26] =	ssyncset.done $0x0;
	v19 =	vand.u32 $0xC00, v19  }
0x1ef: {  	v18 =	vand.u32 $0x380, v18;
	[sflag:s26] =	ssyncadd.s32 $0xFFFFE000;
	v19 =	vor.u32 v19, v20  }
0x1f0: {  	_ =	swait.ge [sflag:s26], $0x2000;
	v18 =	vor.u32 v18, v19  }
0x1f1: {  	[sflag:s26] =	ssyncset.done $0x0;
	v20 =	vor.u32 v17, v18  }
0x1f2: {  	v25 =	vor.u32 v10, v18;
	[sflag:s26] =	ssyncadd.s32 $0xFFFFE000  }
0x1f3: {  	v26 =	vor.u32 v11, v18;
	[tilespmem:s2], [sflag:$0x1] =	stream.linear.gather [hbm4b:s16+s2], $0x2000, $0x38;
	[tilespmem:$0x1A000] =	vst v63  }
0x1f4: {  	v27 =	vor.u32 v12, v18  }
0x1f5: {  	v28 =	vor.u32 v13, v18;
	[tilespmem:s22], [sflag:$0x1] =	stream.linear.gather [hbm4b:s17+s2], $0x2000, $0x38;
	[tilespmem:$0x1A000] =	vst v63  }
0x1f6: {  	v29 =	vor.u32 v14, v18;
	v31 =	vld.idx.msk [tilespmem:v20+s22+$0x0], $0xffff  }
0x1f7: {  	v30 =	vor.u32 v15, v18;
	v21 =	vld.idx.msk [tilespmem:v25+s22+$0x0], $0xffff  }
0x1f8: {  	v23 =	vld.idx.msk [tilespmem:v26+s22+$0x0], $0xffff  }
0x1f9: {  	v24 =	vld.idx.msk [tilespmem:v27+s22+$0x0], $0xffff  }
0x1fa: {  	v32 =	vor.u32 v16, v18;
	v18 =	vld.idx.msk [tilespmem:v28+s22+$0x0], $0xffff  }
0x1fb: {  	v19 =	vld.idx.msk [tilespmem:v29+s22+$0x0], $0xffff  }
0x1fc: {  	v22 =	vld.idx.msk [tilespmem:v30+s22+$0x0], $0xffff  }
0x1fd: {  	v34 =	vld.idx.msk [tilespmem:v20+s2+$0x0], $0xffff;
	v33 =	vcvt.s32.f32 v31;
	v35 =	vcvt.s32.f32 v21  }
0x1fe: {  	v25 =	vld.idx.msk [tilespmem:v25+s2+$0x0], $0xffff;
	v20 =	vshll.u32 v21, $0x10;
	v36 =	vcvt.s32.f32 v23;
	v21 =	vshll.u32 v23, $0x10  }
0x1ff: {  	v26 =	vld.idx.msk [tilespmem:v26+s2+$0x0], $0xffff;
	v37 =	vcvt.s32.f32 v24;
	v38 =	vcvt.s32.f32 v18;
	v33 =	vadd.f32 v33, v33  }
0x200: {  	v27 =	vld.idx.msk [tilespmem:v27+s2+$0x0], $0xffff;
	v39 =	vcvt.s32.f32 v19;
	v35 =	vadd.f32 v35, v35;
	v36 =	vadd.f32 v36, v36  }
0x201: {  	v23 =	vld.idx.msk [tilespmem:v32+s22+$0x0], $0xffff;
	v58 =	vcvt.s32.f32 v22;
	v37 =	vadd.f32 v37, v37;
	v38 =	vadd.f32 v38, v38  }
0x202: {  	v28 =	vld.idx.msk [tilespmem:v28+s2+$0x0], $0xffff;
	v57 =	vadd.f32 v39, v39;
	v33 =	vadd.f32 $-1.000000000e+00, v33  }
0x203: {  	v29 =	vld.idx.msk [tilespmem:v29+s2+$0x0], $0xffff;
	v60 =	vadd.f32 v58, v58;
	v35 =	vadd.f32 $-1.000000000e+00, v35  }
0x204: {  	v30 =	vld.idx.msk [tilespmem:v30+s2+$0x0], $0xffff;
	v36 =	vadd.f32 $-1.000000000e+00, v36;
	v56 =	vadd.f32 $-1.000000000e+00, v37;
	v33 =	vmul.f32 v33, v34  }
0x205: {  	v24 =	vshll.u32 v24, $0x10;
	v38 =	vadd.f32 $-1.000000000e+00, v38;
	v59 =	vadd.f32 $-1.000000000e+00, v57  }
0x206: {  	v40 =	vcvt.s32.f32 v23;
	v25 =	vmul.f32 v35, v25;
	v33 =	vsub.f32 $1.000000000e+00, v33  }
0x207: {  	v62 =	vadd.f32 $-1.000000000e+00, v60;
	v26 =	vmul.f32 v36, v26;
	v27 =	vmul.f32 v56, v27  }
0x208: {  	v32 =	vld.idx.msk [tilespmem:v32+s2+$0x0], $0xffff;
	v28 =	vmul.f32 v38, v28;
	v35 =	vmul.f32 v59, v29;
	v33 =	vshra.s32 v33, $0xF  }
0x209: {  	v30 =	vmul.f32 v62, v30;
	v61 =	vadd.f32 v40, v40;
	vm0 =	vgt.s32 v33, $0x72FF  }
0x20a: {  	v25 =	vsub.f32 $1.000000000e+00, v25;
	v26 =	vsub.f32 $1.000000000e+00, v26;
	v33 =	vnsel vm0, $0x72FF, v33  }
0x20b: {  	v27 =	vsub.f32 $1.000000000e+00, v27;
	v36 =	vadd.f32 $-1.000000000e+00, v61;
	v29 =	vmin.u32 v33, $0x82FE  }
0x20c: {  	v28 =	vsub.f32 $1.000000000e+00, v28;
	v34 =	vsub.f32 $1.000000000e+00, v30;
	v33 =	vadd.s32 v2, v29  }
0x20d: {  	v30 =	vshra.s32 v26, $0xF;
	v26 =	vshll.u32 v31, $0x10;
	v32 =	vmul.f32 v36, v32  }
0x20e: {  	v31 =	vshra.s32 v27, $0xF;
	v28 =	vshra.s32 v28, $0xF;
	v63 =	vor.u32 $0x1, v26  }
0x20f: {  	v32 =	vsub.f32 $1.000000000e+00, v32;
	v29 =	vshra.s32 v25, $0xF;
	v25 =	vsub.f32 $1.000000000e+00, v35  }
0x210: {  	v26 =	vshra.s32 v34, $0xF;
	vm1 =	vgt.s32 v31, $0x72FF;
	vm0 =	vgt.s32 v30, $0x72FF  }
0x211: {  	vm2 =	vgt.s32 v29, $0x72FF;
	v27 =	vshra.s32 v25, $0xF;
	v25 =	vshra.s32 v32, $0xF;
	[tilespmem:v33+s25+$0x0] =	vst.idx.add.s32.msk $0xffff, v63  }
.LBB2_14:
0x212: {  	s0 =	sadd.s32 $0x80, s0;
	vm3 =	vgt.s32 v28, $0x72FF;
	vm4 =	vgt.s32 v27, $0x72FF;
	vm5 =	vgt.s32 v26, $0x72FF  }
0x213: {  	v29 =	vnsel vm2, $0x72FF, v29;
	vm2 =	vgt.s32 v25, $0x72FF;
	v32 =	vmov s0;
	p0 =	slt.u32 s0, $0x1F80  }
0x214: {  	v30 =	vnsel vm0, $0x72FF, v30;
	v31 =	vnsel vm1, $0x72FF, v31;
	v33 =	vshll.u32 v32, $0x3  }
0x215: {  	v34 =	vand.u32 $0x1000, v32;
	v32 =	vshrl.u32 v32, $0x2;
	v33 =	vand.u32 $0xC00, v33  }
0x216: {  	v28 =	vnsel vm3, $0x72FF, v28;
	v32 =	vand.u32 $0x380, v32;
	v33 =	vor.u32 v33, v34  }
0x217: {  	v27 =	vnsel vm4, $0x72FF, v27;
	v26 =	vnsel vm5, $0x72FF, v26;
	v32 =	vor.u32 v32, v33  }
0x218: {  	v33 =	vor.u32 v10, v32;
	v34 =	vor.u32 v11, v32;
	v35 =	vor.u32 v17, v32  }
0x219: {  	v36 =	vor.u32 v12, v32;
	v37 =	vor.u32 v13, v32;
	v38 =	vor.u32 v14, v32  }
0x21a: {  	v25 =	vnsel vm2, $0x72FF, v25;
	v39 =	vor.u32 v15, v32;
	v32 =	vor.u32 v16, v32  }
0x21b: {  	v29 =	vmin.u32 v29, $0x82FE;
	v30 =	vmin.u32 v30, $0x82FE;
	v31 =	vmin.u32 v31, $0x82FE  }
0x21c: {  	v28 =	vmin.u32 v28, $0x82FE;
	v27 =	vmin.u32 v27, $0x82FE;
	v26 =	vmin.u32 v26, $0x82FE  }
0x21d: {  	v41 =	vshll.u32 v18, $0x10;
	v42 =	vshll.u32 v19, $0x10;
	v18 =	vmin.u32 v25, $0x82FE;
	v40 =	vld.idx.msk [tilespmem:v35+s22+$0x0], $0xffff  }
0x21e: {  	v22 =	vshll.u32 v22, $0x10;
	v23 =	vshll.u32 v23, $0x10;
	v29 =	vadd.s32 v2, v29;
	v25 =	vld.idx.msk [tilespmem:v33+s22+$0x0], $0xffff  }
0x21f: {  	v30 =	vadd.s32 v2, v30;
	v31 =	vadd.s32 v2, v31;
	v28 =	vadd.s32 v2, v28;
	v43 =	vld.idx.msk [tilespmem:v34+s22+$0x0], $0xffff  }
0x220: {  	v27 =	vadd.s32 v2, v27;
	v26 =	vadd.s32 v2, v26;
	v45 =	vadd.s32 v2, v18;
	v44 =	vld.idx.msk [tilespmem:v36+s22+$0x0], $0xffff  }
0x221: {  	v46 =	vor.u32 $0x1, v20;
	v47 =	vor.u32 $0x1, v21;
	v48 =	vor.u32 $0x1, v24;
	v18 =	vld.idx.msk [tilespmem:v37+s22+$0x0], $0xffff  }
0x222: {  	v41 =	vor.u32 $0x1, v41;
	v42 =	vor.u32 $0x1, v42;
	v49 =	vor.u32 $0x1, v22;
	v19 =	vld.idx.msk [tilespmem:v38+s22+$0x0], $0xffff  }
0x223: {  	v50 =	vor.u32 $0x1, v23;
	v24 =	vcvt.s32.f32 v40;
	v35 =	vld.idx.msk [tilespmem:v35+s2+$0x0], $0xffff  }
0x224: {  	v51 =	vcvt.s32.f32 v25;
	v20 =	vshll.u32 v25, $0x10;
	v22 =	vld.idx.msk [tilespmem:v39+s22+$0x0], $0xffff  }
0x225: {  	v25 =	vcvt.s32.f32 v43;
	v21 =	vshll.u32 v43, $0x10;
	v43 =	vadd.f32 v24, v24;
	v23 =	vld.idx.msk [tilespmem:v32+s22+$0x0], $0xffff  }
0x226: {  	v51 =	vadd.f32 v51, v51;
	v52 =	vcvt.s32.f32 v44;
	v24 =	vshll.u32 v44, $0x10;
	v33 =	vld.idx.msk [tilespmem:v33+s2+$0x0], $0xffff  }
0x227: {  	v25 =	vadd.f32 v25, v25;
	v44 =	vcvt.s32.f32 v18;
	v43 =	vadd.f32 $-1.000000000e+00, v43;
	v34 =	vld.idx.msk [tilespmem:v34+s2+$0x0], $0xffff  }
0x228: {  	v51 =	vadd.f32 $-1.000000000e+00, v51;
	v52 =	vadd.f32 v52, v52;
	v53 =	vcvt.s32.f32 v19;
	v36 =	vld.idx.msk [tilespmem:v36+s2+$0x0], $0xffff  }
0x229: {  	v25 =	vadd.f32 $-1.000000000e+00, v25;
	v44 =	vadd.f32 v44, v44;
	v35 =	vmul.f32 v43, v35;
	v37 =	vld.idx.msk [tilespmem:v37+s2+$0x0], $0xffff  }
0x22a: {  	v43 =	vadd.f32 $-1.000000000e+00, v52;
	v52 =	vadd.f32 v53, v53;
	v53 =	vcvt.s32.f32 v22;
	v38 =	vld.idx.msk [tilespmem:v38+s2+$0x0], $0xffff  }
0x22b: {  	v44 =	vadd.f32 $-1.000000000e+00, v44;
	v54 =	vcvt.s32.f32 v23;
	v35 =	vsub.f32 $1.000000000e+00, v35;
	v39 =	vld.idx.msk [tilespmem:v39+s2+$0x0], $0xffff  }
0x22c: {  	v33 =	vmul.f32 v51, v33;
	v51 =	vadd.f32 $-1.000000000e+00, v52;
	v52 =	vadd.f32 v53, v53;
	v32 =	vld.idx.msk [tilespmem:v32+s2+$0x0], $0xffff  }
0x22d: {  	v25 =	vmul.f32 v25, v34;
	v34 =	vadd.f32 v54, v54;
	v35 =	vshra.s32 v35, $0xF;
	[tilespmem:v29+s25+$0x0] =	vst.idx.add.s32.msk $0xffff, v46  }
0x22e: {  	v29 =	vmul.f32 v43, v36;
	v36 =	vadd.f32 $-1.000000000e+00, v52;
	vm0 =	vgt.s32 v35, $0x72FF;
	[tilespmem:v30+s25+$0x0] =	vst.idx.add.s32.msk $0xffff, v47  }
0x22f: {  	v30 =	vmul.f32 v44, v37;
	v34 =	vadd.f32 $-1.000000000e+00, v34;
	v35 =	vnsel vm0, $0x72FF, v35;
	[tilespmem:v31+s25+$0x0] =	vst.idx.add.s32.msk $0xffff, v48  }
0x230: {  	v31 =	vsub.f32 $1.000000000e+00, v33;
	v33 =	vmul.f32 v51, v38;
	v35 =	vmin.u32 v35, $0x82FE;
	[tilespmem:v28+s25+$0x0] =	vst.idx.add.s32.msk $0xffff, v41  }
0x231: {  	v25 =	vsub.f32 $1.000000000e+00, v25;
	v28 =	vmul.f32 v36, v39;
	v35 =	vadd.s32 v2, v35;
	[tilespmem:v27+s25+$0x0] =	vst.idx.add.s32.msk $0xffff, v42  }
0x232: {  	v36 =	vsub.f32 $1.000000000e+00, v30;
	v27 =	vsub.f32 $1.000000000e+00, v29;
	v32 =	vmul.f32 v34, v32;
	[tilespmem:v26+s25+$0x0] =	vst.idx.add.s32.msk $0xffff, v49  }
.Ltmp6:
0x233: {  	v29 =	vshra.s32 v31, $0xF;
	v26 =	vsub.f32 $1.000000000e+00, v33;
	v33 =	vsub.f32 $1.000000000e+00, v28;
	[tilespmem:v45+s25+$0x0] =	vst.idx.add.s32.msk $0xffff, v50;
	(pc) =	sbr.rel @p0 .LBB2_14-.Ltmp6, $4  }
0x234: {  	v30 =	vshra.s32 v25, $0xF;
	v25 =	vsub.f32 $1.000000000e+00, v32;
	v32 =	vshll.u32 v40, $0x10  }
0x235: {  	v28 =	vshra.s32 v36, $0xF;
	v31 =	vshra.s32 v27, $0xF;
	v32 =	vor.u32 $0x1, v32  }
0x236: {  	v27 =	vshra.s32 v26, $0xF;
	v26 =	vshra.s32 v33, $0xF;
	v25 =	vshra.s32 v25, $0xF;
	[tilespmem:v35+s25+$0x0] =	vst.idx.add.s32.msk $0xffff, v32  }
0x237: {  	vm0 =	vgt.s32 v30, $0x72FF;
	vm2 =	vgt.s32 v29, $0x72FF;
	vm1 =	vgt.s32 v31, $0x72FF  }
0x238: {  	vm3 =	vgt.s32 v28, $0x72FF;
	vm4 =	vgt.s32 v27, $0x72FF  }
0x239: {  	vm5 =	vgt.s32 v26, $0x72FF;
	v29 =	vnsel vm2, $0x72FF, v29;
	vm2 =	vgt.s32 v25, $0x72FF  }
0x23a: {  	v30 =	vnsel vm0, $0x72FF, v30;
	v31 =	vnsel vm1, $0x72FF, v31;
	v29 =	vmin.u32 v29, $0x82FE  }
0x23b: {  	v20 =	vor.u32 $0x1, v20;
	v30 =	vmin.u32 v30, $0x82FE;
	v29 =	vadd.s32 v2, v29  }
0x23c: {  	v28 =	vnsel vm3, $0x72FF, v28;
	v31 =	vmin.u32 v31, $0x82FE;
	v30 =	vadd.s32 v2, v30  }
0x23d: {  	v27 =	vnsel vm4, $0x72FF, v27;
	v28 =	vmin.u32 v28, $0x82FE;
	v31 =	vadd.s32 v2, v31  }
0x23e: {  	v26 =	vnsel vm5, $0x72FF, v26;
	v27 =	vmin.u32 v27, $0x82FE;
	v28 =	vadd.s32 v2, v28  }
0x23f: {  	v25 =	vnsel vm2, $0x72FF, v25;
	v26 =	vmin.u32 v26, $0x82FE;
	v27 =	vadd.s32 v2, v27  }
0x240: {  	v21 =	vor.u32 $0x1, v21;
	v25 =	vmin.u32 v25, $0x82FE;
	v26 =	vadd.s32 v2, v26;
	[tilespmem:v29+s25+$0x0] =	vst.idx.add.s32.msk $0xffff, v20  }
0x241: {  	v18 =	vshll.u32 v18, $0x10;
	v24 =	vor.u32 $0x1, v24;
	v20 =	vadd.s32 v2, v25;
	[tilespmem:v30+s25+$0x0] =	vst.idx.add.s32.msk $0xffff, v21  }
0x242: {  	v19 =	vshll.u32 v19, $0x10;
	v18 =	vor.u32 $0x1, v18;
	[tilespmem:v31+s25+$0x0] =	vst.idx.add.s32.msk $0xffff, v24  }
0x243: {  	v19 =	vor.u32 $0x1, v19;
	v21 =	vshll.u32 v22, $0x10;
	[tilespmem:v28+s25+$0x0] =	vst.idx.add.s32.msk $0xffff, v18  }
0x244: {  	v18 =	vshll.u32 v23, $0x10;
	v21 =	vor.u32 $0x1, v21;
	[tilespmem:v27+s25+$0x0] =	vst.idx.add.s32.msk $0xffff, v19  }
0x245: {  	s0 =	simm.s32 $0x0;
	v18 =	vor.u32 $0x1, v18;
	[tilespmem:v26+s25+$0x0] =	vst.idx.add.s32.msk $0xffff, v21  }
0x246: {  	[tilespmem:v20+s25+$0x0] =	vst.idx.add.s32.msk $0xffff, v18;
	v18 =	vmov s0  }
0x247: {  	_ =	swait.ge [sflag:s3], $0x2000;
	v19 =	vshll.u32 v18, $0x3  }
0x248: {  	v20 =	vand.u32 $0x1000, v18;
	v18 =	vshrl.u32 v18, $0x2;
	[sflag:s3] =	ssyncset.done $0x0;
	v19 =	vand.u32 $0xC00, v19  }
0x249: {  	v18 =	vand.u32 $0x380, v18;
	[sflag:s3] =	ssyncadd.s32 $0xFFFFE000;
	v19 =	vor.u32 v19, v20  }
0x24a: {  	_ =	swait.ge [sflag:s3], $0x2000;
	v18 =	vor.u32 v18, v19  }
0x24b: {  	[sflag:s3] =	ssyncset.done $0x0;
	v20 =	vor.u32 v9, v18  }
0x24c: {  	v25 =	vor.u32 v0, v18;
	[sflag:s3] =	ssyncadd.s32 $0xFFFFE000  }
0x24d: {  	v26 =	vor.u32 v3, v18;
	[tilespmem:s23], [sflag:$0x2] =	stream.linear.gather [hbm4b:s18+s2], $0x2000, $0x38;
	[tilespmem:$0x1A000] =	vst v63  }
0x24e: {  	v27 =	vor.u32 v4, v18  }
0x24f: {  	v28 =	vor.u32 v5, v18;
	[tilespmem:s24], [sflag:$0x2] =	stream.linear.gather [hbm4b:s19+s2], $0x2000, $0x38;
	[tilespmem:$0x1A000] =	vst v63  }
0x250: {  	v29 =	vor.u32 v6, v18;
	v31 =	vld.idx.msk [tilespmem:v20+s22+$0x0], $0xffff  }
0x251: {  	v30 =	vor.u32 v7, v18;
	v21 =	vld.idx.msk [tilespmem:v25+s22+$0x0], $0xffff  }
0x252: {  	v23 =	vld.idx.msk [tilespmem:v26+s22+$0x0], $0xffff  }
0x253: {  	v24 =	vld.idx.msk [tilespmem:v27+s22+$0x0], $0xffff  }
0x254: {  	v32 =	vor.u32 v8, v18;
	v18 =	vld.idx.msk [tilespmem:v28+s22+$0x0], $0xffff  }
0x255: {  	v19 =	vld.idx.msk [tilespmem:v29+s22+$0x0], $0xffff  }
0x256: {  	v22 =	vld.idx.msk [tilespmem:v30+s22+$0x0], $0xffff  }
0x257: {  	v34 =	vld.idx.msk [tilespmem:v20+s2+$0x0], $0xffff;
	v33 =	vcvt.s32.f32 v31;
	v35 =	vcvt.s32.f32 v21  }
0x258: {  	v25 =	vld.idx.msk [tilespmem:v25+s2+$0x0], $0xffff;
	v20 =	vshll.u32 v21, $0x10;
	v36 =	vcvt.s32.f32 v23;
	v21 =	vshll.u32 v23, $0x10  }
0x259: {  	v26 =	vld.idx.msk [tilespmem:v26+s2+$0x0], $0xffff;
	v37 =	vcvt.s32.f32 v24;
	v38 =	vcvt.s32.f32 v18;
	v33 =	vadd.f32 v33, v33  }
0x25a: {  	v27 =	vld.idx.msk [tilespmem:v27+s2+$0x0], $0xffff;
	v39 =	vcvt.s32.f32 v19;
	v35 =	vadd.f32 v35, v35;
	v36 =	vadd.f32 v36, v36  }
0x25b: {  	v23 =	vld.idx.msk [tilespmem:v32+s22+$0x0], $0xffff;
	v58 =	vcvt.s32.f32 v22;
	v37 =	vadd.f32 v37, v37;
	v38 =	vadd.f32 v38, v38  }
0x25c: {  	v28 =	vld.idx.msk [tilespmem:v28+s2+$0x0], $0xffff;
	v57 =	vadd.f32 v39, v39;
	v33 =	vadd.f32 $-1.000000000e+00, v33  }
0x25d: {  	v29 =	vld.idx.msk [tilespmem:v29+s2+$0x0], $0xffff;
	v60 =	vadd.f32 v58, v58;
	v35 =	vadd.f32 $-1.000000000e+00, v35  }
0x25e: {  	v30 =	vld.idx.msk [tilespmem:v30+s2+$0x0], $0xffff;
	v36 =	vadd.f32 $-1.000000000e+00, v36;
	v56 =	vadd.f32 $-1.000000000e+00, v37;
	v33 =	vmul.f32 v33, v34  }
0x25f: {  	v24 =	vshll.u32 v24, $0x10;
	v38 =	vadd.f32 $-1.000000000e+00, v38;
	v59 =	vadd.f32 $-1.000000000e+00, v57  }
0x260: {  	v40 =	vcvt.s32.f32 v23;
	v25 =	vmul.f32 v35, v25;
	v33 =	vsub.f32 $1.000000000e+00, v33  }
0x261: {  	v62 =	vadd.f32 $-1.000000000e+00, v60;
	v26 =	vmul.f32 v36, v26;
	v27 =	vmul.f32 v56, v27  }
0x262: {  	v32 =	vld.idx.msk [tilespmem:v32+s2+$0x0], $0xffff;
	v28 =	vmul.f32 v38, v28;
	v35 =	vmul.f32 v59, v29;
	v33 =	vshra.s32 v33, $0xF  }
0x263: {  	v30 =	vmul.f32 v62, v30;
	v61 =	vadd.f32 v40, v40;
	vm0 =	vgt.s32 v33, $0x72FF  }
0x264: {  	v25 =	vsub.f32 $1.000000000e+00, v25;
	v26 =	vsub.f32 $1.000000000e+00, v26;
	v33 =	vnsel vm0, $0x72FF, v33  }
0x265: {  	v27 =	vsub.f32 $1.000000000e+00, v27;
	v36 =	vadd.f32 $-1.000000000e+00, v61;
	v29 =	vmin.u32 v33, $0x82FE  }
0x266: {  	v28 =	vsub.f32 $1.000000000e+00, v28;
	v34 =	vsub.f32 $1.000000000e+00, v30;
	v33 =	vadd.s32 v2, v29  }
0x267: {  	v30 =	vshra.s32 v26, $0xF;
	v26 =	vshll.u32 v31, $0x10;
	v32 =	vmul.f32 v36, v32  }
0x268: {  	v31 =	vshra.s32 v27, $0xF;
	v28 =	vshra.s32 v28, $0xF;
	v63 =	vor.u32 $0x1, v26  }
0x269: {  	v32 =	vsub.f32 $1.000000000e+00, v32;
	v29 =	vshra.s32 v25, $0xF;
	v25 =	vsub.f32 $1.000000000e+00, v35  }
0x26a: {  	v26 =	vshra.s32 v34, $0xF;
	vm1 =	vgt.s32 v31, $0x72FF;
	vm0 =	vgt.s32 v30, $0x72FF  }
0x26b: {  	vm2 =	vgt.s32 v29, $0x72FF;
	v27 =	vshra.s32 v25, $0xF;
	v25 =	vshra.s32 v32, $0xF;
	[tilespmem:v33+s25+$0x0] =	vst.idx.add.s32.msk $0xffff, v63  }
.LBB2_16:
0x26c: {  	s0 =	sadd.s32 $0x80, s0;
	vm3 =	vgt.s32 v28, $0x72FF;
	vm4 =	vgt.s32 v27, $0x72FF;
	vm5 =	vgt.s32 v26, $0x72FF  }
0x26d: {  	v29 =	vnsel vm2, $0x72FF, v29;
	vm2 =	vgt.s32 v25, $0x72FF;
	v32 =	vmov s0;
	p0 =	slt.u32 s0, $0x1F80  }
0x26e: {  	v30 =	vnsel vm0, $0x72FF, v30;
	v31 =	vnsel vm1, $0x72FF, v31;
	v33 =	vshll.u32 v32, $0x3  }
0x26f: {  	v34 =	vand.u32 $0x1000, v32;
	v32 =	vshrl.u32 v32, $0x2;
	v33 =	vand.u32 $0xC00, v33  }
0x270: {  	v28 =	vnsel vm3, $0x72FF, v28;
	v32 =	vand.u32 $0x380, v32;
	v33 =	vor.u32 v33, v34  }
0x271: {  	v27 =	vnsel vm4, $0x72FF, v27;
	v26 =	vnsel vm5, $0x72FF, v26;
	v32 =	vor.u32 v32, v33  }
0x272: {  	v33 =	vor.u32 v0, v32;
	v34 =	vor.u32 v3, v32;
	v35 =	vor.u32 v9, v32  }
0x273: {  	v36 =	vor.u32 v4, v32;
	v37 =	vor.u32 v5, v32;
	v38 =	vor.u32 v6, v32  }
0x274: {  	v25 =	vnsel vm2, $0x72FF, v25;
	v39 =	vor.u32 v7, v32;
	v32 =	vor.u32 v8, v32  }
0x275: {  	v29 =	vmin.u32 v29, $0x82FE;
	v30 =	vmin.u32 v30, $0x82FE;
	v31 =	vmin.u32 v31, $0x82FE  }
0x276: {  	v28 =	vmin.u32 v28, $0x82FE;
	v27 =	vmin.u32 v27, $0x82FE;
	v26 =	vmin.u32 v26, $0x82FE  }
0x277: {  	v41 =	vshll.u32 v18, $0x10;
	v42 =	vshll.u32 v19, $0x10;
	v18 =	vmin.u32 v25, $0x82FE;
	v40 =	vld.idx.msk [tilespmem:v35+s22+$0x0], $0xffff  }
0x278: {  	v22 =	vshll.u32 v22, $0x10;
	v23 =	vshll.u32 v23, $0x10;
	v29 =	vadd.s32 v2, v29;
	v25 =	vld.idx.msk [tilespmem:v33+s22+$0x0], $0xffff  }
0x279: {  	v30 =	vadd.s32 v2, v30;
	v31 =	vadd.s32 v2, v31;
	v28 =	vadd.s32 v2, v28;
	v43 =	vld.idx.msk [tilespmem:v34+s22+$0x0], $0xffff  }
0x27a: {  	v27 =	vadd.s32 v2, v27;
	v26 =	vadd.s32 v2, v26;
	v45 =	vadd.s32 v2, v18;
	v44 =	vld.idx.msk [tilespmem:v36+s22+$0x0], $0xffff  }
0x27b: {  	v46 =	vor.u32 $0x1, v20;
	v47 =	vor.u32 $0x1, v21;
	v48 =	vor.u32 $0x1, v24;
	v18 =	vld.idx.msk [tilespmem:v37+s22+$0x0], $0xffff  }
0x27c: {  	v41 =	vor.u32 $0x1, v41;
	v42 =	vor.u32 $0x1, v42;
	v49 =	vor.u32 $0x1, v22;
	v19 =	vld.idx.msk [tilespmem:v38+s22+$0x0], $0xffff  }
0x27d: {  	v50 =	vor.u32 $0x1, v23;
	v24 =	vcvt.s32.f32 v40;
	v35 =	vld.idx.msk [tilespmem:v35+s2+$0x0], $0xffff  }
0x27e: {  	v51 =	vcvt.s32.f32 v25;
	v20 =	vshll.u32 v25, $0x10;
	v22 =	vld.idx.msk [tilespmem:v39+s22+$0x0], $0xffff  }
0x27f: {  	v25 =	vcvt.s32.f32 v43;
	v21 =	vshll.u32 v43, $0x10;
	v43 =	vadd.f32 v24, v24;
	v23 =	vld.idx.msk [tilespmem:v32+s22+$0x0], $0xffff  }
0x280: {  	v51 =	vadd.f32 v51, v51;
	v52 =	vcvt.s32.f32 v44;
	v24 =	vshll.u32 v44, $0x10;
	v33 =	vld.idx.msk [tilespmem:v33+s2+$0x0], $0xffff  }
0x281: {  	v25 =	vadd.f32 v25, v25;
	v44 =	vcvt.s32.f32 v18;
	v43 =	vadd.f32 $-1.000000000e+00, v43;
	v34 =	vld.idx.msk [tilespmem:v34+s2+$0x0], $0xffff  }
0x282: {  	v51 =	vadd.f32 $-1.000000000e+00, v51;
	v52 =	vadd.f32 v52, v52;
	v53 =	vcvt.s32.f32 v19;
	v36 =	vld.idx.msk [tilespmem:v36+s2+$0x0], $0xffff  }
0x283: {  	v25 =	vadd.f32 $-1.000000000e+00, v25;
	v44 =	vadd.f32 v44, v44;
	v35 =	vmul.f32 v43, v35;
	v37 =	vld.idx.msk [tilespmem:v37+s2+$0x0], $0xffff  }
0x284: {  	v43 =	vadd.f32 $-1.000000000e+00, v52;
	v52 =	vadd.f32 v53, v53;
	v53 =	vcvt.s32.f32 v22;
	v38 =	vld.idx.msk [tilespmem:v38+s2+$0x0], $0xffff  }
0x285: {  	v44 =	vadd.f32 $-1.000000000e+00, v44;
	v54 =	vcvt.s32.f32 v23;
	v35 =	vsub.f32 $1.000000000e+00, v35;
	v39 =	vld.idx.msk [tilespmem:v39+s2+$0x0], $0xffff  }
0x286: {  	v33 =	vmul.f32 v51, v33;
	v51 =	vadd.f32 $-1.000000000e+00, v52;
	v52 =	vadd.f32 v53, v53;
	v32 =	vld.idx.msk [tilespmem:v32+s2+$0x0], $0xffff  }
0x287: {  	v25 =	vmul.f32 v25, v34;
	v34 =	vadd.f32 v54, v54;
	v35 =	vshra.s32 v35, $0xF;
	[tilespmem:v29+s25+$0x0] =	vst.idx.add.s32.msk $0xffff, v46  }
0x288: {  	v29 =	vmul.f32 v43, v36;
	v36 =	vadd.f32 $-1.000000000e+00, v52;
	vm0 =	vgt.s32 v35, $0x72FF;
	[tilespmem:v30+s25+$0x0] =	vst.idx.add.s32.msk $0xffff, v47  }
0x289: {  	v30 =	vmul.f32 v44, v37;
	v34 =	vadd.f32 $-1.000000000e+00, v34;
	v35 =	vnsel vm0, $0x72FF, v35;
	[tilespmem:v31+s25+$0x0] =	vst.idx.add.s32.msk $0xffff, v48  }
0x28a: {  	v31 =	vsub.f32 $1.000000000e+00, v33;
	v33 =	vmul.f32 v51, v38;
	v35 =	vmin.u32 v35, $0x82FE;
	[tilespmem:v28+s25+$0x0] =	vst.idx.add.s32.msk $0xffff, v41  }
0x28b: {  	v25 =	vsub.f32 $1.000000000e+00, v25;
	v28 =	vmul.f32 v36, v39;
	v35 =	vadd.s32 v2, v35;
	[tilespmem:v27+s25+$0x0] =	vst.idx.add.s32.msk $0xffff, v42  }
0x28c: {  	v36 =	vsub.f32 $1.000000000e+00, v30;
	v27 =	vsub.f32 $1.000000000e+00, v29;
	v32 =	vmul.f32 v34, v32;
	[tilespmem:v26+s25+$0x0] =	vst.idx.add.s32.msk $0xffff, v49  }
.Ltmp7:
0x28d: {  	v29 =	vshra.s32 v31, $0xF;
	v26 =	vsub.f32 $1.000000000e+00, v33;
	v33 =	vsub.f32 $1.000000000e+00, v28;
	[tilespmem:v45+s25+$0x0] =	vst.idx.add.s32.msk $0xffff, v50;
	(pc) =	sbr.rel @p0 .LBB2_16-.Ltmp7, $4  }
0x28e: {  	v30 =	vshra.s32 v25, $0xF;
	v25 =	vsub.f32 $1.000000000e+00, v32;
	v32 =	vshll.u32 v40, $0x10  }
0x28f: {  	v28 =	vshra.s32 v36, $0xF;
	v31 =	vshra.s32 v27, $0xF;
	v32 =	vor.u32 $0x1, v32  }
0x290: {  	v27 =	vshra.s32 v26, $0xF;
	v26 =	vshra.s32 v33, $0xF;
	v25 =	vshra.s32 v25, $0xF;
	[tilespmem:v35+s25+$0x0] =	vst.idx.add.s32.msk $0xffff, v32  }
0x291: {  	vm0 =	vgt.s32 v30, $0x72FF;
	vm2 =	vgt.s32 v29, $0x72FF;
	vm1 =	vgt.s32 v31, $0x72FF  }
0x292: {  	vm3 =	vgt.s32 v28, $0x72FF;
	vm4 =	vgt.s32 v27, $0x72FF;
	vm5 =	vgt.s32 v26, $0x72FF  }
0x293: {  	v29 =	vnsel vm2, $0x72FF, v29;
	vm2 =	vgt.s32 v25, $0x72FF;
	v30 =	vnsel vm0, $0x72FF, v30  }
0x294: {  	v31 =	vnsel vm1, $0x72FF, v31;
	v20 =	vor.u32 $0x1, v20;
	v29 =	vmin.u32 v29, $0x82FE  }
0x295: {  	v21 =	vor.u32 $0x1, v21;
	v30 =	vmin.u32 v30, $0x82FE;
	v29 =	vadd.s32 v2, v29  }
0x296: {  	v28 =	vnsel vm3, $0x72FF, v28;
	v31 =	vmin.u32 v31, $0x82FE;
	v30 =	vadd.s32 v2, v30  }
0x297: {  	v27 =	vnsel vm4, $0x72FF, v27;
	v28 =	vmin.u32 v28, $0x82FE;
	v31 =	vadd.s32 v2, v31  }
0x298: {  	v26 =	vnsel vm5, $0x72FF, v26;
	v27 =	vmin.u32 v27, $0x82FE;
	v28 =	vadd.s32 v2, v28  }
0x299: {  	v25 =	vnsel vm2, $0x72FF, v25;
	v26 =	vmin.u32 v26, $0x82FE;
	v27 =	vadd.s32 v2, v27  }
0x29a: {  	v18 =	vshll.u32 v18, $0x10;
	v25 =	vmin.u32 v25, $0x82FE;
	v26 =	vadd.s32 v2, v26;
	[tilespmem:v29+s25+$0x0] =	vst.idx.add.s32.msk $0xffff, v20  }
0x29b: {  	v24 =	vor.u32 $0x1, v24;
	v19 =	vshll.u32 v19, $0x10;
	v20 =	vadd.s32 v2, v25;
	[tilespmem:v30+s25+$0x0] =	vst.idx.add.s32.msk $0xffff, v21  }
0x29c: {  	s0 =	simm.s32 $0x0;
	v18 =	vor.u32 $0x1, v18;
	v19 =	vor.u32 $0x1, v19;
	[tilespmem:v31+s25+$0x0] =	vst.idx.add.s32.msk $0xffff, v24  }
0x29d: {  	v21 =	vshll.u32 v22, $0x10;
	v22 =	vshll.u32 v23, $0x10;
	[tilespmem:v28+s25+$0x0] =	vst.idx.add.s32.msk $0xffff, v18;
	v18 =	vmov s0  }
0x29e: {  	v21 =	vor.u32 $0x1, v21;
	v22 =	vor.u32 $0x1, v22;
	[tilespmem:v27+s25+$0x0] =	vst.idx.add.s32.msk $0xffff, v19;
	v19 =	vshll.u32 v18, $0x3  }
0x29f: {  	[tilespmem:v26+s25+$0x0] =	vst.idx.add.s32.msk $0xffff, v21;
	v21 =	vand.u32 $0x1000, v18;
	v18 =	vshrl.u32 v18, $0x2;
	v19 =	vand.u32 $0xC00, v19  }
0x2a0: {  	v18 =	vand.u32 $0x380, v18;
	v19 =	vor.u32 v19, v21;
	[tilespmem:v20+s25+$0x0] =	vst.idx.add.s32.msk $0xffff, v22  }
0x2a1: {  	v18 =	vor.u32 v18, v19;
	_ =	swait.ge [sflag:s26], $0x2000  }
0x2a2: {  	v20 =	vor.u32 v17, v18;
	[sflag:s26] =	ssyncset.done $0x0  }
0x2a3: {  	v25 =	vor.u32 v10, v18;
	[sflag:s26] =	ssyncadd.s32 $0xFFFFE000  }
0x2a4: {  	v26 =	vor.u32 v11, v18;
	_ =	swait.ge [sflag:s26], $0x2000  }
0x2a5: {  	v27 =	vor.u32 v12, v18;
	[sflag:s26] =	ssyncset.done $0x0  }
0x2a6: {  	v28 =	vor.u32 v13, v18;
	[sflag:s26] =	ssyncadd.s32 $0xFFFFE000  }
0x2a7: {  	v29 =	vor.u32 v14, v18;
	v31 =	vld.idx.msk [tilespmem:v20+s22+$0x0], $0xffff  }
0x2a8: {  	v30 =	vor.u32 v15, v18;
	v21 =	vld.idx.msk [tilespmem:v25+s22+$0x0], $0xffff  }
0x2a9: {  	v23 =	vld.idx.msk [tilespmem:v26+s22+$0x0], $0xffff  }
0x2aa: {  	v24 =	vld.idx.msk [tilespmem:v27+s22+$0x0], $0xffff  }
0x2ab: {  	v32 =	vor.u32 v16, v18;
	v18 =	vld.idx.msk [tilespmem:v28+s22+$0x0], $0xffff  }
0x2ac: {  	v19 =	vld.idx.msk [tilespmem:v29+s22+$0x0], $0xffff  }
0x2ad: {  	s31 =	simm.s32 $0x0;
	v22 =	vld.idx.msk [tilespmem:v30+s22+$0x0], $0xffff  }
0x2ae: {  	v34 =	vld.idx.msk [tilespmem:v20+s31+$0x0], $0xffff;
	v33 =	vcvt.s32.f32 v31;
	v35 =	vcvt.s32.f32 v21  }
0x2af: {  	v25 =	vld.idx.msk [tilespmem:v25+s31+$0x0], $0xffff;
	v20 =	vshll.u32 v21, $0x10;
	v36 =	vcvt.s32.f32 v23;
	v21 =	vshll.u32 v23, $0x10  }
0x2b0: {  	v26 =	vld.idx.msk [tilespmem:v26+s31+$0x0], $0xffff;
	v37 =	vcvt.s32.f32 v24;
	v38 =	vcvt.s32.f32 v18;
	v33 =	vadd.f32 v33, v33  }
0x2b1: {  	v27 =	vld.idx.msk [tilespmem:v27+s31+$0x0], $0xffff;
	v39 =	vcvt.s32.f32 v19;
	v35 =	vadd.f32 v35, v35;
	v36 =	vadd.f32 v36, v36  }
0x2b2: {  	v23 =	vld.idx.msk [tilespmem:v32+s22+$0x0], $0xffff;
	v58 =	vcvt.s32.f32 v22;
	v37 =	vadd.f32 v37, v37;
	v38 =	vadd.f32 v38, v38  }
0x2b3: {  	v28 =	vld.idx.msk [tilespmem:v28+s31+$0x0], $0xffff;
	v57 =	vadd.f32 v39, v39;
	v33 =	vadd.f32 $-1.000000000e+00, v33  }
0x2b4: {  	v29 =	vld.idx.msk [tilespmem:v29+s31+$0x0], $0xffff;
	v60 =	vadd.f32 v58, v58;
	v35 =	vadd.f32 $-1.000000000e+00, v35  }
0x2b5: {  	v30 =	vld.idx.msk [tilespmem:v30+s31+$0x0], $0xffff;
	v36 =	vadd.f32 $-1.000000000e+00, v36;
	v56 =	vadd.f32 $-1.000000000e+00, v37;
	v33 =	vmul.f32 v33, v34  }
0x2b6: {  	v24 =	vshll.u32 v24, $0x10;
	v38 =	vadd.f32 $-1.000000000e+00, v38;
	v59 =	vadd.f32 $-1.000000000e+00, v57  }
0x2b7: {  	v40 =	vcvt.s32.f32 v23;
	v25 =	vmul.f32 v35, v25;
	v33 =	vsub.f32 $1.000000000e+00, v33  }
0x2b8: {  	v62 =	vadd.f32 $-1.000000000e+00, v60;
	v26 =	vmul.f32 v36, v26;
	v27 =	vmul.f32 v56, v27  }
0x2b9: {  	v32 =	vld.idx.msk [tilespmem:v32+s31+$0x0], $0xffff;
	v28 =	vmul.f32 v38, v28;
	v35 =	vmul.f32 v59, v29;
	v33 =	vshra.s32 v33, $0xF  }
0x2ba: {  	v30 =	vmul.f32 v62, v30;
	v61 =	vadd.f32 v40, v40;
	vm0 =	vgt.s32 v33, $0x72FF  }
0x2bb: {  	v25 =	vsub.f32 $1.000000000e+00, v25;
	v26 =	vsub.f32 $1.000000000e+00, v26;
	v33 =	vnsel vm0, $0x72FF, v33  }
0x2bc: {  	v27 =	vsub.f32 $1.000000000e+00, v27;
	v36 =	vadd.f32 $-1.000000000e+00, v61;
	v29 =	vmin.u32 v33, $0x82FE  }
0x2bd: {  	v28 =	vsub.f32 $1.000000000e+00, v28;
	v34 =	vsub.f32 $1.000000000e+00, v30;
	v33 =	vadd.s32 v2, v29  }
0x2be: {  	v30 =	vshra.s32 v26, $0xF;
	v26 =	vshll.u32 v31, $0x10;
	v32 =	vmul.f32 v36, v32  }
0x2bf: {  	v31 =	vshra.s32 v27, $0xF;
	v28 =	vshra.s32 v28, $0xF;
	v63 =	vor.u32 $0x1, v26  }
0x2c0: {  	v32 =	vsub.f32 $1.000000000e+00, v32;
	v29 =	vshra.s32 v25, $0xF;
	v25 =	vsub.f32 $1.000000000e+00, v35  }
0x2c1: {  	v26 =	vshra.s32 v34, $0xF;
	vm1 =	vgt.s32 v31, $0x72FF;
	vm0 =	vgt.s32 v30, $0x72FF  }
0x2c2: {  	vm2 =	vgt.s32 v29, $0x72FF;
	v27 =	vshra.s32 v25, $0xF;
	v25 =	vshra.s32 v32, $0xF;
	[tilespmem:v33+s25+$0x0] =	vst.idx.add.s32.msk $0xffff, v63  }
.LBB2_18:
0x2c3: {  	s0 =	sadd.s32 $0x80, s0;
	vm3 =	vgt.s32 v28, $0x72FF;
	vm4 =	vgt.s32 v27, $0x72FF;
	vm5 =	vgt.s32 v26, $0x72FF  }
0x2c4: {  	v29 =	vnsel vm2, $0x72FF, v29;
	vm2 =	vgt.s32 v25, $0x72FF;
	v32 =	vmov s0;
	p0 =	slt.u32 s0, $0x1F80  }
0x2c5: {  	v30 =	vnsel vm0, $0x72FF, v30;
	v31 =	vnsel vm1, $0x72FF, v31;
	v33 =	vshll.u32 v32, $0x3  }
0x2c6: {  	v34 =	vand.u32 $0x1000, v32;
	v32 =	vshrl.u32 v32, $0x2;
	v33 =	vand.u32 $0xC00, v33  }
0x2c7: {  	v28 =	vnsel vm3, $0x72FF, v28;
	v32 =	vand.u32 $0x380, v32;
	v33 =	vor.u32 v33, v34  }
0x2c8: {  	v27 =	vnsel vm4, $0x72FF, v27;
	v26 =	vnsel vm5, $0x72FF, v26;
	v32 =	vor.u32 v32, v33  }
0x2c9: {  	v33 =	vor.u32 v10, v32;
	v34 =	vor.u32 v11, v32;
	v35 =	vor.u32 v17, v32  }
0x2ca: {  	v36 =	vor.u32 v12, v32;
	v37 =	vor.u32 v13, v32;
	v38 =	vor.u32 v14, v32  }
0x2cb: {  	v25 =	vnsel vm2, $0x72FF, v25;
	v39 =	vor.u32 v15, v32;
	v32 =	vor.u32 v16, v32  }
0x2cc: {  	v29 =	vmin.u32 v29, $0x82FE;
	v30 =	vmin.u32 v30, $0x82FE;
	v31 =	vmin.u32 v31, $0x82FE  }
0x2cd: {  	v28 =	vmin.u32 v28, $0x82FE;
	v27 =	vmin.u32 v27, $0x82FE;
	v26 =	vmin.u32 v26, $0x82FE  }
0x2ce: {  	v41 =	vshll.u32 v18, $0x10;
	v42 =	vshll.u32 v19, $0x10;
	v18 =	vmin.u32 v25, $0x82FE;
	v40 =	vld.idx.msk [tilespmem:v35+s22+$0x0], $0xffff  }
0x2cf: {  	v22 =	vshll.u32 v22, $0x10;
	v23 =	vshll.u32 v23, $0x10;
	v29 =	vadd.s32 v2, v29;
	v25 =	vld.idx.msk [tilespmem:v33+s22+$0x0], $0xffff  }
0x2d0: {  	v30 =	vadd.s32 v2, v30;
	v31 =	vadd.s32 v2, v31;
	v28 =	vadd.s32 v2, v28;
	v43 =	vld.idx.msk [tilespmem:v34+s22+$0x0], $0xffff  }
0x2d1: {  	v27 =	vadd.s32 v2, v27;
	v26 =	vadd.s32 v2, v26;
	v45 =	vadd.s32 v2, v18;
	v44 =	vld.idx.msk [tilespmem:v36+s22+$0x0], $0xffff  }
0x2d2: {  	v46 =	vor.u32 $0x1, v20;
	v47 =	vor.u32 $0x1, v21;
	v48 =	vor.u32 $0x1, v24;
	v18 =	vld.idx.msk [tilespmem:v37+s22+$0x0], $0xffff  }
0x2d3: {  	v41 =	vor.u32 $0x1, v41;
	v42 =	vor.u32 $0x1, v42;
	v49 =	vor.u32 $0x1, v22;
	v19 =	vld.idx.msk [tilespmem:v38+s22+$0x0], $0xffff  }
0x2d4: {  	v50 =	vor.u32 $0x1, v23;
	v24 =	vcvt.s32.f32 v40;
	v35 =	vld.idx.msk [tilespmem:v35+s31+$0x0], $0xffff  }
0x2d5: {  	v51 =	vcvt.s32.f32 v25;
	v20 =	vshll.u32 v25, $0x10;
	v22 =	vld.idx.msk [tilespmem:v39+s22+$0x0], $0xffff  }
0x2d6: {  	v25 =	vcvt.s32.f32 v43;
	v21 =	vshll.u32 v43, $0x10;
	v43 =	vadd.f32 v24, v24;
	v23 =	vld.idx.msk [tilespmem:v32+s22+$0x0], $0xffff  }
0x2d7: {  	v51 =	vadd.f32 v51, v51;
	v52 =	vcvt.s32.f32 v44;
	v24 =	vshll.u32 v44, $0x10;
	v33 =	vld.idx.msk [tilespmem:v33+s31+$0x0], $0xffff  }
0x2d8: {  	v25 =	vadd.f32 v25, v25;
	v44 =	vcvt.s32.f32 v18;
	v43 =	vadd.f32 $-1.000000000e+00, v43;
	v34 =	vld.idx.msk [tilespmem:v34+s31+$0x0], $0xffff  }
0x2d9: {  	v51 =	vadd.f32 $-1.000000000e+00, v51;
	v52 =	vadd.f32 v52, v52;
	v53 =	vcvt.s32.f32 v19;
	v36 =	vld.idx.msk [tilespmem:v36+s31+$0x0], $0xffff  }
0x2da: {  	v25 =	vadd.f32 $-1.000000000e+00, v25;
	v44 =	vadd.f32 v44, v44;
	v35 =	vmul.f32 v43, v35;
	v37 =	vld.idx.msk [tilespmem:v37+s31+$0x0], $0xffff  }
0x2db: {  	v43 =	vadd.f32 $-1.000000000e+00, v52;
	v52 =	vadd.f32 v53, v53;
	v53 =	vcvt.s32.f32 v22;
	v38 =	vld.idx.msk [tilespmem:v38+s31+$0x0], $0xffff  }
0x2dc: {  	v44 =	vadd.f32 $-1.000000000e+00, v44;
	v54 =	vcvt.s32.f32 v23;
	v35 =	vsub.f32 $1.000000000e+00, v35;
	v39 =	vld.idx.msk [tilespmem:v39+s31+$0x0], $0xffff  }
0x2dd: {  	v33 =	vmul.f32 v51, v33;
	v51 =	vadd.f32 $-1.000000000e+00, v52;
	v52 =	vadd.f32 v53, v53;
	v32 =	vld.idx.msk [tilespmem:v32+s31+$0x0], $0xffff  }
0x2de: {  	v25 =	vmul.f32 v25, v34;
	v34 =	vadd.f32 v54, v54;
	v35 =	vshra.s32 v35, $0xF;
	[tilespmem:v29+s25+$0x0] =	vst.idx.add.s32.msk $0xffff, v46  }
0x2df: {  	v29 =	vmul.f32 v43, v36;
	v36 =	vadd.f32 $-1.000000000e+00, v52;
	vm0 =	vgt.s32 v35, $0x72FF;
	[tilespmem:v30+s25+$0x0] =	vst.idx.add.s32.msk $0xffff, v47  }
0x2e0: {  	v30 =	vmul.f32 v44, v37;
	v34 =	vadd.f32 $-1.000000000e+00, v34;
	v35 =	vnsel vm0, $0x72FF, v35;
	[tilespmem:v31+s25+$0x0] =	vst.idx.add.s32.msk $0xffff, v48  }
0x2e1: {  	v31 =	vsub.f32 $1.000000000e+00, v33;
	v33 =	vmul.f32 v51, v38;
	v35 =	vmin.u32 v35, $0x82FE;
	[tilespmem:v28+s25+$0x0] =	vst.idx.add.s32.msk $0xffff, v41  }
0x2e2: {  	v25 =	vsub.f32 $1.000000000e+00, v25;
	v28 =	vmul.f32 v36, v39;
	v35 =	vadd.s32 v2, v35;
	[tilespmem:v27+s25+$0x0] =	vst.idx.add.s32.msk $0xffff, v42  }
0x2e3: {  	v36 =	vsub.f32 $1.000000000e+00, v30;
	v27 =	vsub.f32 $1.000000000e+00, v29;
	v32 =	vmul.f32 v34, v32;
	[tilespmem:v26+s25+$0x0] =	vst.idx.add.s32.msk $0xffff, v49  }
.Ltmp8:
0x2e4: {  	v29 =	vshra.s32 v31, $0xF;
	v26 =	vsub.f32 $1.000000000e+00, v33;
	v33 =	vsub.f32 $1.000000000e+00, v28;
	[tilespmem:v45+s25+$0x0] =	vst.idx.add.s32.msk $0xffff, v50;
	(pc) =	sbr.rel @p0 .LBB2_18-.Ltmp8, $4  }
0x2e5: {  	v30 =	vshra.s32 v25, $0xF;
	v25 =	vsub.f32 $1.000000000e+00, v32;
	v32 =	vshll.u32 v40, $0x10  }
0x2e6: {  	v28 =	vshra.s32 v36, $0xF;
	v31 =	vshra.s32 v27, $0xF;
	v32 =	vor.u32 $0x1, v32  }
0x2e7: {  	v27 =	vshra.s32 v26, $0xF;
	v26 =	vshra.s32 v33, $0xF;
	v25 =	vshra.s32 v25, $0xF;
	[tilespmem:v35+s25+$0x0] =	vst.idx.add.s32.msk $0xffff, v32  }
0x2e8: {  	vm0 =	vgt.s32 v30, $0x72FF;
	vm2 =	vgt.s32 v29, $0x72FF;
	vm1 =	vgt.s32 v31, $0x72FF  }
0x2e9: {  	vm3 =	vgt.s32 v28, $0x72FF;
	vm4 =	vgt.s32 v27, $0x72FF  }
0x2ea: {  	vm5 =	vgt.s32 v26, $0x72FF;
	v29 =	vnsel vm2, $0x72FF, v29;
	vm15 =	vgt.s32 v25, $0x72FF  }
0x2eb: {  	v30 =	vnsel vm0, $0x72FF, v30;
	v31 =	vnsel vm1, $0x72FF, v31;
	v29 =	vmin.u32 v29, $0x82FE  }
0x2ec: {  	v20 =	vor.u32 $0x1, v20;
	v30 =	vmin.u32 v30, $0x82FE;
	v29 =	vadd.s32 v2, v29  }
0x2ed: {  	v28 =	vnsel vm3, $0x72FF, v28;
	v31 =	vmin.u32 v31, $0x82FE;
	v30 =	vadd.s32 v2, v30  }
0x2ee: {  	v27 =	vnsel vm4, $0x72FF, v27;
	v28 =	vmin.u32 v28, $0x82FE;
	v31 =	vadd.s32 v2, v31  }
0x2ef: {  	v26 =	vnsel vm5, $0x72FF, v26;
	v27 =	vmin.u32 v27, $0x82FE;
	v28 =	vadd.s32 v2, v28  }
0x2f0: {  	v25 =	vnsel vm15, $0x72FF, v25;
	v26 =	vmin.u32 v26, $0x82FE;
	v27 =	vadd.s32 v2, v27  }
0x2f1: {  	v21 =	vor.u32 $0x1, v21;
	v25 =	vmin.u32 v25, $0x82FE;
	v26 =	vadd.s32 v2, v26;
	[tilespmem:v29+s25+$0x0] =	vst.idx.add.s32.msk $0xffff, v20  }
0x2f2: {  	v18 =	vshll.u32 v18, $0x10;
	v24 =	vor.u32 $0x1, v24;
	v20 =	vadd.s32 v2, v25;
	[tilespmem:v30+s25+$0x0] =	vst.idx.add.s32.msk $0xffff, v21  }
0x2f3: {  	v19 =	vshll.u32 v19, $0x10;
	v18 =	vor.u32 $0x1, v18;
	[tilespmem:v31+s25+$0x0] =	vst.idx.add.s32.msk $0xffff, v24  }
0x2f4: {  	v19 =	vor.u32 $0x1, v19;
	v21 =	vshll.u32 v22, $0x10;
	[tilespmem:v28+s25+$0x0] =	vst.idx.add.s32.msk $0xffff, v18  }
0x2f5: {  	v18 =	vshll.u32 v23, $0x10;
	v21 =	vor.u32 $0x1, v21;
	[tilespmem:v27+s25+$0x0] =	vst.idx.add.s32.msk $0xffff, v19  }
0x2f6: {  	s0 =	simm.s32 $0x0;
	v18 =	vor.u32 $0x1, v18;
	[tilespmem:v26+s25+$0x0] =	vst.idx.add.s32.msk $0xffff, v21  }
0x2f7: {  	s28 =	sand.u32 $0xFE0, s0;
	[tilespmem:v20+s25+$0x0] =	vst.idx.add.s32.msk $0xffff, v18  }
0x2f8: {  	v18 =	vld [tilespmem:s28+$0x17000]  }
0x2f9: {  	v20 =	vld [tilespmem:s28+$0x16000]  }
0x2fa: {  	v23 =	vld [tilespmem:s28+$0x15000]  }
0x2fb: {  	v25 =	vld [tilespmem:s28+$0x14000]  }
0x2fc: {  	v27 =	vld [tilespmem:s28+$0x13000]  }
0x2fd: {  	v29 =	vld [tilespmem:s28+$0x12000]  }
0x2fe: {  	v31 =	vld [tilespmem:s28+$0x11000]  }
0x2ff: {  	v33 =	vld [tilespmem:s28+$0x10000]  }
0x300: {  	v35 =	vld [tilespmem:s28+$0xF000]  }
0x301: {  	v37 =	vld [tilespmem:s28+$0xE000]  }
0x302: {  	v39 =	vld [tilespmem:s28+$0xD000]  }
0x303: {  	v41 =	vld [tilespmem:s28+$0xC000];
	v19 =	vand.u32 $0xFFFF, v18;
	v18 =	vshrl.u32 v18, $0x10  }
0x304: {  	v42 =	vld [tilespmem:s28+$0xB000];
	v22 =	vand.u32 $0xFFFF, v23;
	v21 =	vand.u32 $0xFFFF, v20;
	v20 =	vshrl.u32 v20, $0x10  }
0x305: {  	s1 =	simm.s32 $0x0;
	v43 =	vld [tilespmem:s28+$0xA000];
	v24 =	vand.u32 $0xFFFF, v25;
	v25 =	vshrl.u32 v25, $0x10;
	v23 =	vshrl.u32 v23, $0x10  }
0x306: {  	v44 =	vld [tilespmem:s1+$0x8010];
	v28 =	vand.u32 $0xFFFF, v29;
	v26 =	vand.u32 $0xFFFF, v27;
	v27 =	vshrl.u32 v27, $0x10  }
0x307: {  	v45 =	vld [tilespmem:s1+$0x9010];
	v30 =	vand.u32 $0xFFFF, v31;
	v31 =	vshrl.u32 v31, $0x10;
	v29 =	vshrl.u32 v29, $0x10  }
0x308: {  	v46 =	vld [tilespmem:s1+$0xA010];
	v34 =	vand.u32 $0xFFFF, v35;
	v32 =	vand.u32 $0xFFFF, v33;
	v33 =	vshrl.u32 v33, $0x10  }
0x309: {  	v47 =	vld [tilespmem:s1+$0xB010];
	v36 =	vand.u32 $0xFFFF, v37;
	v37 =	vshrl.u32 v37, $0x10;
	v35 =	vshrl.u32 v35, $0x10  }
0x30a: {  	v52 =	vld [tilespmem:s1+$0xD010];
	v40 =	vand.u32 $0xFFFF, v41;
	v38 =	vand.u32 $0xFFFF, v39;
	v39 =	vshrl.u32 v39, $0x10  }
0x30b: {  	v54 =	vld [tilespmem:s1+$0xE010];
	v48 =	vand.u32 $0xFFFF, v42;
	v49 =	vshrl.u32 v42, $0x10;
	v41 =	vshrl.u32 v41, $0x10  }
0x30c: {  	v42 =	vld [tilespmem:s1+$0xC010];
	v50 =	vand.u32 $0xFFFF, v43;
	v51 =	vshrl.u32 v43, $0x10;
	v57 =	vand.u32 $0xFFFF, v44  }
0x30d: {  	v44 =	vshrl.u32 v44, $0x10;
	v53 =	vand.u32 $0xFFFF, v45;
	v45 =	vshrl.u32 v45, $0x10  }
0x30e: {  	v55 =	vld [tilespmem:s1+$0x10010];
	v58 =	vshrl.u32 v46, $0x10;
	v46 =	vand.u32 $0xFFFF, v46;
	v59 =	vshrl.u32 v47, $0x10  }
0x30f: {  	v61 =	vand.u32 $0xFFFF, v47;
	v43 =	vadd.s32 v57, v53;
	v44 =	vadd.s32 v44, v45;
	v53 =	vld [tilespmem:s1+$0xF010]  }
0x310: {  	v62 =	vshrl.u32 v52, $0x10;
	v63 =	vshrl.u32 v54, $0x10;
	v57 =	vld [tilespmem:s1+$0x12010];
	v44 =	vadd.s32 v58, v44  }
0x311: {  	v56 =	vld [tilespmem:s1+$0x11010];
	v52 =	vand.u32 $0xFFFF, v52;
	v44 =	vadd.s32 v59, v44;
	v60 =	vshrl.u32 v42, $0x10  }
0x312: {  	v54 =	vand.u32 $0xFFFF, v54;
	v45 =	vld [tilespmem:s1+$0x14010];
	v43 =	vadd.s32 v46, v43;
	v44 =	vadd.s32 v60, v44  }
0x313: {  	v46 =	vld [tilespmem:s1+$0x13010];
	v43 =	vadd.s32 v61, v43;
	v42 =	vand.u32 $0xFFFF, v42;
	v44 =	vadd.s32 v62, v44  }
0x314: {  	v58 =	vshrl.u32 v53, $0x10;
	v42 =	vadd.s32 v42, v43;
	v43 =	vld [tilespmem:s1+$0x16010];
	v44 =	vadd.s32 v63, v44  }
0x315: {  	v60 =	vshrl.u32 v55, $0x10;
	v61 =	vshrl.u32 v57, $0x10;
	v59 =	vadd.s32 v58, v44;
	v44 =	vld [tilespmem:s1+$0x15010]  }
0x316: {  	v52 =	vadd.s32 v52, v42;
	v42 =	vld [tilespmem:s1+$0x17010];
	v58 =	vshrl.u32 v56, $0x10;
	v47 =	vadd.s32 v60, v59  }
0x317: {  	v53 =	vand.u32 $0xFFFF, v53;
	v62 =	vshrl.u32 v45, $0x10;
	v59 =	vld [tilespmem:s1+$0x8000];
	v47 =	vadd.s32 v58, v47  }
0x318: {  	v52 =	vadd.s32 v54, v52;
	v60 =	vld [tilespmem:s1+$0x9000];
	v58 =	vshrl.u32 v46, $0x10;
	v47 =	vadd.s32 v61, v47  }
0x319: {  	v54 =	vand.u32 $0xFFFF, v55;
	v52 =	vadd.s32 v53, v52;
	v47 =	vadd.s32 v58, v47  }
0x31a: {  	v52 =	vadd.s32 v54, v52;
	v47 =	vadd.s32 v62, v47;
	v63 =	vshrl.u32 v44, $0x10  }
0x31b: {  	v61 =	vshrl.u32 v42, $0x10;
	v58 =	vshrl.u32 v43, $0x10;
	v47 =	vadd.s32 v63, v47  }
0x31c: {  	v55 =	vand.u32 $0xFFFF, v59;
	v62 =	vshrl.u32 v59, $0x10;
	v47 =	vadd.s32 v58, v47  }
0x31d: {  	v63 =	vand.u32 $0xFFFF, v60;
	v53 =	vadd.s32 v61, v47;
	v61 =	vshrl.u32 v60, $0x10  }
0x31e: {  	v47 =	vadd.s32 v55, v63;
	v63 =	vand.u32 $0xFFFF, v56;
	v62 =	vadd.s32 v62, v61  }
0x31f: {  	v50 =	vadd.s32 v50, v47;
	v47 =	vadd.s32 v63, v52;
	v51 =	vadd.s32 v51, v62  }
0x320: {  	[tilespmem:s1+$0x19010] =	vst v53;
	v48 =	vadd.s32 v48, v50;
	v50 =	vand.u32 $0xFFFF, v57;
	v49 =	vadd.s32 v49, v51  }
.LBB2_20:
0x321: {  	s0 =	sadd.s32 $0x20, s0;
	v40 =	vadd.s32 v40, v48;
	v41 =	vadd.s32 v41, v49;
	v47 =	vadd.s32 v50, v47  }
0x322: {  	s28 =	sand.u32 $0xFE0, s0;
	p0 =	slt.u32 s0, $0xFE0;
	v38 =	vadd.s32 v38, v40;
	v39 =	vadd.s32 v39, v41;
	v40 =	vand.u32 $0xFFFF, v46  }
0x323: {  	v41 =	vld [tilespmem:s28+$0x17000];
	v36 =	vadd.s32 v36, v38;
	v37 =	vadd.s32 v37, v39;
	v38 =	vadd.s32 v40, v47  }
0x324: {  	v39 =	vld [tilespmem:s28+$0x16000];
	v34 =	vadd.s32 v34, v36;
	v35 =	vadd.s32 v35, v37;
	v36 =	vand.u32 $0xFFFF, v45  }
0x325: {  	v37 =	vld [tilespmem:s28+$0x15000];
	v32 =	vadd.s32 v32, v34;
	v33 =	vadd.s32 v33, v35;
	v34 =	vadd.s32 v36, v38  }
0x326: {  	v35 =	vld [tilespmem:s28+$0x14000];
	v30 =	vadd.s32 v30, v32;
	v31 =	vadd.s32 v31, v33;
	v32 =	vand.u32 $0xFFFF, v44  }
0x327: {  	v33 =	vld [tilespmem:s28+$0x13000];
	v28 =	vadd.s32 v28, v30;
	v29 =	vadd.s32 v29, v31;
	v30 =	vadd.s32 v32, v34  }
0x328: {  	v32 =	vld [tilespmem:s28+$0x12000];
	v26 =	vadd.s32 v26, v28;
	v27 =	vadd.s32 v27, v29;
	v28 =	vand.u32 $0xFFFF, v43  }
0x329: {  	v29 =	vld [tilespmem:s28+$0x11000];
	v24 =	vadd.s32 v24, v26;
	v25 =	vadd.s32 v25, v27;
	v26 =	vadd.s32 v28, v30  }
0x32a: {  	v36 =	vld [tilespmem:s28+$0x10000];
	v22 =	vadd.s32 v22, v24;
	v23 =	vadd.s32 v23, v25;
	v24 =	vand.u32 $0xFFFF, v42  }
0x32b: {  	v38 =	vld [tilespmem:s28+$0xF000];
	v21 =	vadd.s32 v21, v22;
	v20 =	vadd.s32 v20, v23;
	v22 =	vadd.s32 v24, v26  }
0x32c: {  	v40 =	vld [tilespmem:s28+$0xE000];
	v21 =	vadd.s32 v19, v21;
	v23 =	vadd.s32 v18, v20;
	[tilespmem:s1+$0x18010] =	vst v22  }
0x32d: {  	v19 =	vand.u32 $0xFFFF, v41;
	v18 =	vshrl.u32 v41, $0x10;
	v42 =	vld [tilespmem:s28+$0xD000];
	[tilespmem:s1+$0x18000] =	vst v21  }
0x32e: {  	v22 =	vand.u32 $0xFFFF, v37;
	v20 =	vshrl.u32 v39, $0x10;
	v21 =	vand.u32 $0xFFFF, v39;
	v41 =	vld [tilespmem:s28+$0xC000];
	[tilespmem:s1+$0x19000] =	vst v23  }
0x32f: {  	s31 =	sadd.s32 $0x80, s31;
	v24 =	vand.u32 $0xFFFF, v35;
	v25 =	vshrl.u32 v35, $0x10;
	v23 =	vshrl.u32 v37, $0x10;
	v43 =	vld [tilespmem:s28+$0xB000]  }
0x330: {  	v26 =	vand.u32 $0xFFFF, v33;
	v27 =	vshrl.u32 v33, $0x10;
	v28 =	vand.u32 $0xFFFF, v32;
	s1 =	sshra.s32 s31, $0x2;
	v44 =	vld [tilespmem:s28+$0xA000]  }
0x331: {  	v30 =	vand.u32 $0xFFFF, v29;
	v31 =	vshrl.u32 v29, $0x10;
	v29 =	vshrl.u32 v32, $0x10;
	v45 =	vld [tilespmem:s1+$0x8010]  }
0x332: {  	v32 =	vand.u32 $0xFFFF, v36;
	v33 =	vshrl.u32 v36, $0x10;
	v34 =	vand.u32 $0xFFFF, v38;
	v46 =	vld [tilespmem:s1+$0x9010]  }
0x333: {  	v35 =	vshrl.u32 v38, $0x10;
	v36 =	vand.u32 $0xFFFF, v40;
	v37 =	vshrl.u32 v40, $0x10;
	v47 =	vld [tilespmem:s1+$0xA010]  }
0x334: {  	v38 =	vand.u32 $0xFFFF, v42;
	v39 =	vshrl.u32 v42, $0x10;
	v40 =	vand.u32 $0xFFFF, v41;
	v42 =	vld [tilespmem:s1+$0xB010]  }
0x335: {  	v41 =	vshrl.u32 v41, $0x10;
	v48 =	vand.u32 $0xFFFF, v43;
	v49 =	vshrl.u32 v43, $0x10;
	v43 =	vld [tilespmem:s1+$0xC010]  }
0x336: {  	v50 =	vand.u32 $0xFFFF, v44;
	v51 =	vshrl.u32 v44, $0x10;
	v44 =	vand.u32 $0xFFFF, v45;
	v52 =	vld [tilespmem:s1+$0xD010]  }
0x337: {  	v45 =	vshrl.u32 v45, $0x10;
	v53 =	vand.u32 $0xFFFF, v46;
	v46 =	vshrl.u32 v46, $0x10;
	v54 =	vld [tilespmem:s1+$0xE010]  }
0x338: {  	v44 =	vadd.s32 v44, v53;
	v45 =	vadd.s32 v45, v46;
	v46 =	vshrl.u32 v47, $0x10;
	v53 =	vld [tilespmem:s1+$0xF010]  }
0x339: {  	v47 =	vand.u32 $0xFFFF, v47;
	v45 =	vadd.s32 v46, v45;
	v46 =	vshrl.u32 v42, $0x10;
	v55 =	vld [tilespmem:s1+$0x10010]  }
0x33a: {  	v44 =	vadd.s32 v47, v44;
	v45 =	vadd.s32 v46, v45;
	v46 =	vshrl.u32 v43, $0x10;
	v47 =	vld [tilespmem:s1+$0x11010]  }
0x33b: {  	v42 =	vand.u32 $0xFFFF, v42;
	v45 =	vadd.s32 v46, v45;
	v46 =	vshrl.u32 v52, $0x10;
	v56 =	vld [tilespmem:s1+$0x12010]  }
0x33c: {  	v42 =	vadd.s32 v42, v44;
	v44 =	vadd.s32 v46, v45;
	v45 =	vshrl.u32 v54, $0x10;
	v46 =	vld [tilespmem:s1+$0x13010]  }
0x33d: {  	v43 =	vand.u32 $0xFFFF, v43;
	v44 =	vadd.s32 v45, v44;
	v57 =	vshrl.u32 v53, $0x10;
	v45 =	vld [tilespmem:s1+$0x14010]  }
0x33e: {  	v42 =	vadd.s32 v43, v42;
	v43 =	vadd.s32 v57, v44;
	v57 =	vshrl.u32 v55, $0x10;
	v44 =	vld [tilespmem:s1+$0x15010]  }
0x33f: {  	v52 =	vand.u32 $0xFFFF, v52;
	v57 =	vadd.s32 v57, v43;
	v58 =	vshrl.u32 v47, $0x10;
	v43 =	vld [tilespmem:s1+$0x16010]  }
0x340: {  	v52 =	vadd.s32 v52, v42;
	v57 =	vadd.s32 v58, v57;
	v58 =	vshrl.u32 v56, $0x10;
	v42 =	vld [tilespmem:s1+$0x17010]  }
0x341: {  	v54 =	vand.u32 $0xFFFF, v54;
	v59 =	vld [tilespmem:s1+$0x8000];
	v57 =	vadd.s32 v58, v57;
	v58 =	vshrl.u32 v46, $0x10  }
0x342: {  	v52 =	vadd.s32 v54, v52;
	v60 =	vld [tilespmem:s1+$0x9000];
	v54 =	vadd.s32 v58, v57;
	v57 =	vshrl.u32 v45, $0x10  }
0x343: {  	v53 =	vand.u32 $0xFFFF, v53;
	v54 =	vadd.s32 v57, v54;
	v57 =	vshrl.u32 v44, $0x10  }
0x344: {  	v52 =	vadd.s32 v53, v52;
	v53 =	vadd.s32 v57, v54;
	v54 =	vshrl.u32 v43, $0x10  }
0x345: {  	v55 =	vand.u32 $0xFFFF, v55;
	v53 =	vadd.s32 v54, v53;
	v54 =	vshrl.u32 v42, $0x10  }
.Ltmp9:
0x346: {  	v57 =	vand.u32 $0xFFFF, v59;
	v58 =	vshrl.u32 v59, $0x10;
	v53 =	vadd.s32 v54, v53;
	(pc) =	sbr.rel @p0 .LBB2_20-.Ltmp9, $4  }
0x347: {  	v52 =	vadd.s32 v55, v52;
	v54 =	vand.u32 $0xFFFF, v60;
	v59 =	vshrl.u32 v60, $0x10;
	[tilespmem:s1+$0x19010] =	vst v53  }
0x348: {  	v47 =	vand.u32 $0xFFFF, v47;
	v53 =	vadd.s32 v57, v54;
	v54 =	vadd.s32 v58, v59  }
0x349: {  	v47 =	vadd.s32 v47, v52;
	v50 =	vadd.s32 v50, v53;
	v51 =	vadd.s32 v51, v54  }
0x34a: {  	v48 =	vadd.s32 v48, v50;
	v49 =	vadd.s32 v49, v51;
	v50 =	vand.u32 $0xFFFF, v56  }
0x34b: {  	v40 =	vadd.s32 v40, v48;
	v41 =	vadd.s32 v41, v49  }
0x34c: {  	v47 =	vadd.s32 v50, v47;
	v54 =	vand.u32 $0xFFFF, v46;
	v38 =	vadd.s32 v38, v40  }
0x34d: {  	v56 =	vand.u32 $0xFFFF, v45;
	v39 =	vadd.s32 v39, v41;
	v36 =	vadd.s32 v36, v38  }
0x34e: {  	v58 =	vand.u32 $0xFFFF, v44;
	v37 =	vadd.s32 v37, v39;
	v34 =	vadd.s32 v34, v36  }
0x34f: {  	v60 =	vand.u32 $0xFFFF, v43;
	v35 =	vadd.s32 v35, v37;
	v32 =	vadd.s32 v32, v34  }
0x350: {  	v62 =	vand.u32 $0xFFFF, v42;
	v33 =	vadd.s32 v33, v35;
	v30 =	vadd.s32 v30, v32  }
0x351: {  	v55 =	vadd.s32 v54, v47;
	v31 =	vadd.s32 v31, v33;
	v28 =	vadd.s32 v28, v30  }
0x352: {  	v57 =	vadd.s32 v56, v55;
	v29 =	vadd.s32 v29, v31;
	v26 =	vadd.s32 v26, v28  }
0x353: {  	v59 =	vadd.s32 v58, v57;
	v27 =	vadd.s32 v27, v29;
	v24 =	vadd.s32 v24, v26  }
0x354: {  	v61 =	vadd.s32 v60, v59;
	v25 =	vadd.s32 v25, v27;
	v22 =	vadd.s32 v22, v24  }
0x355: {  	v63 =	vadd.s32 v62, v61;
	v23 =	vadd.s32 v23, v25;
	v21 =	vadd.s32 v21, v22  }
0x356: {  	s30 =	sadd.s32 $0x1, s30;
	[tilespmem:s1+$0x18010] =	vst v63;
	v20 =	vadd.s32 v20, v23;
	v19 =	vadd.s32 v19, v21  }
0x357: {  	p0 =	sne.s32 s30, s21;
	v18 =	vadd.s32 v18, v20;
	[tilespmem:s1+$0x18000] =	vst v19  }
.Ltmp10:
0x358: {  	s0 =	simm.s32 $0x18000;
	[tilespmem:s1+$0x19000] =	vst v18;
	(pc) =	sbr.rel @p0 .LBB2_1-.Ltmp10, $4  }
0x359: {  	[hbm4b:s20+s2] =	stream.linear.scatter [tilespmem:s0], [sflag:$0x3], $0x2000, $0x38;
	[tilespmem:$0x1A000] =	vst v63  }
0x35a: {  	_ =	swait.ge [sflag:s29], $0x2000  }
0x35b: {  	[sflag:s29] =	ssyncset.done $0x0  }
0x35c: {  	[sflag:s29] =	ssyncadd.s32 $0xFFFFE000  }
0x35d: {  	_ =	sfence.sel $0x180000  }
0x35e: {  	[bflag:$0x0] =	sbarrier.arrive $0xFFFF  }
0x35f: {  	_ =	strace $0x90000047  }
0x360: {  	s0 =	stileid.u32;
	[bflag:$0x2] =	sbarrier.arrive $0xFFFF  }
0x361: {  	p0 =	sne.s32 s0, $0x0;
	s0 =	rddreg [dreg:$0x3]  }
0x362: {  	s0 =	sadd.s32 @!p0 $0x100000, s0  }
0x363: {  	[sflag:s0] =	ssyncadd.tile.s32 @!p0 $0x1;
	_ =	shalt  }
.Lfunc_end2:
_tile_overlayer_lowered:
.L_overlay_start_2:
0x364: {  	(tag) =	ssettag $0x2  }
0x365: {  	s0 =	rddreg [dreg:$0x0];
	s2 =	stileid.u32  }
0x366: {  	s1 =	rddreg [dreg:$0x1];
	p0 =	sne.s32 s2, $0x0  }
0x367: {  	s3 =	rddreg [dreg:$0x2];
	[bflag:$0x3] =	sbarrier.arrive $0xFFFF;
	s2 =	simm.s32 @!p0 $0x1C03  }
0x368: {  	[timem:s3], [sflag:s2] =	dma.local @!p0 [hbm:s0], s1  }
0x369: {  	s0 =	simm.s32 @!p0 $0x3  }
0x36a: {  	_ =	swait.ge @!p0 [sflag:s0], s1  }
0x36b: {  	s1 =	ssub.s32 @!p0 $0x0, s1;
	[sflag:s0] =	ssyncset.done @!p0 $0x0  }
0x36c: {  	[sflag:s0] =	ssyncadd.s32 @!p0 s1  }
0x36d: {  	[bflag:$0x3] =	sbarrier.arrive $0xFFFF  }
0x36e: {  	_ =	shalt  }

</sc_bundles>
